<compile_context>
chip_gen: v7x
topology: tpu7x:2x2x1
jax: 0.10.2.dev20260603
libtpu: 0.0.44.dev20260713+nightly
codegen_flags: <defaults>
</compile_context>

<pallas_src>
import functools

import jax
import jax.numpy as jnp
from jax import lax
from jax.experimental import pallas as pl
from jax.experimental.pallas import tpu as pltpu
from jax.experimental.pallas import tpu_sc as plsc

N = 10000
E = 320000
D = 150
DP = 128
D2 = D - DP
N_PAD = 10240
NT = 16
CH = 128
SB2 = 16
NSB = 5
NCH = 2 * SB2 * NSB
EPT = NCH * CH
E_PAD = NT * EPT
BR = 512
GRID = N_PAD // BR
ROWS_PER_TILE = N_PAD // NT
ZROWS = 40
ZCOPIES = ROWS_PER_TILE // ZROWS

_PREC = None


def _a_body(h_ref, w1t_ref, b1_ref, w2ta_ref, b2a_ref, w2tb_ref, b2b_ref,
            y0_ref, y1_ref):
    t = jnp.dot(h_ref[...], w1t_ref[...], precision=_PREC,
                preferred_element_type=jnp.float32) + b1_ref[...]
    t = jnp.where(t >= 0, t, 0.01 * t)
    y0 = jnp.dot(t, w2ta_ref[...], precision=_PREC,
                 preferred_element_type=jnp.float32) + b2a_ref[...]
    y1 = jnp.dot(t, w2tb_ref[...], precision=_PREC,
                 preferred_element_type=jnp.float32) + b2b_ref[...]
    rows = jax.lax.broadcasted_iota(jnp.int32, y0.shape, 0) + pl.program_id(0) * BR
    y0_ref[...] = jnp.where(rows < N, y0, 0.0)
    y1_ref[...] = jnp.where(rows < N, y1, 0.0)


def _transform(h, w1t, b1, w2ta, b2a, w2tb, b2b):
    blk = pl.BlockSpec((BR, DP), lambda i: (i, 0))
    full = lambda shape: pl.BlockSpec(shape, lambda i: (0, 0))
    return pl.pallas_call(
        _a_body,
        grid=(GRID,),
        in_specs=[pl.BlockSpec((BR, D), lambda i: (i, 0)),
                  full((D, D)), full((1, D)),
                  full((D, DP)), full((1, DP)), full((D, DP)), full((1, DP))],
        out_specs=[blk, blk],
        out_shape=[jax.ShapeDtypeStruct((N_PAD, DP), jnp.float32),
                   jax.ShapeDtypeStruct((N_PAD, DP), jnp.float32)],
    )(h, w1t, b1, w2ta, b2a, w2tb, b2b)


def _sc_body(y0_hbm, y1_hbm, srcs_hbm, dsts_hbm, out_hbm,
             idx_s, idx_d, rows, zbuf, acc, semg0, semg1):
    cid = lax.axis_index("c")
    sid = lax.axis_index("s")

    def _zrow(i, _):
        def _zcol(j, _):
            zbuf[i, pl.ds(j * 16, 16)] = jnp.zeros((16,), jnp.float32)
            return 0
        return lax.fori_loop(0, DP // 16, _zcol, 0)
    lax.fori_loop(0, ZROWS, _zrow, 0)

    zcps = [
        pltpu.async_copy(
            zbuf, acc.at[pl.ds((sid * ZCOPIES + k) * ZROWS, ZROWS)], semg0)
        for k in range(ZCOPIES)
    ]
    for cp in zcps:
        cp.wait()

    plsc.subcore_barrier()

    def _run(y_hbm):
        def _sblock(b, _):
            ci0 = pltpu.async_copy(
                srcs_hbm.at[sid, pl.ds(b * SB2, SB2)], idx_s, semg0)
            ci1 = pltpu.async_copy(
                dsts_hbm.at[sid, pl.ds(b * SB2, SB2)], idx_d, semg1)
            ci0.wait()
            ci1.wait()

            def _pair(k, _):
                cp0 = pltpu.async_copy(y_hbm.at[idx_s.at[k, 0]],
                                       rows.at[0], semg0)
                cp1 = pltpu.async_copy(y_hbm.at[idx_s.at[k, 1]],
                                       rows.at[1], semg1)
                with jax.named_scope("gwait"):
                    cp0.wait()
                    cp1.wait()
                with jax.named_scope("scat"):
                    pltpu.sync_copy(rows.at[0], acc.at[idx_d.at[k, 0]],
                                    add=True)
                    pltpu.sync_copy(rows.at[1], acc.at[idx_d.at[k, 1]],
                                    add=True)
                return 0
            return lax.fori_loop(0, SB2, _pair, 0)
        lax.fori_loop(0, NSB, _sblock, 0)

    @pl.when(cid == 0)
    def _():
        _run(y0_hbm)

    @pl.when(cid == 1)
    def _():
        _run(y1_hbm)

    plsc.subcore_barrier()

    pltpu.sync_copy(acc.at[pl.ds(sid * ROWS_PER_TILE, ROWS_PER_TILE)],
                    out_hbm.at[cid, pl.ds(sid * ROWS_PER_TILE, ROWS_PER_TILE)])


@functools.lru_cache(maxsize=1)
def _make_scatter():
    return pl.kernel(
        _sc_body,
        out_type=jax.ShapeDtypeStruct((2, N_PAD, DP), jnp.float32),
        mesh=plsc.VectorSubcoreMesh(core_axis_name="c", subcore_axis_name="s"),
        scratch_types=[
            pltpu.VMEM((SB2, 2, CH), jnp.int32),
            pltpu.VMEM((SB2, 2, CH), jnp.int32),
            pltpu.VMEM((2, CH, DP), jnp.float32),
            pltpu.VMEM((ZROWS, DP), jnp.float32),
            pltpu.VMEM_SHARED((N_PAD, DP), jnp.float32),
            pltpu.SemaphoreType.DMA,
            pltpu.SemaphoreType.DMA,
        ],
    )


def _scatter(y0, y1, srcs, dsts):
    return _make_scatter()(y0, y1, srcs, dsts)


def _ba_body(p0_ref, p1_ref, h_ref, wra_ref, wza_ref, wna_ref,
             wrb_ref, wzb_ref, wnb_ref, ur_ref, uz_ref, un_ref,
             br_ref, bz_ref, bni_ref, bnh_ref,
             w1t_ref, b1_ref, w2ta_ref, b2a_ref, w2tb_ref, b2b_ref,
             hn_ref, y0_ref, y1_ref):
    p0 = p0_ref[...]
    p1 = p1_ref[...]
    h = h_ref[...]

    def dot(x, w):
        return jnp.dot(x, w, precision=_PREC, preferred_element_type=jnp.float32)

    r = jax.nn.sigmoid(dot(p0, wra_ref[...]) + dot(p1, wrb_ref[...])
                       + dot(h, ur_ref[...]) + br_ref[...])
    z = jax.nn.sigmoid(dot(p0, wza_ref[...]) + dot(p1, wzb_ref[...])
                       + dot(h, uz_ref[...]) + bz_ref[...])
    n = jnp.tanh(dot(p0, wna_ref[...]) + dot(p1, wnb_ref[...]) + bni_ref[...]
                 + r * (dot(h, un_ref[...]) + bnh_ref[...]))
    hn = (1.0 - z) * n + z * h
    rows = jax.lax.broadcasted_iota(jnp.int32, hn.shape, 0) + pl.program_id(0) * BR
    hn = jnp.where(rows < N, hn, 0.0)
    hn_ref[...] = hn

    t = dot(hn, w1t_ref[...]) + b1_ref[...]
    t = jnp.where(t >= 0, t, 0.01 * t)
    y0 = dot(t, w2ta_ref[...]) + b2a_ref[...]
    y1 = dot(t, w2tb_ref[...]) + b2b_ref[...]
    rows2 = jax.lax.broadcasted_iota(jnp.int32, y0.shape, 0) + pl.program_id(0) * BR
    y0_ref[...] = jnp.where(rows2 < N, y0, 0.0)
    y1_ref[...] = jnp.where(rows2 < N, y1, 0.0)


def _gru_transform(p0, p1, h, wra, wza, wna, wrb, wzb, wnb, ur, uz, un,
                   br, bz, bni, bnh, w1t, b1, w2ta, b2a, w2tb, b2b):
    full = lambda shape: pl.BlockSpec(shape, lambda i: (0, 0))
    blk = pl.BlockSpec((BR, DP), lambda i: (i, 0))
    blkh = pl.BlockSpec((BR, D), lambda i: (i, 0))
    return pl.pallas_call(
        _ba_body,
        grid=(GRID,),
        in_specs=[blk, blk, blkh,
                  full((DP, D)), full((DP, D)), full((DP, D)),
                  full((DP, D)), full((DP, D)), full((DP, D)),
                  full((D, D)), full((D, D)), full((D, D)),
                  full((1, D)), full((1, D)), full((1, D)), full((1, D)),
                  full((D, D)), full((1, D)),
                  full((D, DP)), full((1, DP)), full((D, DP)), full((1, DP))],
        out_specs=[blkh, blk, blk],
        out_shape=[jax.ShapeDtypeStruct((N_PAD, D), jnp.float32),
                   jax.ShapeDtypeStruct((N_PAD, DP), jnp.float32),
                   jax.ShapeDtypeStruct((N_PAD, DP), jnp.float32)],
    )(p0, p1, h, wra, wza, wna, wrb, wzb, wnb, ur, uz, un,
      br, bz, bni, bnh, w1t, b1, w2ta, b2a, w2tb, b2b)


def _bf_body(p0_ref, p1_ref, h_ref, wra_ref, wza_ref, wna_ref,
             wrb_ref, wzb_ref, wnb_ref, ur_ref, uz_ref, un_ref,
             br_ref, bz_ref, bni_ref, bnh_ref,
             pt_ref, w1g_ref, w1p_ref, fb1_ref, w2_ref, fb2_ref,
             w3_ref, fb3_ref, out_ref, gsum_ref):
    p0 = p0_ref[...]
    p1 = p1_ref[...]
    h = h_ref[...]

    def dot(x, w):
        return jnp.dot(x, w, precision=_PREC, preferred_element_type=jnp.float32)

    r = jax.nn.sigmoid(dot(p0, wra_ref[...]) + dot(p1, wrb_ref[...])
                       + dot(h, ur_ref[...]) + br_ref[...])
    z = jax.nn.sigmoid(dot(p0, wza_ref[...]) + dot(p1, wzb_ref[...])
                       + dot(h, uz_ref[...]) + bz_ref[...])
    n = jnp.tanh(dot(p0, wna_ref[...]) + dot(p1, wnb_ref[...]) + bni_ref[...]
                 + r * (dot(h, un_ref[...]) + bnh_ref[...]))
    hn = (1.0 - z) * n + z * h
    rows = jax.lax.broadcasted_iota(jnp.int32, hn.shape, 0) + pl.program_id(0) * BR
    hn = jnp.where(rows < N, hn, 0.0)

    @pl.when(pl.program_id(0) == 0)
    def _():
        gsum_ref[...] = jnp.zeros_like(gsum_ref)
    gsum_ref[...] += jnp.sum(hn, axis=0, keepdims=True)

    @pl.when(pl.program_id(0) == GRID - 1)
    def _():
        g = gsum_ref[...]
        g = jnp.log(g)
        g = jnp.where(jnp.isnan(g), 0.0, g)
        g = jnp.maximum(g, 0.0)
        x = dot(g, w1g_ref[...]) + pt_ref[...] * w1p_ref[...] + fb1_ref[...]
        x = jnp.where(x >= 0, x, 0.01 * x)
        x = dot(x, w2_ref[...]) + fb2_ref[...]
        x = jnp.where(x >= 0, x, 0.01 * x)
        out_ref[...] = dot(x, w3_ref[...]) + fb3_ref[...]


def _gru_readout(p0, p1, h, wra, wza, wna, wrb, wzb, wnb, ur, uz, un,
                 br, bz, bni, bnh, pt, w1g, w1p, fb1, w2, fb2, w3, fb3):
    full = lambda shape: pl.BlockSpec(shape, lambda i: (0, 0))
    blk = pl.BlockSpec((BR, DP), lambda i: (i, 0))
    blkh = pl.BlockSpec((BR, D), lambda i: (i, 0))
    return pl.pallas_call(
        _bf_body,
        grid=(GRID,),
        in_specs=[blk, blk, blkh,
                  full((DP, D)), full((DP, D)), full((DP, D)),
                  full((DP, D)), full((DP, D)), full((DP, D)),
                  full((D, D)), full((D, D)), full((D, D)),
                  full((1, D)), full((1, D)), full((1, D)), full((1, D)),
                  full((1, 1)), full((D, 80)), full((1, 80)), full((1, 80)),
                  full((80, 80)), full((1, 80)), full((80, 10)),
                  full((1, 10))],
        out_specs=pl.BlockSpec((1, 10), lambda i: (0, 0)),
        out_shape=jax.ShapeDtypeStruct((1, 10), jnp.float32),
        scratch_shapes=[pltpu.VMEM((1, D), jnp.float32)],
    )(p0, p1, h, wra, wza, wna, wrb, wzb, wnb, ur, uz, un,
      br, bz, bni, bnh, pt, w1g, w1p, fb1, w2, fb2, w3, fb3)


def kernel(nodes, edge_index, problem_type, W_e1, b_e1, W_e2, b_e2,
           w_ih, w_hh, b_ih, b_hh, fc1_W, fc1_b, fc2_W, fc2_b, fcl_W, fcl_b):
    f32 = jnp.float32

    w1t = W_e1.T
    b1 = b_e1.reshape(1, D)
    w2t = W_e2.T
    w2ta = w2t[:, :DP]
    b2a = b_e2[:DP].reshape(1, DP)
    w2tb = jnp.zeros((D, DP), f32).at[:, :D2].set(w2t[:, DP:])
    b2b = jnp.zeros((1, DP), f32).at[:, :D2].set(b_e2[DP:])

    w_ihT = w_ih.T
    w_hhT = w_hh.T

    def split_gate(wt, lo):
        a = wt[:DP, lo:lo + D]
        b = jnp.zeros((DP, D), f32).at[:D2].set(wt[DP:, lo:lo + D])
        return a, b

    wra, wrb = split_gate(w_ihT, 0)
    wza, wzb = split_gate(w_ihT, D)
    wna, wnb = split_gate(w_ihT, 2 * D)
    ur = w_hhT[:, 0:D]
    uz = w_hhT[:, D:2 * D]
    un = w_hhT[:, 2 * D:3 * D]
    br = (b_ih[0:D] + b_hh[0:D]).reshape(1, D)
    bz = (b_ih[D:2 * D] + b_hh[D:2 * D]).reshape(1, D)
    bni = b_ih[2 * D:3 * D].reshape(1, D)
    bnh = b_hh[2 * D:3 * D].reshape(1, D)

    pad = jnp.full((E_PAD - E,), N, jnp.int32)
    dsts = jnp.concatenate([edge_index[:, 0], pad]).reshape(NT, NCH // 2, 2, CH)
    srcs = jnp.concatenate([edge_index[:, 1], pad]).reshape(NT, NCH // 2, 2, CH)

    w1g = fc1_W[:, :D].T
    w1p = fc1_W[:, D].reshape(1, -1)
    fb1 = fc1_b.reshape(1, -1)
    w2 = fc2_W.T
    fb2 = fc2_b.reshape(1, -1)
    w3 = fcl_W.T
    fb3 = fcl_b.reshape(1, -1)

    h = jnp.pad(nodes, ((0, N_PAD - N), (0, 0)))
    y0, y1 = _transform(h, w1t, b1, w2ta, b2a, w2tb, b2b)
    for _ in range(2):
        parts = _scatter(y0, y1, srcs, dsts)
        h, y0, y1 = _gru_transform(parts[0], parts[1], h,
                                   wra, wza, wna, wrb, wzb, wnb, ur, uz, un,
                                   br, bz, bni, bnh,
                                   w1t, b1, w2ta, b2a, w2tb, b2b)
    parts = _scatter(y0, y1, srcs, dsts)
    return _gru_readout(parts[0], parts[1], h,
                        wra, wza, wna, wrb, wzb, wnb, ur, uz, un,
                        br, bz, bni, bnh,
                        problem_type, w1g, w1p, fb1, w2, fb2, w3, fb3)

# --- scband reference (transcript-rebuilt; emitter-appended) ---
"""Pipeline reference for scband-ggnn-1108101562482 (READ-ONLY COPY).

The authoritative reference and input builder live on the scoring server;
editing this copy changes nothing except your own understanding.
"""

import jax, jax.numpy as jnp
import numpy as np

N, E, D, H2, OUT, PASSES = 10000, 320000, 150, 80, 10, 3

def setup_inputs(seed: int = 0) -> dict:
    key = jax.random.key(seed)
    ks = jax.random.split(key, 20)
    s = 0.05
    inp = {
        "nodes": jax.random.normal(ks[0], (N, D), dtype=jnp.float32),
        "edge_index": jax.random.randint(ks[1], (E, 2), 0, N, dtype=jnp.int32),
        "problem_type": jax.random.uniform(ks[2], (1, 1), dtype=jnp.float32),
        "W_e1": jax.random.normal(ks[3], (D, D), dtype=jnp.float32) * s,
        "b_e1": jnp.zeros((D,), dtype=jnp.float32),
        "W_e2": jax.random.normal(ks[4], (D, D), dtype=jnp.float32) * s,
        "b_e2": jnp.zeros((D,), dtype=jnp.float32),
        "w_ih": jax.random.normal(ks[5], (3 * D, D), dtype=jnp.float32) * s,
        "w_hh": jax.random.normal(ks[6], (3 * D, D), dtype=jnp.float32) * s,
        "b_ih": jnp.zeros((3 * D,), dtype=jnp.float32),
        "b_hh": jnp.zeros((3 * D,), dtype=jnp.float32),
        "fc1_W": jax.random.normal(ks[7], (H2, D + 1), dtype=jnp.float32) * s,
        "fc1_b": jnp.zeros((H2,), dtype=jnp.float32),
        "fc2_W": jax.random.normal(ks[8], (H2, H2), dtype=jnp.float32) * s,
        "fc2_b": jnp.zeros((H2,), dtype=jnp.float32),
        "fcl_W": jax.random.normal(ks[9], (OUT, H2), dtype=jnp.float32) * s,
        "fcl_b": jnp.zeros((OUT,), dtype=jnp.float32),
    }
    return inp

def reference(nodes, edge_index, problem_type, W_e1, b_e1, W_e2, b_e2, w_ih, w_hh, b_ih, b_hh, fc1_W, fc1_b, fc2_W, fc2_b, fcl_W, fcl_b):
    h = nodes
    dst = edge_index[:, 0]
    src = edge_index[:, 1]
    for j in range(PASSES):
        y = h[src] @ W_e1.T + b_e1
        y = jax.nn.leaky_relu(y, negative_slope=0.01)
        y = y @ W_e2.T + b_e2
        incoming = jnp.zeros_like(h).at[dst].add(y)
        gi = incoming @ w_ih.T + b_ih
        gh = h @ w_hh.T + b_hh
        i_r, i_z, i_n = jnp.split(gi, 3, axis=1)
        h_r, h_z, h_n = jnp.split(gh, 3, axis=1)
        r = jax.nn.sigmoid(i_r + h_r)
        z = jax.nn.sigmoid(i_z + h_z)
        n = jnp.tanh(i_n + r * h_n)
        h = (1.0 - z) * n + z * h
        if j < PASSES - 2:
            h = jax.lax.stop_gradient(h)
    g = h.sum(axis=0)
    g = jnp.log(g)
    g = jnp.where(jnp.isnan(g), 0.0, g)
    g = jax.nn.relu(g)
    x = jnp.concatenate([g[None, :], problem_type], axis=1)
    x = jax.nn.leaky_relu(x @ fc1_W.T + fc1_b, negative_slope=0.01)
    x = jax.nn.leaky_relu(x @ fc2_W.T + fc2_b, negative_slope=0.01)
    x = x @ fcl_W.T + fcl_b
    return x

if __name__ == "__main__":
    import jax
    _d = setup_inputs()
    print(jax.jit(kernel)(*tuple(_d.values())))

</pallas_src>

<mosaic_0001>
#map = affine_map<(d0, d1) -> (0, 0)>
#map1 = affine_map<(d0, d1) -> (0, 0, 0, 0)>
#map2 = affine_map<(d0, d1) -> (0, 0, 0)>
module attributes {stable_mosaic.version = 14 : i64} {
  func.func @_sc_body(%arg0: i32, %arg1: i32, %arg2: memref<10240x128xf32, #tpu.memory_space<hbm>>, %arg3: memref<10240x128xf32, #tpu.memory_space<hbm>>, %arg4: memref<16x80x2x128xi32, #tpu.memory_space<hbm>>, %arg5: memref<16x80x2x128xi32, #tpu.memory_space<hbm>>, %arg6: memref<2x10240x128xf32, #tpu.memory_space<hbm>>, %arg7: memref<16x2x128xi32, #tpu.memory_space<vmem>>, %arg8: memref<16x2x128xi32, #tpu.memory_space<vmem>>, %arg9: memref<2x128x128xf32, #tpu.memory_space<vmem>>, %arg10: memref<40x128xf32, #tpu.memory_space<vmem>>, %arg11: memref<10240x128xf32, #tpu.memory_space<vmem_shared>>, %arg12: memref<!tpu.dma_semaphore, #tpu.memory_space<semaphore_mem>>, %arg13: memref<!tpu.dma_semaphore, #tpu.memory_space<semaphore_mem>>) attributes {dimension_semantics = [#tpu.dimension_semantics<core_parallel>, #tpu.dimension_semantics<subcore_parallel>], iteration_bounds = array<i64: 2, 16>, scalar_prefetch = 0 : i64, scratch_operands = 7 : i64, tpu.core_type = #tpu.core_type<sc_vector_subcore>, window_params = [{transform_indices = #map}, {transform_indices = #map}, {transform_indices = #map1}, {transform_indices = #map1}, {transform_indices = #map2}]} {
    %scan3A = arith.constant 0 : i32
    %scan3A_0 = arith.constant 0 : i32
    %scan3A_1 = arith.constant 40 : i32
    %scan3A_2 = arith.addi %scan3A_0, %scan3A_1 : i32
    %scan3A_3 = arith.constant 1 : i32
    %scan3A_4 = scf.for %scan3A_238 = %scan3A_0 to %scan3A_2 step %scan3A_3 iter_args(%scan3A_239 = %scan3A) -> (i32)  : i32 {
      %scan3A_240 = arith.constant 0 : i32
      %scan3A_241 = arith.constant 0 : i32
      %scan3A_242 = arith.constant 8 : i32
      %scan3A_243 = arith.addi %scan3A_241, %scan3A_242 : i32
      %scan3A_244 = arith.constant 1 : i32
      %scan3A_245 = scf.for %scan3A_247 = %scan3A_241 to %scan3A_243 step %scan3A_244 iter_args(%scan3A_248 = %scan3A_240) -> (i32)  : i32 {
        %broadcast_in_dim3A = arith.constant 0.000000e+00 : f32
        %broadcast_in_dim3A_249 = vector.broadcast %broadcast_in_dim3A : f32 to vector<16xf32>
        %mul3A_250 = arith.constant 16 : i32
        %mul3A_251 = arith.muli %scan3A_247, %mul3A_250 : i32
        %swap3A = arith.index_cast %scan3A_238 : i32 to index
        %swap3A_252 = arith.index_cast %mul3A_251 : i32 to index
        %swap3A_253 = tpu.vector_load %arg10[%swap3A, %swap3A_252] {strides = array<i32>} : memref<40x128xf32, #tpu.memory_space<vmem>>, vector<1x16xf32>,
        %swap3A_254 = vector.shape_cast %swap3A_253 : vector<1x16xf32> to vector<16xf32>
        %swap3A_255 = vector.shape_cast %broadcast_in_dim3A_249 : vector<16xf32> to vector<1x16xf32>
        tpu.vector_store %arg10[%swap3A, %swap3A_252], %swap3A_255 {strides = array<i32>} : memref<40x128xf32, #tpu.memory_space<vmem>>, vector<1x16xf32>,
        %scan3A_256 = arith.constant 0 : i32
        scf.yield %scan3A_256 : i32
      }
      %scan3A_246 = arith.constant 8 : i32
      scf.yield %scan3A_245 : i32
    }
    %scan3A_5 = arith.constant 40 : i32
    %mul3A = arith.constant 16 : i32
    %mul3A_6 = arith.muli %arg1, %mul3A : i32
    %add3A = arith.constant 0 : i32
    %add3A_7 = arith.addi %mul3A_6, %add3A : i32
    %mul3A_8 = arith.constant 40 : i32
    %mul3A_9 = arith.muli %add3A_7, %mul3A_8 : i32
    %dma_start3A = arith.constant 0 : i32
    %dma_start3A_10 = tpu.memref_slice %arg11[%mul3A_9, %dma_start3A] : memref<10240x128xf32, #tpu.memory_space<vmem_shared>> -> memref<40x128xf32, #tpu.memory_space<vmem_shared>>
    %dma_start3A_11 = arith.constant 0 : i32
    %dma_start3A_12 = tpu.memref_slice %arg11[%mul3A_9, %dma_start3A_11] : memref<10240x128xf32, #tpu.memory_space<vmem_shared>> -> memref<40x128xf32, #tpu.memory_space<vmem_shared>>
    tpu.enqueue_dma source(%arg10 : memref<40x128xf32, #tpu.memory_space<vmem>>) target(%dma_start3A_12 : memref<40x128xf32, #tpu.memory_space<vmem_shared>>) target_semaphore(%arg12 : memref<!tpu.dma_semaphore, #tpu.memory_space<semaphore_mem>>)
    %mul3A_13 = arith.constant 16 : i32
    %mul3A_14 = arith.muli %arg1, %mul3A_13 : i32
    %add3A_15 = arith.constant 1 : i32
    %add3A_16 = arith.addi %mul3A_14, %add3A_15 : i32
    %mul3A_17 = arith.constant 40 : i32
    %mul3A_18 = arith.muli %add3A_16, %mul3A_17 : i32
    %dma_start3A_19 = arith.constant 0 : i32
    %dma_start3A_20 = tpu.memref_slice %arg11[%mul3A_18, %dma_start3A_19] : memref<10240x128xf32, #tpu.memory_space<vmem_shared>> -> memref<40x128xf32, #tpu.memory_space<vmem_shared>>
    %dma_start3A_21 = arith.constant 0 : i32
    %dma_start3A_22 = tpu.memref_slice %arg11[%mul3A_18, %dma_start3A_21] : memref<10240x128xf32, #tpu.memory_space<vmem_shared>> -> memref<40x128xf32, #tpu.memory_space<vmem_shared>>
    tpu.enqueue_dma source(%arg10 : memref<40x128xf32, #tpu.memory_space<vmem>>) target(%dma_start3A_22 : memref<40x128xf32, #tpu.memory_space<vmem_shared>>) target_semaphore(%arg12 : memref<!tpu.dma_semaphore, #tpu.memory_space<semaphore_mem>>)
    %mul3A_23 = arith.constant 16 : i32
    %mul3A_24 = arith.muli %arg1, %mul3A_23 : i32
    %add3A_25 = arith.constant 2 : i32
    %add3A_26 = arith.addi %mul3A_24, %add3A_25 : i32
    %mul3A_27 = arith.constant 40 : i32
    %mul3A_28 = arith.muli %add3A_26, %mul3A_27 : i32
    %dma_start3A_29 = arith.constant 0 : i32
    %dma_start3A_30 = tpu.memref_slice %arg11[%mul3A_28, %dma_start3A_29] : memref<10240x128xf32, #tpu.memory_space<vmem_shared>> -> memref<40x128xf32, #tpu.memory_space<vmem_shared>>
    %dma_start3A_31 = arith.constant 0 : i32
    %dma_start3A_32 = tpu.memref_slice %arg11[%mul3A_28, %dma_start3A_31] : memref<10240x128xf32, #tpu.memory_space<vmem_shared>> -> memref<40x128xf32, #tpu.memory_space<vmem_shared>>
    tpu.enqueue_dma source(%arg10 : memref<40x128xf32, #tpu.memory_space<vmem>>) target(%dma_start3A_32 : memref<40x128xf32, #tpu.memory_space<vmem_shared>>) target_semaphore(%arg12 : memref<!tpu.dma_semaphore, #tpu.memory_space<semaphore_mem>>)
    %mul3A_33 = arith.constant 16 : i32
    %mul3A_34 = arith.muli %arg1, %mul3A_33 : i32
    %add3A_35 = arith.constant 3 : i32
    %add3A_36 = arith.addi %mul3A_34, %add3A_35 : i32
    %mul3A_37 = arith.constant 40 : i32
    %mul3A_38 = arith.muli %add3A_36, %mul3A_37 : i32
    %dma_start3A_39 = arith.constant 0 : i32
    %dma_start3A_40 = tpu.memref_slice %arg11[%mul3A_38, %dma_start3A_39] : memref<10240x128xf32, #tpu.memory_space<vmem_shared>> -> memref<40x128xf32, #tpu.memory_space<vmem_shared>>
    %dma_start3A_41 = arith.constant 0 : i32
    %dma_start3A_42 = tpu.memref_slice %arg11[%mul3A_38, %dma_start3A_41] : memref<10240x128xf32, #tpu.memory_space<vmem_shared>> -> memref<40x128xf32, #tpu.memory_space<vmem_shared>>
    tpu.enqueue_dma source(%arg10 : memref<40x128xf32, #tpu.memory_space<vmem>>) target(%dma_start3A_42 : memref<40x128xf32, #tpu.memory_space<vmem_shared>>) target_semaphore(%arg12 : memref<!tpu.dma_semaphore, #tpu.memory_space<semaphore_mem>>)
    %mul3A_43 = arith.constant 16 : i32
    %mul3A_44 = arith.muli %arg1, %mul3A_43 : i32
    %add3A_45 = arith.constant 4 : i32
    %add3A_46 = arith.addi %mul3A_44, %add3A_45 : i32
    %mul3A_47 = arith.constant 40 : i32
    %mul3A_48 = arith.muli %add3A_46, %mul3A_47 : i32
    %dma_start3A_49 = arith.constant 0 : i32
    %dma_start3A_50 = tpu.memref_slice %arg11[%mul3A_48, %dma_start3A_49] : memref<10240x128xf32, #tpu.memory_space<vmem_shared>> -> memref<40x128xf32, #tpu.memory_space<vmem_shared>>
    %dma_start3A_51 = arith.constant 0 : i32
    %dma_start3A_52 = tpu.memref_slice %arg11[%mul3A_48, %dma_start3A_51] : memref<10240x128xf32, #tpu.memory_space<vmem_shared>> -> memref<40x128xf32, #tpu.memory_space<vmem_shared>>
    tpu.enqueue_dma source(%arg10 : memref<40x128xf32, #tpu.memory_space<vmem>>) target(%dma_start3A_52 : memref<40x128xf32, #tpu.memory_space<vmem_shared>>) target_semaphore(%arg12 : memref<!tpu.dma_semaphore, #tpu.memory_space<semaphore_mem>>)
    %mul3A_53 = arith.constant 16 : i32
    %mul3A_54 = arith.muli %arg1, %mul3A_53 : i32
    %add3A_55 = arith.constant 5 : i32
    %add3A_56 = arith.addi %mul3A_54, %add3A_55 : i32
    %mul3A_57 = arith.constant 40 : i32
    %mul3A_58 = arith.muli %add3A_56, %mul3A_57 : i32
    %dma_start3A_59 = arith.constant 0 : i32
    %dma_start3A_60 = tpu.memref_slice %arg11[%mul3A_58, %dma_start3A_59] : memref<10240x128xf32, #tpu.memory_space<vmem_shared>> -> memref<40x128xf32, #tpu.memory_space<vmem_shared>>
    %dma_start3A_61 = arith.constant 0 : i32
    %dma_start3A_62 = tpu.memref_slice %arg11[%mul3A_58, %dma_start3A_61] : memref<10240x128xf32, #tpu.memory_space<vmem_shared>> -> memref<40x128xf32, #tpu.memory_space<vmem_shared>>
    tpu.enqueue_dma source(%arg10 : memref<40x128xf32, #tpu.memory_space<vmem>>) target(%dma_start3A_62 : memref<40x128xf32, #tpu.memory_space<vmem_shared>>) target_semaphore(%arg12 : memref<!tpu.dma_semaphore, #tpu.memory_space<semaphore_mem>>)
    %mul3A_63 = arith.constant 16 : i32
    %mul3A_64 = arith.muli %arg1, %mul3A_63 : i32
    %add3A_65 = arith.constant 6 : i32
    %add3A_66 = arith.addi %mul3A_64, %add3A_65 : i32
    %mul3A_67 = arith.constant 40 : i32
    %mul3A_68 = arith.muli %add3A_66, %mul3A_67 : i32
    %dma_start3A_69 = arith.constant 0 : i32
    %dma_start3A_70 = tpu.memref_slice %arg11[%mul3A_68, %dma_start3A_69] : memref<10240x128xf32, #tpu.memory_space<vmem_shared>> -> memref<40x128xf32, #tpu.memory_space<vmem_shared>>
    %dma_start3A_71 = arith.constant 0 : i32
    %dma_start3A_72 = tpu.memref_slice %arg11[%mul3A_68, %dma_start3A_71] : memref<10240x128xf32, #tpu.memory_space<vmem_shared>> -> memref<40x128xf32, #tpu.memory_space<vmem_shared>>
    tpu.enqueue_dma source(%arg10 : memref<40x128xf32, #tpu.memory_space<vmem>>) target(%dma_start3A_72 : memref<40x128xf32, #tpu.memory_space<vmem_shared>>) target_semaphore(%arg12 : memref<!tpu.dma_semaphore, #tpu.memory_space<semaphore_mem>>)
    %mul3A_73 = arith.constant 16 : i32
    %mul3A_74 = arith.muli %arg1, %mul3A_73 : i32
    %add3A_75 = arith.constant 7 : i32
    %add3A_76 = arith.addi %mul3A_74, %add3A_75 : i32
    %mul3A_77 = arith.constant 40 : i32
    %mul3A_78 = arith.muli %add3A_76, %mul3A_77 : i32
    %dma_start3A_79 = arith.constant 0 : i32
    %dma_start3A_80 = tpu.memref_slice %arg11[%mul3A_78, %dma_start3A_79] : memref<10240x128xf32, #tpu.memory_space<vmem_shared>> -> memref<40x128xf32, #tpu.memory_space<vmem_shared>>
    %dma_start3A_81 = arith.constant 0 : i32
    %dma_start3A_82 = tpu.memref_slice %arg11[%mul3A_78, %dma_start3A_81] : memref<10240x128xf32, #tpu.memory_space<vmem_shared>> -> memref<40x128xf32, #tpu.memory_space<vmem_shared>>
    tpu.enqueue_dma source(%arg10 : memref<40x128xf32, #tpu.memory_space<vmem>>) target(%dma_start3A_82 : memref<40x128xf32, #tpu.memory_space<vmem_shared>>) target_semaphore(%arg12 : memref<!tpu.dma_semaphore, #tpu.memory_space<semaphore_mem>>)
    %mul3A_83 = arith.constant 16 : i32
    %mul3A_84 = arith.muli %arg1, %mul3A_83 : i32
    %add3A_85 = arith.constant 8 : i32
    %add3A_86 = arith.addi %mul3A_84, %add3A_85 : i32
    %mul3A_87 = arith.constant 40 : i32
    %mul3A_88 = arith.muli %add3A_86, %mul3A_87 : i32
    %dma_start3A_89 = arith.constant 0 : i32
    %dma_start3A_90 = tpu.memref_slice %arg11[%mul3A_88, %dma_start3A_89] : memref<10240x128xf32, #tpu.memory_space<vmem_shared>> -> memref<40x128xf32, #tpu.memory_space<vmem_shared>>
    %dma_start3A_91 = arith.constant 0 : i32
    %dma_start3A_92 = tpu.memref_slice %arg11[%mul3A_88, %dma_start3A_91] : memref<10240x128xf32, #tpu.memory_space<vmem_shared>> -> memref<40x128xf32, #tpu.memory_space<vmem_shared>>
    tpu.enqueue_dma source(%arg10 : memref<40x128xf32, #tpu.memory_space<vmem>>) target(%dma_start3A_92 : memref<40x128xf32, #tpu.memory_space<vmem_shared>>) target_semaphore(%arg12 : memref<!tpu.dma_semaphore, #tpu.memory_space<semaphore_mem>>)
    %mul3A_93 = arith.constant 16 : i32
    %mul3A_94 = arith.muli %arg1, %mul3A_93 : i32
    %add3A_95 = arith.constant 9 : i32
    %add3A_96 = arith.addi %mul3A_94, %add3A_95 : i32
    %mul3A_97 = arith.constant 40 : i32
    %mul3A_98 = arith.muli %add3A_96, %mul3A_97 : i32
    %dma_start3A_99 = arith.constant 0 : i32
    %dma_start3A_100 = tpu.memref_slice %arg11[%mul3A_98, %dma_start3A_99] : memref<10240x128xf32, #tpu.memory_space<vmem_shared>> -> memref<40x128xf32, #tpu.memory_space<vmem_shared>>
    %dma_start3A_101 = arith.constant 0 : i32
    %dma_start3A_102 = tpu.memref_slice %arg11[%mul3A_98, %dma_start3A_101] : memref<10240x128xf32, #tpu.memory_space<vmem_shared>> -> memref<40x128xf32, #tpu.memory_space<vmem_shared>>
    tpu.enqueue_dma source(%arg10 : memref<40x128xf32, #tpu.memory_space<vmem>>) target(%dma_start3A_102 : memref<40x128xf32, #tpu.memory_space<vmem_shared>>) target_semaphore(%arg12 : memref<!tpu.dma_semaphore, #tpu.memory_space<semaphore_mem>>)
    %mul3A_103 = arith.constant 16 : i32
    %mul3A_104 = arith.muli %arg1, %mul3A_103 : i32
    %add3A_105 = arith.constant 10 : i32
    %add3A_106 = arith.addi %mul3A_104, %add3A_105 : i32
    %mul3A_107 = arith.constant 40 : i32
    %mul3A_108 = arith.muli %add3A_106, %mul3A_107 : i32
    %dma_start3A_109 = arith.constant 0 : i32
    %dma_start3A_110 = tpu.memref_slice %arg11[%mul3A_108, %dma_start3A_109] : memref<10240x128xf32, #tpu.memory_space<vmem_shared>> -> memref<40x128xf32, #tpu.memory_space<vmem_shared>>
    %dma_start3A_111 = arith.constant 0 : i32
    %dma_start3A_112 = tpu.memref_slice %arg11[%mul3A_108, %dma_start3A_111] : memref<10240x128xf32, #tpu.memory_space<vmem_shared>> -> memref<40x128xf32, #tpu.memory_space<vmem_shared>>
    tpu.enqueue_dma source(%arg10 : memref<40x128xf32, #tpu.memory_space<vmem>>) target(%dma_start3A_112 : memref<40x128xf32, #tpu.memory_space<vmem_shared>>) target_semaphore(%arg12 : memref<!tpu.dma_semaphore, #tpu.memory_space<semaphore_mem>>)
    %mul3A_113 = arith.constant 16 : i32
    %mul3A_114 = arith.muli %arg1, %mul3A_113 : i32
    %add3A_115 = arith.constant 11 : i32
    %add3A_116 = arith.addi %mul3A_114, %add3A_115 : i32
    %mul3A_117 = arith.constant 40 : i32
    %mul3A_118 = arith.muli %add3A_116, %mul3A_117 : i32
    %dma_start3A_119 = arith.constant 0 : i32
    %dma_start3A_120 = tpu.memref_slice %arg11[%mul3A_118, %dma_start3A_119] : memref<10240x128xf32, #tpu.memory_space<vmem_shared>> -> memref<40x128xf32, #tpu.memory_space<vmem_shared>>
    %dma_start3A_121 = arith.constant 0 : i32
    %dma_start3A_122 = tpu.memref_slice %arg11[%mul3A_118, %dma_start3A_121] : memref<10240x128xf32, #tpu.memory_space<vmem_shared>> -> memref<40x128xf32, #tpu.memory_space<vmem_shared>>
    tpu.enqueue_dma source(%arg10 : memref<40x128xf32, #tpu.memory_space<vmem>>) target(%dma_start3A_122 : memref<40x128xf32, #tpu.memory_space<vmem_shared>>) target_semaphore(%arg12 : memref<!tpu.dma_semaphore, #tpu.memory_space<semaphore_mem>>)
    %mul3A_123 = arith.constant 16 : i32
    %mul3A_124 = arith.muli %arg1, %mul3A_123 : i32
    %add3A_125 = arith.constant 12 : i32
    %add3A_126 = arith.addi %mul3A_124, %add3A_125 : i32
    %mul3A_127 = arith.constant 40 : i32
    %mul3A_128 = arith.muli %add3A_126, %mul3A_127 : i32
    %dma_start3A_129 = arith.constant 0 : i32
    %dma_start3A_130 = tpu.memref_slice %arg11[%mul3A_128, %dma_start3A_129] : memref<10240x128xf32, #tpu.memory_space<vmem_shared>> -> memref<40x128xf32, #tpu.memory_space<vmem_shared>>
    %dma_start3A_131 = arith.constant 0 : i32
    %dma_start3A_132 = tpu.memref_slice %arg11[%mul3A_128, %dma_start3A_131] : memref<10240x128xf32, #tpu.memory_space<vmem_shared>> -> memref<40x128xf32, #tpu.memory_space<vmem_shared>>
    tpu.enqueue_dma source(%arg10 : memref<40x128xf32, #tpu.memory_space<vmem>>) target(%dma_start3A_132 : memref<40x128xf32, #tpu.memory_space<vmem_shared>>) target_semaphore(%arg12 : memref<!tpu.dma_semaphore, #tpu.memory_space<semaphore_mem>>)
    %mul3A_133 = arith.constant 16 : i32
    %mul3A_134 = arith.muli %arg1, %mul3A_133 : i32
    %add3A_135 = arith.constant 13 : i32
    %add3A_136 = arith.addi %mul3A_134, %add3A_135 : i32
    %mul3A_137 = arith.constant 40 : i32
    %mul3A_138 = arith.muli %add3A_136, %mul3A_137 : i32
    %dma_start3A_139 = arith.constant 0 : i32
    %dma_start3A_140 = tpu.memref_slice %arg11[%mul3A_138, %dma_start3A_139] : memref<10240x128xf32, #tpu.memory_space<vmem_shared>> -> memref<40x128xf32, #tpu.memory_space<vmem_shared>>
    %dma_start3A_141 = arith.constant 0 : i32
    %dma_start3A_142 = tpu.memref_slice %arg11[%mul3A_138, %dma_start3A_141] : memref<10240x128xf32, #tpu.memory_space<vmem_shared>> -> memref<40x128xf32, #tpu.memory_space<vmem_shared>>
    tpu.enqueue_dma source(%arg10 : memref<40x128xf32, #tpu.memory_space<vmem>>) target(%dma_start3A_142 : memref<40x128xf32, #tpu.memory_space<vmem_shared>>) target_semaphore(%arg12 : memref<!tpu.dma_semaphore, #tpu.memory_space<semaphore_mem>>)
    %mul3A_143 = arith.constant 16 : i32
    %mul3A_144 = arith.muli %arg1, %mul3A_143 : i32
    %add3A_145 = arith.constant 14 : i32
    %add3A_146 = arith.addi %mul3A_144, %add3A_145 : i32
    %mul3A_147 = arith.constant 40 : i32
    %mul3A_148 = arith.muli %add3A_146, %mul3A_147 : i32
    %dma_start3A_149 = arith.constant 0 : i32
    %dma_start3A_150 = tpu.memref_slice %arg11[%mul3A_148, %dma_start3A_149] : memref<10240x128xf32, #tpu.memory_space<vmem_shared>> -> memref<40x128xf32, #tpu.memory_space<vmem_shared>>
    %dma_start3A_151 = arith.constant 0 : i32
    %dma_start3A_152 = tpu.memref_slice %arg11[%mul3A_148, %dma_start3A_151] : memref<10240x128xf32, #tpu.memory_space<vmem_shared>> -> memref<40x128xf32, #tpu.memory_space<vmem_shared>>
    tpu.enqueue_dma source(%arg10 : memref<40x128xf32, #tpu.memory_space<vmem>>) target(%dma_start3A_152 : memref<40x128xf32, #tpu.memory_space<vmem_shared>>) target_semaphore(%arg12 : memref<!tpu.dma_semaphore, #tpu.memory_space<semaphore_mem>>)
    %mul3A_153 = arith.constant 16 : i32
    %mul3A_154 = arith.muli %arg1, %mul3A_153 : i32
    %add3A_155 = arith.constant 15 : i32
    %add3A_156 = arith.addi %mul3A_154, %add3A_155 : i32
    %mul3A_157 = arith.constant 40 : i32
    %mul3A_158 = arith.muli %add3A_156, %mul3A_157 : i32
    %dma_start3A_159 = arith.constant 0 : i32
    %dma_start3A_160 = tpu.memref_slice %arg11[%mul3A_158, %dma_start3A_159] : memref<10240x128xf32, #tpu.memory_space<vmem_shared>> -> memref<40x128xf32, #tpu.memory_space<vmem_shared>>
    %dma_start3A_161 = arith.constant 0 : i32
    %dma_start3A_162 = tpu.memref_slice %arg11[%mul3A_158, %dma_start3A_161] : memref<10240x128xf32, #tpu.memory_space<vmem_shared>> -> memref<40x128xf32, #tpu.memory_space<vmem_shared>>
    tpu.enqueue_dma source(%arg10 : memref<40x128xf32, #tpu.memory_space<vmem>>) target(%dma_start3A_162 : memref<40x128xf32, #tpu.memory_space<vmem_shared>>) target_semaphore(%arg12 : memref<!tpu.dma_semaphore, #tpu.memory_space<semaphore_mem>>)
    %dma_wait3A = arith.constant 0 : i32
    %dma_wait3A_163 = tpu.memref_slice %arg11[%mul3A_9, %dma_wait3A] : memref<10240x128xf32, #tpu.memory_space<vmem_shared>> -> memref<40x128xf32, #tpu.memory_space<vmem_shared>>
    %dma_wait3A_164 = arith.constant 0 : i32
    %dma_wait3A_165 = tpu.memref_slice %arg11[%mul3A_9, %dma_wait3A_164] : memref<10240x128xf32, #tpu.memory_space<vmem_shared>> -> memref<40x128xf32, #tpu.memory_space<vmem_shared>>
    tpu.wait_dma2 semaphore(%arg12 : memref<!tpu.dma_semaphore, #tpu.memory_space<semaphore_mem>>) src(%arg10 : memref<40x128xf32, #tpu.memory_space<vmem>>) dst(%dma_wait3A_165 : memref<40x128xf32, #tpu.memory_space<vmem_shared>>)
    %dma_wait3A_166 = arith.constant 0 : i32
    %dma_wait3A_167 = tpu.memref_slice %arg11[%mul3A_18, %dma_wait3A_166] : memref<10240x128xf32, #tpu.memory_space<vmem_shared>> -> memref<40x128xf32, #tpu.memory_space<vmem_shared>>
    %dma_wait3A_168 = arith.constant 0 : i32
    %dma_wait3A_169 = tpu.memref_slice %arg11[%mul3A_18, %dma_wait3A_168] : memref<10240x128xf32, #tpu.memory_space<vmem_shared>> -> memref<40x128xf32, #tpu.memory_space<vmem_shared>>
    tpu.wait_dma2 semaphore(%arg12 : memref<!tpu.dma_semaphore, #tpu.memory_space<semaphore_mem>>) src(%arg10 : memref<40x128xf32, #tpu.memory_space<vmem>>) dst(%dma_wait3A_169 : memref<40x128xf32, #tpu.memory_space<vmem_shared>>)
    %dma_wait3A_170 = arith.constant 0 : i32
    %dma_wait3A_171 = tpu.memref_slice %arg11[%mul3A_28, %dma_wait3A_170] : memref<10240x128xf32, #tpu.memory_space<vmem_shared>> -> memref<40x128xf32, #tpu.memory_space<vmem_shared>>
    %dma_wait3A_172 = arith.constant 0 : i32
    %dma_wait3A_173 = tpu.memref_slice %arg11[%mul3A_28, %dma_wait3A_172] : memref<10240x128xf32, #tpu.memory_space<vmem_shared>> -> memref<40x128xf32, #tpu.memory_space<vmem_shared>>
    tpu.wait_dma2 semaphore(%arg12 : memref<!tpu.dma_semaphore, #tpu.memory_space<semaphore_mem>>) src(%arg10 : memref<40x128xf32, #tpu.memory_space<vmem>>) dst(%dma_wait3A_173 : memref<40x128xf32, #tpu.memory_space<vmem_shared>>)
    %dma_wait3A_174 = arith.constant 0 : i32
    %dma_wait3A_175 = tpu.memref_slice %arg11[%mul3A_38, %dma_wait3A_174] : memref<10240x128xf32, #tpu.memory_space<vmem_shared>> -> memref<40x128xf32, #tpu.memory_space<vmem_shared>>
    %dma_wait3A_176 = arith.constant 0 : i32
    %dma_wait3A_177 = tpu.memref_slice %arg11[%mul3A_38, %dma_wait3A_176] : memref<10240x128xf32, #tpu.memory_space<vmem_shared>> -> memref<40x128xf32, #tpu.memory_space<vmem_shared>>
    tpu.wait_dma2 semaphore(%arg12 : memref<!tpu.dma_semaphore, #tpu.memory_space<semaphore_mem>>) src(%arg10 : memref<40x128xf32, #tpu.memory_space<vmem>>) dst(%dma_wait3A_177 : memref<40x128xf32, #tpu.memory_space<vmem_shared>>)
    %dma_wait3A_178 = arith.constant 0 : i32
    %dma_wait3A_179 = tpu.memref_slice %arg11[%mul3A_48, %dma_wait3A_178] : memref<10240x128xf32, #tpu.memory_space<vmem_shared>> -> memref<40x128xf32, #tpu.memory_space<vmem_shared>>
    %dma_wait3A_180 = arith.constant 0 : i32
    %dma_wait3A_181 = tpu.memref_slice %arg11[%mul3A_48, %dma_wait3A_180] : memref<10240x128xf32, #tpu.memory_space<vmem_shared>> -> memref<40x128xf32, #tpu.memory_space<vmem_shared>>
    tpu.wait_dma2 semaphore(%arg12 : memref<!tpu.dma_semaphore, #tpu.memory_space<semaphore_mem>>) src(%arg10 : memref<40x128xf32, #tpu.memory_space<vmem>>) dst(%dma_wait3A_181 : memref<40x128xf32, #tpu.memory_space<vmem_shared>>)
    %dma_wait3A_182 = arith.constant 0 : i32
    %dma_wait3A_183 = tpu.memref_slice %arg11[%mul3A_58, %dma_wait3A_182] : memref<10240x128xf32, #tpu.memory_space<vmem_shared>> -> memref<40x128xf32, #tpu.memory_space<vmem_shared>>
    %dma_wait3A_184 = arith.constant 0 : i32
    %dma_wait3A_185 = tpu.memref_slice %arg11[%mul3A_58, %dma_wait3A_184] : memref<10240x128xf32, #tpu.memory_space<vmem_shared>> -> memref<40x128xf32, #tpu.memory_space<vmem_shared>>
    tpu.wait_dma2 semaphore(%arg12 : memref<!tpu.dma_semaphore, #tpu.memory_space<semaphore_mem>>) src(%arg10 : memref<40x128xf32, #tpu.memory_space<vmem>>) dst(%dma_wait3A_185 : memref<40x128xf32, #tpu.memory_space<vmem_shared>>)
    %dma_wait3A_186 = arith.constant 0 : i32
    %dma_wait3A_187 = tpu.memref_slice %arg11[%mul3A_68, %dma_wait3A_186] : memref<10240x128xf32, #tpu.memory_space<vmem_shared>> -> memref<40x128xf32, #tpu.memory_space<vmem_shared>>
    %dma_wait3A_188 = arith.constant 0 : i32
    %dma_wait3A_189 = tpu.memref_slice %arg11[%mul3A_68, %dma_wait3A_188] : memref<10240x128xf32, #tpu.memory_space<vmem_shared>> -> memref<40x128xf32, #tpu.memory_space<vmem_shared>>
    tpu.wait_dma2 semaphore(%arg12 : memref<!tpu.dma_semaphore, #tpu.memory_space<semaphore_mem>>) src(%arg10 : memref<40x128xf32, #tpu.memory_space<vmem>>) dst(%dma_wait3A_189 : memref<40x128xf32, #tpu.memory_space<vmem_shared>>)
    %dma_wait3A_190 = arith.constant 0 : i32
    %dma_wait3A_191 = tpu.memref_slice %arg11[%mul3A_78, %dma_wait3A_190] : memref<10240x128xf32, #tpu.memory_space<vmem_shared>> -> memref<40x128xf32, #tpu.memory_space<vmem_shared>>
    %dma_wait3A_192 = arith.constant 0 : i32
    %dma_wait3A_193 = tpu.memref_slice %arg11[%mul3A_78, %dma_wait3A_192] : memref<10240x128xf32, #tpu.memory_space<vmem_shared>> -> memref<40x128xf32, #tpu.memory_space<vmem_shared>>
    tpu.wait_dma2 semaphore(%arg12 : memref<!tpu.dma_semaphore, #tpu.memory_space<semaphore_mem>>) src(%arg10 : memref<40x128xf32, #tpu.memory_space<vmem>>) dst(%dma_wait3A_193 : memref<40x128xf32, #tpu.memory_space<vmem_shared>>)
    %dma_wait3A_194 = arith.constant 0 : i32
    %dma_wait3A_195 = tpu.memref_slice %arg11[%mul3A_88, %dma_wait3A_194] : memref<10240x128xf32, #tpu.memory_space<vmem_shared>> -> memref<40x128xf32, #tpu.memory_space<vmem_shared>>
    %dma_wait3A_196 = arith.constant 0 : i32
    %dma_wait3A_197 = tpu.memref_slice %arg11[%mul3A_88, %dma_wait3A_196] : memref<10240x128xf32, #tpu.memory_space<vmem_shared>> -> memref<40x128xf32, #tpu.memory_space<vmem_shared>>
    tpu.wait_dma2 semaphore(%arg12 : memref<!tpu.dma_semaphore, #tpu.memory_space<semaphore_mem>>) src(%arg10 : memref<40x128xf32, #tpu.memory_space<vmem>>) dst(%dma_wait3A_197 : memref<40x128xf32, #tpu.memory_space<vmem_shared>>)
    %dma_wait3A_198 = arith.constant 0 : i32
    %dma_wait3A_199 = tpu.memref_slice %arg11[%mul3A_98, %dma_wait3A_198] : memref<10240x128xf32, #tpu.memory_space<vmem_shared>> -> memref<40x128xf32, #tpu.memory_space<vmem_shared>>
    %dma_wait3A_200 = arith.constant 0 : i32
    %dma_wait3A_201 = tpu.memref_slice %arg11[%mul3A_98, %dma_wait3A_200] : memref<10240x128xf32, #tpu.memory_space<vmem_shared>> -> memref<40x128xf32, #tpu.memory_space<vmem_shared>>
    tpu.wait_dma2 semaphore(%arg12 : memref<!tpu.dma_semaphore, #tpu.memory_space<semaphore_mem>>) src(%arg10 : memref<40x128xf32, #tpu.memory_space<vmem>>) dst(%dma_wait3A_201 : memref<40x128xf32, #tpu.memory_space<vmem_shared>>)
    %dma_wait3A_202 = arith.constant 0 : i32
    %dma_wait3A_203 = tpu.memref_slice %arg11[%mul3A_108, %dma_wait3A_202] : memref<10240x128xf32, #tpu.memory_space<vmem_shared>> -> memref<40x128xf32, #tpu.memory_space<vmem_shared>>
    %dma_wait3A_204 = arith.constant 0 : i32
    %dma_wait3A_205 = tpu.memref_slice %arg11[%mul3A_108, %dma_wait3A_204] : memref<10240x128xf32, #tpu.memory_space<vmem_shared>> -> memref<40x128xf32, #tpu.memory_space<vmem_shared>>
    tpu.wait_dma2 semaphore(%arg12 : memref<!tpu.dma_semaphore, #tpu.memory_space<semaphore_mem>>) src(%arg10 : memref<40x128xf32, #tpu.memory_space<vmem>>) dst(%dma_wait3A_205 : memref<40x128xf32, #tpu.memory_space<vmem_shared>>)
    %dma_wait3A_206 = arith.constant 0 : i32
    %dma_wait3A_207 = tpu.memref_slice %arg11[%mul3A_118, %dma_wait3A_206] : memref<10240x128xf32, #tpu.memory_space<vmem_shared>> -> memref<40x128xf32, #tpu.memory_space<vmem_shared>>
    %dma_wait3A_208 = arith.constant 0 : i32
    %dma_wait3A_209 = tpu.memref_slice %arg11[%mul3A_118, %dma_wait3A_208] : memref<10240x128xf32, #tpu.memory_space<vmem_shared>> -> memref<40x128xf32, #tpu.memory_space<vmem_shared>>
    tpu.wait_dma2 semaphore(%arg12 : memref<!tpu.dma_semaphore, #tpu.memory_space<semaphore_mem>>) src(%arg10 : memref<40x128xf32, #tpu.memory_space<vmem>>) dst(%dma_wait3A_209 : memref<40x128xf32, #tpu.memory_space<vmem_shared>>)
    %dma_wait3A_210 = arith.constant 0 : i32
    %dma_wait3A_211 = tpu.memref_slice %arg11[%mul3A_128, %dma_wait3A_210] : memref<10240x128xf32, #tpu.memory_space<vmem_shared>> -> memref<40x128xf32, #tpu.memory_space<vmem_shared>>
    %dma_wait3A_212 = arith.constant 0 : i32
    %dma_wait3A_213 = tpu.memref_slice %arg11[%mul3A_128, %dma_wait3A_212] : memref<10240x128xf32, #tpu.memory_space<vmem_shared>> -> memref<40x128xf32, #tpu.memory_space<vmem_shared>>
    tpu.wait_dma2 semaphore(%arg12 : memref<!tpu.dma_semaphore, #tpu.memory_space<semaphore_mem>>) src(%arg10 : memref<40x128xf32, #tpu.memory_space<vmem>>) dst(%dma_wait3A_213 : memref<40x128xf32, #tpu.memory_space<vmem_shared>>)
    %dma_wait3A_214 = arith.constant 0 : i32
    %dma_wait3A_215 = tpu.memref_slice %arg11[%mul3A_138, %dma_wait3A_214] : memref<10240x128xf32, #tpu.memory_space<vmem_shared>> -> memref<40x128xf32, #tpu.memory_space<vmem_shared>>
    %dma_wait3A_216 = arith.constant 0 : i32
    %dma_wait3A_217 = tpu.memref_slice %arg11[%mul3A_138, %dma_wait3A_216] : memref<10240x128xf32, #tpu.memory_space<vmem_shared>> -> memref<40x128xf32, #tpu.memory_space<vmem_shared>>
    tpu.wait_dma2 semaphore(%arg12 : memref<!tpu.dma_semaphore, #tpu.memory_space<semaphore_mem>>) src(%arg10 : memref<40x128xf32, #tpu.memory_space<vmem>>) dst(%dma_wait3A_217 : memref<40x128xf32, #tpu.memory_space<vmem_shared>>)
    %dma_wait3A_218 = arith.constant 0 : i32
    %dma_wait3A_219 = tpu.memref_slice %arg11[%mul3A_148, %dma_wait3A_218] : memref<10240x128xf32, #tpu.memory_space<vmem_shared>> -> memref<40x128xf32, #tpu.memory_space<vmem_shared>>
    %dma_wait3A_220 = arith.constant 0 : i32
    %dma_wait3A_221 = tpu.memref_slice %arg11[%mul3A_148, %dma_wait3A_220] : memref<10240x128xf32, #tpu.memory_space<vmem_shared>> -> memref<40x128xf32, #tpu.memory_space<vmem_shared>>
    tpu.wait_dma2 semaphore(%arg12 : memref<!tpu.dma_semaphore, #tpu.memory_space<semaphore_mem>>) src(%arg10 : memref<40x128xf32, #tpu.memory_space<vmem>>) dst(%dma_wait3A_221 : memref<40x128xf32, #tpu.memory_space<vmem_shared>>)
    %dma_wait3A_222 = arith.constant 0 : i32
    %dma_wait3A_223 = tpu.memref_slice %arg11[%mul3A_158, %dma_wait3A_222] : memref<10240x128xf32, #tpu.memory_space<vmem_shared>> -> memref<40x128xf32, #tpu.memory_space<vmem_shared>>
    %dma_wait3A_224 = arith.constant 0 : i32
    %dma_wait3A_225 = tpu.memref_slice %arg11[%mul3A_158, %dma_wait3A_224] : memref<10240x128xf32, #tpu.memory_space<vmem_shared>> -> memref<40x128xf32, #tpu.memory_space<vmem_shared>>
    tpu.wait_dma2 semaphore(%arg12 : memref<!tpu.dma_semaphore, #tpu.memory_space<semaphore_mem>>) src(%arg10 : memref<40x128xf32, #tpu.memory_space<vmem>>) dst(%dma_wait3A_225 : memref<40x128xf32, #tpu.memory_space<vmem_shared>>)
    %barrier3A = arith.constant 0 : index
    tpu.barrier barrier_id(%barrier3A)
    %eq3A = arith.constant 0 : i32
    %eq3A_226 = arith.cmpi eq, %arg0, %eq3A : i32
    %convert_element_type3A = arith.extui %eq3A_226 : i1 to i32
    %cond3A = arith.constant 0 : i32
    %cond3A_227 = arith.cmpi ne, %convert_element_type3A, %cond3A : i32
    scf.if %cond3A_227 {
      %scan3A_238 = arith.constant 0 : i32
      %scan3A_239 = arith.constant 0 : i32
      %scan3A_240 = arith.constant 5 : i32
      %scan3A_241 = arith.addi %scan3A_239, %scan3A_240 : i32
      %scan3A_242 = arith.constant 1 : i32
      %scan3A_243 = scf.for %scan3A_245 = %scan3A_239 to %scan3A_241 step %scan3A_242 iter_args(%scan3A_246 = %scan3A_238) -> (i32)  : i32 {
        %mul3A_247 = arith.constant 16 : i32
        %mul3A_248 = arith.muli %scan3A_245, %mul3A_247 : i32
        %dma_start3A_249 = arith.constant 0 : i32
        %dma_start3A_250 = arith.constant 0 : i32
        %dma_start3A_251 = tpu.memref_slice %arg4[%arg1, %mul3A_248, %dma_start3A_249, %dma_start3A_250] : memref<16x80x2x128xi32, #tpu.memory_space<hbm>> -> memref<1x16x2x128xi32, #tpu.memory_space<hbm>>
        %dma_start3A_252 = tpu.memref_squeeze %dma_start3A_251 : memref<1x16x2x128xi32, #tpu.memory_space<hbm>> -> memref<16x2x128xi32, #tpu.memory_space<hbm>>
        %dma_start3A_253 = arith.constant 0 : i32
        %dma_start3A_254 = arith.constant 0 : i32
        %dma_start3A_255 = tpu.memref_slice %arg4[%arg1, %mul3A_248, %dma_start3A_253, %dma_start3A_254] : memref<16x80x2x128xi32, #tpu.memory_space<hbm>> -> memref<1x16x2x128xi32, #tpu.memory_space<hbm>>
        %dma_start3A_256 = tpu.memref_squeeze %dma_start3A_255 : memref<1x16x2x128xi32, #tpu.memory_space<hbm>> -> memref<16x2x128xi32, #tpu.memory_space<hbm>>
        tpu.enqueue_dma source(%dma_start3A_256 : memref<16x2x128xi32, #tpu.memory_space<hbm>>) target(%arg7 : memref<16x2x128xi32, #tpu.memory_space<vmem>>) target_semaphore(%arg12 : memref<!tpu.dma_semaphore, #tpu.memory_space<semaphore_mem>>)
        %mul3A_257 = arith.constant 16 : i32
        %mul3A_258 = arith.muli %scan3A_245, %mul3A_257 : i32
        %dma_start3A_259 = arith.constant 0 : i32
        %dma_start3A_260 = arith.constant 0 : i32
        %dma_start3A_261 = tpu.memref_slice %arg5[%arg1, %mul3A_258, %dma_start3A_259, %dma_start3A_260] : memref<16x80x2x128xi32, #tpu.memory_space<hbm>> -> memref<1x16x2x128xi32, #tpu.memory_space<hbm>>
        %dma_start3A_262 = tpu.memref_squeeze %dma_start3A_261 : memref<1x16x2x128xi32, #tpu.memory_space<hbm>> -> memref<16x2x128xi32, #tpu.memory_space<hbm>>
        %dma_start3A_263 = arith.constant 0 : i32
        %dma_start3A_264 = arith.constant 0 : i32
        %dma_start3A_265 = tpu.memref_slice %arg5[%arg1, %mul3A_258, %dma_start3A_263, %dma_start3A_264] : memref<16x80x2x128xi32, #tpu.memory_space<hbm>> -> memref<1x16x2x128xi32, #tpu.memory_space<hbm>>
        %dma_start3A_266 = tpu.memref_squeeze %dma_start3A_265 : memref<1x16x2x128xi32, #tpu.memory_space<hbm>> -> memref<16x2x128xi32, #tpu.memory_space<hbm>>
        tpu.enqueue_dma source(%dma_start3A_266 : memref<16x2x128xi32, #tpu.memory_space<hbm>>) target(%arg8 : memref<16x2x128xi32, #tpu.memory_space<vmem>>) target_semaphore(%arg13 : memref<!tpu.dma_semaphore, #tpu.memory_space<semaphore_mem>>)
        %dma_wait3A_267 = arith.constant 0 : i32
        %dma_wait3A_268 = arith.constant 0 : i32
        %dma_wait3A_269 = tpu.memref_slice %arg4[%arg1, %mul3A_248, %dma_wait3A_267, %dma_wait3A_268] : memref<16x80x2x128xi32, #tpu.memory_space<hbm>> -> memref<1x16x2x128xi32, #tpu.memory_space<hbm>>
        %dma_wait3A_270 = tpu.memref_squeeze %dma_wait3A_269 : memref<1x16x2x128xi32, #tpu.memory_space<hbm>> -> memref<16x2x128xi32, #tpu.memory_space<hbm>>
        %dma_wait3A_271 = arith.constant 0 : i32
        %dma_wait3A_272 = arith.constant 0 : i32
        %dma_wait3A_273 = tpu.memref_slice %arg4[%arg1, %mul3A_248, %dma_wait3A_271, %dma_wait3A_272] : memref<16x80x2x128xi32, #tpu.memory_space<hbm>> -> memref<1x16x2x128xi32, #tpu.memory_space<hbm>>
        %dma_wait3A_274 = tpu.memref_squeeze %dma_wait3A_273 : memref<1x16x2x128xi32, #tpu.memory_space<hbm>> -> memref<16x2x128xi32, #tpu.memory_space<hbm>>
        tpu.wait_dma2 semaphore(%arg12 : memref<!tpu.dma_semaphore, #tpu.memory_space<semaphore_mem>>) src(%dma_wait3A_274 : memref<16x2x128xi32, #tpu.memory_space<hbm>>) dst(%arg7 : memref<16x2x128xi32, #tpu.memory_space<vmem>>)
        %dma_wait3A_275 = arith.constant 0 : i32
        %dma_wait3A_276 = arith.constant 0 : i32
        %dma_wait3A_277 = tpu.memref_slice %arg5[%arg1, %mul3A_258, %dma_wait3A_275, %dma_wait3A_276] : memref<16x80x2x128xi32, #tpu.memory_space<hbm>> -> memref<1x16x2x128xi32, #tpu.memory_space<hbm>>
        %dma_wait3A_278 = tpu.memref_squeeze %dma_wait3A_277 : memref<1x16x2x128xi32, #tpu.memory_space<hbm>> -> memref<16x2x128xi32, #tpu.memory_space<hbm>>
        %dma_wait3A_279 = arith.constant 0 : i32
        %dma_wait3A_280 = arith.constant 0 : i32
        %dma_wait3A_281 = tpu.memref_slice %arg5[%arg1, %mul3A_258, %dma_wait3A_279, %dma_wait3A_280] : memref<16x80x2x128xi32, #tpu.memory_space<hbm>> -> memref<1x16x2x128xi32, #tpu.memory_space<hbm>>
        %dma_wait3A_282 = tpu.memref_squeeze %dma_wait3A_281 : memref<1x16x2x128xi32, #tpu.memory_space<hbm>> -> memref<16x2x128xi32, #tpu.memory_space<hbm>>
        tpu.wait_dma2 semaphore(%arg13 : memref<!tpu.dma_semaphore, #tpu.memory_space<semaphore_mem>>) src(%dma_wait3A_282 : memref<16x2x128xi32, #tpu.memory_space<hbm>>) dst(%arg8 : memref<16x2x128xi32, #tpu.memory_space<vmem>>)
        %scan3A_283 = arith.constant 0 : i32
        %scan3A_284 = arith.constant 0 : i32
        %scan3A_285 = arith.constant 16 : i32
        %scan3A_286 = arith.addi %scan3A_284, %scan3A_285 : i32
        %scan3A_287 = arith.constant 1 : i32
        %scan3A_288 = scf.for %scan3A_290 = %scan3A_284 to %scan3A_286 step %scan3A_287 iter_args(%scan3A_291 = %scan3A_283) -> (i32)  : i32 {
          %dma_start3A_292 = arith.constant 0 : i32
          %dma_start3A_293 = arith.constant 0 : i32
          %dma_start3A_294 = arith.constant 0 : i32
          %dma_start3A_295 = arith.constant 0 : i32
          %dma_start3A_296 = tpu.memref_slice %arg9[%dma_start3A_293, %dma_start3A_294, %dma_start3A_295] : memref<2x128x128xf32, #tpu.memory_space<vmem>> -> memref<1x128x128xf32, #tpu.memory_space<vmem>>
          %dma_start3A_297 = tpu.memref_squeeze %dma_start3A_296 : memref<1x128x128xf32, #tpu.memory_space<vmem>> -> memref<128x128xf32, #tpu.memory_space<vmem>>
          %dma_start3A_298 = arith.constant 0 : i32
          %dma_start3A_299 = tpu.memref_slice %arg7[%scan3A_290, %dma_start3A_292, %dma_start3A_298] : memref<16x2x128xi32, #tpu.memory_space<vmem>> -> memref<1x1x128xi32, #tpu.memory_space<vmem>>
          %dma_start3A_300 = tpu.memref_squeeze %dma_start3A_299 : memref<1x1x128xi32, #tpu.memory_space<vmem>> -> memref<128xi32, #tpu.memory_space<vmem>>
          %dma_start3A_301 = arith.constant 0 : i32
          %dma_start3A_302 = arith.constant 0 : i32
          %dma_start3A_303 = tpu.memref_slice %arg2[%dma_start3A_301, %dma_start3A_302] : memref<10240x128xf32, #tpu.memory_space<hbm>> -> memref<10240x128xf32, #tpu.memory_space<hbm>>
          tpu.enqueue_indirect_dma source(%dma_start3A_303 : memref<10240x128xf32, #tpu.memory_space<hbm>>) target(%dma_start3A_297 : memref<128x128xf32, #tpu.memory_space<vmem>>) offsets(%dma_start3A_300 : memref<128xi32, #tpu.memory_space<vmem>>) semaphore(%arg12 : memref<!tpu.dma_semaphore, #tpu.memory_space<semaphore_mem>>)
          %dma_start3A_304 = arith.constant 1 : i32
          %dma_start3A_305 = arith.constant 1 : i32
          %dma_start3A_306 = arith.constant 0 : i32
          %dma_start3A_307 = arith.constant 0 : i32
          %dma_start3A_308 = tpu.memref_slice %arg9[%dma_start3A_305, %dma_start3A_306, %dma_start3A_307] : memref<2x128x128xf32, #tpu.memory_space<vmem>> -> memref<1x128x128xf32, #tpu.memory_space<vmem>>
          %dma_start3A_309 = tpu.memref_squeeze %dma_start3A_308 : memref<1x128x128xf32, #tpu.memory_space<vmem>> -> memref<128x128xf32, #tpu.memory_space<vmem>>
          %dma_start3A_310 = arith.constant 0 : i32
          %dma_start3A_311 = tpu.memref_slice %arg7[%scan3A_290, %dma_start3A_304, %dma_start3A_310] : memref<16x2x128xi32, #tpu.memory_space<vmem>> -> memref<1x1x128xi32, #tpu.memory_space<vmem>>
          %dma_start3A_312 = tpu.memref_squeeze %dma_start3A_311 : memref<1x1x128xi32, #tpu.memory_space<vmem>> -> memref<128xi32, #tpu.memory_space<vmem>>
          %dma_start3A_313 = arith.constant 0 : i32
          %dma_start3A_314 = arith.constant 0 : i32
          %dma_start3A_315 = tpu.memref_slice %arg2[%dma_start3A_313, %dma_start3A_314] : memref<10240x128xf32, #tpu.memory_space<hbm>> -> memref<10240x128xf32, #tpu.memory_space<hbm>>
          tpu.enqueue_indirect_dma source(%dma_start3A_315 : memref<10240x128xf32, #tpu.memory_space<hbm>>) target(%dma_start3A_309 : memref<128x128xf32, #tpu.memory_space<vmem>>) offsets(%dma_start3A_312 : memref<128xi32, #tpu.memory_space<vmem>>) semaphore(%arg13 : memref<!tpu.dma_semaphore, #tpu.memory_space<semaphore_mem>>)
          %dma_wait3A_316 = arith.constant 0 : i32
          %dma_wait3A_317 = arith.constant 0 : i32
          "tpu.trace_start"() <{level = 10 : i32, message = "gwait"}> : () -> ()
          %dma_wait3A_318 = arith.constant 0 : i32
          %dma_wait3A_319 = arith.constant 0 : i32
          %dma_wait3A_320 = tpu.memref_slice %arg9[%dma_wait3A_317, %dma_wait3A_318, %dma_wait3A_319] : memref<2x128x128xf32, #tpu.memory_space<vmem>> -> memref<1x128x128xf32, #tpu.memory_space<vmem>>
          %dma_wait3A_321 = tpu.memref_squeeze %dma_wait3A_320 : memref<1x128x128xf32, #tpu.memory_space<vmem>> -> memref<128x128xf32, #tpu.memory_space<vmem>>
          %dma_wait3A_322 = arith.constant 0 : i32
          %dma_wait3A_323 = tpu.memref_slice %arg7[%scan3A_290, %dma_wait3A_316, %dma_wait3A_322] : memref<16x2x128xi32, #tpu.memory_space<vmem>> -> memref<1x1x128xi32, #tpu.memory_space<vmem>>
          %dma_wait3A_324 = tpu.memref_squeeze %dma_wait3A_323 : memref<1x1x128xi32, #tpu.memory_space<vmem>> -> memref<128xi32, #tpu.memory_space<vmem>>
          %dma_wait3A_325 = arith.constant 0 : i32
          %dma_wait3A_326 = arith.constant 0 : i32
          %dma_wait3A_327 = tpu.memref_slice %arg2[%dma_wait3A_325, %dma_wait3A_326] : memref<10240x128xf32, #tpu.memory_space<hbm>> -> memref<10240x128xf32, #tpu.memory_space<hbm>>
          tpu.wait_indirect_dma semaphore(%arg12 : memref<!tpu.dma_semaphore, #tpu.memory_space<semaphore_mem>>) src(%dma_wait3A_327 : memref<10240x128xf32, #tpu.memory_space<hbm>>) dst(%dma_wait3A_321 : memref<128x128xf32, #tpu.memory_space<vmem>>)
          %dma_wait3A_328 = arith.constant 1 : i32
          %dma_wait3A_329 = arith.constant 1 : i32
          %dma_wait3A_330 = arith.constant 0 : i32
          %dma_wait3A_331 = arith.constant 0 : i32
          %dma_wait3A_332 = tpu.memref_slice %arg9[%dma_wait3A_329, %dma_wait3A_330, %dma_wait3A_331] : memref<2x128x128xf32, #tpu.memory_space<vmem>> -> memref<1x128x128xf32, #tpu.memory_space<vmem>>
          %dma_wait3A_333 = tpu.memref_squeeze %dma_wait3A_332 : memref<1x128x128xf32, #tpu.memory_space<vmem>> -> memref<128x128xf32, #tpu.memory_space<vmem>>
          %dma_wait3A_334 = arith.constant 0 : i32
          %dma_wait3A_335 = tpu.memref_slice %arg7[%scan3A_290, %dma_wait3A_328, %dma_wait3A_334] : memref<16x2x128xi32, #tpu.memory_space<vmem>> -> memref<1x1x128xi32, #tpu.memory_space<vmem>>
          %dma_wait3A_336 = tpu.memref_squeeze %dma_wait3A_335 : memref<1x1x128xi32, #tpu.memory_space<vmem>> -> memref<128xi32, #tpu.memory_space<vmem>>
          %dma_wait3A_337 = arith.constant 0 : i32
          %dma_wait3A_338 = arith.constant 0 : i32
          %dma_wait3A_339 = tpu.memref_slice %arg2[%dma_wait3A_337, %dma_wait3A_338] : memref<10240x128xf32, #tpu.memory_space<hbm>> -> memref<10240x128xf32, #tpu.memory_space<hbm>>
          tpu.wait_indirect_dma semaphore(%arg13 : memref<!tpu.dma_semaphore, #tpu.memory_space<semaphore_mem>>) src(%dma_wait3A_339 : memref<10240x128xf32, #tpu.memory_space<hbm>>) dst(%dma_wait3A_333 : memref<128x128xf32, #tpu.memory_space<vmem>>)
          %run_scoped3A = arith.constant 0 : i32
          %run_scoped3A_340 = arith.constant 0 : i32
          "tpu.trace_stop"() : () -> ()
          "tpu.trace_start"() <{level = 10 : i32, message = "scat"}> : () -> ()
          "tpu.region"() ({
            %run_scoped3A_344 = tpu.sem_alloc : memref<!tpu.dma_semaphore, #tpu.memory_space<semaphore_mem>>
            %dma_start3A_345 = arith.constant 0 : i32
            %dma_start3A_346 = arith.constant 0 : i32
            %dma_start3A_347 = tpu.memref_slice %arg9[%run_scoped3A, %dma_start3A_345, %dma_start3A_346] : memref<2x128x128xf32, #tpu.memory_space<vmem>> -> memref<1x128x128xf32, #tpu.memory_space<vmem>>
            %dma_start3A_348 = tpu.memref_squeeze %dma_start3A_347 : memref<1x128x128xf32, #tpu.memory_space<vmem>> -> memref<128x128xf32, #tpu.memory_space<vmem>>
            %dma_start3A_349 = arith.constant 0 : i32
            %dma_start3A_350 = tpu.memref_slice %arg8[%scan3A_290, %run_scoped3A_340, %dma_start3A_349] : memref<16x2x128xi32, #tpu.memory_space<vmem>> -> memref<1x1x128xi32, #tpu.memory_space<vmem>>
            %dma_start3A_351 = tpu.memref_squeeze %dma_start3A_350 : memref<1x1x128xi32, #tpu.memory_space<vmem>> -> memref<128xi32, #tpu.memory_space<vmem>>
            %dma_start3A_352 = arith.constant 0 : i32
            %dma_start3A_353 = arith.constant 0 : i32
            %dma_start3A_354 = tpu.memref_slice %arg11[%dma_start3A_352, %dma_start3A_353] : memref<10240x128xf32, #tpu.memory_space<vmem_shared>> -> memref<10240x128xf32, #tpu.memory_space<vmem_shared>>
            tpu.enqueue_indirect_dma source(%dma_start3A_348 : memref<128x128xf32, #tpu.memory_space<vmem>>) target(%dma_start3A_354 : memref<10240x128xf32, #tpu.memory_space<vmem_shared>>) offsets(%dma_start3A_351 : memref<128xi32, #tpu.memory_space<vmem>>) semaphore(%run_scoped3A_344 : memref<!tpu.dma_semaphore, #tpu.memory_space<semaphore_mem>>) {add = true}
            %dma_wait3A_355 = arith.constant 0 : i32
            %dma_wait3A_356 = arith.constant 0 : i32
            %dma_wait3A_357 = tpu.memref_slice %arg9[%run_scoped3A, %dma_wait3A_355, %dma_wait3A_356] : memref<2x128x128xf32, #tpu.memory_space<vmem>> -> memref<1x128x128xf32, #tpu.memory_space<vmem>>
            %dma_wait3A_358 = tpu.memref_squeeze %dma_wait3A_357 : memref<1x128x128xf32, #tpu.memory_space<vmem>> -> memref<128x128xf32, #tpu.memory_space<vmem>>
            %dma_wait3A_359 = arith.constant 0 : i32
            %dma_wait3A_360 = tpu.memref_slice %arg8[%scan3A_290, %run_scoped3A_340, %dma_wait3A_359] : memref<16x2x128xi32, #tpu.memory_space<vmem>> -> memref<1x1x128xi32, #tpu.memory_space<vmem>>
            %dma_wait3A_361 = tpu.memref_squeeze %dma_wait3A_360 : memref<1x1x128xi32, #tpu.memory_space<vmem>> -> memref<128xi32, #tpu.memory_space<vmem>>
            %dma_wait3A_362 = arith.constant 0 : i32
            %dma_wait3A_363 = arith.constant 0 : i32
            %dma_wait3A_364 = tpu.memref_slice %arg11[%dma_wait3A_362, %dma_wait3A_363] : memref<10240x128xf32, #tpu.memory_space<vmem_shared>> -> memref<10240x128xf32, #tpu.memory_space<vmem_shared>>
            tpu.wait_indirect_dma semaphore(%run_scoped3A_344 : memref<!tpu.dma_semaphore, #tpu.memory_space<semaphore_mem>>) src(%dma_wait3A_358 : memref<128x128xf32, #tpu.memory_space<vmem>>) dst(%dma_wait3A_364 : memref<10240x128xf32, #tpu.memory_space<vmem_shared>>)
            tpu.yield
          }) : () -> ()
          %run_scoped3A_341 = arith.constant 1 : i32
          %run_scoped3A_342 = arith.constant 1 : i32
          "tpu.region"() ({
            %run_scoped3A_344 = tpu.sem_alloc : memref<!tpu.dma_semaphore, #tpu.memory_space<semaphore_mem>>
            %dma_start3A_345 = arith.constant 0 : i32
            %dma_start3A_346 = arith.constant 0 : i32
            %dma_start3A_347 = tpu.memref_slice %arg9[%run_scoped3A_341, %dma_start3A_345, %dma_start3A_346] : memref<2x128x128xf32, #tpu.memory_space<vmem>> -> memref<1x128x128xf32, #tpu.memory_space<vmem>>
            %dma_start3A_348 = tpu.memref_squeeze %dma_start3A_347 : memref<1x128x128xf32, #tpu.memory_space<vmem>> -> memref<128x128xf32, #tpu.memory_space<vmem>>
            %dma_start3A_349 = arith.constant 0 : i32
            %dma_start3A_350 = tpu.memref_slice %arg8[%scan3A_290, %run_scoped3A_342, %dma_start3A_349] : memref<16x2x128xi32, #tpu.memory_space<vmem>> -> memref<1x1x128xi32, #tpu.memory_space<vmem>>
            %dma_start3A_351 = tpu.memref_squeeze %dma_start3A_350 : memref<1x1x128xi32, #tpu.memory_space<vmem>> -> memref<128xi32, #tpu.memory_space<vmem>>
            %dma_start3A_352 = arith.constant 0 : i32
            %dma_start3A_353 = arith.constant 0 : i32
            %dma_start3A_354 = tpu.memref_slice %arg11[%dma_start3A_352, %dma_start3A_353] : memref<10240x128xf32, #tpu.memory_space<vmem_shared>> -> memref<10240x128xf32, #tpu.memory_space<vmem_shared>>
            tpu.enqueue_indirect_dma source(%dma_start3A_348 : memref<128x128xf32, #tpu.memory_space<vmem>>) target(%dma_start3A_354 : memref<10240x128xf32, #tpu.memory_space<vmem_shared>>) offsets(%dma_start3A_351 : memref<128xi32, #tpu.memory_space<vmem>>) semaphore(%run_scoped3A_344 : memref<!tpu.dma_semaphore, #tpu.memory_space<semaphore_mem>>) {add = true}
            %dma_wait3A_355 = arith.constant 0 : i32
            %dma_wait3A_356 = arith.constant 0 : i32
            %dma_wait3A_357 = tpu.memref_slice %arg9[%run_scoped3A_341, %dma_wait3A_355, %dma_wait3A_356] : memref<2x128x128xf32, #tpu.memory_space<vmem>> -> memref<1x128x128xf32, #tpu.memory_space<vmem>>
            %dma_wait3A_358 = tpu.memref_squeeze %dma_wait3A_357 : memref<1x128x128xf32, #tpu.memory_space<vmem>> -> memref<128x128xf32, #tpu.memory_space<vmem>>
            %dma_wait3A_359 = arith.constant 0 : i32
            %dma_wait3A_360 = tpu.memref_slice %arg8[%scan3A_290, %run_scoped3A_342, %dma_wait3A_359] : memref<16x2x128xi32, #tpu.memory_space<vmem>> -> memref<1x1x128xi32, #tpu.memory_space<vmem>>
            %dma_wait3A_361 = tpu.memref_squeeze %dma_wait3A_360 : memref<1x1x128xi32, #tpu.memory_space<vmem>> -> memref<128xi32, #tpu.memory_space<vmem>>
            %dma_wait3A_362 = arith.constant 0 : i32
            %dma_wait3A_363 = arith.constant 0 : i32
            %dma_wait3A_364 = tpu.memref_slice %arg11[%dma_wait3A_362, %dma_wait3A_363] : memref<10240x128xf32, #tpu.memory_space<vmem_shared>> -> memref<10240x128xf32, #tpu.memory_space<vmem_shared>>
            tpu.wait_indirect_dma semaphore(%run_scoped3A_344 : memref<!tpu.dma_semaphore, #tpu.memory_space<semaphore_mem>>) src(%dma_wait3A_358 : memref<128x128xf32, #tpu.memory_space<vmem>>) dst(%dma_wait3A_364 : memref<10240x128xf32, #tpu.memory_space<vmem_shared>>)
            tpu.yield
          }) : () -> ()
          "tpu.trace_stop"() : () -> ()
          %scan3A_343 = arith.constant 0 : i32
          scf.yield %scan3A_343 : i32
        }
        %scan3A_289 = arith.constant 16 : i32
        scf.yield %scan3A_288 : i32
      }
      %scan3A_244 = arith.constant 5 : i32
    } else {
    }
    %eq3A_228 = arith.constant 1 : i32
    %eq3A_229 = arith.cmpi eq, %arg0, %eq3A_228 : i32
    %convert_element_type3A_230 = arith.extui %eq3A_229 : i1 to i32
    %cond3A_231 = arith.constant 0 : i32
    %cond3A_232 = arith.cmpi ne, %convert_element_type3A_230, %cond3A_231 : i32
    scf.if %cond3A_232 {
      %scan3A_238 = arith.constant 0 : i32
      %scan3A_239 = arith.constant 0 : i32
      %scan3A_240 = arith.constant 5 : i32
      %scan3A_241 = arith.addi %scan3A_239, %scan3A_240 : i32
      %scan3A_242 = arith.constant 1 : i32
      %scan3A_243 = scf.for %scan3A_245 = %scan3A_239 to %scan3A_241 step %scan3A_242 iter_args(%scan3A_246 = %scan3A_238) -> (i32)  : i32 {
        %mul3A_247 = arith.constant 16 : i32
        %mul3A_248 = arith.muli %scan3A_245, %mul3A_247 : i32
        %dma_start3A_249 = arith.constant 0 : i32
        %dma_start3A_250 = arith.constant 0 : i32
        %dma_start3A_251 = tpu.memref_slice %arg4[%arg1, %mul3A_248, %dma_start3A_249, %dma_start3A_250] : memref<16x80x2x128xi32, #tpu.memory_space<hbm>> -> memref<1x16x2x128xi32, #tpu.memory_space<hbm>>
        %dma_start3A_252 = tpu.memref_squeeze %dma_start3A_251 : memref<1x16x2x128xi32, #tpu.memory_space<hbm>> -> memref<16x2x128xi32, #tpu.memory_space<hbm>>
        %dma_start3A_253 = arith.constant 0 : i32
        %dma_start3A_254 = arith.constant 0 : i32
        %dma_start3A_255 = tpu.memref_slice %arg4[%arg1, %mul3A_248, %dma_start3A_253, %dma_start3A_254] : memref<16x80x2x128xi32, #tpu.memory_space<hbm>> -> memref<1x16x2x128xi32, #tpu.memory_space<hbm>>
        %dma_start3A_256 = tpu.memref_squeeze %dma_start3A_255 : memref<1x16x2x128xi32, #tpu.memory_space<hbm>> -> memref<16x2x128xi32, #tpu.memory_space<hbm>>
        tpu.enqueue_dma source(%dma_start3A_256 : memref<16x2x128xi32, #tpu.memory_space<hbm>>) target(%arg7 : memref<16x2x128xi32, #tpu.memory_space<vmem>>) target_semaphore(%arg12 : memref<!tpu.dma_semaphore, #tpu.memory_space<semaphore_mem>>)
        %mul3A_257 = arith.constant 16 : i32
        %mul3A_258 = arith.muli %scan3A_245, %mul3A_257 : i32
        %dma_start3A_259 = arith.constant 0 : i32
        %dma_start3A_260 = arith.constant 0 : i32
        %dma_start3A_261 = tpu.memref_slice %arg5[%arg1, %mul3A_258, %dma_start3A_259, %dma_start3A_260] : memref<16x80x2x128xi32, #tpu.memory_space<hbm>> -> memref<1x16x2x128xi32, #tpu.memory_space<hbm>>
        %dma_start3A_262 = tpu.memref_squeeze %dma_start3A_261 : memref<1x16x2x128xi32, #tpu.memory_space<hbm>> -> memref<16x2x128xi32, #tpu.memory_space<hbm>>
        %dma_start3A_263 = arith.constant 0 : i32
        %dma_start3A_264 = arith.constant 0 : i32
        %dma_start3A_265 = tpu.memref_slice %arg5[%arg1, %mul3A_258, %dma_start3A_263, %dma_start3A_264] : memref<16x80x2x128xi32, #tpu.memory_space<hbm>> -> memref<1x16x2x128xi32, #tpu.memory_space<hbm>>
        %dma_start3A_266 = tpu.memref_squeeze %dma_start3A_265 : memref<1x16x2x128xi32, #tpu.memory_space<hbm>> -> memref<16x2x128xi32, #tpu.memory_space<hbm>>
        tpu.enqueue_dma source(%dma_start3A_266 : memref<16x2x128xi32, #tpu.memory_space<hbm>>) target(%arg8 : memref<16x2x128xi32, #tpu.memory_space<vmem>>) target_semaphore(%arg13 : memref<!tpu.dma_semaphore, #tpu.memory_space<semaphore_mem>>)
        %dma_wait3A_267 = arith.constant 0 : i32
        %dma_wait3A_268 = arith.constant 0 : i32
        %dma_wait3A_269 = tpu.memref_slice %arg4[%arg1, %mul3A_248, %dma_wait3A_267, %dma_wait3A_268] : memref<16x80x2x128xi32, #tpu.memory_space<hbm>> -> memref<1x16x2x128xi32, #tpu.memory_space<hbm>>
        %dma_wait3A_270 = tpu.memref_squeeze %dma_wait3A_269 : memref<1x16x2x128xi32, #tpu.memory_space<hbm>> -> memref<16x2x128xi32, #tpu.memory_space<hbm>>
        %dma_wait3A_271 = arith.constant 0 : i32
        %dma_wait3A_272 = arith.constant 0 : i32
        %dma_wait3A_273 = tpu.memref_slice %arg4[%arg1, %mul3A_248, %dma_wait3A_271, %dma_wait3A_272] : memref<16x80x2x128xi32, #tpu.memory_space<hbm>> -> memref<1x16x2x128xi32, #tpu.memory_space<hbm>>
        %dma_wait3A_274 = tpu.memref_squeeze %dma_wait3A_273 : memref<1x16x2x128xi32, #tpu.memory_space<hbm>> -> memref<16x2x128xi32, #tpu.memory_space<hbm>>
        tpu.wait_dma2 semaphore(%arg12 : memref<!tpu.dma_semaphore, #tpu.memory_space<semaphore_mem>>) src(%dma_wait3A_274 : memref<16x2x128xi32, #tpu.memory_space<hbm>>) dst(%arg7 : memref<16x2x128xi32, #tpu.memory_space<vmem>>)
        %dma_wait3A_275 = arith.constant 0 : i32
        %dma_wait3A_276 = arith.constant 0 : i32
        %dma_wait3A_277 = tpu.memref_slice %arg5[%arg1, %mul3A_258, %dma_wait3A_275, %dma_wait3A_276] : memref<16x80x2x128xi32, #tpu.memory_space<hbm>> -> memref<1x16x2x128xi32, #tpu.memory_space<hbm>>
        %dma_wait3A_278 = tpu.memref_squeeze %dma_wait3A_277 : memref<1x16x2x128xi32, #tpu.memory_space<hbm>> -> memref<16x2x128xi32, #tpu.memory_space<hbm>>
        %dma_wait3A_279 = arith.constant 0 : i32
        %dma_wait3A_280 = arith.constant 0 : i32
        %dma_wait3A_281 = tpu.memref_slice %arg5[%arg1, %mul3A_258, %dma_wait3A_279, %dma_wait3A_280] : memref<16x80x2x128xi32, #tpu.memory_space<hbm>> -> memref<1x16x2x128xi32, #tpu.memory_space<hbm>>
        %dma_wait3A_282 = tpu.memref_squeeze %dma_wait3A_281 : memref<1x16x2x128xi32, #tpu.memory_space<hbm>> -> memref<16x2x128xi32, #tpu.memory_space<hbm>>
        tpu.wait_dma2 semaphore(%arg13 : memref<!tpu.dma_semaphore, #tpu.memory_space<semaphore_mem>>) src(%dma_wait3A_282 : memref<16x2x128xi32, #tpu.memory_space<hbm>>) dst(%arg8 : memref<16x2x128xi32, #tpu.memory_space<vmem>>)
        %scan3A_283 = arith.constant 0 : i32
        %scan3A_284 = arith.constant 0 : i32
        %scan3A_285 = arith.constant 16 : i32
        %scan3A_286 = arith.addi %scan3A_284, %scan3A_285 : i32
        %scan3A_287 = arith.constant 1 : i32
        %scan3A_288 = scf.for %scan3A_290 = %scan3A_284 to %scan3A_286 step %scan3A_287 iter_args(%scan3A_291 = %scan3A_283) -> (i32)  : i32 {
          %dma_start3A_292 = arith.constant 0 : i32
          %dma_start3A_293 = arith.constant 0 : i32
          %dma_start3A_294 = arith.constant 0 : i32
          %dma_start3A_295 = arith.constant 0 : i32
          %dma_start3A_296 = tpu.memref_slice %arg9[%dma_start3A_293, %dma_start3A_294, %dma_start3A_295] : memref<2x128x128xf32, #tpu.memory_space<vmem>> -> memref<1x128x128xf32, #tpu.memory_space<vmem>>
          %dma_start3A_297 = tpu.memref_squeeze %dma_start3A_296 : memref<1x128x128xf32, #tpu.memory_space<vmem>> -> memref<128x128xf32, #tpu.memory_space<vmem>>
          %dma_start3A_298 = arith.constant 0 : i32
          %dma_start3A_299 = tpu.memref_slice %arg7[%scan3A_290, %dma_start3A_292, %dma_start3A_298] : memref<16x2x128xi32, #tpu.memory_space<vmem>> -> memref<1x1x128xi32, #tpu.memory_space<vmem>>
          %dma_start3A_300 = tpu.memref_squeeze %dma_start3A_299 : memref<1x1x128xi32, #tpu.memory_space<vmem>> -> memref<128xi32, #tpu.memory_space<vmem>>
          %dma_start3A_301 = arith.constant 0 : i32
          %dma_start3A_302 = arith.constant 0 : i32
          %dma_start3A_303 = tpu.memref_slice %arg3[%dma_start3A_301, %dma_start3A_302] : memref<10240x128xf32, #tpu.memory_space<hbm>> -> memref<10240x128xf32, #tpu.memory_space<hbm>>
          tpu.enqueue_indirect_dma source(%dma_start3A_303 : memref<10240x128xf32, #tpu.memory_space<hbm>>) target(%dma_start3A_297 : memref<128x128xf32, #tpu.memory_space<vmem>>) offsets(%dma_start3A_300 : memref<128xi32, #tpu.memory_space<vmem>>) semaphore(%arg12 : memref<!tpu.dma_semaphore, #tpu.memory_space<semaphore_mem>>)
          %dma_start3A_304 = arith.constant 1 : i32
          %dma_start3A_305 = arith.constant 1 : i32
          %dma_start3A_306 = arith.constant 0 : i32
          %dma_start3A_307 = arith.constant 0 : i32
          %dma_start3A_308 = tpu.memref_slice %arg9[%dma_start3A_305, %dma_start3A_306, %dma_start3A_307] : memref<2x128x128xf32, #tpu.memory_space<vmem>> -> memref<1x128x128xf32, #tpu.memory_space<vmem>>
          %dma_start3A_309 = tpu.memref_squeeze %dma_start3A_308 : memref<1x128x128xf32, #tpu.memory_space<vmem>> -> memref<128x128xf32, #tpu.memory_space<vmem>>
          %dma_start3A_310 = arith.constant 0 : i32
          %dma_start3A_311 = tpu.memref_slice %arg7[%scan3A_290, %dma_start3A_304, %dma_start3A_310] : memref<16x2x128xi32, #tpu.memory_space<vmem>> -> memref<1x1x128xi32, #tpu.memory_space<vmem>>
          %dma_start3A_312 = tpu.memref_squeeze %dma_start3A_311 : memref<1x1x128xi32, #tpu.memory_space<vmem>> -> memref<128xi32, #tpu.memory_space<vmem>>
          %dma_start3A_313 = arith.constant 0 : i32
          %dma_start3A_314 = arith.constant 0 : i32
          %dma_start3A_315 = tpu.memref_slice %arg3[%dma_start3A_313, %dma_start3A_314] : memref<10240x128xf32, #tpu.memory_space<hbm>> -> memref<10240x128xf32, #tpu.memory_space<hbm>>
          tpu.enqueue_indirect_dma source(%dma_start3A_315 : memref<10240x128xf32, #tpu.memory_space<hbm>>) target(%dma_start3A_309 : memref<128x128xf32, #tpu.memory_space<vmem>>) offsets(%dma_start3A_312 : memref<128xi32, #tpu.memory_space<vmem>>) semaphore(%arg13 : memref<!tpu.dma_semaphore, #tpu.memory_space<semaphore_mem>>)
          %dma_wait3A_316 = arith.constant 0 : i32
          %dma_wait3A_317 = arith.constant 0 : i32
          "tpu.trace_start"() <{level = 10 : i32, message = "gwait"}> : () -> ()
          %dma_wait3A_318 = arith.constant 0 : i32
          %dma_wait3A_319 = arith.constant 0 : i32
          %dma_wait3A_320 = tpu.memref_slice %arg9[%dma_wait3A_317, %dma_wait3A_318, %dma_wait3A_319] : memref<2x128x128xf32, #tpu.memory_space<vmem>> -> memref<1x128x128xf32, #tpu.memory_space<vmem>>
          %dma_wait3A_321 = tpu.memref_squeeze %dma_wait3A_320 : memref<1x128x128xf32, #tpu.memory_space<vmem>> -> memref<128x128xf32, #tpu.memory_space<vmem>>
          %dma_wait3A_322 = arith.constant 0 : i32
          %dma_wait3A_323 = tpu.memref_slice %arg7[%scan3A_290, %dma_wait3A_316, %dma_wait3A_322] : memref<16x2x128xi32, #tpu.memory_space<vmem>> -> memref<1x1x128xi32, #tpu.memory_space<vmem>>
          %dma_wait3A_324 = tpu.memref_squeeze %dma_wait3A_323 : memref<1x1x128xi32, #tpu.memory_space<vmem>> -> memref<128xi32, #tpu.memory_space<vmem>>
          %dma_wait3A_325 = arith.constant 0 : i32
          %dma_wait3A_326 = arith.constant 0 : i32
          %dma_wait3A_327 = tpu.memref_slice %arg3[%dma_wait3A_325, %dma_wait3A_326] : memref<10240x128xf32, #tpu.memory_space<hbm>> -> memref<10240x128xf32, #tpu.memory_space<hbm>>
          tpu.wait_indirect_dma semaphore(%arg12 : memref<!tpu.dma_semaphore, #tpu.memory_space<semaphore_mem>>) src(%dma_wait3A_327 : memref<10240x128xf32, #tpu.memory_space<hbm>>) dst(%dma_wait3A_321 : memref<128x128xf32, #tpu.memory_space<vmem>>)
          %dma_wait3A_328 = arith.constant 1 : i32
          %dma_wait3A_329 = arith.constant 1 : i32
          %dma_wait3A_330 = arith.constant 0 : i32
          %dma_wait3A_331 = arith.constant 0 : i32
          %dma_wait3A_332 = tpu.memref_slice %arg9[%dma_wait3A_329, %dma_wait3A_330, %dma_wait3A_331] : memref<2x128x128xf32, #tpu.memory_space<vmem>> -> memref<1x128x128xf32, #tpu.memory_space<vmem>>
          %dma_wait3A_333 = tpu.memref_squeeze %dma_wait3A_332 : memref<1x128x128xf32, #tpu.memory_space<vmem>> -> memref<128x128xf32, #tpu.memory_space<vmem>>
          %dma_wait3A_334 = arith.constant 0 : i32
          %dma_wait3A_335 = tpu.memref_slice %arg7[%scan3A_290, %dma_wait3A_328, %dma_wait3A_334] : memref<16x2x128xi32, #tpu.memory_space<vmem>> -> memref<1x1x128xi32, #tpu.memory_space<vmem>>
          %dma_wait3A_336 = tpu.memref_squeeze %dma_wait3A_335 : memref<1x1x128xi32, #tpu.memory_space<vmem>> -> memref<128xi32, #tpu.memory_space<vmem>>
          %dma_wait3A_337 = arith.constant 0 : i32
          %dma_wait3A_338 = arith.constant 0 : i32
          %dma_wait3A_339 = tpu.memref_slice %arg3[%dma_wait3A_337, %dma_wait3A_338] : memref<10240x128xf32, #tpu.memory_space<hbm>> -> memref<10240x128xf32, #tpu.memory_space<hbm>>
          tpu.wait_indirect_dma semaphore(%arg13 : memref<!tpu.dma_semaphore, #tpu.memory_space<semaphore_mem>>) src(%dma_wait3A_339 : memref<10240x128xf32, #tpu.memory_space<hbm>>) dst(%dma_wait3A_333 : memref<128x128xf32, #tpu.memory_space<vmem>>)
          %run_scoped3A = arith.constant 0 : i32
          %run_scoped3A_340 = arith.constant 0 : i32
          "tpu.trace_stop"() : () -> ()
          "tpu.trace_start"() <{level = 10 : i32, message = "scat"}> : () -> ()
          "tpu.region"() ({
            %run_scoped3A_344 = tpu.sem_alloc : memref<!tpu.dma_semaphore, #tpu.memory_space<semaphore_mem>>
            %dma_start3A_345 = arith.constant 0 : i32
            %dma_start3A_346 = arith.constant 0 : i32
            %dma_start3A_347 = tpu.memref_slice %arg9[%run_scoped3A, %dma_start3A_345, %dma_start3A_346] : memref<2x128x128xf32, #tpu.memory_space<vmem>> -> memref<1x128x128xf32, #tpu.memory_space<vmem>>
            %dma_start3A_348 = tpu.memref_squeeze %dma_start3A_347 : memref<1x128x128xf32, #tpu.memory_space<vmem>> -> memref<128x128xf32, #tpu.memory_space<vmem>>
            %dma_start3A_349 = arith.constant 0 : i32
            %dma_start3A_350 = tpu.memref_slice %arg8[%scan3A_290, %run_scoped3A_340, %dma_start3A_349] : memref<16x2x128xi32, #tpu.memory_space<vmem>> -> memref<1x1x128xi32, #tpu.memory_space<vmem>>
            %dma_start3A_351 = tpu.memref_squeeze %dma_start3A_350 : memref<1x1x128xi32, #tpu.memory_space<vmem>> -> memref<128xi32, #tpu.memory_space<vmem>>
            %dma_start3A_352 = arith.constant 0 : i32
            %dma_start3A_353 = arith.constant 0 : i32
            %dma_start3A_354 = tpu.memref_slice %arg11[%dma_start3A_352, %dma_start3A_353] : memref<10240x128xf32, #tpu.memory_space<vmem_shared>> -> memref<10240x128xf32, #tpu.memory_space<vmem_shared>>
            tpu.enqueue_indirect_dma source(%dma_start3A_348 : memref<128x128xf32, #tpu.memory_space<vmem>>) target(%dma_start3A_354 : memref<10240x128xf32, #tpu.memory_space<vmem_shared>>) offsets(%dma_start3A_351 : memref<128xi32, #tpu.memory_space<vmem>>) semaphore(%run_scoped3A_344 : memref<!tpu.dma_semaphore, #tpu.memory_space<semaphore_mem>>) {add = true}
            %dma_wait3A_355 = arith.constant 0 : i32
            %dma_wait3A_356 = arith.constant 0 : i32
            %dma_wait3A_357 = tpu.memref_slice %arg9[%run_scoped3A, %dma_wait3A_355, %dma_wait3A_356] : memref<2x128x128xf32, #tpu.memory_space<vmem>> -> memref<1x128x128xf32, #tpu.memory_space<vmem>>
            %dma_wait3A_358 = tpu.memref_squeeze %dma_wait3A_357 : memref<1x128x128xf32, #tpu.memory_space<vmem>> -> memref<128x128xf32, #tpu.memory_space<vmem>>
            %dma_wait3A_359 = arith.constant 0 : i32
            %dma_wait3A_360 = tpu.memref_slice %arg8[%scan3A_290, %run_scoped3A_340, %dma_wait3A_359] : memref<16x2x128xi32, #tpu.memory_space<vmem>> -> memref<1x1x128xi32, #tpu.memory_space<vmem>>
            %dma_wait3A_361 = tpu.memref_squeeze %dma_wait3A_360 : memref<1x1x128xi32, #tpu.memory_space<vmem>> -> memref<128xi32, #tpu.memory_space<vmem>>
            %dma_wait3A_362 = arith.constant 0 : i32
            %dma_wait3A_363 = arith.constant 0 : i32
            %dma_wait3A_364 = tpu.memref_slice %arg11[%dma_wait3A_362, %dma_wait3A_363] : memref<10240x128xf32, #tpu.memory_space<vmem_shared>> -> memref<10240x128xf32, #tpu.memory_space<vmem_shared>>
            tpu.wait_indirect_dma semaphore(%run_scoped3A_344 : memref<!tpu.dma_semaphore, #tpu.memory_space<semaphore_mem>>) src(%dma_wait3A_358 : memref<128x128xf32, #tpu.memory_space<vmem>>) dst(%dma_wait3A_364 : memref<10240x128xf32, #tpu.memory_space<vmem_shared>>)
            tpu.yield
          }) : () -> ()
          %run_scoped3A_341 = arith.constant 1 : i32
          %run_scoped3A_342 = arith.constant 1 : i32
          "tpu.region"() ({
            %run_scoped3A_344 = tpu.sem_alloc : memref<!tpu.dma_semaphore, #tpu.memory_space<semaphore_mem>>
            %dma_start3A_345 = arith.constant 0 : i32
            %dma_start3A_346 = arith.constant 0 : i32
            %dma_start3A_347 = tpu.memref_slice %arg9[%run_scoped3A_341, %dma_start3A_345, %dma_start3A_346] : memref<2x128x128xf32, #tpu.memory_space<vmem>> -> memref<1x128x128xf32, #tpu.memory_space<vmem>>
            %dma_start3A_348 = tpu.memref_squeeze %dma_start3A_347 : memref<1x128x128xf32, #tpu.memory_space<vmem>> -> memref<128x128xf32, #tpu.memory_space<vmem>>
            %dma_start3A_349 = arith.constant 0 : i32
            %dma_start3A_350 = tpu.memref_slice %arg8[%scan3A_290, %run_scoped3A_342, %dma_start3A_349] : memref<16x2x128xi32, #tpu.memory_space<vmem>> -> memref<1x1x128xi32, #tpu.memory_space<vmem>>
            %dma_start3A_351 = tpu.memref_squeeze %dma_start3A_350 : memref<1x1x128xi32, #tpu.memory_space<vmem>> -> memref<128xi32, #tpu.memory_space<vmem>>
            %dma_start3A_352 = arith.constant 0 : i32
            %dma_start3A_353 = arith.constant 0 : i32
            %dma_start3A_354 = tpu.memref_slice %arg11[%dma_start3A_352, %dma_start3A_353] : memref<10240x128xf32, #tpu.memory_space<vmem_shared>> -> memref<10240x128xf32, #tpu.memory_space<vmem_shared>>
            tpu.enqueue_indirect_dma source(%dma_start3A_348 : memref<128x128xf32, #tpu.memory_space<vmem>>) target(%dma_start3A_354 : memref<10240x128xf32, #tpu.memory_space<vmem_shared>>) offsets(%dma_start3A_351 : memref<128xi32, #tpu.memory_space<vmem>>) semaphore(%run_scoped3A_344 : memref<!tpu.dma_semaphore, #tpu.memory_space<semaphore_mem>>) {add = true}
            %dma_wait3A_355 = arith.constant 0 : i32
            %dma_wait3A_356 = arith.constant 0 : i32
            %dma_wait3A_357 = tpu.memref_slice %arg9[%run_scoped3A_341, %dma_wait3A_355, %dma_wait3A_356] : memref<2x128x128xf32, #tpu.memory_space<vmem>> -> memref<1x128x128xf32, #tpu.memory_space<vmem>>
            %dma_wait3A_358 = tpu.memref_squeeze %dma_wait3A_357 : memref<1x128x128xf32, #tpu.memory_space<vmem>> -> memref<128x128xf32, #tpu.memory_space<vmem>>
            %dma_wait3A_359 = arith.constant 0 : i32
            %dma_wait3A_360 = tpu.memref_slice %arg8[%scan3A_290, %run_scoped3A_342, %dma_wait3A_359] : memref<16x2x128xi32, #tpu.memory_space<vmem>> -> memref<1x1x128xi32, #tpu.memory_space<vmem>>
            %dma_wait3A_361 = tpu.memref_squeeze %dma_wait3A_360 : memref<1x1x128xi32, #tpu.memory_space<vmem>> -> memref<128xi32, #tpu.memory_space<vmem>>
            %dma_wait3A_362 = arith.constant 0 : i32
            %dma_wait3A_363 = arith.constant 0 : i32
            %dma_wait3A_364 = tpu.memref_slice %arg11[%dma_wait3A_362, %dma_wait3A_363] : memref<10240x128xf32, #tpu.memory_space<vmem_shared>> -> memref<10240x128xf32, #tpu.memory_space<vmem_shared>>
            tpu.wait_indirect_dma semaphore(%run_scoped3A_344 : memref<!tpu.dma_semaphore, #tpu.memory_space<semaphore_mem>>) src(%dma_wait3A_358 : memref<128x128xf32, #tpu.memory_space<vmem>>) dst(%dma_wait3A_364 : memref<10240x128xf32, #tpu.memory_space<vmem_shared>>)
            tpu.yield
          }) : () -> ()
          "tpu.trace_stop"() : () -> ()
          %scan3A_343 = arith.constant 0 : i32
          scf.yield %scan3A_343 : i32
        }
        %scan3A_289 = arith.constant 16 : i32
        scf.yield %scan3A_288 : i32
      }
      %scan3A_244 = arith.constant 5 : i32
    } else {
    }
    %barrier3A_233 = arith.constant 0 : index
    tpu.barrier barrier_id(%barrier3A_233)
    %mul3A_234 = arith.constant 640 : i32
    %mul3A_235 = arith.muli %arg1, %mul3A_234 : i32
    %mul3A_236 = arith.constant 640 : i32
    %mul3A_237 = arith.muli %arg1, %mul3A_236 : i32
    "tpu.region"() ({
      %run_scoped3A = tpu.sem_alloc : memref<!tpu.dma_semaphore, #tpu.memory_space<semaphore_mem>>
      %dma_start3A_238 = arith.constant 0 : i32
      %dma_start3A_239 = tpu.memref_slice %arg6[%arg0, %mul3A_237, %dma_start3A_238] : memref<2x10240x128xf32, #tpu.memory_space<hbm>> -> memref<1x640x128xf32, #tpu.memory_space<hbm>>
      %dma_start3A_240 = tpu.memref_squeeze %dma_start3A_239 : memref<1x640x128xf32, #tpu.memory_space<hbm>> -> memref<640x128xf32, #tpu.memory_space<hbm>>
      %dma_start3A_241 = arith.constant 0 : i32
      %dma_start3A_242 = tpu.memref_slice %arg11[%mul3A_235, %dma_start3A_241] : memref<10240x128xf32, #tpu.memory_space<vmem_shared>> -> memref<640x128xf32, #tpu.memory_space<vmem_shared>>
      tpu.enqueue_dma source(%dma_start3A_242 : memref<640x128xf32, #tpu.memory_space<vmem_shared>>) target(%dma_start3A_240 : memref<640x128xf32, #tpu.memory_space<hbm>>) target_semaphore(%run_scoped3A : memref<!tpu.dma_semaphore, #tpu.memory_space<semaphore_mem>>)
      %dma_wait3A_243 = arith.constant 0 : i32
      %dma_wait3A_244 = tpu.memref_slice %arg6[%arg0, %mul3A_237, %dma_wait3A_243] : memref<2x10240x128xf32, #tpu.memory_space<hbm>> -> memref<1x640x128xf32, #tpu.memory_space<hbm>>
      %dma_wait3A_245 = tpu.memref_squeeze %dma_wait3A_244 : memref<1x640x128xf32, #tpu.memory_space<hbm>> -> memref<640x128xf32, #tpu.memory_space<hbm>>
      %dma_wait3A_246 = arith.constant 0 : i32
      %dma_wait3A_247 = tpu.memref_slice %arg11[%mul3A_235, %dma_wait3A_246] : memref<10240x128xf32, #tpu.memory_space<vmem_shared>> -> memref<640x128xf32, #tpu.memory_space<vmem_shared>>
      tpu.wait_dma2 semaphore(%run_scoped3A : memref<!tpu.dma_semaphore, #tpu.memory_space<semaphore_mem>>) src(%dma_wait3A_247 : memref<640x128xf32, #tpu.memory_space<vmem_shared>>) dst(%dma_wait3A_245 : memref<640x128xf32, #tpu.memory_space<hbm>>)
      tpu.yield
    }) : () -> ()
    return
  }
}

#map = affine_map<(d0, d1) -> (0, 0)>
#map1 = affine_map<(d0, d1) -> (0, 0, 0, 0)>
#map2 = affine_map<(d0, d1) -> (0, 0, 0)>
module attributes {stable_mosaic.version = 14 : i64} {
  func.func @_sc_body(%arg0: i32, %arg1: i32, %arg2: memref<10240x128xf32, #tpu.memory_space<hbm>>, %arg3: memref<10240x128xf32, #tpu.memory_space<hbm>>, %arg4: memref<16x80x2x128xi32, #tpu.memory_space<hbm>>, %arg5: memref<16x80x2x128xi32, #tpu.memory_space<hbm>>, %arg6: memref<2x10240x128xf32, #tpu.memory_space<hbm>>, %arg7: memref<16x2x128xi32, #tpu.memory_space<vmem>>, %arg8: memref<16x2x128xi32, #tpu.memory_space<vmem>>, %arg9: memref<2x128x128xf32, #tpu.memory_space<vmem>>, %arg10: memref<40x128xf32, #tpu.memory_space<vmem>>, %arg11: memref<10240x128xf32, #tpu.memory_space<vmem_shared>>, %arg12: memref<!tpu.dma_semaphore, #tpu.memory_space<semaphore_mem>>, %arg13: memref<!tpu.dma_semaphore, #tpu.memory_space<semaphore_mem>>) attributes {dimension_semantics = [#tpu.dimension_semantics<core_parallel>, #tpu.dimension_semantics<subcore_parallel>], iteration_bounds = array<i64: 2, 16>, scalar_prefetch = 0 : i64, scratch_operands = 7 : i64, tpu.core_type = #tpu.core_type<sc_vector_subcore>, window_params = [{transform_indices = #map}, {transform_indices = #map}, {transform_indices = #map1}, {transform_indices = #map1}, {transform_indices = #map2}]} {
    %scan3A = arith.constant 0 : i32
    %scan3A_0 = arith.constant 0 : i32
    %scan3A_1 = arith.constant 40 : i32
    %scan3A_2 = arith.addi %scan3A_0, %scan3A_1 : i32
    %scan3A_3 = arith.constant 1 : i32
    %scan3A_4 = scf.for %scan3A_238 = %scan3A_0 to %scan3A_2 step %scan3A_3 iter_args(%scan3A_239 = %scan3A) -> (i32)  : i32 {
      %scan3A_240 = arith.constant 0 : i32
      %scan3A_241 = arith.constant 0 : i32
      %scan3A_242 = arith.constant 8 : i32
      %scan3A_243 = arith.addi %scan3A_241, %scan3A_242 : i32
      %scan3A_244 = arith.constant 1 : i32
      %scan3A_245 = scf.for %scan3A_247 = %scan3A_241 to %scan3A_243 step %scan3A_244 iter_args(%scan3A_248 = %scan3A_240) -> (i32)  : i32 {
        %broadcast_in_dim3A = arith.constant 0.000000e+00 : f32
        %broadcast_in_dim3A_249 = vector.broadcast %broadcast_in_dim3A : f32 to vector<16xf32>
        %mul3A_250 = arith.constant 16 : i32
        %mul3A_251 = arith.muli %scan3A_247, %mul3A_250 : i32
        %swap3A = arith.index_cast %scan3A_238 : i32 to index
        %swap3A_252 = arith.index_cast %mul3A_251 : i32 to index
        %swap3A_253 = tpu.vector_load %arg10[%swap3A, %swap3A_252] {strides = array<i32>} : memref<40x128xf32, #tpu.memory_space<vmem>>, vector<1x16xf32>,
        %swap3A_254 = vector.shape_cast %swap3A_253 : vector<1x16xf32> to vector<16xf32>
        %swap3A_255 = vector.shape_cast %broadcast_in_dim3A_249 : vector<16xf32> to vector<1x16xf32>
        tpu.vector_store %arg10[%swap3A, %swap3A_252], %swap3A_255 {strides = array<i32>} : memref<40x128xf32, #tpu.memory_space<vmem>>, vector<1x16xf32>,
        %scan3A_256 = arith.constant 0 : i32
        scf.yield %scan3A_256 : i32
      }
      %scan3A_246 = arith.constant 8 : i32
      scf.yield %scan3A_245 : i32
    }
    %scan3A_5 = arith.constant 40 : i32
    %mul3A = arith.constant 16 : i32
    %mul3A_6 = arith.muli %arg1, %mul3A : i32
    %add3A = arith.constant 0 : i32
    %add3A_7 = arith.addi %mul3A_6, %add3A : i32
    %mul3A_8 = arith.constant 40 : i32
    %mul3A_9 = arith.muli %add3A_7, %mul3A_8 : i32
    %dma_start3A = arith.constant 0 : i32
    %dma_start3A_10 = tpu.memref_slice %arg11[%mul3A_9, %dma_start3A] : memref<10240x128xf32, #tpu.memory_space<vmem_shared>> -> memref<40x128xf32, #tpu.memory_space<vmem_shared>>
    %dma_start3A_11 = arith.constant 0 : i32
    %dma_start3A_12 = tpu.memref_slice %arg11[%mul3A_9, %dma_start3A_11] : memref<10240x128xf32, #tpu.memory_space<vmem_shared>> -> memref<40x128xf32, #tpu.memory_space<vmem_shared>>
    tpu.enqueue_dma source(%arg10 : memref<40x128xf32, #tpu.memory_space<vmem>>) target(%dma_start3A_12 : memref<40x128xf32, #tpu.memory_space<vmem_shared>>) target_semaphore(%arg12 : memref<!tpu.dma_semaphore, #tpu.memory_space<semaphore_mem>>)
    %mul3A_13 = arith.constant 16 : i32
    %mul3A_14 = arith.muli %arg1, %mul3A_13 : i32
    %add3A_15 = arith.constant 1 : i32
    %add3A_16 = arith.addi %mul3A_14, %add3A_15 : i32
    %mul3A_17 = arith.constant 40 : i32
    %mul3A_18 = arith.muli %add3A_16, %mul3A_17 : i32
    %dma_start3A_19 = arith.constant 0 : i32
    %dma_start3A_20 = tpu.memref_slice %arg11[%mul3A_18, %dma_start3A_19] : memref<10240x128xf32, #tpu.memory_space<vmem_shared>> -> memref<40x128xf32, #tpu.memory_space<vmem_shared>>
    %dma_start3A_21 = arith.constant 0 : i32
    %dma_start3A_22 = tpu.memref_slice %arg11[%mul3A_18, %dma_start3A_21] : memref<10240x128xf32, #tpu.memory_space<vmem_shared>> -> memref<40x128xf32, #tpu.memory_space<vmem_shared>>
    tpu.enqueue_dma source(%arg10 : memref<40x128xf32, #tpu.memory_space<vmem>>) target(%dma_start3A_22 : memref<40x128xf32, #tpu.memory_space<vmem_shared>>) target_semaphore(%arg12 : memref<!tpu.dma_semaphore, #tpu.memory_space<semaphore_mem>>)
    %mul3A_23 = arith.constant 16 : i32
    %mul3A_24 = arith.muli %arg1, %mul3A_23 : i32
    %add3A_25 = arith.constant 2 : i32
    %add3A_26 = arith.addi %mul3A_24, %add3A_25 : i32
    %mul3A_27 = arith.constant 40 : i32
    %mul3A_28 = arith.muli %add3A_26, %mul3A_27 : i32
    %dma_start3A_29 = arith.constant 0 : i32
    %dma_start3A_30 = tpu.memref_slice %arg11[%mul3A_28, %dma_start3A_29] : memref<10240x128xf32, #tpu.memory_space<vmem_shared>> -> memref<40x128xf32, #tpu.memory_space<vmem_shared>>
    %dma_start3A_31 = arith.constant 0 : i32
    %dma_start3A_32 = tpu.memref_slice %arg11[%mul3A_28, %dma_start3A_31] : memref<10240x128xf32, #tpu.memory_space<vmem_shared>> -> memref<40x128xf32, #tpu.memory_space<vmem_shared>>
    tpu.enqueue_dma source(%arg10 : memref<40x128xf32, #tpu.memory_space<vmem>>) target(%dma_start3A_32 : memref<40x128xf32, #tpu.memory_space<vmem_shared>>) target_semaphore(%arg12 : memref<!tpu.dma_semaphore, #tpu.memory_space<semaphore_mem>>)
    %mul3A_33 = arith.constant 16 : i32
    %mul3A_34 = arith.muli %arg1, %mul3A_33 : i32
    %add3A_35 = arith.constant 3 : i32
    %add3A_36 = arith.addi %mul3A_34, %add3A_35 : i32
    %mul3A_37 = arith.constant 40 : i32
    %mul3A_38 = arith.muli %add3A_36, %mul3A_37 : i32
    %dma_start3A_39 = arith.constant 0 : i32
    %dma_start3A_40 = tpu.memref_slice %arg11[%mul3A_38, %dma_start3A_39] : memref<10240x128xf32, #tpu.memory_space<vmem_shared>> -> memref<40x128xf32, #tpu.memory_space<vmem_shared>>
    %dma_start3A_41 = arith.constant 0 : i32
    %dma_start3A_42 = tpu.memref_slice %arg11[%mul3A_38, %dma_start3A_41] : memref<10240x128xf32, #tpu.memory_space<vmem_shared>> -> memref<40x128xf32, #tpu.memory_space<vmem_shared>>
    tpu.enqueue_dma source(%arg10 : memref<40x128xf32, #tpu.memory_space<vmem>>) target(%dma_start3A_42 : memref<40x128xf32, #tpu.memory_space<vmem_shared>>) target_semaphore(%arg12 : memref<!tpu.dma_semaphore, #tpu.memory_space<semaphore_mem>>)
    %mul3A_43 = arith.constant 16 : i32
    %mul3A_44 = arith.muli %arg1, %mul3A_43 : i32
    %add3A_45 = arith.constant 4 : i32
    %add3A_46 = arith.addi %mul3A_44, %add3A_45 : i32
    %mul3A_47 = arith.constant 40 : i32
    %mul3A_48 = arith.muli %add3A_46, %mul3A_47 : i32
    %dma_start3A_49 = arith.constant 0 : i32
    %dma_start3A_50 = tpu.memref_slice %arg11[%mul3A_48, %dma_start3A_49] : memref<10240x128xf32, #tpu.memory_space<vmem_shared>> -> memref<40x128xf32, #tpu.memory_space<vmem_shared>>
    %dma_start3A_51 = arith.constant 0 : i32
    %dma_start3A_52 = tpu.memref_slice %arg11[%mul3A_48, %dma_start3A_51] : memref<10240x128xf32, #tpu.memory_space<vmem_shared>> -> memref<40x128xf32, #tpu.memory_space<vmem_shared>>
    tpu.enqueue_dma source(%arg10 : memref<40x128xf32, #tpu.memory_space<vmem>>) target(%dma_start3A_52 : memref<40x128xf32, #tpu.memory_space<vmem_shared>>) target_semaphore(%arg12 : memref<!tpu.dma_semaphore, #tpu.memory_space<semaphore_mem>>)
    %mul3A_53 = arith.constant 16 : i32
    %mul3A_54 = arith.muli %arg1, %mul3A_53 : i32
    %add3A_55 = arith.constant 5 : i32
    %add3A_56 = arith.addi %mul3A_54, %add3A_55 : i32
    %mul3A_57 = arith.constant 40 : i32
    %mul3A_58 = arith.muli %add3A_56, %mul3A_57 : i32
    %dma_start3A_59 = arith.constant 0 : i32
    %dma_start3A_60 = tpu.memref_slice %arg11[%mul3A_58, %dma_start3A_59] : memref<10240x128xf32, #tpu.memory_space<vmem_shared>> -> memref<40x128xf32, #tpu.memory_space<vmem_shared>>
    %dma_start3A_61 = arith.constant 0 : i32
    %dma_start3A_62 = tpu.memref_slice %arg11[%mul3A_58, %dma_start3A_61] : memref<10240x128xf32, #tpu.memory_space<vmem_shared>> -> memref<40x128xf32, #tpu.memory_space<vmem_shared>>
    tpu.enqueue_dma source(%arg10 : memref<40x128xf32, #tpu.memory_space<vmem>>) target(%dma_start3A_62 : memref<40x128xf32, #tpu.memory_space<vmem_shared>>) target_semaphore(%arg12 : memref<!tpu.dma_semaphore, #tpu.memory_space<semaphore_mem>>)
    %mul3A_63 = arith.constant 16 : i32
    %mul3A_64 = arith.muli %arg1, %mul3A_63 : i32
    %add3A_65 = arith.constant 6 : i32
    %add3A_66 = arith.addi %mul3A_64, %add3A_65 : i32
    %mul3A_67 = arith.constant 40 : i32
    %mul3A_68 = arith.muli %add3A_66, %mul3A_67 : i32
    %dma_start3A_69 = arith.constant 0 : i32
    %dma_start3A_70 = tpu.memref_slice %arg11[%mul3A_68, %dma_start3A_69] : memref<10240x128xf32, #tpu.memory_space<vmem_shared>> -> memref<40x128xf32, #tpu.memory_space<vmem_shared>>
    %dma_start3A_71 = arith.constant 0 : i32
    %dma_start3A_72 = tpu.memref_slice %arg11[%mul3A_68, %dma_start3A_71] : memref<10240x128xf32, #tpu.memory_space<vmem_shared>> -> memref<40x128xf32, #tpu.memory_space<vmem_shared>>
    tpu.enqueue_dma source(%arg10 : memref<40x128xf32, #tpu.memory_space<vmem>>) target(%dma_start3A_72 : memref<40x128xf32, #tpu.memory_space<vmem_shared>>) target_semaphore(%arg12 : memref<!tpu.dma_semaphore, #tpu.memory_space<semaphore_mem>>)
    %mul3A_73 = arith.constant 16 : i32
    %mul3A_74 = arith.muli %arg1, %mul3A_73 : i32
    %add3A_75 = arith.constant 7 : i32
    %add3A_76 = arith.addi %mul3A_74, %add3A_75 : i32
    %mul3A_77 = arith.constant 40 : i32
    %mul3A_78 = arith.muli %add3A_76, %mul3A_77 : i32
    %dma_start3A_79 = arith.constant 0 : i32
    %dma_start3A_80 = tpu.memref_slice %arg11[%mul3A_78, %dma_start3A_79] : memref<10240x128xf32, #tpu.memory_space<vmem_shared>> -> memref<40x128xf32, #tpu.memory_space<vmem_shared>>
    %dma_start3A_81 = arith.constant 0 : i32
    %dma_start3A_82 = tpu.memref_slice %arg11[%mul3A_78, %dma_start3A_81] : memref<10240x128xf32, #tpu.memory_space<vmem_shared>> -> memref<40x128xf32, #tpu.memory_space<vmem_shared>>
    tpu.enqueue_dma source(%arg10 : memref<40x128xf32, #tpu.memory_space<vmem>>) target(%dma_start3A_82 : memref<40x128xf32, #tpu.memory_space<vmem_shared>>) target_semaphore(%arg12 : memref<!tpu.dma_semaphore, #tpu.memory_space<semaphore_mem>>)
    %mul3A_83 = arith.constant 16 : i32
    %mul3A_84 = arith.muli %arg1, %mul3A_83 : i32
    %add3A_85 = arith.constant 8 : i32
    %add3A_86 = arith.addi %mul3A_84, %add3A_85 : i32
    %mul3A_87 = arith.constant 40 : i32
    %mul3A_88 = arith.muli %add3A_86, %mul3A_87 : i32
    %dma_start3A_89 = arith.constant 0 : i32
    %dma_start3A_90 = tpu.memref_slice %arg11[%mul3A_88, %dma_start3A_89] : memref<10240x128xf32, #tpu.memory_space<vmem_shared>> -> memref<40x128xf32, #tpu.memory_space<vmem_shared>>
    %dma_start3A_91 = arith.constant 0 : i32
    %dma_start3A_92 = tpu.memref_slice %arg11[%mul3A_88, %dma_start3A_91] : memref<10240x128xf32, #tpu.memory_space<vmem_shared>> -> memref<40x128xf32, #tpu.memory_space<vmem_shared>>
    tpu.enqueue_dma source(%arg10 : memref<40x128xf32, #tpu.memory_space<vmem>>) target(%dma_start3A_92 : memref<40x128xf32, #tpu.memory_space<vmem_shared>>) target_semaphore(%arg12 : memref<!tpu.dma_semaphore, #tpu.memory_space<semaphore_mem>>)
    %mul3A_93 = arith.constant 16 : i32
    %mul3A_94 = arith.muli %arg1, %mul3A_93 : i32
    %add3A_95 = arith.constant 9 : i32
    %add3A_96 = arith.addi %mul3A_94, %add3A_95 : i32
    %mul3A_97 = arith.constant 40 : i32
    %mul3A_98 = arith.muli %add3A_96, %mul3A_97 : i32
    %dma_start3A_99 = arith.constant 0 : i32
    %dma_start3A_100 = tpu.memref_slice %arg11[%mul3A_98, %dma_start3A_99] : memref<10240x128xf32, #tpu.memory_space<vmem_shared>> -> memref<40x128xf32, #tpu.memory_space<vmem_shared>>
    %dma_start3A_101 = arith.constant 0 : i32
    %dma_start3A_102 = tpu.memref_slice %arg11[%mul3A_98, %dma_start3A_101] : memref<10240x128xf32, #tpu.memory_space<vmem_shared>> -> memref<40x128xf32, #tpu.memory_space<vmem_shared>>
    tpu.enqueue_dma source(%arg10 : memref<40x128xf32, #tpu.memory_space<vmem>>) target(%dma_start3A_102 : memref<40x128xf32, #tpu.memory_space<vmem_shared>>) target_semaphore(%arg12 : memref<!tpu.dma_semaphore, #tpu.memory_space<semaphore_mem>>)
    %mul3A_103 = arith.constant 16 : i32
    %mul3A_104 = arith.muli %arg1, %mul3A_103 : i32
    %add3A_105 = arith.constant 10 : i32
    %add3A_106 = arith.addi %mul3A_104, %add3A_105 : i32
    %mul3A_107 = arith.constant 40 : i32
    %mul3A_108 = arith.muli %add3A_106, %mul3A_107 : i32
    %dma_start3A_109 = arith.constant 0 : i32
    %dma_start3A_110 = tpu.memref_slice %arg11[%mul3A_108, %dma_start3A_109] : memref<10240x128xf32, #tpu.memory_space<vmem_shared>> -> memref<40x128xf32, #tpu.memory_space<vmem_shared>>
    %dma_start3A_111 = arith.constant 0 : i32
    %dma_start3A_112 = tpu.memref_slice %arg11[%mul3A_108, %dma_start3A_111] : memref<10240x128xf32, #tpu.memory_space<vmem_shared>> -> memref<40x128xf32, #tpu.memory_space<vmem_shared>>
    tpu.enqueue_dma source(%arg10 : memref<40x128xf32, #tpu.memory_space<vmem>>) target(%dma_start3A_112 : memref<40x128xf32, #tpu.memory_space<vmem_shared>>) target_semaphore(%arg12 : memref<!tpu.dma_semaphore, #tpu.memory_space<semaphore_mem>>)
    %mul3A_113 = arith.constant 16 : i32
    %mul3A_114 = arith.muli %arg1, %mul3A_113 : i32
    %add3A_115 = arith.constant 11 : i32
    %add3A_116 = arith.addi %mul3A_114, %add3A_115 : i32
    %mul3A_117 = arith.constant 40 : i32
    %mul3A_118 = arith.muli %add3A_116, %mul3A_117 : i32
    %dma_start3A_119 = arith.constant 0 : i32
    %dma_start3A_120 = tpu.memref_slice %arg11[%mul3A_118, %dma_start3A_119] : memref<10240x128xf32, #tpu.memory_space<vmem_shared>> -> memref<40x128xf32, #tpu.memory_space<vmem_shared>>
    %dma_start3A_121 = arith.constant 0 : i32
    %dma_start3A_122 = tpu.memref_slice %arg11[%mul3A_118, %dma_start3A_121] : memref<10240x128xf32, #tpu.memory_space<vmem_shared>> -> memref<40x128xf32, #tpu.memory_space<vmem_shared>>
    tpu.enqueue_dma source(%arg10 : memref<40x128xf32, #tpu.memory_space<vmem>>) target(%dma_start3A_122 : memref<40x128xf32, #tpu.memory_space<vmem_shared>>) target_semaphore(%arg12 : memref<!tpu.dma_semaphore, #tpu.memory_space<semaphore_mem>>)
    %mul3A_123 = arith.constant 16 : i32
    %mul3A_124 = arith.muli %arg1, %mul3A_123 : i32
    %add3A_125 = arith.constant 12 : i32
    %add3A_126 = arith.addi %mul3A_124, %add3A_125 : i32
    %mul3A_127 = arith.constant 40 : i32
    %mul3A_128 = arith.muli %add3A_126, %mul3A_127 : i32
    %dma_start3A_129 = arith.constant 0 : i32
    %dma_start3A_130 = tpu.memref_slice %arg11[%mul3A_128, %dma_start3A_129] : memref<10240x128xf32, #tpu.memory_space<vmem_shared>> -> memref<40x128xf32, #tpu.memory_space<vmem_shared>>
    %dma_start3A_131 = arith.constant 0 : i32
    %dma_start3A_132 = tpu.memref_slice %arg11[%mul3A_128, %dma_start3A_131] : memref<10240x128xf32, #tpu.memory_space<vmem_shared>> -> memref<40x128xf32, #tpu.memory_space<vmem_shared>>
    tpu.enqueue_dma source(%arg10 : memref<40x128xf32, #tpu.memory_space<vmem>>) target(%dma_start3A_132 : memref<40x128xf32, #tpu.memory_space<vmem_shared>>) target_semaphore(%arg12 : memref<!tpu.dma_semaphore, #tpu.memory_space<semaphore_mem>>)
    %mul3A_133 = arith.constant 16 : i32
    %mul3A_134 = arith.muli %arg1, %mul3A_133 : i32
    %add3A_135 = arith.constant 13 : i32
    %add3A_136 = arith.addi %mul3A_134, %add3A_135 : i32
    %mul3A_137 = arith.constant 40 : i32
    %mul3A_138 = arith.muli %add3A_136, %mul3A_137 : i32
    %dma_start3A_139 = arith.constant 0 : i32
    %dma_start3A_140 = tpu.memref_slice %arg11[%mul3A_138, %dma_start3A_139] : memref<10240x128xf32, #tpu.memory_space<vmem_shared>> -> memref<40x128xf32, #tpu.memory_space<vmem_shared>>
    %dma_start3A_141 = arith.constant 0 : i32
    %dma_start3A_142 = tpu.memref_slice %arg11[%mul3A_138, %dma_start3A_141] : memref<10240x128xf32, #tpu.memory_space<vmem_shared>> -> memref<40x128xf32, #tpu.memory_space<vmem_shared>>
    tpu.enqueue_dma source(%arg10 : memref<40x128xf32, #tpu.memory_space<vmem>>) target(%dma_start3A_142 : memref<40x128xf32, #tpu.memory_space<vmem_shared>>) target_semaphore(%arg12 : memref<!tpu.dma_semaphore, #tpu.memory_space<semaphore_mem>>)
    %mul3A_143 = arith.constant 16 : i32
    %mul3A_144 = arith.muli %arg1, %mul3A_143 : i32
    %add3A_145 = arith.constant 14 : i32
    %add3A_146 = arith.addi %mul3A_144, %add3A_145 : i32
    %mul3A_147 = arith.constant 40 : i32
    %mul3A_148 = arith.muli %add3A_146, %mul3A_147 : i32
    %dma_start3A_149 = arith.constant 0 : i32
    %dma_start3A_150 = tpu.memref_slice %arg11[%mul3A_148, %dma_start3A_149] : memref<10240x128xf32, #tpu.memory_space<vmem_shared>> -> memref<40x128xf32, #tpu.memory_space<vmem_shared>>
    %dma_start3A_151 = arith.constant 0 : i32
    %dma_start3A_152 = tpu.memref_slice %arg11[%mul3A_148, %dma_start3A_151] : memref<10240x128xf32, #tpu.memory_space<vmem_shared>> -> memref<40x128xf32, #tpu.memory_space<vmem_shared>>
    tpu.enqueue_dma source(%arg10 : memref<40x128xf32, #tpu.memory_space<vmem>>) target(%dma_start3A_152 : memref<40x128xf32, #tpu.memory_space<vmem_shared>>) target_semaphore(%arg12 : memref<!tpu.dma_semaphore, #tpu.memory_space<semaphore_mem>>)
    %mul3A_153 = arith.constant 16 : i32
    %mul3A_154 = arith.muli %arg1, %mul3A_153 : i32
    %add3A_155 = arith.constant 15 : i32
    %add3A_156 = arith.addi %mul3A_154, %add3A_155 : i32
    %mul3A_157 = arith.constant 40 : i32
    %mul3A_158 = arith.muli %add3A_156, %mul3A_157 : i32
    %dma_start3A_159 = arith.constant 0 : i32
    %dma_start3A_160 = tpu.memref_slice %arg11[%mul3A_158, %dma_start3A_159] : memref<10240x128xf32, #tpu.memory_space<vmem_shared>> -> memref<40x128xf32, #tpu.memory_space<vmem_shared>>
    %dma_start3A_161 = arith.constant 0 : i32
    %dma_start3A_162 = tpu.memref_slice %arg11[%mul3A_158, %dma_start3A_161] : memref<10240x128xf32, #tpu.memory_space<vmem_shared>> -> memref<40x128xf32, #tpu.memory_space<vmem_shared>>
    tpu.enqueue_dma source(%arg10 : memref<40x128xf32, #tpu.memory_space<vmem>>) target(%dma_start3A_162 : memref<40x128xf32, #tpu.memory_space<vmem_shared>>) target_semaphore(%arg12 : memref<!tpu.dma_semaphore, #tpu.memory_space<semaphore_mem>>)
    %dma_wait3A = arith.constant 0 : i32
    %dma_wait3A_163 = tpu.memref_slice %arg11[%mul3A_9, %dma_wait3A] : memref<10240x128xf32, #tpu.memory_space<vmem_shared>> -> memref<40x128xf32, #tpu.memory_space<vmem_shared>>
    %dma_wait3A_164 = arith.constant 0 : i32
    %dma_wait3A_165 = tpu.memref_slice %arg11[%mul3A_9, %dma_wait3A_164] : memref<10240x128xf32, #tpu.memory_space<vmem_shared>> -> memref<40x128xf32, #tpu.memory_space<vmem_shared>>
    tpu.wait_dma2 semaphore(%arg12 : memref<!tpu.dma_semaphore, #tpu.memory_space<semaphore_mem>>) src(%arg10 : memref<40x128xf32, #tpu.memory_space<vmem>>) dst(%dma_wait3A_165 : memref<40x128xf32, #tpu.memory_space<vmem_shared>>)
    %dma_wait3A_166 = arith.constant 0 : i32
    %dma_wait3A_167 = tpu.memref_slice %arg11[%mul3A_18, %dma_wait3A_166] : memref<10240x128xf32, #tpu.memory_space<vmem_shared>> -> memref<40x128xf32, #tpu.memory_space<vmem_shared>>
    %dma_wait3A_168 = arith.constant 0 : i32
    %dma_wait3A_169 = tpu.memref_slice %arg11[%mul3A_18, %dma_wait3A_168] : memref<10240x128xf32, #tpu.memory_space<vmem_shared>> -> memref<40x128xf32, #tpu.memory_space<vmem_shared>>
    tpu.wait_dma2 semaphore(%arg12 : memref<!tpu.dma_semaphore, #tpu.memory_space<semaphore_mem>>) src(%arg10 : memref<40x128xf32, #tpu.memory_space<vmem>>) dst(%dma_wait3A_169 : memref<40x128xf32, #tpu.memory_space<vmem_shared>>)
    %dma_wait3A_170 = arith.constant 0 : i32
    %dma_wait3A_171 = tpu.memref_slice %arg11[%mul3A_28, %dma_wait3A_170] : memref<10240x128xf32, #tpu.memory_space<vmem_shared>> -> memref<40x128xf32, #tpu.memory_space<vmem_shared>>
    %dma_wait3A_172 = arith.constant 0 : i32
    %dma_wait3A_173 = tpu.memref_slice %arg11[%mul3A_28, %dma_wait3A_172] : memref<10240x128xf32, #tpu.memory_space<vmem_shared>> -> memref<40x128xf32, #tpu.memory_space<vmem_shared>>
    tpu.wait_dma2 semaphore(%arg12 : memref<!tpu.dma_semaphore, #tpu.memory_space<semaphore_mem>>) src(%arg10 : memref<40x128xf32, #tpu.memory_space<vmem>>) dst(%dma_wait3A_173 : memref<40x128xf32, #tpu.memory_space<vmem_shared>>)
    %dma_wait3A_174 = arith.constant 0 : i32
    %dma_wait3A_175 = tpu.memref_slice %arg11[%mul3A_38, %dma_wait3A_174] : memref<10240x128xf32, #tpu.memory_space<vmem_shared>> -> memref<40x128xf32, #tpu.memory_space<vmem_shared>>
    %dma_wait3A_176 = arith.constant 0 : i32
    %dma_wait3A_177 = tpu.memref_slice %arg11[%mul3A_38, %dma_wait3A_176] : memref<10240x128xf32, #tpu.memory_space<vmem_shared>> -> memref<40x128xf32, #tpu.memory_space<vmem_shared>>
    tpu.wait_dma2 semaphore(%arg12 : memref<!tpu.dma_semaphore, #tpu.memory_space<semaphore_mem>>) src(%arg10 : memref<40x128xf32, #tpu.memory_space<vmem>>) dst(%dma_wait3A_177 : memref<40x128xf32, #tpu.memory_space<vmem_shared>>)
    %dma_wait3A_178 = arith.constant 0 : i32
    %dma_wait3A_179 = tpu.memref_slice %arg11[%mul3A_48, %dma_wait3A_178] : memref<10240x128xf32, #tpu.memory_space<vmem_shared>> -> memref<40x128xf32, #tpu.memory_space<vmem_shared>>
    %dma_wait3A_180 = arith.constant 0 : i32
    %dma_wait3A_181 = tpu.memref_slice %arg11[%mul3A_48, %dma_wait3A_180] : memref<10240x128xf32, #tpu.memory_space<vmem_shared>> -> memref<40x128xf32, #tpu.memory_space<vmem_shared>>
    tpu.wait_dma2 semaphore(%arg12 : memref<!tpu.dma_semaphore, #tpu.memory_space<semaphore_mem>>) src(%arg10 : memref<40x128xf32, #tpu.memory_space<vmem>>) dst(%dma_wait3A_181 : memref<40x128xf32, #tpu.memory_space<vmem_shared>>)
    %dma_wait3A_182 = arith.constant 0 : i32
    %dma_wait3A_183 = tpu.memref_slice %arg11[%mul3A_58, %dma_wait3A_182] : memref<10240x128xf32, #tpu.memory_space<vmem_shared>> -> memref<40x128xf32, #tpu.memory_space<vmem_shared>>
    %dma_wait3A_184 = arith.constant 0 : i32
    %dma_wait3A_185 = tpu.memref_slice %arg11[%mul3A_58, %dma_wait3A_184] : memref<10240x128xf32, #tpu.memory_space<vmem_shared>> -> memref<40x128xf32, #tpu.memory_space<vmem_shared>>
    tpu.wait_dma2 semaphore(%arg12 : memref<!tpu.dma_semaphore, #tpu.memory_space<semaphore_mem>>) src(%arg10 : memref<40x128xf32, #tpu.memory_space<vmem>>) dst(%dma_wait3A_185 : memref<40x128xf32, #tpu.memory_space<vmem_shared>>)
    %dma_wait3A_186 = arith.constant 0 : i32
    %dma_wait3A_187 = tpu.memref_slice %arg11[%mul3A_68, %dma_wait3A_186] : memref<10240x128xf32, #tpu.memory_space<vmem_shared>> -> memref<40x128xf32, #tpu.memory_space<vmem_shared>>
    %dma_wait3A_188 = arith.constant 0 : i32
    %dma_wait3A_189 = tpu.memref_slice %arg11[%mul3A_68, %dma_wait3A_188] : memref<10240x128xf32, #tpu.memory_space<vmem_shared>> -> memref<40x128xf32, #tpu.memory_space<vmem_shared>>
    tpu.wait_dma2 semaphore(%arg12 : memref<!tpu.dma_semaphore, #tpu.memory_space<semaphore_mem>>) src(%arg10 : memref<40x128xf32, #tpu.memory_space<vmem>>) dst(%dma_wait3A_189 : memref<40x128xf32, #tpu.memory_space<vmem_shared>>)
    %dma_wait3A_190 = arith.constant 0 : i32
    %dma_wait3A_191 = tpu.memref_slice %arg11[%mul3A_78, %dma_wait3A_190] : memref<10240x128xf32, #tpu.memory_space<vmem_shared>> -> memref<40x128xf32, #tpu.memory_space<vmem_shared>>
    %dma_wait3A_192 = arith.constant 0 : i32
    %dma_wait3A_193 = tpu.memref_slice %arg11[%mul3A_78, %dma_wait3A_192] : memref<10240x128xf32, #tpu.memory_space<vmem_shared>> -> memref<40x128xf32, #tpu.memory_space<vmem_shared>>
    tpu.wait_dma2 semaphore(%arg12 : memref<!tpu.dma_semaphore, #tpu.memory_space<semaphore_mem>>) src(%arg10 : memref<40x128xf32, #tpu.memory_space<vmem>>) dst(%dma_wait3A_193 : memref<40x128xf32, #tpu.memory_space<vmem_shared>>)
    %dma_wait3A_194 = arith.constant 0 : i32
    %dma_wait3A_195 = tpu.memref_slice %arg11[%mul3A_88, %dma_wait3A_194] : memref<10240x128xf32, #tpu.memory_space<vmem_shared>> -> memref<40x128xf32, #tpu.memory_space<vmem_shared>>
    %dma_wait3A_196 = arith.constant 0 : i32
    %dma_wait3A_197 = tpu.memref_slice %arg11[%mul3A_88, %dma_wait3A_196] : memref<10240x128xf32, #tpu.memory_space<vmem_shared>> -> memref<40x128xf32, #tpu.memory_space<vmem_shared>>
    tpu.wait_dma2 semaphore(%arg12 : memref<!tpu.dma_semaphore, #tpu.memory_space<semaphore_mem>>) src(%arg10 : memref<40x128xf32, #tpu.memory_space<vmem>>) dst(%dma_wait3A_197 : memref<40x128xf32, #tpu.memory_space<vmem_shared>>)
    %dma_wait3A_198 = arith.constant 0 : i32
    %dma_wait3A_199 = tpu.memref_slice %arg11[%mul3A_98, %dma_wait3A_198] : memref<10240x128xf32, #tpu.memory_space<vmem_shared>> -> memref<40x128xf32, #tpu.memory_space<vmem_shared>>
    %dma_wait3A_200 = arith.constant 0 : i32
    %dma_wait3A_201 = tpu.memref_slice %arg11[%mul3A_98, %dma_wait3A_200] : memref<10240x128xf32, #tpu.memory_space<vmem_shared>> -> memref<40x128xf32, #tpu.memory_space<vmem_shared>>
    tpu.wait_dma2 semaphore(%arg12 : memref<!tpu.dma_semaphore, #tpu.memory_space<semaphore_mem>>) src(%arg10 : memref<40x128xf32, #tpu.memory_space<vmem>>) dst(%dma_wait3A_201 : memref<40x128xf32, #tpu.memory_space<vmem_shared>>)
    %dma_wait3A_202 = arith.constant 0 : i32
    %dma_wait3A_203 = tpu.memref_slice %arg11[%mul3A_108, %dma_wait3A_202] : memref<10240x128xf32, #tpu.memory_space<vmem_shared>> -> memref<40x128xf32, #tpu.memory_space<vmem_shared>>
    %dma_wait3A_204 = arith.constant 0 : i32
    %dma_wait3A_205 = tpu.memref_slice %arg11[%mul3A_108, %dma_wait3A_204] : memref<10240x128xf32, #tpu.memory_space<vmem_shared>> -> memref<40x128xf32, #tpu.memory_space<vmem_shared>>
    tpu.wait_dma2 semaphore(%arg12 : memref<!tpu.dma_semaphore, #tpu.memory_space<semaphore_mem>>) src(%arg10 : memref<40x128xf32, #tpu.memory_space<vmem>>) dst(%dma_wait3A_205 : memref<40x128xf32, #tpu.memory_space<vmem_shared>>)
    %dma_wait3A_206 = arith.constant 0 : i32
    %dma_wait3A_207 = tpu.memref_slice %arg11[%mul3A_118, %dma_wait3A_206] : memref<10240x128xf32, #tpu.memory_space<vmem_shared>> -> memref<40x128xf32, #tpu.memory_space<vmem_shared>>
    %dma_wait3A_208 = arith.constant 0 : i32
    %dma_wait3A_209 = tpu.memref_slice %arg11[%mul3A_118, %dma_wait3A_208] : memref<10240x128xf32, #tpu.memory_space<vmem_shared>> -> memref<40x128xf32, #tpu.memory_space<vmem_shared>>
    tpu.wait_dma2 semaphore(%arg12 : memref<!tpu.dma_semaphore, #tpu.memory_space<semaphore_mem>>) src(%arg10 : memref<40x128xf32, #tpu.memory_space<vmem>>) dst(%dma_wait3A_209 : memref<40x128xf32, #tpu.memory_space<vmem_shared>>)
    %dma_wait3A_210 = arith.constant 0 : i32
    %dma_wait3A_211 = tpu.memref_slice %arg11[%mul3A_128, %dma_wait3A_210] : memref<10240x128xf32, #tpu.memory_space<vmem_shared>> -> memref<40x128xf32, #tpu.memory_space<vmem_shared>>
    %dma_wait3A_212 = arith.constant 0 : i32
    %dma_wait3A_213 = tpu.memref_slice %arg11[%mul3A_128, %dma_wait3A_212] : memref<10240x128xf32, #tpu.memory_space<vmem_shared>> -> memref<40x128xf32, #tpu.memory_space<vmem_shared>>
    tpu.wait_dma2 semaphore(%arg12 : memref<!tpu.dma_semaphore, #tpu.memory_space<semaphore_mem>>) src(%arg10 : memref<40x128xf32, #tpu.memory_space<vmem>>) dst(%dma_wait3A_213 : memref<40x128xf32, #tpu.memory_space<vmem_shared>>)
    %dma_wait3A_214 = arith.constant 0 : i32
    %dma_wait3A_215 = tpu.memref_slice %arg11[%mul3A_138, %dma_wait3A_214] : memref<10240x128xf32, #tpu.memory_space<vmem_shared>> -> memref<40x128xf32, #tpu.memory_space<vmem_shared>>
    %dma_wait3A_216 = arith.constant 0 : i32
    %dma_wait3A_217 = tpu.memref_slice %arg11[%mul3A_138, %dma_wait3A_216] : memref<10240x128xf32, #tpu.memory_space<vmem_shared>> -> memref<40x128xf32, #tpu.memory_space<vmem_shared>>
    tpu.wait_dma2 semaphore(%arg12 : memref<!tpu.dma_semaphore, #tpu.memory_space<semaphore_mem>>) src(%arg10 : memref<40x128xf32, #tpu.memory_space<vmem>>) dst(%dma_wait3A_217 : memref<40x128xf32, #tpu.memory_space<vmem_shared>>)
    %dma_wait3A_218 = arith.constant 0 : i32
    %dma_wait3A_219 = tpu.memref_slice %arg11[%mul3A_148, %dma_wait3A_218] : memref<10240x128xf32, #tpu.memory_space<vmem_shared>> -> memref<40x128xf32, #tpu.memory_space<vmem_shared>>
    %dma_wait3A_220 = arith.constant 0 : i32
    %dma_wait3A_221 = tpu.memref_slice %arg11[%mul3A_148, %dma_wait3A_220] : memref<10240x128xf32, #tpu.memory_space<vmem_shared>> -> memref<40x128xf32, #tpu.memory_space<vmem_shared>>
    tpu.wait_dma2 semaphore(%arg12 : memref<!tpu.dma_semaphore, #tpu.memory_space<semaphore_mem>>) src(%arg10 : memref<40x128xf32, #tpu.memory_space<vmem>>) dst(%dma_wait3A_221 : memref<40x128xf32, #tpu.memory_space<vmem_shared>>)
    %dma_wait3A_222 = arith.constant 0 : i32
    %dma_wait3A_223 = tpu.memref_slice %arg11[%mul3A_158, %dma_wait3A_222] : memref<10240x128xf32, #tpu.memory_space<vmem_shared>> -> memref<40x128xf32, #tpu.memory_space<vmem_shared>>
    %dma_wait3A_224 = arith.constant 0 : i32
    %dma_wait3A_225 = tpu.memref_slice %arg11[%mul3A_158, %dma_wait3A_224] : memref<10240x128xf32, #tpu.memory_space<vmem_shared>> -> memref<40x128xf32, #tpu.memory_space<vmem_shared>>
    tpu.wait_dma2 semaphore(%arg12 : memref<!tpu.dma_semaphore, #tpu.memory_space<semaphore_mem>>) src(%arg10 : memref<40x128xf32, #tpu.memory_space<vmem>>) dst(%dma_wait3A_225 : memref<40x128xf32, #tpu.memory_space<vmem_shared>>)
    %barrier3A = arith.constant 0 : index
    tpu.barrier barrier_id(%barrier3A)
    %eq3A = arith.constant 0 : i32
    %eq3A_226 = arith.cmpi eq, %arg0, %eq3A : i32
    %convert_element_type3A = arith.extui %eq3A_226 : i1 to i32
    %cond3A = arith.constant 0 : i32
    %cond3A_227 = arith.cmpi ne, %convert_element_type3A, %cond3A : i32
    scf.if %cond3A_227 {
      %scan3A_238 = arith.constant 0 : i32
      %scan3A_239 = arith.constant 0 : i32
      %scan3A_240 = arith.constant 5 : i32
      %scan3A_241 = arith.addi %scan3A_239, %scan3A_240 : i32
      %scan3A_242 = arith.constant 1 : i32
      %scan3A_243 = scf.for %scan3A_245 = %scan3A_239 to %scan3A_241 step %scan3A_242 iter_args(%scan3A_246 = %scan3A_238) -> (i32)  : i32 {
        %mul3A_247 = arith.constant 16 : i32
        %mul3A_248 = arith.muli %scan3A_245, %mul3A_247 : i32
        %dma_start3A_249 = arith.constant 0 : i32
        %dma_start3A_250 = arith.constant 0 : i32
        %dma_start3A_251 = tpu.memref_slice %arg4[%arg1, %mul3A_248, %dma_start3A_249, %dma_start3A_250] : memref<16x80x2x128xi32, #tpu.memory_space<hbm>> -> memref<1x16x2x128xi32, #tpu.memory_space<hbm>>
        %dma_start3A_252 = tpu.memref_squeeze %dma_start3A_251 : memref<1x16x2x128xi32, #tpu.memory_space<hbm>> -> memref<16x2x128xi32, #tpu.memory_space<hbm>>
        %dma_start3A_253 = arith.constant 0 : i32
        %dma_start3A_254 = arith.constant 0 : i32
        %dma_start3A_255 = tpu.memref_slice %arg4[%arg1, %mul3A_248, %dma_start3A_253, %dma_start3A_254] : memref<16x80x2x128xi32, #tpu.memory_space<hbm>> -> memref<1x16x2x128xi32, #tpu.memory_space<hbm>>
        %dma_start3A_256 = tpu.memref_squeeze %dma_start3A_255 : memref<1x16x2x128xi32, #tpu.memory_space<hbm>> -> memref<16x2x128xi32, #tpu.memory_space<hbm>>
        tpu.enqueue_dma source(%dma_start3A_256 : memref<16x2x128xi32, #tpu.memory_space<hbm>>) target(%arg7 : memref<16x2x128xi32, #tpu.memory_space<vmem>>) target_semaphore(%arg12 : memref<!tpu.dma_semaphore, #tpu.memory_space<semaphore_mem>>)
        %mul3A_257 = arith.constant 16 : i32
        %mul3A_258 = arith.muli %scan3A_245, %mul3A_257 : i32
        %dma_start3A_259 = arith.constant 0 : i32
        %dma_start3A_260 = arith.constant 0 : i32
        %dma_start3A_261 = tpu.memref_slice %arg5[%arg1, %mul3A_258, %dma_start3A_259, %dma_start3A_260] : memref<16x80x2x128xi32, #tpu.memory_space<hbm>> -> memref<1x16x2x128xi32, #tpu.memory_space<hbm>>
        %dma_start3A_262 = tpu.memref_squeeze %dma_start3A_261 : memref<1x16x2x128xi32, #tpu.memory_space<hbm>> -> memref<16x2x128xi32, #tpu.memory_space<hbm>>
        %dma_start3A_263 = arith.constant 0 : i32
        %dma_start3A_264 = arith.constant 0 : i32
        %dma_start3A_265 = tpu.memref_slice %arg5[%arg1, %mul3A_258, %dma_start3A_263, %dma_start3A_264] : memref<16x80x2x128xi32, #tpu.memory_space<hbm>> -> memref<1x16x2x128xi32, #tpu.memory_space<hbm>>
        %dma_start3A_266 = tpu.memref_squeeze %dma_start3A_265 : memref<1x16x2x128xi32, #tpu.memory_space<hbm>> -> memref<16x2x128xi32, #tpu.memory_space<hbm>>
        tpu.enqueue_dma source(%dma_start3A_266 : memref<16x2x128xi32, #tpu.memory_space<hbm>>) target(%arg8 : memref<16x2x128xi32, #tpu.memory_space<vmem>>) target_semaphore(%arg13 : memref<!tpu.dma_semaphore, #tpu.memory_space<semaphore_mem>>)
        %dma_wait3A_267 = arith.constant 0 : i32
        %dma_wait3A_268 = arith.constant 0 : i32
        %dma_wait3A_269 = tpu.memref_slice %arg4[%arg1, %mul3A_248, %dma_wait3A_267, %dma_wait3A_268] : memref<16x80x2x128xi32, #tpu.memory_space<hbm>> -> memref<1x16x2x128xi32, #tpu.memory_space<hbm>>
        %dma_wait3A_270 = tpu.memref_squeeze %dma_wait3A_269 : memref<1x16x2x128xi32, #tpu.memory_space<hbm>> -> memref<16x2x128xi32, #tpu.memory_space<hbm>>
        %dma_wait3A_271 = arith.constant 0 : i32
        %dma_wait3A_272 = arith.constant 0 : i32
        %dma_wait3A_273 = tpu.memref_slice %arg4[%arg1, %mul3A_248, %dma_wait3A_271, %dma_wait3A_272] : memref<16x80x2x128xi32, #tpu.memory_space<hbm>> -> memref<1x16x2x128xi32, #tpu.memory_space<hbm>>
        %dma_wait3A_274 = tpu.memref_squeeze %dma_wait3A_273 : memref<1x16x2x128xi32, #tpu.memory_space<hbm>> -> memref<16x2x128xi32, #tpu.memory_space<hbm>>
        tpu.wait_dma2 semaphore(%arg12 : memref<!tpu.dma_semaphore, #tpu.memory_space<semaphore_mem>>) src(%dma_wait3A_274 : memref<16x2x128xi32, #tpu.memory_space<hbm>>) dst(%arg7 : memref<16x2x128xi32, #tpu.memory_space<vmem>>)
        %dma_wait3A_275 = arith.constant 0 : i32
        %dma_wait3A_276 = arith.constant 0 : i32
        %dma_wait3A_277 = tpu.memref_slice %arg5[%arg1, %mul3A_258, %dma_wait3A_275, %dma_wait3A_276] : memref<16x80x2x128xi32, #tpu.memory_space<hbm>> -> memref<1x16x2x128xi32, #tpu.memory_space<hbm>>
        %dma_wait3A_278 = tpu.memref_squeeze %dma_wait3A_277 : memref<1x16x2x128xi32, #tpu.memory_space<hbm>> -> memref<16x2x128xi32, #tpu.memory_space<hbm>>
        %dma_wait3A_279 = arith.constant 0 : i32
        %dma_wait3A_280 = arith.constant 0 : i32
        %dma_wait3A_281 = tpu.memref_slice %arg5[%arg1, %mul3A_258, %dma_wait3A_279, %dma_wait3A_280] : memref<16x80x2x128xi32, #tpu.memory_space<hbm>> -> memref<1x16x2x128xi32, #tpu.memory_space<hbm>>
        %dma_wait3A_282 = tpu.memref_squeeze %dma_wait3A_281 : memref<1x16x2x128xi32, #tpu.memory_space<hbm>> -> memref<16x2x128xi32, #tpu.memory_space<hbm>>
        tpu.wait_dma2 semaphore(%arg13 : memref<!tpu.dma_semaphore, #tpu.memory_space<semaphore_mem>>) src(%dma_wait3A_282 : memref<16x2x128xi32, #tpu.memory_space<hbm>>) dst(%arg8 : memref<16x2x128xi32, #tpu.memory_space<vmem>>)
        %scan3A_283 = arith.constant 0 : i32
        %scan3A_284 = arith.constant 0 : i32
        %scan3A_285 = arith.constant 16 : i32
        %scan3A_286 = arith.addi %scan3A_284, %scan3A_285 : i32
        %scan3A_287 = arith.constant 1 : i32
        %scan3A_288 = scf.for %scan3A_290 = %scan3A_284 to %scan3A_286 step %scan3A_287 iter_args(%scan3A_291 = %scan3A_283) -> (i32)  : i32 {
          %dma_start3A_292 = arith.constant 0 : i32
          %dma_start3A_293 = arith.constant 0 : i32
          %dma_start3A_294 = arith.constant 0 : i32
          %dma_start3A_295 = arith.constant 0 : i32
          %dma_start3A_296 = tpu.memref_slice %arg9[%dma_start3A_293, %dma_start3A_294, %dma_start3A_295] : memref<2x128x128xf32, #tpu.memory_space<vmem>> -> memref<1x128x128xf32, #tpu.memory_space<vmem>>
          %dma_start3A_297 = tpu.memref_squeeze %dma_start3A_296 : memref<1x128x128xf32, #tpu.memory_space<vmem>> -> memref<128x128xf32, #tpu.memory_space<vmem>>
          %dma_start3A_298 = arith.constant 0 : i32
          %dma_start3A_299 = tpu.memref_slice %arg7[%scan3A_290, %dma_start3A_292, %dma_start3A_298] : memref<16x2x128xi32, #tpu.memory_space<vmem>> -> memref<1x1x128xi32, #tpu.memory_space<vmem>>
          %dma_start3A_300 = tpu.memref_squeeze %dma_start3A_299 : memref<1x1x128xi32, #tpu.memory_space<vmem>> -> memref<128xi32, #tpu.memory_space<vmem>>
          %dma_start3A_301 = arith.constant 0 : i32
          %dma_start3A_302 = arith.constant 0 : i32
          %dma_start3A_303 = tpu.memref_slice %arg2[%dma_start3A_301, %dma_start3A_302] : memref<10240x128xf32, #tpu.memory_space<hbm>> -> memref<10240x128xf32, #tpu.memory_space<hbm>>
          tpu.enqueue_indirect_dma source(%dma_start3A_303 : memref<10240x128xf32, #tpu.memory_space<hbm>>) target(%dma_start3A_297 : memref<128x128xf32, #tpu.memory_space<vmem>>) offsets(%dma_start3A_300 : memref<128xi32, #tpu.memory_space<vmem>>) semaphore(%arg12 : memref<!tpu.dma_semaphore, #tpu.memory_space<semaphore_mem>>)
          %dma_start3A_304 = arith.constant 1 : i32
          %dma_start3A_305 = arith.constant 1 : i32
          %dma_start3A_306 = arith.constant 0 : i32
          %dma_start3A_307 = arith.constant 0 : i32
          %dma_start3A_308 = tpu.memref_slice %arg9[%dma_start3A_305, %dma_start3A_306, %dma_start3A_307] : memref<2x128x128xf32, #tpu.memory_space<vmem>> -> memref<1x128x128xf32, #tpu.memory_space<vmem>>
          %dma_start3A_309 = tpu.memref_squeeze %dma_start3A_308 : memref<1x128x128xf32, #tpu.memory_space<vmem>> -> memref<128x128xf32, #tpu.memory_space<vmem>>
          %dma_start3A_310 = arith.constant 0 : i32
          %dma_start3A_311 = tpu.memref_slice %arg7[%scan3A_290, %dma_start3A_304, %dma_start3A_310] : memref<16x2x128xi32, #tpu.memory_space<vmem>> -> memref<1x1x128xi32, #tpu.memory_space<vmem>>
          %dma_start3A_312 = tpu.memref_squeeze %dma_start3A_311 : memref<1x1x128xi32, #tpu.memory_space<vmem>> -> memref<128xi32, #tpu.memory_space<vmem>>
          %dma_start3A_313 = arith.constant 0 : i32
          %dma_start3A_314 = arith.constant 0 : i32
          %dma_start3A_315 = tpu.memref_slice %arg2[%dma_start3A_313, %dma_start3A_314] : memref<10240x128xf32, #tpu.memory_space<hbm>> -> memref<10240x128xf32, #tpu.memory_space<hbm>>
          tpu.enqueue_indirect_dma source(%dma_start3A_315 : memref<10240x128xf32, #tpu.memory_space<hbm>>) target(%dma_start3A_309 : memref<128x128xf32, #tpu.memory_space<vmem>>) offsets(%dma_start3A_312 : memref<128xi32, #tpu.memory_space<vmem>>) semaphore(%arg13 : memref<!tpu.dma_semaphore, #tpu.memory_space<semaphore_mem>>)
          %dma_wait3A_316 = arith.constant 0 : i32
          %dma_wait3A_317 = arith.constant 0 : i32
          "tpu.trace_start"() <{level = 10 : i32, message = "gwait"}> : () -> ()
          %dma_wait3A_318 = arith.constant 0 : i32
          %dma_wait3A_319 = arith.constant 0 : i32
          %dma_wait3A_320 = tpu.memref_slice %arg9[%dma_wait3A_317, %dma_wait3A_318, %dma_wait3A_319] : memref<2x128x128xf32, #tpu.memory_space<vmem>> -> memref<1x128x128xf32, #tpu.memory_space<vmem>>
          %dma_wait3A_321 = tpu.memref_squeeze %dma_wait3A_320 : memref<1x128x128xf32, #tpu.memory_space<vmem>> -> memref<128x128xf32, #tpu.memory_space<vmem>>
          %dma_wait3A_322 = arith.constant 0 : i32
          %dma_wait3A_323 = tpu.memref_slice %arg7[%scan3A_290, %dma_wait3A_316, %dma_wait3A_322] : memref<16x2x128xi32, #tpu.memory_space<vmem>> -> memref<1x1x128xi32, #tpu.memory_space<vmem>>
          %dma_wait3A_324 = tpu.memref_squeeze %dma_wait3A_323 : memref<1x1x128xi32, #tpu.memory_space<vmem>> -> memref<128xi32, #tpu.memory_space<vmem>>
          %dma_wait3A_325 = arith.constant 0 : i32
          %dma_wait3A_326 = arith.constant 0 : i32
          %dma_wait3A_327 = tpu.memref_slice %arg2[%dma_wait3A_325, %dma_wait3A_326] : memref<10240x128xf32, #tpu.memory_space<hbm>> -> memref<10240x128xf32, #tpu.memory_space<hbm>>
          tpu.wait_indirect_dma semaphore(%arg12 : memref<!tpu.dma_semaphore, #tpu.memory_space<semaphore_mem>>) src(%dma_wait3A_327 : memref<10240x128xf32, #tpu.memory_space<hbm>>) dst(%dma_wait3A_321 : memref<128x128xf32, #tpu.memory_space<vmem>>)
          %dma_wait3A_328 = arith.constant 1 : i32
          %dma_wait3A_329 = arith.constant 1 : i32
          %dma_wait3A_330 = arith.constant 0 : i32
          %dma_wait3A_331 = arith.constant 0 : i32
          %dma_wait3A_332 = tpu.memref_slice %arg9[%dma_wait3A_329, %dma_wait3A_330, %dma_wait3A_331] : memref<2x128x128xf32, #tpu.memory_space<vmem>> -> memref<1x128x128xf32, #tpu.memory_space<vmem>>
          %dma_wait3A_333 = tpu.memref_squeeze %dma_wait3A_332 : memref<1x128x128xf32, #tpu.memory_space<vmem>> -> memref<128x128xf32, #tpu.memory_space<vmem>>
          %dma_wait3A_334 = arith.constant 0 : i32
          %dma_wait3A_335 = tpu.memref_slice %arg7[%scan3A_290, %dma_wait3A_328, %dma_wait3A_334] : memref<16x2x128xi32, #tpu.memory_space<vmem>> -> memref<1x1x128xi32, #tpu.memory_space<vmem>>
          %dma_wait3A_336 = tpu.memref_squeeze %dma_wait3A_335 : memref<1x1x128xi32, #tpu.memory_space<vmem>> -> memref<128xi32, #tpu.memory_space<vmem>>
          %dma_wait3A_337 = arith.constant 0 : i32
          %dma_wait3A_338 = arith.constant 0 : i32
          %dma_wait3A_339 = tpu.memref_slice %arg2[%dma_wait3A_337, %dma_wait3A_338] : memref<10240x128xf32, #tpu.memory_space<hbm>> -> memref<10240x128xf32, #tpu.memory_space<hbm>>
          tpu.wait_indirect_dma semaphore(%arg13 : memref<!tpu.dma_semaphore, #tpu.memory_space<semaphore_mem>>) src(%dma_wait3A_339 : memref<10240x128xf32, #tpu.memory_space<hbm>>) dst(%dma_wait3A_333 : memref<128x128xf32, #tpu.memory_space<vmem>>)
          %run_scoped3A = arith.constant 0 : i32
          %run_scoped3A_340 = arith.constant 0 : i32
          "tpu.trace_stop"() : () -> ()
          "tpu.trace_start"() <{level = 10 : i32, message = "scat"}> : () -> ()
          "tpu.region"() ({
            %run_scoped3A_344 = tpu.sem_alloc : memref<!tpu.dma_semaphore, #tpu.memory_space<semaphore_mem>>
            %dma_start3A_345 = arith.constant 0 : i32
            %dma_start3A_346 = arith.constant 0 : i32
            %dma_start3A_347 = tpu.memref_slice %arg9[%run_scoped3A, %dma_start3A_345, %dma_start3A_346] : memref<2x128x128xf32, #tpu.memory_space<vmem>> -> memref<1x128x128xf32, #tpu.memory_space<vmem>>
            %dma_start3A_348 = tpu.memref_squeeze %dma_start3A_347 : memref<1x128x128xf32, #tpu.memory_space<vmem>> -> memref<128x128xf32, #tpu.memory_space<vmem>>
            %dma_start3A_349 = arith.constant 0 : i32
            %dma_start3A_350 = tpu.memref_slice %arg8[%scan3A_290, %run_scoped3A_340, %dma_start3A_349] : memref<16x2x128xi32, #tpu.memory_space<vmem>> -> memref<1x1x128xi32, #tpu.memory_space<vmem>>
            %dma_start3A_351 = tpu.memref_squeeze %dma_start3A_350 : memref<1x1x128xi32, #tpu.memory_space<vmem>> -> memref<128xi32, #tpu.memory_space<vmem>>
            %dma_start3A_352 = arith.constant 0 : i32
            %dma_start3A_353 = arith.constant 0 : i32
            %dma_start3A_354 = tpu.memref_slice %arg11[%dma_start3A_352, %dma_start3A_353] : memref<10240x128xf32, #tpu.memory_space<vmem_shared>> -> memref<10240x128xf32, #tpu.memory_space<vmem_shared>>
            tpu.enqueue_indirect_dma source(%dma_start3A_348 : memref<128x128xf32, #tpu.memory_space<vmem>>) target(%dma_start3A_354 : memref<10240x128xf32, #tpu.memory_space<vmem_shared>>) offsets(%dma_start3A_351 : memref<128xi32, #tpu.memory_space<vmem>>) semaphore(%run_scoped3A_344 : memref<!tpu.dma_semaphore, #tpu.memory_space<semaphore_mem>>) {add = true}
            %dma_wait3A_355 = arith.constant 0 : i32
            %dma_wait3A_356 = arith.constant 0 : i32
            %dma_wait3A_357 = tpu.memref_slice %arg9[%run_scoped3A, %dma_wait3A_355, %dma_wait3A_356] : memref<2x128x128xf32, #tpu.memory_space<vmem>> -> memref<1x128x128xf32, #tpu.memory_space<vmem>>
            %dma_wait3A_358 = tpu.memref_squeeze %dma_wait3A_357 : memref<1x128x128xf32, #tpu.memory_space<vmem>> -> memref<128x128xf32, #tpu.memory_space<vmem>>
            %dma_wait3A_359 = arith.constant 0 : i32
            %dma_wait3A_360 = tpu.memref_slice %arg8[%scan3A_290, %run_scoped3A_340, %dma_wait3A_359] : memref<16x2x128xi32, #tpu.memory_space<vmem>> -> memref<1x1x128xi32, #tpu.memory_space<vmem>>
            %dma_wait3A_361 = tpu.memref_squeeze %dma_wait3A_360 : memref<1x1x128xi32, #tpu.memory_space<vmem>> -> memref<128xi32, #tpu.memory_space<vmem>>
            %dma_wait3A_362 = arith.constant 0 : i32
            %dma_wait3A_363 = arith.constant 0 : i32
            %dma_wait3A_364 = tpu.memref_slice %arg11[%dma_wait3A_362, %dma_wait3A_363] : memref<10240x128xf32, #tpu.memory_space<vmem_shared>> -> memref<10240x128xf32, #tpu.memory_space<vmem_shared>>
            tpu.wait_indirect_dma semaphore(%run_scoped3A_344 : memref<!tpu.dma_semaphore, #tpu.memory_space<semaphore_mem>>) src(%dma_wait3A_358 : memref<128x128xf32, #tpu.memory_space<vmem>>) dst(%dma_wait3A_364 : memref<10240x128xf32, #tpu.memory_space<vmem_shared>>)
            tpu.yield
          }) : () -> ()
          %run_scoped3A_341 = arith.constant 1 : i32
          %run_scoped3A_342 = arith.constant 1 : i32
          "tpu.region"() ({
            %run_scoped3A_344 = tpu.sem_alloc : memref<!tpu.dma_semaphore, #tpu.memory_space<semaphore_mem>>
            %dma_start3A_345 = arith.constant 0 : i32
            %dma_start3A_346 = arith.constant 0 : i32
            %dma_start3A_347 = tpu.memref_slice %arg9[%run_scoped3A_341, %dma_start3A_345, %dma_start3A_346] : memref<2x128x128xf32, #tpu.memory_space<vmem>> -> memref<1x128x128xf32, #tpu.memory_space<vmem>>
            %dma_start3A_348 = tpu.memref_squeeze %dma_start3A_347 : memref<1x128x128xf32, #tpu.memory_space<vmem>> -> memref<128x128xf32, #tpu.memory_space<vmem>>
            %dma_start3A_349 = arith.constant 0 : i32
            %dma_start3A_350 = tpu.memref_slice %arg8[%scan3A_290, %run_scoped3A_342, %dma_start3A_349] : memref<16x2x128xi32, #tpu.memory_space<vmem>> -> memref<1x1x128xi32, #tpu.memory_space<vmem>>
            %dma_start3A_351 = tpu.memref_squeeze %dma_start3A_350 : memref<1x1x128xi32, #tpu.memory_space<vmem>> -> memref<128xi32, #tpu.memory_space<vmem>>
            %dma_start3A_352 = arith.constant 0 : i32
            %dma_start3A_353 = arith.constant 0 : i32
            %dma_start3A_354 = tpu.memref_slice %arg11[%dma_start3A_352, %dma_start3A_353] : memref<10240x128xf32, #tpu.memory_space<vmem_shared>> -> memref<10240x128xf32, #tpu.memory_space<vmem_shared>>
            tpu.enqueue_indirect_dma source(%dma_start3A_348 : memref<128x128xf32, #tpu.memory_space<vmem>>) target(%dma_start3A_354 : memref<10240x128xf32, #tpu.memory_space<vmem_shared>>) offsets(%dma_start3A_351 : memref<128xi32, #tpu.memory_space<vmem>>) semaphore(%run_scoped3A_344 : memref<!tpu.dma_semaphore, #tpu.memory_space<semaphore_mem>>) {add = true}
            %dma_wait3A_355 = arith.constant 0 : i32
            %dma_wait3A_356 = arith.constant 0 : i32
            %dma_wait3A_357 = tpu.memref_slice %arg9[%run_scoped3A_341, %dma_wait3A_355, %dma_wait3A_356] : memref<2x128x128xf32, #tpu.memory_space<vmem>> -> memref<1x128x128xf32, #tpu.memory_space<vmem>>
            %dma_wait3A_358 = tpu.memref_squeeze %dma_wait3A_357 : memref<1x128x128xf32, #tpu.memory_space<vmem>> -> memref<128x128xf32, #tpu.memory_space<vmem>>
            %dma_wait3A_359 = arith.constant 0 : i32
            %dma_wait3A_360 = tpu.memref_slice %arg8[%scan3A_290, %run_scoped3A_342, %dma_wait3A_359] : memref<16x2x128xi32, #tpu.memory_space<vmem>> -> memref<1x1x128xi32, #tpu.memory_space<vmem>>
            %dma_wait3A_361 = tpu.memref_squeeze %dma_wait3A_360 : memref<1x1x128xi32, #tpu.memory_space<vmem>> -> memref<128xi32, #tpu.memory_space<vmem>>
            %dma_wait3A_362 = arith.constant 0 : i32
            %dma_wait3A_363 = arith.constant 0 : i32
            %dma_wait3A_364 = tpu.memref_slice %arg11[%dma_wait3A_362, %dma_wait3A_363] : memref<10240x128xf32, #tpu.memory_space<vmem_shared>> -> memref<10240x128xf32, #tpu.memory_space<vmem_shared>>
            tpu.wait_indirect_dma semaphore(%run_scoped3A_344 : memref<!tpu.dma_semaphore, #tpu.memory_space<semaphore_mem>>) src(%dma_wait3A_358 : memref<128x128xf32, #tpu.memory_space<vmem>>) dst(%dma_wait3A_364 : memref<10240x128xf32, #tpu.memory_space<vmem_shared>>)
            tpu.yield
          }) : () -> ()
          "tpu.trace_stop"() : () -> ()
          %scan3A_343 = arith.constant 0 : i32
          scf.yield %scan3A_343 : i32
        }
        %scan3A_289 = arith.constant 16 : i32
        scf.yield %scan3A_288 : i32
      }
      %scan3A_244 = arith.constant 5 : i32
    } else {
    }
    %eq3A_228 = arith.constant 1 : i32
    %eq3A_229 = arith.cmpi eq, %arg0, %eq3A_228 : i32
    %convert_element_type3A_230 = arith.extui %eq3A_229 : i1 to i32
    %cond3A_231 = arith.constant 0 : i32
    %cond3A_232 = arith.cmpi ne, %convert_element_type3A_230, %cond3A_231 : i32
    scf.if %cond3A_232 {
      %scan3A_238 = arith.constant 0 : i32
      %scan3A_239 = arith.constant 0 : i32
      %scan3A_240 = arith.constant 5 : i32
      %scan3A_241 = arith.addi %scan3A_239, %scan3A_240 : i32
      %scan3A_242 = arith.constant 1 : i32
      %scan3A_243 = scf.for %scan3A_245 = %scan3A_239 to %scan3A_241 step %scan3A_242 iter_args(%scan3A_246 = %scan3A_238) -> (i32)  : i32 {
        %mul3A_247 = arith.constant 16 : i32
        %mul3A_248 = arith.muli %scan3A_245, %mul3A_247 : i32
        %dma_start3A_249 = arith.constant 0 : i32
        %dma_start3A_250 = arith.constant 0 : i32
        %dma_start3A_251 = tpu.memref_slice %arg4[%arg1, %mul3A_248, %dma_start3A_249, %dma_start3A_250] : memref<16x80x2x128xi32, #tpu.memory_space<hbm>> -> memref<1x16x2x128xi32, #tpu.memory_space<hbm>>
        %dma_start3A_252 = tpu.memref_squeeze %dma_start3A_251 : memref<1x16x2x128xi32, #tpu.memory_space<hbm>> -> memref<16x2x128xi32, #tpu.memory_space<hbm>>
        %dma_start3A_253 = arith.constant 0 : i32
        %dma_start3A_254 = arith.constant 0 : i32
        %dma_start3A_255 = tpu.memref_slice %arg4[%arg1, %mul3A_248, %dma_start3A_253, %dma_start3A_254] : memref<16x80x2x128xi32, #tpu.memory_space<hbm>> -> memref<1x16x2x128xi32, #tpu.memory_space<hbm>>
        %dma_start3A_256 = tpu.memref_squeeze %dma_start3A_255 : memref<1x16x2x128xi32, #tpu.memory_space<hbm>> -> memref<16x2x128xi32, #tpu.memory_space<hbm>>
        tpu.enqueue_dma source(%dma_start3A_256 : memref<16x2x128xi32, #tpu.memory_space<hbm>>) target(%arg7 : memref<16x2x128xi32, #tpu.memory_space<vmem>>) target_semaphore(%arg12 : memref<!tpu.dma_semaphore, #tpu.memory_space<semaphore_mem>>)
        %mul3A_257 = arith.constant 16 : i32
        %mul3A_258 = arith.muli %scan3A_245, %mul3A_257 : i32
        %dma_start3A_259 = arith.constant 0 : i32
        %dma_start3A_260 = arith.constant 0 : i32
        %dma_start3A_261 = tpu.memref_slice %arg5[%arg1, %mul3A_258, %dma_start3A_259, %dma_start3A_260] : memref<16x80x2x128xi32, #tpu.memory_space<hbm>> -> memref<1x16x2x128xi32, #tpu.memory_space<hbm>>
        %dma_start3A_262 = tpu.memref_squeeze %dma_start3A_261 : memref<1x16x2x128xi32, #tpu.memory_space<hbm>> -> memref<16x2x128xi32, #tpu.memory_space<hbm>>
        %dma_start3A_263 = arith.constant 0 : i32
        %dma_start3A_264 = arith.constant 0 : i32
        %dma_start3A_265 = tpu.memref_slice %arg5[%arg1, %mul3A_258, %dma_start3A_263, %dma_start3A_264] : memref<16x80x2x128xi32, #tpu.memory_space<hbm>> -> memref<1x16x2x128xi32, #tpu.memory_space<hbm>>
        %dma_start3A_266 = tpu.memref_squeeze %dma_start3A_265 : memref<1x16x2x128xi32, #tpu.memory_space<hbm>> -> memref<16x2x128xi32, #tpu.memory_space<hbm>>
        tpu.enqueue_dma source(%dma_start3A_266 : memref<16x2x128xi32, #tpu.memory_space<hbm>>) target(%arg8 : memref<16x2x128xi32, #tpu.memory_space<vmem>>) target_semaphore(%arg13 : memref<!tpu.dma_semaphore, #tpu.memory_space<semaphore_mem>>)
        %dma_wait3A_267 = arith.constant 0 : i32
        %dma_wait3A_268 = arith.constant 0 : i32
        %dma_wait3A_269 = tpu.memref_slice %arg4[%arg1, %mul3A_248, %dma_wait3A_267, %dma_wait3A_268] : memref<16x80x2x128xi32, #tpu.memory_space<hbm>> -> memref<1x16x2x128xi32, #tpu.memory_space<hbm>>
        %dma_wait3A_270 = tpu.memref_squeeze %dma_wait3A_269 : memref<1x16x2x128xi32, #tpu.memory_space<hbm>> -> memref<16x2x128xi32, #tpu.memory_space<hbm>>
        %dma_wait3A_271 = arith.constant 0 : i32
        %dma_wait3A_272 = arith.constant 0 : i32
        %dma_wait3A_273 = tpu.memref_slice %arg4[%arg1, %mul3A_248, %dma_wait3A_271, %dma_wait3A_272] : memref<16x80x2x128xi32, #tpu.memory_space<hbm>> -> memref<1x16x2x128xi32, #tpu.memory_space<hbm>>
        %dma_wait3A_274 = tpu.memref_squeeze %dma_wait3A_273 : memref<1x16x2x128xi32, #tpu.memory_space<hbm>> -> memref<16x2x128xi32, #tpu.memory_space<hbm>>
        tpu.wait_dma2 semaphore(%arg12 : memref<!tpu.dma_semaphore, #tpu.memory_space<semaphore_mem>>) src(%dma_wait3A_274 : memref<16x2x128xi32, #tpu.memory_space<hbm>>) dst(%arg7 : memref<16x2x128xi32, #tpu.memory_space<vmem>>)
        %dma_wait3A_275 = arith.constant 0 : i32
        %dma_wait3A_276 = arith.constant 0 : i32
        %dma_wait3A_277 = tpu.memref_slice %arg5[%arg1, %mul3A_258, %dma_wait3A_275, %dma_wait3A_276] : memref<16x80x2x128xi32, #tpu.memory_space<hbm>> -> memref<1x16x2x128xi32, #tpu.memory_space<hbm>>
        %dma_wait3A_278 = tpu.memref_squeeze %dma_wait3A_277 : memref<1x16x2x128xi32, #tpu.memory_space<hbm>> -> memref<16x2x128xi32, #tpu.memory_space<hbm>>
        %dma_wait3A_279 = arith.constant 0 : i32
        %dma_wait3A_280 = arith.constant 0 : i32
        %dma_wait3A_281 = tpu.memref_slice %arg5[%arg1, %mul3A_258, %dma_wait3A_279, %dma_wait3A_280] : memref<16x80x2x128xi32, #tpu.memory_space<hbm>> -> memref<1x16x2x128xi32, #tpu.memory_space<hbm>>
        %dma_wait3A_282 = tpu.memref_squeeze %dma_wait3A_281 : memref<1x16x2x128xi32, #tpu.memory_space<hbm>> -> memref<16x2x128xi32, #tpu.memory_space<hbm>>
        tpu.wait_dma2 semaphore(%arg13 : memref<!tpu.dma_semaphore, #tpu.memory_space<semaphore_mem>>) src(%dma_wait3A_282 : memref<16x2x128xi32, #tpu.memory_space<hbm>>) dst(%arg8 : memref<16x2x128xi32, #tpu.memory_space<vmem>>)
        %scan3A_283 = arith.constant 0 : i32
        %scan3A_284 = arith.constant 0 : i32
        %scan3A_285 = arith.constant 16 : i32
        %scan3A_286 = arith.addi %scan3A_284, %scan3A_285 : i32
        %scan3A_287 = arith.constant 1 : i32
        %scan3A_288 = scf.for %scan3A_290 = %scan3A_284 to %scan3A_286 step %scan3A_287 iter_args(%scan3A_291 = %scan3A_283) -> (i32)  : i32 {
          %dma_start3A_292 = arith.constant 0 : i32
          %dma_start3A_293 = arith.constant 0 : i32
          %dma_start3A_294 = arith.constant 0 : i32
          %dma_start3A_295 = arith.constant 0 : i32
          %dma_start3A_296 = tpu.memref_slice %arg9[%dma_start3A_293, %dma_start3A_294, %dma_start3A_295] : memref<2x128x128xf32, #tpu.memory_space<vmem>> -> memref<1x128x128xf32, #tpu.memory_space<vmem>>
          %dma_start3A_297 = tpu.memref_squeeze %dma_start3A_296 : memref<1x128x128xf32, #tpu.memory_space<vmem>> -> memref<128x128xf32, #tpu.memory_space<vmem>>
          %dma_start3A_298 = arith.constant 0 : i32
          %dma_start3A_299 = tpu.memref_slice %arg7[%scan3A_290, %dma_start3A_292, %dma_start3A_298] : memref<16x2x128xi32, #tpu.memory_space<vmem>> -> memref<1x1x128xi32, #tpu.memory_space<vmem>>
          %dma_start3A_300 = tpu.memref_squeeze %dma_start3A_299 : memref<1x1x128xi32, #tpu.memory_space<vmem>> -> memref<128xi32, #tpu.memory_space<vmem>>
          %dma_start3A_301 = arith.constant 0 : i32
          %dma_start3A_302 = arith.constant 0 : i32
          %dma_start3A_303 = tpu.memref_slice %arg3[%dma_start3A_301, %dma_start3A_302] : memref<10240x128xf32, #tpu.memory_space<hbm>> -> memref<10240x128xf32, #tpu.memory_space<hbm>>
          tpu.enqueue_indirect_dma source(%dma_start3A_303 : memref<10240x128xf32, #tpu.memory_space<hbm>>) target(%dma_start3A_297 : memref<128x128xf32, #tpu.memory_space<vmem>>) offsets(%dma_start3A_300 : memref<128xi32, #tpu.memory_space<vmem>>) semaphore(%arg12 : memref<!tpu.dma_semaphore, #tpu.memory_space<semaphore_mem>>)
          %dma_start3A_304 = arith.constant 1 : i32
          %dma_start3A_305 = arith.constant 1 : i32
          %dma_start3A_306 = arith.constant 0 : i32
          %dma_start3A_307 = arith.constant 0 : i32
          %dma_start3A_308 = tpu.memref_slice %arg9[%dma_start3A_305, %dma_start3A_306, %dma_start3A_307] : memref<2x128x128xf32, #tpu.memory_space<vmem>> -> memref<1x128x128xf32, #tpu.memory_space<vmem>>
          %dma_start3A_309 = tpu.memref_squeeze %dma_start3A_308 : memref<1x128x128xf32, #tpu.memory_space<vmem>> -> memref<128x128xf32, #tpu.memory_space<vmem>>
          %dma_start3A_310 = arith.constant 0 : i32
          %dma_start3A_311 = tpu.memref_slice %arg7[%scan3A_290, %dma_start3A_304, %dma_start3A_310] : memref<16x2x128xi32, #tpu.memory_space<vmem>> -> memref<1x1x128xi32, #tpu.memory_space<vmem>>
          %dma_start3A_312 = tpu.memref_squeeze %dma_start3A_311 : memref<1x1x128xi32, #tpu.memory_space<vmem>> -> memref<128xi32, #tpu.memory_space<vmem>>
          %dma_start3A_313 = arith.constant 0 : i32
          %dma_start3A_314 = arith.constant 0 : i32
          %dma_start3A_315 = tpu.memref_slice %arg3[%dma_start3A_313, %dma_start3A_314] : memref<10240x128xf32, #tpu.memory_space<hbm>> -> memref<10240x128xf32, #tpu.memory_space<hbm>>
          tpu.enqueue_indirect_dma source(%dma_start3A_315 : memref<10240x128xf32, #tpu.memory_space<hbm>>) target(%dma_start3A_309 : memref<128x128xf32, #tpu.memory_space<vmem>>) offsets(%dma_start3A_312 : memref<128xi32, #tpu.memory_space<vmem>>) semaphore(%arg13 : memref<!tpu.dma_semaphore, #tpu.memory_space<semaphore_mem>>)
          %dma_wait3A_316 = arith.constant 0 : i32
          %dma_wait3A_317 = arith.constant 0 : i32
          "tpu.trace_start"() <{level = 10 : i32, message = "gwait"}> : () -> ()
          %dma_wait3A_318 = arith.constant 0 : i32
          %dma_wait3A_319 = arith.constant 0 : i32
          %dma_wait3A_320 = tpu.memref_slice %arg9[%dma_wait3A_317, %dma_wait3A_318, %dma_wait3A_319] : memref<2x128x128xf32, #tpu.memory_space<vmem>> -> memref<1x128x128xf32, #tpu.memory_space<vmem>>
          %dma_wait3A_321 = tpu.memref_squeeze %dma_wait3A_320 : memref<1x128x128xf32, #tpu.memory_space<vmem>> -> memref<128x128xf32, #tpu.memory_space<vmem>>
          %dma_wait3A_322 = arith.constant 0 : i32
          %dma_wait3A_323 = tpu.memref_slice %arg7[%scan3A_290, %dma_wait3A_316, %dma_wait3A_322] : memref<16x2x128xi32, #tpu.memory_space<vmem>> -> memref<1x1x128xi32, #tpu.memory_space<vmem>>
          %dma_wait3A_324 = tpu.memref_squeeze %dma_wait3A_323 : memref<1x1x128xi32, #tpu.memory_space<vmem>> -> memref<128xi32, #tpu.memory_space<vmem>>
          %dma_wait3A_325 = arith.constant 0 : i32
          %dma_wait3A_326 = arith.constant 0 : i32
          %dma_wait3A_327 = tpu.memref_slice %arg3[%dma_wait3A_325, %dma_wait3A_326] : memref<10240x128xf32, #tpu.memory_space<hbm>> -> memref<10240x128xf32, #tpu.memory_space<hbm>>
          tpu.wait_indirect_dma semaphore(%arg12 : memref<!tpu.dma_semaphore, #tpu.memory_space<semaphore_mem>>) src(%dma_wait3A_327 : memref<10240x128xf32, #tpu.memory_space<hbm>>) dst(%dma_wait3A_321 : memref<128x128xf32, #tpu.memory_space<vmem>>)
          %dma_wait3A_328 = arith.constant 1 : i32
          %dma_wait3A_329 = arith.constant 1 : i32
          %dma_wait3A_330 = arith.constant 0 : i32
          %dma_wait3A_331 = arith.constant 0 : i32
          %dma_wait3A_332 = tpu.memref_slice %arg9[%dma_wait3A_329, %dma_wait3A_330, %dma_wait3A_331] : memref<2x128x128xf32, #tpu.memory_space<vmem>> -> memref<1x128x128xf32, #tpu.memory_space<vmem>>
          %dma_wait3A_333 = tpu.memref_squeeze %dma_wait3A_332 : memref<1x128x128xf32, #tpu.memory_space<vmem>> -> memref<128x128xf32, #tpu.memory_space<vmem>>
          %dma_wait3A_334 = arith.constant 0 : i32
          %dma_wait3A_335 = tpu.memref_slice %arg7[%scan3A_290, %dma_wait3A_328, %dma_wait3A_334] : memref<16x2x128xi32, #tpu.memory_space<vmem>> -> memref<1x1x128xi32, #tpu.memory_space<vmem>>
          %dma_wait3A_336 = tpu.memref_squeeze %dma_wait3A_335 : memref<1x1x128xi32, #tpu.memory_space<vmem>> -> memref<128xi32, #tpu.memory_space<vmem>>
          %dma_wait3A_337 = arith.constant 0 : i32
          %dma_wait3A_338 = arith.constant 0 : i32
          %dma_wait3A_339 = tpu.memref_slice %arg3[%dma_wait3A_337, %dma_wait3A_338] : memref<10240x128xf32, #tpu.memory_space<hbm>> -> memref<10240x128xf32, #tpu.memory_space<hbm>>
          tpu.wait_indirect_dma semaphore(%arg13 : memref<!tpu.dma_semaphore, #tpu.memory_space<semaphore_mem>>) src(%dma_wait3A_339 : memref<10240x128xf32, #tpu.memory_space<hbm>>) dst(%dma_wait3A_333 : memref<128x128xf32, #tpu.memory_space<vmem>>)
          %run_scoped3A = arith.constant 0 : i32
          %run_scoped3A_340 = arith.constant 0 : i32
          "tpu.trace_stop"() : () -> ()
          "tpu.trace_start"() <{level = 10 : i32, message = "scat"}> : () -> ()
          "tpu.region"() ({
            %run_scoped3A_344 = tpu.sem_alloc : memref<!tpu.dma_semaphore, #tpu.memory_space<semaphore_mem>>
            %dma_start3A_345 = arith.constant 0 : i32
            %dma_start3A_346 = arith.constant 0 : i32
            %dma_start3A_347 = tpu.memref_slice %arg9[%run_scoped3A, %dma_start3A_345, %dma_start3A_346] : memref<2x128x128xf32, #tpu.memory_space<vmem>> -> memref<1x128x128xf32, #tpu.memory_space<vmem>>
            %dma_start3A_348 = tpu.memref_squeeze %dma_start3A_347 : memref<1x128x128xf32, #tpu.memory_space<vmem>> -> memref<128x128xf32, #tpu.memory_space<vmem>>
            %dma_start3A_349 = arith.constant 0 : i32
            %dma_start3A_350 = tpu.memref_slice %arg8[%scan3A_290, %run_scoped3A_340, %dma_start3A_349] : memref<16x2x128xi32, #tpu.memory_space<vmem>> -> memref<1x1x128xi32, #tpu.memory_space<vmem>>
            %dma_start3A_351 = tpu.memref_squeeze %dma_start3A_350 : memref<1x1x128xi32, #tpu.memory_space<vmem>> -> memref<128xi32, #tpu.memory_space<vmem>>
            %dma_start3A_352 = arith.constant 0 : i32
            %dma_start3A_353 = arith.constant 0 : i32
            %dma_start3A_354 = tpu.memref_slice %arg11[%dma_start3A_352, %dma_start3A_353] : memref<10240x128xf32, #tpu.memory_space<vmem_shared>> -> memref<10240x128xf32, #tpu.memory_space<vmem_shared>>
            tpu.enqueue_indirect_dma source(%dma_start3A_348 : memref<128x128xf32, #tpu.memory_space<vmem>>) target(%dma_start3A_354 : memref<10240x128xf32, #tpu.memory_space<vmem_shared>>) offsets(%dma_start3A_351 : memref<128xi32, #tpu.memory_space<vmem>>) semaphore(%run_scoped3A_344 : memref<!tpu.dma_semaphore, #tpu.memory_space<semaphore_mem>>) {add = true}
            %dma_wait3A_355 = arith.constant 0 : i32
            %dma_wait3A_356 = arith.constant 0 : i32
            %dma_wait3A_357 = tpu.memref_slice %arg9[%run_scoped3A, %dma_wait3A_355, %dma_wait3A_356] : memref<2x128x128xf32, #tpu.memory_space<vmem>> -> memref<1x128x128xf32, #tpu.memory_space<vmem>>
            %dma_wait3A_358 = tpu.memref_squeeze %dma_wait3A_357 : memref<1x128x128xf32, #tpu.memory_space<vmem>> -> memref<128x128xf32, #tpu.memory_space<vmem>>
            %dma_wait3A_359 = arith.constant 0 : i32
            %dma_wait3A_360 = tpu.memref_slice %arg8[%scan3A_290, %run_scoped3A_340, %dma_wait3A_359] : memref<16x2x128xi32, #tpu.memory_space<vmem>> -> memref<1x1x128xi32, #tpu.memory_space<vmem>>
            %dma_wait3A_361 = tpu.memref_squeeze %dma_wait3A_360 : memref<1x1x128xi32, #tpu.memory_space<vmem>> -> memref<128xi32, #tpu.memory_space<vmem>>
            %dma_wait3A_362 = arith.constant 0 : i32
            %dma_wait3A_363 = arith.constant 0 : i32
            %dma_wait3A_364 = tpu.memref_slice %arg11[%dma_wait3A_362, %dma_wait3A_363] : memref<10240x128xf32, #tpu.memory_space<vmem_shared>> -> memref<10240x128xf32, #tpu.memory_space<vmem_shared>>
            tpu.wait_indirect_dma semaphore(%run_scoped3A_344 : memref<!tpu.dma_semaphore, #tpu.memory_space<semaphore_mem>>) src(%dma_wait3A_358 : memref<128x128xf32, #tpu.memory_space<vmem>>) dst(%dma_wait3A_364 : memref<10240x128xf32, #tpu.memory_space<vmem_shared>>)
            tpu.yield
          }) : () -> ()
          %run_scoped3A_341 = arith.constant 1 : i32
          %run_scoped3A_342 = arith.constant 1 : i32
          "tpu.region"() ({
            %run_scoped3A_344 = tpu.sem_alloc : memref<!tpu.dma_semaphore, #tpu.memory_space<semaphore_mem>>
            %dma_start3A_345 = arith.constant 0 : i32
            %dma_start3A_346 = arith.constant 0 : i32
            %dma_start3A_347 = tpu.memref_slice %arg9[%run_scoped3A_341, %dma_start3A_345, %dma_start3A_346] : memref<2x128x128xf32, #tpu.memory_space<vmem>> -> memref<1x128x128xf32, #tpu.memory_space<vmem>>
            %dma_start3A_348 = tpu.memref_squeeze %dma_start3A_347 : memref<1x128x128xf32, #tpu.memory_space<vmem>> -> memref<128x128xf32, #tpu.memory_space<vmem>>
            %dma_start3A_349 = arith.constant 0 : i32
            %dma_start3A_350 = tpu.memref_slice %arg8[%scan3A_290, %run_scoped3A_342, %dma_start3A_349] : memref<16x2x128xi32, #tpu.memory_space<vmem>> -> memref<1x1x128xi32, #tpu.memory_space<vmem>>
            %dma_start3A_351 = tpu.memref_squeeze %dma_start3A_350 : memref<1x1x128xi32, #tpu.memory_space<vmem>> -> memref<128xi32, #tpu.memory_space<vmem>>
            %dma_start3A_352 = arith.constant 0 : i32
            %dma_start3A_353 = arith.constant 0 : i32
            %dma_start3A_354 = tpu.memref_slice %arg11[%dma_start3A_352, %dma_start3A_353] : memref<10240x128xf32, #tpu.memory_space<vmem_shared>> -> memref<10240x128xf32, #tpu.memory_space<vmem_shared>>
            tpu.enqueue_indirect_dma source(%dma_start3A_348 : memref<128x128xf32, #tpu.memory_space<vmem>>) target(%dma_start3A_354 : memref<10240x128xf32, #tpu.memory_space<vmem_shared>>) offsets(%dma_start3A_351 : memref<128xi32, #tpu.memory_space<vmem>>) semaphore(%run_scoped3A_344 : memref<!tpu.dma_semaphore, #tpu.memory_space<semaphore_mem>>) {add = true}
            %dma_wait3A_355 = arith.constant 0 : i32
            %dma_wait3A_356 = arith.constant 0 : i32
            %dma_wait3A_357 = tpu.memref_slice %arg9[%run_scoped3A_341, %dma_wait3A_355, %dma_wait3A_356] : memref<2x128x128xf32, #tpu.memory_space<vmem>> -> memref<1x128x128xf32, #tpu.memory_space<vmem>>
            %dma_wait3A_358 = tpu.memref_squeeze %dma_wait3A_357 : memref<1x128x128xf32, #tpu.memory_space<vmem>> -> memref<128x128xf32, #tpu.memory_space<vmem>>
            %dma_wait3A_359 = arith.constant 0 : i32
            %dma_wait3A_360 = tpu.memref_slice %arg8[%scan3A_290, %run_scoped3A_342, %dma_wait3A_359] : memref<16x2x128xi32, #tpu.memory_space<vmem>> -> memref<1x1x128xi32, #tpu.memory_space<vmem>>
            %dma_wait3A_361 = tpu.memref_squeeze %dma_wait3A_360 : memref<1x1x128xi32, #tpu.memory_space<vmem>> -> memref<128xi32, #tpu.memory_space<vmem>>
            %dma_wait3A_362 = arith.constant 0 : i32
            %dma_wait3A_363 = arith.constant 0 : i32
            %dma_wait3A_364 = tpu.memref_slice %arg11[%dma_wait3A_362, %dma_wait3A_363] : memref<10240x128xf32, #tpu.memory_space<vmem_shared>> -> memref<10240x128xf32, #tpu.memory_space<vmem_shared>>
            tpu.wait_indirect_dma semaphore(%run_scoped3A_344 : memref<!tpu.dma_semaphore, #tpu.memory_space<semaphore_mem>>) src(%dma_wait3A_358 : memref<128x128xf32, #tpu.memory_space<vmem>>) dst(%dma_wait3A_364 : memref<10240x128xf32, #tpu.memory_space<vmem_shared>>)
            tpu.yield
          }) : () -> ()
          "tpu.trace_stop"() : () -> ()
          %scan3A_343 = arith.constant 0 : i32
          scf.yield %scan3A_343 : i32
        }
        %scan3A_289 = arith.constant 16 : i32
        scf.yield %scan3A_288 : i32
      }
      %scan3A_244 = arith.constant 5 : i32
    } else {
    }
    %barrier3A_233 = arith.constant 0 : index
    tpu.barrier barrier_id(%barrier3A_233)
    %mul3A_234 = arith.constant 640 : i32
    %mul3A_235 = arith.muli %arg1, %mul3A_234 : i32
    %mul3A_236 = arith.constant 640 : i32
    %mul3A_237 = arith.muli %arg1, %mul3A_236 : i32
    "tpu.region"() ({
      %run_scoped3A = tpu.sem_alloc : memref<!tpu.dma_semaphore, #tpu.memory_space<semaphore_mem>>
      %dma_start3A_238 = arith.constant 0 : i32
      %dma_start3A_239 = tpu.memref_slice %arg6[%arg0, %mul3A_237, %dma_start3A_238] : memref<2x10240x128xf32, #tpu.memory_space<hbm>> -> memref<1x640x128xf32, #tpu.memory_space<hbm>>
      %dma_start3A_240 = tpu.memref_squeeze %dma_start3A_239 : memref<1x640x128xf32, #tpu.memory_space<hbm>> -> memref<640x128xf32, #tpu.memory_space<hbm>>
      %dma_start3A_241 = arith.constant 0 : i32
      %dma_start3A_242 = tpu.memref_slice %arg11[%mul3A_235, %dma_start3A_241] : memref<10240x128xf32, #tpu.memory_space<vmem_shared>> -> memref<640x128xf32, #tpu.memory_space<vmem_shared>>
      tpu.enqueue_dma source(%dma_start3A_242 : memref<640x128xf32, #tpu.memory_space<vmem_shared>>) target(%dma_start3A_240 : memref<640x128xf32, #tpu.memory_space<hbm>>) target_semaphore(%run_scoped3A : memref<!tpu.dma_semaphore, #tpu.memory_space<semaphore_mem>>)
      %dma_wait3A_243 = arith.constant 0 : i32
      %dma_wait3A_244 = tpu.memref_slice %arg6[%arg0, %mul3A_237, %dma_wait3A_243] : memref<2x10240x128xf32, #tpu.memory_space<hbm>> -> memref<1x640x128xf32, #tpu.memory_space<hbm>>
      %dma_wait3A_245 = tpu.memref_squeeze %dma_wait3A_244 : memref<1x640x128xf32, #tpu.memory_space<hbm>> -> memref<640x128xf32, #tpu.memory_space<hbm>>
      %dma_wait3A_246 = arith.constant 0 : i32
      %dma_wait3A_247 = tpu.memref_slice %arg11[%mul3A_235, %dma_wait3A_246] : memref<10240x128xf32, #tpu.memory_space<vmem_shared>> -> memref<640x128xf32, #tpu.memory_space<vmem_shared>>
      tpu.wait_dma2 semaphore(%run_scoped3A : memref<!tpu.dma_semaphore, #tpu.memory_space<semaphore_mem>>) src(%dma_wait3A_247 : memref<640x128xf32, #tpu.memory_space<vmem_shared>>) dst(%dma_wait3A_245 : memref<640x128xf32, #tpu.memory_space<hbm>>)
      tpu.yield
    }) : () -> ()
    return
  }
}

#map = affine_map<(d0, d1) -> (0, 0)>
#map1 = affine_map<(d0, d1) -> (0, 0, 0, 0)>
#map2 = affine_map<(d0, d1) -> (0, 0, 0)>
module attributes {stable_mosaic.version = 14 : i64} {
  func.func @_sc_body(%arg0: i32, %arg1: i32, %arg2: memref<10240x128xf32, #tpu.memory_space<hbm>>, %arg3: memref<10240x128xf32, #tpu.memory_space<hbm>>, %arg4: memref<16x80x2x128xi32, #tpu.memory_space<hbm>>, %arg5: memref<16x80x2x128xi32, #tpu.memory_space<hbm>>, %arg6: memref<2x10240x128xf32, #tpu.memory_space<hbm>>, %arg7: memref<16x2x128xi32, #tpu.memory_space<vmem>>, %arg8: memref<16x2x128xi32, #tpu.memory_space<vmem>>, %arg9: memref<2x128x128xf32, #tpu.memory_space<vmem>>, %arg10: memref<40x128xf32, #tpu.memory_space<vmem>>, %arg11: memref<10240x128xf32, #tpu.memory_space<vmem_shared>>, %arg12: memref<!tpu.dma_semaphore, #tpu.memory_space<semaphore_mem>>, %arg13: memref<!tpu.dma_semaphore, #tpu.memory_space<semaphore_mem>>) attributes {dimension_semantics = [#tpu.dimension_semantics<core_parallel>, #tpu.dimension_semantics<subcore_parallel>], iteration_bounds = array<i64: 2, 16>, scalar_prefetch = 0 : i64, scratch_operands = 7 : i64, tpu.core_type = #tpu.core_type<sc_vector_subcore>, window_params = [{transform_indices = #map}, {transform_indices = #map}, {transform_indices = #map1}, {transform_indices = #map1}, {transform_indices = #map2}]} {
    %scan3A = arith.constant 0 : i32
    %scan3A_0 = arith.constant 0 : i32
    %scan3A_1 = arith.constant 40 : i32
    %scan3A_2 = arith.addi %scan3A_0, %scan3A_1 : i32
    %scan3A_3 = arith.constant 1 : i32
    %scan3A_4 = scf.for %scan3A_238 = %scan3A_0 to %scan3A_2 step %scan3A_3 iter_args(%scan3A_239 = %scan3A) -> (i32)  : i32 {
      %scan3A_240 = arith.constant 0 : i32
      %scan3A_241 = arith.constant 0 : i32
      %scan3A_242 = arith.constant 8 : i32
      %scan3A_243 = arith.addi %scan3A_241, %scan3A_242 : i32
      %scan3A_244 = arith.constant 1 : i32
      %scan3A_245 = scf.for %scan3A_247 = %scan3A_241 to %scan3A_243 step %scan3A_244 iter_args(%scan3A_248 = %scan3A_240) -> (i32)  : i32 {
        %broadcast_in_dim3A = arith.constant 0.000000e+00 : f32
        %broadcast_in_dim3A_249 = vector.broadcast %broadcast_in_dim3A : f32 to vector<16xf32>
        %mul3A_250 = arith.constant 16 : i32
        %mul3A_251 = arith.muli %scan3A_247, %mul3A_250 : i32
        %swap3A = arith.index_cast %scan3A_238 : i32 to index
        %swap3A_252 = arith.index_cast %mul3A_251 : i32 to index
        %swap3A_253 = tpu.vector_load %arg10[%swap3A, %swap3A_252] {strides = array<i32>} : memref<40x128xf32, #tpu.memory_space<vmem>>, vector<1x16xf32>,
        %swap3A_254 = vector.shape_cast %swap3A_253 : vector<1x16xf32> to vector<16xf32>
        %swap3A_255 = vector.shape_cast %broadcast_in_dim3A_249 : vector<16xf32> to vector<1x16xf32>
        tpu.vector_store %arg10[%swap3A, %swap3A_252], %swap3A_255 {strides = array<i32>} : memref<40x128xf32, #tpu.memory_space<vmem>>, vector<1x16xf32>,
        %scan3A_256 = arith.constant 0 : i32
        scf.yield %scan3A_256 : i32
      }
      %scan3A_246 = arith.constant 8 : i32
      scf.yield %scan3A_245 : i32
    }
    %scan3A_5 = arith.constant 40 : i32
    %mul3A = arith.constant 16 : i32
    %mul3A_6 = arith.muli %arg1, %mul3A : i32
    %add3A = arith.constant 0 : i32
    %add3A_7 = arith.addi %mul3A_6, %add3A : i32
    %mul3A_8 = arith.constant 40 : i32
    %mul3A_9 = arith.muli %add3A_7, %mul3A_8 : i32
    %dma_start3A = arith.constant 0 : i32
    %dma_start3A_10 = tpu.memref_slice %arg11[%mul3A_9, %dma_start3A] : memref<10240x128xf32, #tpu.memory_space<vmem_shared>> -> memref<40x128xf32, #tpu.memory_space<vmem_shared>>
    %dma_start3A_11 = arith.constant 0 : i32
    %dma_start3A_12 = tpu.memref_slice %arg11[%mul3A_9, %dma_start3A_11] : memref<10240x128xf32, #tpu.memory_space<vmem_shared>> -> memref<40x128xf32, #tpu.memory_space<vmem_shared>>
    tpu.enqueue_dma source(%arg10 : memref<40x128xf32, #tpu.memory_space<vmem>>) target(%dma_start3A_12 : memref<40x128xf32, #tpu.memory_space<vmem_shared>>) target_semaphore(%arg12 : memref<!tpu.dma_semaphore, #tpu.memory_space<semaphore_mem>>)
    %mul3A_13 = arith.constant 16 : i32
    %mul3A_14 = arith.muli %arg1, %mul3A_13 : i32
    %add3A_15 = arith.constant 1 : i32
    %add3A_16 = arith.addi %mul3A_14, %add3A_15 : i32
    %mul3A_17 = arith.constant 40 : i32
    %mul3A_18 = arith.muli %add3A_16, %mul3A_17 : i32
    %dma_start3A_19 = arith.constant 0 : i32
    %dma_start3A_20 = tpu.memref_slice %arg11[%mul3A_18, %dma_start3A_19] : memref<10240x128xf32, #tpu.memory_space<vmem_shared>> -> memref<40x128xf32, #tpu.memory_space<vmem_shared>>
    %dma_start3A_21 = arith.constant 0 : i32
    %dma_start3A_22 = tpu.memref_slice %arg11[%mul3A_18, %dma_start3A_21] : memref<10240x128xf32, #tpu.memory_space<vmem_shared>> -> memref<40x128xf32, #tpu.memory_space<vmem_shared>>
    tpu.enqueue_dma source(%arg10 : memref<40x128xf32, #tpu.memory_space<vmem>>) target(%dma_start3A_22 : memref<40x128xf32, #tpu.memory_space<vmem_shared>>) target_semaphore(%arg12 : memref<!tpu.dma_semaphore, #tpu.memory_space<semaphore_mem>>)
    %mul3A_23 = arith.constant 16 : i32
    %mul3A_24 = arith.muli %arg1, %mul3A_23 : i32
    %add3A_25 = arith.constant 2 : i32
    %add3A_26 = arith.addi %mul3A_24, %add3A_25 : i32
    %mul3A_27 = arith.constant 40 : i32
    %mul3A_28 = arith.muli %add3A_26, %mul3A_27 : i32
    %dma_start3A_29 = arith.constant 0 : i32
    %dma_start3A_30 = tpu.memref_slice %arg11[%mul3A_28, %dma_start3A_29] : memref<10240x128xf32, #tpu.memory_space<vmem_shared>> -> memref<40x128xf32, #tpu.memory_space<vmem_shared>>
    %dma_start3A_31 = arith.constant 0 : i32
    %dma_start3A_32 = tpu.memref_slice %arg11[%mul3A_28, %dma_start3A_31] : memref<10240x128xf32, #tpu.memory_space<vmem_shared>> -> memref<40x128xf32, #tpu.memory_space<vmem_shared>>
    tpu.enqueue_dma source(%arg10 : memref<40x128xf32, #tpu.memory_space<vmem>>) target(%dma_start3A_32 : memref<40x128xf32, #tpu.memory_space<vmem_shared>>) target_semaphore(%arg12 : memref<!tpu.dma_semaphore, #tpu.memory_space<semaphore_mem>>)
    %mul3A_33 = arith.constant 16 : i32
    %mul3A_34 = arith.muli %arg1, %mul3A_33 : i32
    %add3A_35 = arith.constant 3 : i32
    %add3A_36 = arith.addi %mul3A_34, %add3A_35 : i32
    %mul3A_37 = arith.constant 40 : i32
    %mul3A_38 = arith.muli %add3A_36, %mul3A_37 : i32
    %dma_start3A_39 = arith.constant 0 : i32
    %dma_start3A_40 = tpu.memref_slice %arg11[%mul3A_38, %dma_start3A_39] : memref<10240x128xf32, #tpu.memory_space<vmem_shared>> -> memref<40x128xf32, #tpu.memory_space<vmem_shared>>
    %dma_start3A_41 = arith.constant 0 : i32
    %dma_start3A_42 = tpu.memref_slice %arg11[%mul3A_38, %dma_start3A_41] : memref<10240x128xf32, #tpu.memory_space<vmem_shared>> -> memref<40x128xf32, #tpu.memory_space<vmem_shared>>
    tpu.enqueue_dma source(%arg10 : memref<40x128xf32, #tpu.memory_space<vmem>>) target(%dma_start3A_42 : memref<40x128xf32, #tpu.memory_space<vmem_shared>>) target_semaphore(%arg12 : memref<!tpu.dma_semaphore, #tpu.memory_space<semaphore_mem>>)
    %mul3A_43 = arith.constant 16 : i32
    %mul3A_44 = arith.muli %arg1, %mul3A_43 : i32
    %add3A_45 = arith.constant 4 : i32
    %add3A_46 = arith.addi %mul3A_44, %add3A_45 : i32
    %mul3A_47 = arith.constant 40 : i32
    %mul3A_48 = arith.muli %add3A_46, %mul3A_47 : i32
    %dma_start3A_49 = arith.constant 0 : i32
    %dma_start3A_50 = tpu.memref_slice %arg11[%mul3A_48, %dma_start3A_49] : memref<10240x128xf32, #tpu.memory_space<vmem_shared>> -> memref<40x128xf32, #tpu.memory_space<vmem_shared>>
    %dma_start3A_51 = arith.constant 0 : i32
    %dma_start3A_52 = tpu.memref_slice %arg11[%mul3A_48, %dma_start3A_51] : memref<10240x128xf32, #tpu.memory_space<vmem_shared>> -> memref<40x128xf32, #tpu.memory_space<vmem_shared>>
    tpu.enqueue_dma source(%arg10 : memref<40x128xf32, #tpu.memory_space<vmem>>) target(%dma_start3A_52 : memref<40x128xf32, #tpu.memory_space<vmem_shared>>) target_semaphore(%arg12 : memref<!tpu.dma_semaphore, #tpu.memory_space<semaphore_mem>>)
    %mul3A_53 = arith.constant 16 : i32
    %mul3A_54 = arith.muli %arg1, %mul3A_53 : i32
    %add3A_55 = arith.constant 5 : i32
    %add3A_56 = arith.addi %mul3A_54, %add3A_55 : i32
    %mul3A_57 = arith.constant 40 : i32
    %mul3A_58 = arith.muli %add3A_56, %mul3A_57 : i32
    %dma_start3A_59 = arith.constant 0 : i32
    %dma_start3A_60 = tpu.memref_slice %arg11[%mul3A_58, %dma_start3A_59] : memref<10240x128xf32, #tpu.memory_space<vmem_shared>> -> memref<40x128xf32, #tpu.memory_space<vmem_shared>>
    %dma_start3A_61 = arith.constant 0 : i32
    %dma_start3A_62 = tpu.memref_slice %arg11[%mul3A_58, %dma_start3A_61] : memref<10240x128xf32, #tpu.memory_space<vmem_shared>> -> memref<40x128xf32, #tpu.memory_space<vmem_shared>>
    tpu.enqueue_dma source(%arg10 : memref<40x128xf32, #tpu.memory_space<vmem>>) target(%dma_start3A_62 : memref<40x128xf32, #tpu.memory_space<vmem_shared>>) target_semaphore(%arg12 : memref<!tpu.dma_semaphore, #tpu.memory_space<semaphore_mem>>)
    %mul3A_63 = arith.constant 16 : i32
    %mul3A_64 = arith.muli %arg1, %mul3A_63 : i32
    %add3A_65 = arith.constant 6 : i32
    %add3A_66 = arith.addi %mul3A_64, %add3A_65 : i32
    %mul3A_67 = arith.constant 40 : i32
    %mul3A_68 = arith.muli %add3A_66, %mul3A_67 : i32
    %dma_start3A_69 = arith.constant 0 : i32
    %dma_start3A_70 = tpu.memref_slice %arg11[%mul3A_68, %dma_start3A_69] : memref<10240x128xf32, #tpu.memory_space<vmem_shared>> -> memref<40x128xf32, #tpu.memory_space<vmem_shared>>
    %dma_start3A_71 = arith.constant 0 : i32
    %dma_start3A_72 = tpu.memref_slice %arg11[%mul3A_68, %dma_start3A_71] : memref<10240x128xf32, #tpu.memory_space<vmem_shared>> -> memref<40x128xf32, #tpu.memory_space<vmem_shared>>
    tpu.enqueue_dma source(%arg10 : memref<40x128xf32, #tpu.memory_space<vmem>>) target(%dma_start3A_72 : memref<40x128xf32, #tpu.memory_space<vmem_shared>>) target_semaphore(%arg12 : memref<!tpu.dma_semaphore, #tpu.memory_space<semaphore_mem>>)
    %mul3A_73 = arith.constant 16 : i32
    %mul3A_74 = arith.muli %arg1, %mul3A_73 : i32
    %add3A_75 = arith.constant 7 : i32
    %add3A_76 = arith.addi %mul3A_74, %add3A_75 : i32
    %mul3A_77 = arith.constant 40 : i32
    %mul3A_78 = arith.muli %add3A_76, %mul3A_77 : i32
    %dma_start3A_79 = arith.constant 0 : i32
    %dma_start3A_80 = tpu.memref_slice %arg11[%mul3A_78, %dma_start3A_79] : memref<10240x128xf32, #tpu.memory_space<vmem_shared>> -> memref<40x128xf32, #tpu.memory_space<vmem_shared>>
    %dma_start3A_81 = arith.constant 0 : i32
    %dma_start3A_82 = tpu.memref_slice %arg11[%mul3A_78, %dma_start3A_81] : memref<10240x128xf32, #tpu.memory_space<vmem_shared>> -> memref<40x128xf32, #tpu.memory_space<vmem_shared>>
    tpu.enqueue_dma source(%arg10 : memref<40x128xf32, #tpu.memory_space<vmem>>) target(%dma_start3A_82 : memref<40x128xf32, #tpu.memory_space<vmem_shared>>) target_semaphore(%arg12 : memref<!tpu.dma_semaphore, #tpu.memory_space<semaphore_mem>>)
    %mul3A_83 = arith.constant 16 : i32
    %mul3A_84 = arith.muli %arg1, %mul3A_83 : i32
    %add3A_85 = arith.constant 8 : i32
    %add3A_86 = arith.addi %mul3A_84, %add3A_85 : i32
    %mul3A_87 = arith.constant 40 : i32
    %mul3A_88 = arith.muli %add3A_86, %mul3A_87 : i32
    %dma_start3A_89 = arith.constant 0 : i32
    %dma_start3A_90 = tpu.memref_slice %arg11[%mul3A_88, %dma_start3A_89] : memref<10240x128xf32, #tpu.memory_space<vmem_shared>> -> memref<40x128xf32, #tpu.memory_space<vmem_shared>>
    %dma_start3A_91 = arith.constant 0 : i32
    %dma_start3A_92 = tpu.memref_slice %arg11[%mul3A_88, %dma_start3A_91] : memref<10240x128xf32, #tpu.memory_space<vmem_shared>> -> memref<40x128xf32, #tpu.memory_space<vmem_shared>>
    tpu.enqueue_dma source(%arg10 : memref<40x128xf32, #tpu.memory_space<vmem>>) target(%dma_start3A_92 : memref<40x128xf32, #tpu.memory_space<vmem_shared>>) target_semaphore(%arg12 : memref<!tpu.dma_semaphore, #tpu.memory_space<semaphore_mem>>)
    %mul3A_93 = arith.constant 16 : i32
    %mul3A_94 = arith.muli %arg1, %mul3A_93 : i32
    %add3A_95 = arith.constant 9 : i32
    %add3A_96 = arith.addi %mul3A_94, %add3A_95 : i32
    %mul3A_97 = arith.constant 40 : i32
    %mul3A_98 = arith.muli %add3A_96, %mul3A_97 : i32
    %dma_start3A_99 = arith.constant 0 : i32
    %dma_start3A_100 = tpu.memref_slice %arg11[%mul3A_98, %dma_start3A_99] : memref<10240x128xf32, #tpu.memory_space<vmem_shared>> -> memref<40x128xf32, #tpu.memory_space<vmem_shared>>
    %dma_start3A_101 = arith.constant 0 : i32
    %dma_start3A_102 = tpu.memref_slice %arg11[%mul3A_98, %dma_start3A_101] : memref<10240x128xf32, #tpu.memory_space<vmem_shared>> -> memref<40x128xf32, #tpu.memory_space<vmem_shared>>
    tpu.enqueue_dma source(%arg10 : memref<40x128xf32, #tpu.memory_space<vmem>>) target(%dma_start3A_102 : memref<40x128xf32, #tpu.memory_space<vmem_shared>>) target_semaphore(%arg12 : memref<!tpu.dma_semaphore, #tpu.memory_space<semaphore_mem>>)
    %mul3A_103 = arith.constant 16 : i32
    %mul3A_104 = arith.muli %arg1, %mul3A_103 : i32
    %add3A_105 = arith.constant 10 : i32
    %add3A_106 = arith.addi %mul3A_104, %add3A_105 : i32
    %mul3A_107 = arith.constant 40 : i32
    %mul3A_108 = arith.muli %add3A_106, %mul3A_107 : i32
    %dma_start3A_109 = arith.constant 0 : i32
    %dma_start3A_110 = tpu.memref_slice %arg11[%mul3A_108, %dma_start3A_109] : memref<10240x128xf32, #tpu.memory_space<vmem_shared>> -> memref<40x128xf32, #tpu.memory_space<vmem_shared>>
    %dma_start3A_111 = arith.constant 0 : i32
    %dma_start3A_112 = tpu.memref_slice %arg11[%mul3A_108, %dma_start3A_111] : memref<10240x128xf32, #tpu.memory_space<vmem_shared>> -> memref<40x128xf32, #tpu.memory_space<vmem_shared>>
    tpu.enqueue_dma source(%arg10 : memref<40x128xf32, #tpu.memory_space<vmem>>) target(%dma_start3A_112 : memref<40x128xf32, #tpu.memory_space<vmem_shared>>) target_semaphore(%arg12 : memref<!tpu.dma_semaphore, #tpu.memory_space<semaphore_mem>>)
    %mul3A_113 = arith.constant 16 : i32
    %mul3A_114 = arith.muli %arg1, %mul3A_113 : i32
    %add3A_115 = arith.constant 11 : i32
    %add3A_116 = arith.addi %mul3A_114, %add3A_115 : i32
    %mul3A_117 = arith.constant 40 : i32
    %mul3A_118 = arith.muli %add3A_116, %mul3A_117 : i32
    %dma_start3A_119 = arith.constant 0 : i32
    %dma_start3A_120 = tpu.memref_slice %arg11[%mul3A_118, %dma_start3A_119] : memref<10240x128xf32, #tpu.memory_space<vmem_shared>> -> memref<40x128xf32, #tpu.memory_space<vmem_shared>>
    %dma_start3A_121 = arith.constant 0 : i32
    %dma_start3A_122 = tpu.memref_slice %arg11[%mul3A_118, %dma_start3A_121] : memref<10240x128xf32, #tpu.memory_space<vmem_shared>> -> memref<40x128xf32, #tpu.memory_space<vmem_shared>>
    tpu.enqueue_dma source(%arg10 : memref<40x128xf32, #tpu.memory_space<vmem>>) target(%dma_start3A_122 : memref<40x128xf32, #tpu.memory_space<vmem_shared>>) target_semaphore(%arg12 : memref<!tpu.dma_semaphore, #tpu.memory_space<semaphore_mem>>)
    %mul3A_123 = arith.constant 16 : i32
    %mul3A_124 = arith.muli %arg1, %mul3A_123 : i32
    %add3A_125 = arith.constant 12 : i32
    %add3A_126 = arith.addi %mul3A_124, %add3A_125 : i32
    %mul3A_127 = arith.constant 40 : i32
    %mul3A_128 = arith.muli %add3A_126, %mul3A_127 : i32
    %dma_start3A_129 = arith.constant 0 : i32
    %dma_start3A_130 = tpu.memref_slice %arg11[%mul3A_128, %dma_start3A_129] : memref<10240x128xf32, #tpu.memory_space<vmem_shared>> -> memref<40x128xf32, #tpu.memory_space<vmem_shared>>
    %dma_start3A_131 = arith.constant 0 : i32
    %dma_start3A_132 = tpu.memref_slice %arg11[%mul3A_128, %dma_start3A_131] : memref<10240x128xf32, #tpu.memory_space<vmem_shared>> -> memref<40x128xf32, #tpu.memory_space<vmem_shared>>
    tpu.enqueue_dma source(%arg10 : memref<40x128xf32, #tpu.memory_space<vmem>>) target(%dma_start3A_132 : memref<40x128xf32, #tpu.memory_space<vmem_shared>>) target_semaphore(%arg12 : memref<!tpu.dma_semaphore, #tpu.memory_space<semaphore_mem>>)
    %mul3A_133 = arith.constant 16 : i32
    %mul3A_134 = arith.muli %arg1, %mul3A_133 : i32
    %add3A_135 = arith.constant 13 : i32
    %add3A_136 = arith.addi %mul3A_134, %add3A_135 : i32
    %mul3A_137 = arith.constant 40 : i32
    %mul3A_138 = arith.muli %add3A_136, %mul3A_137 : i32
    %dma_start3A_139 = arith.constant 0 : i32
    %dma_start3A_140 = tpu.memref_slice %arg11[%mul3A_138, %dma_start3A_139] : memref<10240x128xf32, #tpu.memory_space<vmem_shared>> -> memref<40x128xf32, #tpu.memory_space<vmem_shared>>
    %dma_start3A_141 = arith.constant 0 : i32
    %dma_start3A_142 = tpu.memref_slice %arg11[%mul3A_138, %dma_start3A_141] : memref<10240x128xf32, #tpu.memory_space<vmem_shared>> -> memref<40x128xf32, #tpu.memory_space<vmem_shared>>
    tpu.enqueue_dma source(%arg10 : memref<40x128xf32, #tpu.memory_space<vmem>>) target(%dma_start3A_142 : memref<40x128xf32, #tpu.memory_space<vmem_shared>>) target_semaphore(%arg12 : memref<!tpu.dma_semaphore, #tpu.memory_space<semaphore_mem>>)
    %mul3A_143 = arith.constant 16 : i32
    %mul3A_144 = arith.muli %arg1, %mul3A_143 : i32
    %add3A_145 = arith.constant 14 : i32
    %add3A_146 = arith.addi %mul3A_144, %add3A_145 : i32
    %mul3A_147 = arith.constant 40 : i32
    %mul3A_148 = arith.muli %add3A_146, %mul3A_147 : i32
    %dma_start3A_149 = arith.constant 0 : i32
    %dma_start3A_150 = tpu.memref_slice %arg11[%mul3A_148, %dma_start3A_149] : memref<10240x128xf32, #tpu.memory_space<vmem_shared>> -> memref<40x128xf32, #tpu.memory_space<vmem_shared>>
    %dma_start3A_151 = arith.constant 0 : i32
    %dma_start3A_152 = tpu.memref_slice %arg11[%mul3A_148, %dma_start3A_151] : memref<10240x128xf32, #tpu.memory_space<vmem_shared>> -> memref<40x128xf32, #tpu.memory_space<vmem_shared>>
    tpu.enqueue_dma source(%arg10 : memref<40x128xf32, #tpu.memory_space<vmem>>) target(%dma_start3A_152 : memref<40x128xf32, #tpu.memory_space<vmem_shared>>) target_semaphore(%arg12 : memref<!tpu.dma_semaphore, #tpu.memory_space<semaphore_mem>>)
    %mul3A_153 = arith.constant 16 : i32
    %mul3A_154 = arith.muli %arg1, %mul3A_153 : i32
    %add3A_155 = arith.constant 15 : i32
    %add3A_156 = arith.addi %mul3A_154, %add3A_155 : i32
    %mul3A_157 = arith.constant 40 : i32
    %mul3A_158 = arith.muli %add3A_156, %mul3A_157 : i32
    %dma_start3A_159 = arith.constant 0 : i32
    %dma_start3A_160 = tpu.memref_slice %arg11[%mul3A_158, %dma_start3A_159] : memref<10240x128xf32, #tpu.memory_space<vmem_shared>> -> memref<40x128xf32, #tpu.memory_space<vmem_shared>>
    %dma_start3A_161 = arith.constant 0 : i32
    %dma_start3A_162 = tpu.memref_slice %arg11[%mul3A_158, %dma_start3A_161] : memref<10240x128xf32, #tpu.memory_space<vmem_shared>> -> memref<40x128xf32, #tpu.memory_space<vmem_shared>>
    tpu.enqueue_dma source(%arg10 : memref<40x128xf32, #tpu.memory_space<vmem>>) target(%dma_start3A_162 : memref<40x128xf32, #tpu.memory_space<vmem_shared>>) target_semaphore(%arg12 : memref<!tpu.dma_semaphore, #tpu.memory_space<semaphore_mem>>)
    %dma_wait3A = arith.constant 0 : i32
    %dma_wait3A_163 = tpu.memref_slice %arg11[%mul3A_9, %dma_wait3A] : memref<10240x128xf32, #tpu.memory_space<vmem_shared>> -> memref<40x128xf32, #tpu.memory_space<vmem_shared>>
    %dma_wait3A_164 = arith.constant 0 : i32
    %dma_wait3A_165 = tpu.memref_slice %arg11[%mul3A_9, %dma_wait3A_164] : memref<10240x128xf32, #tpu.memory_space<vmem_shared>> -> memref<40x128xf32, #tpu.memory_space<vmem_shared>>
    tpu.wait_dma2 semaphore(%arg12 : memref<!tpu.dma_semaphore, #tpu.memory_space<semaphore_mem>>) src(%arg10 : memref<40x128xf32, #tpu.memory_space<vmem>>) dst(%dma_wait3A_165 : memref<40x128xf32, #tpu.memory_space<vmem_shared>>)
    %dma_wait3A_166 = arith.constant 0 : i32
    %dma_wait3A_167 = tpu.memref_slice %arg11[%mul3A_18, %dma_wait3A_166] : memref<10240x128xf32, #tpu.memory_space<vmem_shared>> -> memref<40x128xf32, #tpu.memory_space<vmem_shared>>
    %dma_wait3A_168 = arith.constant 0 : i32
    %dma_wait3A_169 = tpu.memref_slice %arg11[%mul3A_18, %dma_wait3A_168] : memref<10240x128xf32, #tpu.memory_space<vmem_shared>> -> memref<40x128xf32, #tpu.memory_space<vmem_shared>>
    tpu.wait_dma2 semaphore(%arg12 : memref<!tpu.dma_semaphore, #tpu.memory_space<semaphore_mem>>) src(%arg10 : memref<40x128xf32, #tpu.memory_space<vmem>>) dst(%dma_wait3A_169 : memref<40x128xf32, #tpu.memory_space<vmem_shared>>)
    %dma_wait3A_170 = arith.constant 0 : i32
    %dma_wait3A_171 = tpu.memref_slice %arg11[%mul3A_28, %dma_wait3A_170] : memref<10240x128xf32, #tpu.memory_space<vmem_shared>> -> memref<40x128xf32, #tpu.memory_space<vmem_shared>>
    %dma_wait3A_172 = arith.constant 0 : i32
    %dma_wait3A_173 = tpu.memref_slice %arg11[%mul3A_28, %dma_wait3A_172] : memref<10240x128xf32, #tpu.memory_space<vmem_shared>> -> memref<40x128xf32, #tpu.memory_space<vmem_shared>>
    tpu.wait_dma2 semaphore(%arg12 : memref<!tpu.dma_semaphore, #tpu.memory_space<semaphore_mem>>) src(%arg10 : memref<40x128xf32, #tpu.memory_space<vmem>>) dst(%dma_wait3A_173 : memref<40x128xf32, #tpu.memory_space<vmem_shared>>)
    %dma_wait3A_174 = arith.constant 0 : i32
    %dma_wait3A_175 = tpu.memref_slice %arg11[%mul3A_38, %dma_wait3A_174] : memref<10240x128xf32, #tpu.memory_space<vmem_shared>> -> memref<40x128xf32, #tpu.memory_space<vmem_shared>>
    %dma_wait3A_176 = arith.constant 0 : i32
    %dma_wait3A_177 = tpu.memref_slice %arg11[%mul3A_38, %dma_wait3A_176] : memref<10240x128xf32, #tpu.memory_space<vmem_shared>> -> memref<40x128xf32, #tpu.memory_space<vmem_shared>>
    tpu.wait_dma2 semaphore(%arg12 : memref<!tpu.dma_semaphore, #tpu.memory_space<semaphore_mem>>) src(%arg10 : memref<40x128xf32, #tpu.memory_space<vmem>>) dst(%dma_wait3A_177 : memref<40x128xf32, #tpu.memory_space<vmem_shared>>)
    %dma_wait3A_178 = arith.constant 0 : i32
    %dma_wait3A_179 = tpu.memref_slice %arg11[%mul3A_48, %dma_wait3A_178] : memref<10240x128xf32, #tpu.memory_space<vmem_shared>> -> memref<40x128xf32, #tpu.memory_space<vmem_shared>>
    %dma_wait3A_180 = arith.constant 0 : i32
    %dma_wait3A_181 = tpu.memref_slice %arg11[%mul3A_48, %dma_wait3A_180] : memref<10240x128xf32, #tpu.memory_space<vmem_shared>> -> memref<40x128xf32, #tpu.memory_space<vmem_shared>>
    tpu.wait_dma2 semaphore(%arg12 : memref<!tpu.dma_semaphore, #tpu.memory_space<semaphore_mem>>) src(%arg10 : memref<40x128xf32, #tpu.memory_space<vmem>>) dst(%dma_wait3A_181 : memref<40x128xf32, #tpu.memory_space<vmem_shared>>)
    %dma_wait3A_182 = arith.constant 0 : i32
    %dma_wait3A_183 = tpu.memref_slice %arg11[%mul3A_58, %dma_wait3A_182] : memref<10240x128xf32, #tpu.memory_space<vmem_shared>> -> memref<40x128xf32, #tpu.memory_space<vmem_shared>>
    %dma_wait3A_184 = arith.constant 0 : i32
    %dma_wait3A_185 = tpu.memref_slice %arg11[%mul3A_58, %dma_wait3A_184] : memref<10240x128xf32, #tpu.memory_space<vmem_shared>> -> memref<40x128xf32, #tpu.memory_space<vmem_shared>>
    tpu.wait_dma2 semaphore(%arg12 : memref<!tpu.dma_semaphore, #tpu.memory_space<semaphore_mem>>) src(%arg10 : memref<40x128xf32, #tpu.memory_space<vmem>>) dst(%dma_wait3A_185 : memref<40x128xf32, #tpu.memory_space<vmem_shared>>)
    %dma_wait3A_186 = arith.constant 0 : i32
    %dma_wait3A_187 = tpu.memref_slice %arg11[%mul3A_68, %dma_wait3A_186] : memref<10240x128xf32, #tpu.memory_space<vmem_shared>> -> memref<40x128xf32, #tpu.memory_space<vmem_shared>>
    %dma_wait3A_188 = arith.constant 0 : i32
    %dma_wait3A_189 = tpu.memref_slice %arg11[%mul3A_68, %dma_wait3A_188] : memref<10240x128xf32, #tpu.memory_space<vmem_shared>> -> memref<40x128xf32, #tpu.memory_space<vmem_shared>>
    tpu.wait_dma2 semaphore(%arg12 : memref<!tpu.dma_semaphore, #tpu.memory_space<semaphore_mem>>) src(%arg10 : memref<40x128xf32, #tpu.memory_space<vmem>>) dst(%dma_wait3A_189 : memref<40x128xf32, #tpu.memory_space<vmem_shared>>)
    %dma_wait3A_190 = arith.constant 0 : i32
    %dma_wait3A_191 = tpu.memref_slice %arg11[%mul3A_78, %dma_wait3A_190] : memref<10240x128xf32, #tpu.memory_space<vmem_shared>> -> memref<40x128xf32, #tpu.memory_space<vmem_shared>>
    %dma_wait3A_192 = arith.constant 0 : i32
    %dma_wait3A_193 = tpu.memref_slice %arg11[%mul3A_78, %dma_wait3A_192] : memref<10240x128xf32, #tpu.memory_space<vmem_shared>> -> memref<40x128xf32, #tpu.memory_space<vmem_shared>>
    tpu.wait_dma2 semaphore(%arg12 : memref<!tpu.dma_semaphore, #tpu.memory_space<semaphore_mem>>) src(%arg10 : memref<40x128xf32, #tpu.memory_space<vmem>>) dst(%dma_wait3A_193 : memref<40x128xf32, #tpu.memory_space<vmem_shared>>)
    %dma_wait3A_194 = arith.constant 0 : i32
    %dma_wait3A_195 = tpu.memref_slice %arg11[%mul3A_88, %dma_wait3A_194] : memref<10240x128xf32, #tpu.memory_space<vmem_shared>> -> memref<40x128xf32, #tpu.memory_space<vmem_shared>>
    %dma_wait3A_196 = arith.constant 0 : i32
    %dma_wait3A_197 = tpu.memref_slice %arg11[%mul3A_88, %dma_wait3A_196] : memref<10240x128xf32, #tpu.memory_space<vmem_shared>> -> memref<40x128xf32, #tpu.memory_space<vmem_shared>>
    tpu.wait_dma2 semaphore(%arg12 : memref<!tpu.dma_semaphore, #tpu.memory_space<semaphore_mem>>) src(%arg10 : memref<40x128xf32, #tpu.memory_space<vmem>>) dst(%dma_wait3A_197 : memref<40x128xf32, #tpu.memory_space<vmem_shared>>)
    %dma_wait3A_198 = arith.constant 0 : i32
    %dma_wait3A_199 = tpu.memref_slice %arg11[%mul3A_98, %dma_wait3A_198] : memref<10240x128xf32, #tpu.memory_space<vmem_shared>> -> memref<40x128xf32, #tpu.memory_space<vmem_shared>>
    %dma_wait3A_200 = arith.constant 0 : i32
    %dma_wait3A_201 = tpu.memref_slice %arg11[%mul3A_98, %dma_wait3A_200] : memref<10240x128xf32, #tpu.memory_space<vmem_shared>> -> memref<40x128xf32, #tpu.memory_space<vmem_shared>>
    tpu.wait_dma2 semaphore(%arg12 : memref<!tpu.dma_semaphore, #tpu.memory_space<semaphore_mem>>) src(%arg10 : memref<40x128xf32, #tpu.memory_space<vmem>>) dst(%dma_wait3A_201 : memref<40x128xf32, #tpu.memory_space<vmem_shared>>)
    %dma_wait3A_202 = arith.constant 0 : i32
    %dma_wait3A_203 = tpu.memref_slice %arg11[%mul3A_108, %dma_wait3A_202] : memref<10240x128xf32, #tpu.memory_space<vmem_shared>> -> memref<40x128xf32, #tpu.memory_space<vmem_shared>>
    %dma_wait3A_204 = arith.constant 0 : i32
    %dma_wait3A_205 = tpu.memref_slice %arg11[%mul3A_108, %dma_wait3A_204] : memref<10240x128xf32, #tpu.memory_space<vmem_shared>> -> memref<40x128xf32, #tpu.memory_space<vmem_shared>>
    tpu.wait_dma2 semaphore(%arg12 : memref<!tpu.dma_semaphore, #tpu.memory_space<semaphore_mem>>) src(%arg10 : memref<40x128xf32, #tpu.memory_space<vmem>>) dst(%dma_wait3A_205 : memref<40x128xf32, #tpu.memory_space<vmem_shared>>)
    %dma_wait3A_206 = arith.constant 0 : i32
    %dma_wait3A_207 = tpu.memref_slice %arg11[%mul3A_118, %dma_wait3A_206] : memref<10240x128xf32, #tpu.memory_space<vmem_shared>> -> memref<40x128xf32, #tpu.memory_space<vmem_shared>>
    %dma_wait3A_208 = arith.constant 0 : i32
    %dma_wait3A_209 = tpu.memref_slice %arg11[%mul3A_118, %dma_wait3A_208] : memref<10240x128xf32, #tpu.memory_space<vmem_shared>> -> memref<40x128xf32, #tpu.memory_space<vmem_shared>>
    tpu.wait_dma2 semaphore(%arg12 : memref<!tpu.dma_semaphore, #tpu.memory_space<semaphore_mem>>) src(%arg10 : memref<40x128xf32, #tpu.memory_space<vmem>>) dst(%dma_wait3A_209 : memref<40x128xf32, #tpu.memory_space<vmem_shared>>)
    %dma_wait3A_210 = arith.constant 0 : i32
    %dma_wait3A_211 = tpu.memref_slice %arg11[%mul3A_128, %dma_wait3A_210] : memref<10240x128xf32, #tpu.memory_space<vmem_shared>> -> memref<40x128xf32, #tpu.memory_space<vmem_shared>>
    %dma_wait3A_212 = arith.constant 0 : i32
    %dma_wait3A_213 = tpu.memref_slice %arg11[%mul3A_128, %dma_wait3A_212] : memref<10240x128xf32, #tpu.memory_space<vmem_shared>> -> memref<40x128xf32, #tpu.memory_space<vmem_shared>>
    tpu.wait_dma2 semaphore(%arg12 : memref<!tpu.dma_semaphore, #tpu.memory_space<semaphore_mem>>) src(%arg10 : memref<40x128xf32, #tpu.memory_space<vmem>>) dst(%dma_wait3A_213 : memref<40x128xf32, #tpu.memory_space<vmem_shared>>)
    %dma_wait3A_214 = arith.constant 0 : i32
    %dma_wait3A_215 = tpu.memref_slice %arg11[%mul3A_138, %dma_wait3A_214] : memref<10240x128xf32, #tpu.memory_space<vmem_shared>> -> memref<40x128xf32, #tpu.memory_space<vmem_shared>>
    %dma_wait3A_216 = arith.constant 0 : i32
    %dma_wait3A_217 = tpu.memref_slice %arg11[%mul3A_138, %dma_wait3A_216] : memref<10240x128xf32, #tpu.memory_space<vmem_shared>> -> memref<40x128xf32, #tpu.memory_space<vmem_shared>>
    tpu.wait_dma2 semaphore(%arg12 : memref<!tpu.dma_semaphore, #tpu.memory_space<semaphore_mem>>) src(%arg10 : memref<40x128xf32, #tpu.memory_space<vmem>>) dst(%dma_wait3A_217 : memref<40x128xf32, #tpu.memory_space<vmem_shared>>)
    %dma_wait3A_218 = arith.constant 0 : i32
    %dma_wait3A_219 = tpu.memref_slice %arg11[%mul3A_148, %dma_wait3A_218] : memref<10240x128xf32, #tpu.memory_space<vmem_shared>> -> memref<40x128xf32, #tpu.memory_space<vmem_shared>>
    %dma_wait3A_220 = arith.constant 0 : i32
    %dma_wait3A_221 = tpu.memref_slice %arg11[%mul3A_148, %dma_wait3A_220] : memref<10240x128xf32, #tpu.memory_space<vmem_shared>> -> memref<40x128xf32, #tpu.memory_space<vmem_shared>>
    tpu.wait_dma2 semaphore(%arg12 : memref<!tpu.dma_semaphore, #tpu.memory_space<semaphore_mem>>) src(%arg10 : memref<40x128xf32, #tpu.memory_space<vmem>>) dst(%dma_wait3A_221 : memref<40x128xf32, #tpu.memory_space<vmem_shared>>)
    %dma_wait3A_222 = arith.constant 0 : i32
    %dma_wait3A_223 = tpu.memref_slice %arg11[%mul3A_158, %dma_wait3A_222] : memref<10240x128xf32, #tpu.memory_space<vmem_shared>> -> memref<40x128xf32, #tpu.memory_space<vmem_shared>>
    %dma_wait3A_224 = arith.constant 0 : i32
    %dma_wait3A_225 = tpu.memref_slice %arg11[%mul3A_158, %dma_wait3A_224] : memref<10240x128xf32, #tpu.memory_space<vmem_shared>> -> memref<40x128xf32, #tpu.memory_space<vmem_shared>>
    tpu.wait_dma2 semaphore(%arg12 : memref<!tpu.dma_semaphore, #tpu.memory_space<semaphore_mem>>) src(%arg10 : memref<40x128xf32, #tpu.memory_space<vmem>>) dst(%dma_wait3A_225 : memref<40x128xf32, #tpu.memory_space<vmem_shared>>)
    %barrier3A = arith.constant 0 : index
    tpu.barrier barrier_id(%barrier3A)
    %eq3A = arith.constant 0 : i32
    %eq3A_226 = arith.cmpi eq, %arg0, %eq3A : i32
    %convert_element_type3A = arith.extui %eq3A_226 : i1 to i32
    %cond3A = arith.constant 0 : i32
    %cond3A_227 = arith.cmpi ne, %convert_element_type3A, %cond3A : i32
    scf.if %cond3A_227 {
      %scan3A_238 = arith.constant 0 : i32
      %scan3A_239 = arith.constant 0 : i32
      %scan3A_240 = arith.constant 5 : i32
      %scan3A_241 = arith.addi %scan3A_239, %scan3A_240 : i32
      %scan3A_242 = arith.constant 1 : i32
      %scan3A_243 = scf.for %scan3A_245 = %scan3A_239 to %scan3A_241 step %scan3A_242 iter_args(%scan3A_246 = %scan3A_238) -> (i32)  : i32 {
        %mul3A_247 = arith.constant 16 : i32
        %mul3A_248 = arith.muli %scan3A_245, %mul3A_247 : i32
        %dma_start3A_249 = arith.constant 0 : i32
        %dma_start3A_250 = arith.constant 0 : i32
        %dma_start3A_251 = tpu.memref_slice %arg4[%arg1, %mul3A_248, %dma_start3A_249, %dma_start3A_250] : memref<16x80x2x128xi32, #tpu.memory_space<hbm>> -> memref<1x16x2x128xi32, #tpu.memory_space<hbm>>
        %dma_start3A_252 = tpu.memref_squeeze %dma_start3A_251 : memref<1x16x2x128xi32, #tpu.memory_space<hbm>> -> memref<16x2x128xi32, #tpu.memory_space<hbm>>
        %dma_start3A_253 = arith.constant 0 : i32
        %dma_start3A_254 = arith.constant 0 : i32
        %dma_start3A_255 = tpu.memref_slice %arg4[%arg1, %mul3A_248, %dma_start3A_253, %dma_start3A_254] : memref<16x80x2x128xi32, #tpu.memory_space<hbm>> -> memref<1x16x2x128xi32, #tpu.memory_space<hbm>>
        %dma_start3A_256 = tpu.memref_squeeze %dma_start3A_255 : memref<1x16x2x128xi32, #tpu.memory_space<hbm>> -> memref<16x2x128xi32, #tpu.memory_space<hbm>>
        tpu.enqueue_dma source(%dma_start3A_256 : memref<16x2x128xi32, #tpu.memory_space<hbm>>) target(%arg7 : memref<16x2x128xi32, #tpu.memory_space<vmem>>) target_semaphore(%arg12 : memref<!tpu.dma_semaphore, #tpu.memory_space<semaphore_mem>>)
        %mul3A_257 = arith.constant 16 : i32
        %mul3A_258 = arith.muli %scan3A_245, %mul3A_257 : i32
        %dma_start3A_259 = arith.constant 0 : i32
        %dma_start3A_260 = arith.constant 0 : i32
        %dma_start3A_261 = tpu.memref_slice %arg5[%arg1, %mul3A_258, %dma_start3A_259, %dma_start3A_260] : memref<16x80x2x128xi32, #tpu.memory_space<hbm>> -> memref<1x16x2x128xi32, #tpu.memory_space<hbm>>
        %dma_start3A_262 = tpu.memref_squeeze %dma_start3A_261 : memref<1x16x2x128xi32, #tpu.memory_space<hbm>> -> memref<16x2x128xi32, #tpu.memory_space<hbm>>
        %dma_start3A_263 = arith.constant 0 : i32
        %dma_start3A_264 = arith.constant 0 : i32
        %dma_start3A_265 = tpu.memref_slice %arg5[%arg1, %mul3A_258, %dma_start3A_263, %dma_start3A_264] : memref<16x80x2x128xi32, #tpu.memory_space<hbm>> -> memref<1x16x2x128xi32, #tpu.memory_space<hbm>>
        %dma_start3A_266 = tpu.memref_squeeze %dma_start3A_265 : memref<1x16x2x128xi32, #tpu.memory_space<hbm>> -> memref<16x2x128xi32, #tpu.memory_space<hbm>>
        tpu.enqueue_dma source(%dma_start3A_266 : memref<16x2x128xi32, #tpu.memory_space<hbm>>) target(%arg8 : memref<16x2x128xi32, #tpu.memory_space<vmem>>) target_semaphore(%arg13 : memref<!tpu.dma_semaphore, #tpu.memory_space<semaphore_mem>>)
        %dma_wait3A_267 = arith.constant 0 : i32
        %dma_wait3A_268 = arith.constant 0 : i32
        %dma_wait3A_269 = tpu.memref_slice %arg4[%arg1, %mul3A_248, %dma_wait3A_267, %dma_wait3A_268] : memref<16x80x2x128xi32, #tpu.memory_space<hbm>> -> memref<1x16x2x128xi32, #tpu.memory_space<hbm>>
        %dma_wait3A_270 = tpu.memref_squeeze %dma_wait3A_269 : memref<1x16x2x128xi32, #tpu.memory_space<hbm>> -> memref<16x2x128xi32, #tpu.memory_space<hbm>>
        %dma_wait3A_271 = arith.constant 0 : i32
        %dma_wait3A_272 = arith.constant 0 : i32
        %dma_wait3A_273 = tpu.memref_slice %arg4[%arg1, %mul3A_248, %dma_wait3A_271, %dma_wait3A_272] : memref<16x80x2x128xi32, #tpu.memory_space<hbm>> -> memref<1x16x2x128xi32, #tpu.memory_space<hbm>>
        %dma_wait3A_274 = tpu.memref_squeeze %dma_wait3A_273 : memref<1x16x2x128xi32, #tpu.memory_space<hbm>> -> memref<16x2x128xi32, #tpu.memory_space<hbm>>
        tpu.wait_dma2 semaphore(%arg12 : memref<!tpu.dma_semaphore, #tpu.memory_space<semaphore_mem>>) src(%dma_wait3A_274 : memref<16x2x128xi32, #tpu.memory_space<hbm>>) dst(%arg7 : memref<16x2x128xi32, #tpu.memory_space<vmem>>)
        %dma_wait3A_275 = arith.constant 0 : i32
        %dma_wait3A_276 = arith.constant 0 : i32
        %dma_wait3A_277 = tpu.memref_slice %arg5[%arg1, %mul3A_258, %dma_wait3A_275, %dma_wait3A_276] : memref<16x80x2x128xi32, #tpu.memory_space<hbm>> -> memref<1x16x2x128xi32, #tpu.memory_space<hbm>>
        %dma_wait3A_278 = tpu.memref_squeeze %dma_wait3A_277 : memref<1x16x2x128xi32, #tpu.memory_space<hbm>> -> memref<16x2x128xi32, #tpu.memory_space<hbm>>
        %dma_wait3A_279 = arith.constant 0 : i32
        %dma_wait3A_280 = arith.constant 0 : i32
        %dma_wait3A_281 = tpu.memref_slice %arg5[%arg1, %mul3A_258, %dma_wait3A_279, %dma_wait3A_280] : memref<16x80x2x128xi32, #tpu.memory_space<hbm>> -> memref<1x16x2x128xi32, #tpu.memory_space<hbm>>
        %dma_wait3A_282 = tpu.memref_squeeze %dma_wait3A_281 : memref<1x16x2x128xi32, #tpu.memory_space<hbm>> -> memref<16x2x128xi32, #tpu.memory_space<hbm>>
        tpu.wait_dma2 semaphore(%arg13 : memref<!tpu.dma_semaphore, #tpu.memory_space<semaphore_mem>>) src(%dma_wait3A_282 : memref<16x2x128xi32, #tpu.memory_space<hbm>>) dst(%arg8 : memref<16x2x128xi32, #tpu.memory_space<vmem>>)
        %scan3A_283 = arith.constant 0 : i32
        %scan3A_284 = arith.constant 0 : i32
        %scan3A_285 = arith.constant 16 : i32
        %scan3A_286 = arith.addi %scan3A_284, %scan3A_285 : i32
        %scan3A_287 = arith.constant 1 : i32
        %scan3A_288 = scf.for %scan3A_290 = %scan3A_284 to %scan3A_286 step %scan3A_287 iter_args(%scan3A_291 = %scan3A_283) -> (i32)  : i32 {
          %dma_start3A_292 = arith.constant 0 : i32
          %dma_start3A_293 = arith.constant 0 : i32
          %dma_start3A_294 = arith.constant 0 : i32
          %dma_start3A_295 = arith.constant 0 : i32
          %dma_start3A_296 = tpu.memref_slice %arg9[%dma_start3A_293, %dma_start3A_294, %dma_start3A_295] : memref<2x128x128xf32, #tpu.memory_space<vmem>> -> memref<1x128x128xf32, #tpu.memory_space<vmem>>
          %dma_start3A_297 = tpu.memref_squeeze %dma_start3A_296 : memref<1x128x128xf32, #tpu.memory_space<vmem>> -> memref<128x128xf32, #tpu.memory_space<vmem>>
          %dma_start3A_298 = arith.constant 0 : i32
          %dma_start3A_299 = tpu.memref_slice %arg7[%scan3A_290, %dma_start3A_292, %dma_start3A_298] : memref<16x2x128xi32, #tpu.memory_space<vmem>> -> memref<1x1x128xi32, #tpu.memory_space<vmem>>
          %dma_start3A_300 = tpu.memref_squeeze %dma_start3A_299 : memref<1x1x128xi32, #tpu.memory_space<vmem>> -> memref<128xi32, #tpu.memory_space<vmem>>
          %dma_start3A_301 = arith.constant 0 : i32
          %dma_start3A_302 = arith.constant 0 : i32
          %dma_start3A_303 = tpu.memref_slice %arg2[%dma_start3A_301, %dma_start3A_302] : memref<10240x128xf32, #tpu.memory_space<hbm>> -> memref<10240x128xf32, #tpu.memory_space<hbm>>
          tpu.enqueue_indirect_dma source(%dma_start3A_303 : memref<10240x128xf32, #tpu.memory_space<hbm>>) target(%dma_start3A_297 : memref<128x128xf32, #tpu.memory_space<vmem>>) offsets(%dma_start3A_300 : memref<128xi32, #tpu.memory_space<vmem>>) semaphore(%arg12 : memref<!tpu.dma_semaphore, #tpu.memory_space<semaphore_mem>>)
          %dma_start3A_304 = arith.constant 1 : i32
          %dma_start3A_305 = arith.constant 1 : i32
          %dma_start3A_306 = arith.constant 0 : i32
          %dma_start3A_307 = arith.constant 0 : i32
          %dma_start3A_308 = tpu.memref_slice %arg9[%dma_start3A_305, %dma_start3A_306, %dma_start3A_307] : memref<2x128x128xf32, #tpu.memory_space<vmem>> -> memref<1x128x128xf32, #tpu.memory_space<vmem>>
          %dma_start3A_309 = tpu.memref_squeeze %dma_start3A_308 : memref<1x128x128xf32, #tpu.memory_space<vmem>> -> memref<128x128xf32, #tpu.memory_space<vmem>>
          %dma_start3A_310 = arith.constant 0 : i32
          %dma_start3A_311 = tpu.memref_slice %arg7[%scan3A_290, %dma_start3A_304, %dma_start3A_310] : memref<16x2x128xi32, #tpu.memory_space<vmem>> -> memref<1x1x128xi32, #tpu.memory_space<vmem>>
          %dma_start3A_312 = tpu.memref_squeeze %dma_start3A_311 : memref<1x1x128xi32, #tpu.memory_space<vmem>> -> memref<128xi32, #tpu.memory_space<vmem>>
          %dma_start3A_313 = arith.constant 0 : i32
          %dma_start3A_314 = arith.constant 0 : i32
          %dma_start3A_315 = tpu.memref_slice %arg2[%dma_start3A_313, %dma_start3A_314] : memref<10240x128xf32, #tpu.memory_space<hbm>> -> memref<10240x128xf32, #tpu.memory_space<hbm>>
          tpu.enqueue_indirect_dma source(%dma_start3A_315 : memref<10240x128xf32, #tpu.memory_space<hbm>>) target(%dma_start3A_309 : memref<128x128xf32, #tpu.memory_space<vmem>>) offsets(%dma_start3A_312 : memref<128xi32, #tpu.memory_space<vmem>>) semaphore(%arg13 : memref<!tpu.dma_semaphore, #tpu.memory_space<semaphore_mem>>)
          %dma_wait3A_316 = arith.constant 0 : i32
          %dma_wait3A_317 = arith.constant 0 : i32
          "tpu.trace_start"() <{level = 10 : i32, message = "gwait"}> : () -> ()
          %dma_wait3A_318 = arith.constant 0 : i32
          %dma_wait3A_319 = arith.constant 0 : i32
          %dma_wait3A_320 = tpu.memref_slice %arg9[%dma_wait3A_317, %dma_wait3A_318, %dma_wait3A_319] : memref<2x128x128xf32, #tpu.memory_space<vmem>> -> memref<1x128x128xf32, #tpu.memory_space<vmem>>
          %dma_wait3A_321 = tpu.memref_squeeze %dma_wait3A_320 : memref<1x128x128xf32, #tpu.memory_space<vmem>> -> memref<128x128xf32, #tpu.memory_space<vmem>>
          %dma_wait3A_322 = arith.constant 0 : i32
          %dma_wait3A_323 = tpu.memref_slice %arg7[%scan3A_290, %dma_wait3A_316, %dma_wait3A_322] : memref<16x2x128xi32, #tpu.memory_space<vmem>> -> memref<1x1x128xi32, #tpu.memory_space<vmem>>
          %dma_wait3A_324 = tpu.memref_squeeze %dma_wait3A_323 : memref<1x1x128xi32, #tpu.memory_space<vmem>> -> memref<128xi32, #tpu.memory_space<vmem>>
          %dma_wait3A_325 = arith.constant 0 : i32
          %dma_wait3A_326 = arith.constant 0 : i32
          %dma_wait3A_327 = tpu.memref_slice %arg2[%dma_wait3A_325, %dma_wait3A_326] : memref<10240x128xf32, #tpu.memory_space<hbm>> -> memref<10240x128xf32, #tpu.memory_space<hbm>>
          tpu.wait_indirect_dma semaphore(%arg12 : memref<!tpu.dma_semaphore, #tpu.memory_space<semaphore_mem>>) src(%dma_wait3A_327 : memref<10240x128xf32, #tpu.memory_space<hbm>>) dst(%dma_wait3A_321 : memref<128x128xf32, #tpu.memory_space<vmem>>)
          %dma_wait3A_328 = arith.constant 1 : i32
          %dma_wait3A_329 = arith.constant 1 : i32
          %dma_wait3A_330 = arith.constant 0 : i32
          %dma_wait3A_331 = arith.constant 0 : i32
          %dma_wait3A_332 = tpu.memref_slice %arg9[%dma_wait3A_329, %dma_wait3A_330, %dma_wait3A_331] : memref<2x128x128xf32, #tpu.memory_space<vmem>> -> memref<1x128x128xf32, #tpu.memory_space<vmem>>
          %dma_wait3A_333 = tpu.memref_squeeze %dma_wait3A_332 : memref<1x128x128xf32, #tpu.memory_space<vmem>> -> memref<128x128xf32, #tpu.memory_space<vmem>>
          %dma_wait3A_334 = arith.constant 0 : i32
          %dma_wait3A_335 = tpu.memref_slice %arg7[%scan3A_290, %dma_wait3A_328, %dma_wait3A_334] : memref<16x2x128xi32, #tpu.memory_space<vmem>> -> memref<1x1x128xi32, #tpu.memory_space<vmem>>
          %dma_wait3A_336 = tpu.memref_squeeze %dma_wait3A_335 : memref<1x1x128xi32, #tpu.memory_space<vmem>> -> memref<128xi32, #tpu.memory_space<vmem>>
          %dma_wait3A_337 = arith.constant 0 : i32
          %dma_wait3A_338 = arith.constant 0 : i32
          %dma_wait3A_339 = tpu.memref_slice %arg2[%dma_wait3A_337, %dma_wait3A_338] : memref<10240x128xf32, #tpu.memory_space<hbm>> -> memref<10240x128xf32, #tpu.memory_space<hbm>>
          tpu.wait_indirect_dma semaphore(%arg13 : memref<!tpu.dma_semaphore, #tpu.memory_space<semaphore_mem>>) src(%dma_wait3A_339 : memref<10240x128xf32, #tpu.memory_space<hbm>>) dst(%dma_wait3A_333 : memref<128x128xf32, #tpu.memory_space<vmem>>)
          %run_scoped3A = arith.constant 0 : i32
          %run_scoped3A_340 = arith.constant 0 : i32
          "tpu.trace_stop"() : () -> ()
          "tpu.trace_start"() <{level = 10 : i32, message = "scat"}> : () -> ()
          "tpu.region"() ({
            %run_scoped3A_344 = tpu.sem_alloc : memref<!tpu.dma_semaphore, #tpu.memory_space<semaphore_mem>>
            %dma_start3A_345 = arith.constant 0 : i32
            %dma_start3A_346 = arith.constant 0 : i32
            %dma_start3A_347 = tpu.memref_slice %arg9[%run_scoped3A, %dma_start3A_345, %dma_start3A_346] : memref<2x128x128xf32, #tpu.memory_space<vmem>> -> memref<1x128x128xf32, #tpu.memory_space<vmem>>
            %dma_start3A_348 = tpu.memref_squeeze %dma_start3A_347 : memref<1x128x128xf32, #tpu.memory_space<vmem>> -> memref<128x128xf32, #tpu.memory_space<vmem>>
            %dma_start3A_349 = arith.constant 0 : i32
            %dma_start3A_350 = tpu.memref_slice %arg8[%scan3A_290, %run_scoped3A_340, %dma_start3A_349] : memref<16x2x128xi32, #tpu.memory_space<vmem>> -> memref<1x1x128xi32, #tpu.memory_space<vmem>>
            %dma_start3A_351 = tpu.memref_squeeze %dma_start3A_350 : memref<1x1x128xi32, #tpu.memory_space<vmem>> -> memref<128xi32, #tpu.memory_space<vmem>>
            %dma_start3A_352 = arith.constant 0 : i32
            %dma_start3A_353 = arith.constant 0 : i32
            %dma_start3A_354 = tpu.memref_slice %arg11[%dma_start3A_352, %dma_start3A_353] : memref<10240x128xf32, #tpu.memory_space<vmem_shared>> -> memref<10240x128xf32, #tpu.memory_space<vmem_shared>>
            tpu.enqueue_indirect_dma source(%dma_start3A_348 : memref<128x128xf32, #tpu.memory_space<vmem>>) target(%dma_start3A_354 : memref<10240x128xf32, #tpu.memory_space<vmem_shared>>) offsets(%dma_start3A_351 : memref<128xi32, #tpu.memory_space<vmem>>) semaphore(%run_scoped3A_344 : memref<!tpu.dma_semaphore, #tpu.memory_space<semaphore_mem>>) {add = true}
            %dma_wait3A_355 = arith.constant 0 : i32
            %dma_wait3A_356 = arith.constant 0 : i32
            %dma_wait3A_357 = tpu.memref_slice %arg9[%run_scoped3A, %dma_wait3A_355, %dma_wait3A_356] : memref<2x128x128xf32, #tpu.memory_space<vmem>> -> memref<1x128x128xf32, #tpu.memory_space<vmem>>
            %dma_wait3A_358 = tpu.memref_squeeze %dma_wait3A_357 : memref<1x128x128xf32, #tpu.memory_space<vmem>> -> memref<128x128xf32, #tpu.memory_space<vmem>>
            %dma_wait3A_359 = arith.constant 0 : i32
            %dma_wait3A_360 = tpu.memref_slice %arg8[%scan3A_290, %run_scoped3A_340, %dma_wait3A_359] : memref<16x2x128xi32, #tpu.memory_space<vmem>> -> memref<1x1x128xi32, #tpu.memory_space<vmem>>
            %dma_wait3A_361 = tpu.memref_squeeze %dma_wait3A_360 : memref<1x1x128xi32, #tpu.memory_space<vmem>> -> memref<128xi32, #tpu.memory_space<vmem>>
            %dma_wait3A_362 = arith.constant 0 : i32
            %dma_wait3A_363 = arith.constant 0 : i32
            %dma_wait3A_364 = tpu.memref_slice %arg11[%dma_wait3A_362, %dma_wait3A_363] : memref<10240x128xf32, #tpu.memory_space<vmem_shared>> -> memref<10240x128xf32, #tpu.memory_space<vmem_shared>>
            tpu.wait_indirect_dma semaphore(%run_scoped3A_344 : memref<!tpu.dma_semaphore, #tpu.memory_space<semaphore_mem>>) src(%dma_wait3A_358 : memref<128x128xf32, #tpu.memory_space<vmem>>) dst(%dma_wait3A_364 : memref<10240x128xf32, #tpu.memory_space<vmem_shared>>)
            tpu.yield
          }) : () -> ()
          %run_scoped3A_341 = arith.constant 1 : i32
          %run_scoped3A_342 = arith.constant 1 : i32
          "tpu.region"() ({
            %run_scoped3A_344 = tpu.sem_alloc : memref<!tpu.dma_semaphore, #tpu.memory_space<semaphore_mem>>
            %dma_start3A_345 = arith.constant 0 : i32
            %dma_start3A_346 = arith.constant 0 : i32
            %dma_start3A_347 = tpu.memref_slice %arg9[%run_scoped3A_341, %dma_start3A_345, %dma_start3A_346] : memref<2x128x128xf32, #tpu.memory_space<vmem>> -> memref<1x128x128xf32, #tpu.memory_space<vmem>>
            %dma_start3A_348 = tpu.memref_squeeze %dma_start3A_347 : memref<1x128x128xf32, #tpu.memory_space<vmem>> -> memref<128x128xf32, #tpu.memory_space<vmem>>
            %dma_start3A_349 = arith.constant 0 : i32
            %dma_start3A_350 = tpu.memref_slice %arg8[%scan3A_290, %run_scoped3A_342, %dma_start3A_349] : memref<16x2x128xi32, #tpu.memory_space<vmem>> -> memref<1x1x128xi32, #tpu.memory_space<vmem>>
            %dma_start3A_351 = tpu.memref_squeeze %dma_start3A_350 : memref<1x1x128xi32, #tpu.memory_space<vmem>> -> memref<128xi32, #tpu.memory_space<vmem>>
            %dma_start3A_352 = arith.constant 0 : i32
            %dma_start3A_353 = arith.constant 0 : i32
            %dma_start3A_354 = tpu.memref_slice %arg11[%dma_start3A_352, %dma_start3A_353] : memref<10240x128xf32, #tpu.memory_space<vmem_shared>> -> memref<10240x128xf32, #tpu.memory_space<vmem_shared>>
            tpu.enqueue_indirect_dma source(%dma_start3A_348 : memref<128x128xf32, #tpu.memory_space<vmem>>) target(%dma_start3A_354 : memref<10240x128xf32, #tpu.memory_space<vmem_shared>>) offsets(%dma_start3A_351 : memref<128xi32, #tpu.memory_space<vmem>>) semaphore(%run_scoped3A_344 : memref<!tpu.dma_semaphore, #tpu.memory_space<semaphore_mem>>) {add = true}
            %dma_wait3A_355 = arith.constant 0 : i32
            %dma_wait3A_356 = arith.constant 0 : i32
            %dma_wait3A_357 = tpu.memref_slice %arg9[%run_scoped3A_341, %dma_wait3A_355, %dma_wait3A_356] : memref<2x128x128xf32, #tpu.memory_space<vmem>> -> memref<1x128x128xf32, #tpu.memory_space<vmem>>
            %dma_wait3A_358 = tpu.memref_squeeze %dma_wait3A_357 : memref<1x128x128xf32, #tpu.memory_space<vmem>> -> memref<128x128xf32, #tpu.memory_space<vmem>>
            %dma_wait3A_359 = arith.constant 0 : i32
            %dma_wait3A_360 = tpu.memref_slice %arg8[%scan3A_290, %run_scoped3A_342, %dma_wait3A_359] : memref<16x2x128xi32, #tpu.memory_space<vmem>> -> memref<1x1x128xi32, #tpu.memory_space<vmem>>
            %dma_wait3A_361 = tpu.memref_squeeze %dma_wait3A_360 : memref<1x1x128xi32, #tpu.memory_space<vmem>> -> memref<128xi32, #tpu.memory_space<vmem>>
            %dma_wait3A_362 = arith.constant 0 : i32
            %dma_wait3A_363 = arith.constant 0 : i32
            %dma_wait3A_364 = tpu.memref_slice %arg11[%dma_wait3A_362, %dma_wait3A_363] : memref<10240x128xf32, #tpu.memory_space<vmem_shared>> -> memref<10240x128xf32, #tpu.memory_space<vmem_shared>>
            tpu.wait_indirect_dma semaphore(%run_scoped3A_344 : memref<!tpu.dma_semaphore, #tpu.memory_space<semaphore_mem>>) src(%dma_wait3A_358 : memref<128x128xf32, #tpu.memory_space<vmem>>) dst(%dma_wait3A_364 : memref<10240x128xf32, #tpu.memory_space<vmem_shared>>)
            tpu.yield
          }) : () -> ()
          "tpu.trace_stop"() : () -> ()
          %scan3A_343 = arith.constant 0 : i32
          scf.yield %scan3A_343 : i32
        }
        %scan3A_289 = arith.constant 16 : i32
        scf.yield %scan3A_288 : i32
      }
      %scan3A_244 = arith.constant 5 : i32
    } else {
    }
    %eq3A_228 = arith.constant 1 : i32
    %eq3A_229 = arith.cmpi eq, %arg0, %eq3A_228 : i32
    %convert_element_type3A_230 = arith.extui %eq3A_229 : i1 to i32
    %cond3A_231 = arith.constant 0 : i32
    %cond3A_232 = arith.cmpi ne, %convert_element_type3A_230, %cond3A_231 : i32
    scf.if %cond3A_232 {
      %scan3A_238 = arith.constant 0 : i32
      %scan3A_239 = arith.constant 0 : i32
      %scan3A_240 = arith.constant 5 : i32
      %scan3A_241 = arith.addi %scan3A_239, %scan3A_240 : i32
      %scan3A_242 = arith.constant 1 : i32
      %scan3A_243 = scf.for %scan3A_245 = %scan3A_239 to %scan3A_241 step %scan3A_242 iter_args(%scan3A_246 = %scan3A_238) -> (i32)  : i32 {
        %mul3A_247 = arith.constant 16 : i32
        %mul3A_248 = arith.muli %scan3A_245, %mul3A_247 : i32
        %dma_start3A_249 = arith.constant 0 : i32
        %dma_start3A_250 = arith.constant 0 : i32
        %dma_start3A_251 = tpu.memref_slice %arg4[%arg1, %mul3A_248, %dma_start3A_249, %dma_start3A_250] : memref<16x80x2x128xi32, #tpu.memory_space<hbm>> -> memref<1x16x2x128xi32, #tpu.memory_space<hbm>>
        %dma_start3A_252 = tpu.memref_squeeze %dma_start3A_251 : memref<1x16x2x128xi32, #tpu.memory_space<hbm>> -> memref<16x2x128xi32, #tpu.memory_space<hbm>>
        %dma_start3A_253 = arith.constant 0 : i32
        %dma_start3A_254 = arith.constant 0 : i32
        %dma_start3A_255 = tpu.memref_slice %arg4[%arg1, %mul3A_248, %dma_start3A_253, %dma_start3A_254] : memref<16x80x2x128xi32, #tpu.memory_space<hbm>> -> memref<1x16x2x128xi32, #tpu.memory_space<hbm>>
        %dma_start3A_256 = tpu.memref_squeeze %dma_start3A_255 : memref<1x16x2x128xi32, #tpu.memory_space<hbm>> -> memref<16x2x128xi32, #tpu.memory_space<hbm>>
        tpu.enqueue_dma source(%dma_start3A_256 : memref<16x2x128xi32, #tpu.memory_space<hbm>>) target(%arg7 : memref<16x2x128xi32, #tpu.memory_space<vmem>>) target_semaphore(%arg12 : memref<!tpu.dma_semaphore, #tpu.memory_space<semaphore_mem>>)
        %mul3A_257 = arith.constant 16 : i32
        %mul3A_258 = arith.muli %scan3A_245, %mul3A_257 : i32
        %dma_start3A_259 = arith.constant 0 : i32
        %dma_start3A_260 = arith.constant 0 : i32
        %dma_start3A_261 = tpu.memref_slice %arg5[%arg1, %mul3A_258, %dma_start3A_259, %dma_start3A_260] : memref<16x80x2x128xi32, #tpu.memory_space<hbm>> -> memref<1x16x2x128xi32, #tpu.memory_space<hbm>>
        %dma_start3A_262 = tpu.memref_squeeze %dma_start3A_261 : memref<1x16x2x128xi32, #tpu.memory_space<hbm>> -> memref<16x2x128xi32, #tpu.memory_space<hbm>>
        %dma_start3A_263 = arith.constant 0 : i32
        %dma_start3A_264 = arith.constant 0 : i32
        %dma_start3A_265 = tpu.memref_slice %arg5[%arg1, %mul3A_258, %dma_start3A_263, %dma_start3A_264] : memref<16x80x2x128xi32, #tpu.memory_space<hbm>> -> memref<1x16x2x128xi32, #tpu.memory_space<hbm>>
        %dma_start3A_266 = tpu.memref_squeeze %dma_start3A_265 : memref<1x16x2x128xi32, #tpu.memory_space<hbm>> -> memref<16x2x128xi32, #tpu.memory_space<hbm>>
        tpu.enqueue_dma source(%dma_start3A_266 : memref<16x2x128xi32, #tpu.memory_space<hbm>>) target(%arg8 : memref<16x2x128xi32, #tpu.memory_space<vmem>>) target_semaphore(%arg13 : memref<!tpu.dma_semaphore, #tpu.memory_space<semaphore_mem>>)
        %dma_wait3A_267 = arith.constant 0 : i32
        %dma_wait3A_268 = arith.constant 0 : i32
        %dma_wait3A_269 = tpu.memref_slice %arg4[%arg1, %mul3A_248, %dma_wait3A_267, %dma_wait3A_268] : memref<16x80x2x128xi32, #tpu.memory_space<hbm>> -> memref<1x16x2x128xi32, #tpu.memory_space<hbm>>
        %dma_wait3A_270 = tpu.memref_squeeze %dma_wait3A_269 : memref<1x16x2x128xi32, #tpu.memory_space<hbm>> -> memref<16x2x128xi32, #tpu.memory_space<hbm>>
        %dma_wait3A_271 = arith.constant 0 : i32
        %dma_wait3A_272 = arith.constant 0 : i32
        %dma_wait3A_273 = tpu.memref_slice %arg4[%arg1, %mul3A_248, %dma_wait3A_271, %dma_wait3A_272] : memref<16x80x2x128xi32, #tpu.memory_space<hbm>> -> memref<1x16x2x128xi32, #tpu.memory_space<hbm>>
        %dma_wait3A_274 = tpu.memref_squeeze %dma_wait3A_273 : memref<1x16x2x128xi32, #tpu.memory_space<hbm>> -> memref<16x2x128xi32, #tpu.memory_space<hbm>>
        tpu.wait_dma2 semaphore(%arg12 : memref<!tpu.dma_semaphore, #tpu.memory_space<semaphore_mem>>) src(%dma_wait3A_274 : memref<16x2x128xi32, #tpu.memory_space<hbm>>) dst(%arg7 : memref<16x2x128xi32, #tpu.memory_space<vmem>>)
        %dma_wait3A_275 = arith.constant 0 : i32
        %dma_wait3A_276 = arith.constant 0 : i32
        %dma_wait3A_277 = tpu.memref_slice %arg5[%arg1, %mul3A_258, %dma_wait3A_275, %dma_wait3A_276] : memref<16x80x2x128xi32, #tpu.memory_space<hbm>> -> memref<1x16x2x128xi32, #tpu.memory_space<hbm>>
        %dma_wait3A_278 = tpu.memref_squeeze %dma_wait3A_277 : memref<1x16x2x128xi32, #tpu.memory_space<hbm>> -> memref<16x2x128xi32, #tpu.memory_space<hbm>>
        %dma_wait3A_279 = arith.constant 0 : i32
        %dma_wait3A_280 = arith.constant 0 : i32
        %dma_wait3A_281 = tpu.memref_slice %arg5[%arg1, %mul3A_258, %dma_wait3A_279, %dma_wait3A_280] : memref<16x80x2x128xi32, #tpu.memory_space<hbm>> -> memref<1x16x2x128xi32, #tpu.memory_space<hbm>>
        %dma_wait3A_282 = tpu.memref_squeeze %dma_wait3A_281 : memref<1x16x2x128xi32, #tpu.memory_space<hbm>> -> memref<16x2x128xi32, #tpu.memory_space<hbm>>
        tpu.wait_dma2 semaphore(%arg13 : memref<!tpu.dma_semaphore, #tpu.memory_space<semaphore_mem>>) src(%dma_wait3A_282 : memref<16x2x128xi32, #tpu.memory_space<hbm>>) dst(%arg8 : memref<16x2x128xi32, #tpu.memory_space<vmem>>)
        %scan3A_283 = arith.constant 0 : i32
        %scan3A_284 = arith.constant 0 : i32
        %scan3A_285 = arith.constant 16 : i32
        %scan3A_286 = arith.addi %scan3A_284, %scan3A_285 : i32
        %scan3A_287 = arith.constant 1 : i32
        %scan3A_288 = scf.for %scan3A_290 = %scan3A_284 to %scan3A_286 step %scan3A_287 iter_args(%scan3A_291 = %scan3A_283) -> (i32)  : i32 {
          %dma_start3A_292 = arith.constant 0 : i32
          %dma_start3A_293 = arith.constant 0 : i32
          %dma_start3A_294 = arith.constant 0 : i32
          %dma_start3A_295 = arith.constant 0 : i32
          %dma_start3A_296 = tpu.memref_slice %arg9[%dma_start3A_293, %dma_start3A_294, %dma_start3A_295] : memref<2x128x128xf32, #tpu.memory_space<vmem>> -> memref<1x128x128xf32, #tpu.memory_space<vmem>>
          %dma_start3A_297 = tpu.memref_squeeze %dma_start3A_296 : memref<1x128x128xf32, #tpu.memory_space<vmem>> -> memref<128x128xf32, #tpu.memory_space<vmem>>
          %dma_start3A_298 = arith.constant 0 : i32
          %dma_start3A_299 = tpu.memref_slice %arg7[%scan3A_290, %dma_start3A_292, %dma_start3A_298] : memref<16x2x128xi32, #tpu.memory_space<vmem>> -> memref<1x1x128xi32, #tpu.memory_space<vmem>>
          %dma_start3A_300 = tpu.memref_squeeze %dma_start3A_299 : memref<1x1x128xi32, #tpu.memory_space<vmem>> -> memref<128xi32, #tpu.memory_space<vmem>>
          %dma_start3A_301 = arith.constant 0 : i32
          %dma_start3A_302 = arith.constant 0 : i32
          %dma_start3A_303 = tpu.memref_slice %arg3[%dma_start3A_301, %dma_start3A_302] : memref<10240x128xf32, #tpu.memory_space<hbm>> -> memref<10240x128xf32, #tpu.memory_space<hbm>>
          tpu.enqueue_indirect_dma source(%dma_start3A_303 : memref<10240x128xf32, #tpu.memory_space<hbm>>) target(%dma_start3A_297 : memref<128x128xf32, #tpu.memory_space<vmem>>) offsets(%dma_start3A_300 : memref<128xi32, #tpu.memory_space<vmem>>) semaphore(%arg12 : memref<!tpu.dma_semaphore, #tpu.memory_space<semaphore_mem>>)
          %dma_start3A_304 = arith.constant 1 : i32
          %dma_start3A_305 = arith.constant 1 : i32
          %dma_start3A_306 = arith.constant 0 : i32
          %dma_start3A_307 = arith.constant 0 : i32
          %dma_start3A_308 = tpu.memref_slice %arg9[%dma_start3A_305, %dma_start3A_306, %dma_start3A_307] : memref<2x128x128xf32, #tpu.memory_space<vmem>> -> memref<1x128x128xf32, #tpu.memory_space<vmem>>
          %dma_start3A_309 = tpu.memref_squeeze %dma_start3A_308 : memref<1x128x128xf32, #tpu.memory_space<vmem>> -> memref<128x128xf32, #tpu.memory_space<vmem>>
          %dma_start3A_310 = arith.constant 0 : i32
          %dma_start3A_311 = tpu.memref_slice %arg7[%scan3A_290, %dma_start3A_304, %dma_start3A_310] : memref<16x2x128xi32, #tpu.memory_space<vmem>> -> memref<1x1x128xi32, #tpu.memory_space<vmem>>
          %dma_start3A_312 = tpu.memref_squeeze %dma_start3A_311 : memref<1x1x128xi32, #tpu.memory_space<vmem>> -> memref<128xi32, #tpu.memory_space<vmem>>
          %dma_start3A_313 = arith.constant 0 : i32
          %dma_start3A_314 = arith.constant 0 : i32
          %dma_start3A_315 = tpu.memref_slice %arg3[%dma_start3A_313, %dma_start3A_314] : memref<10240x128xf32, #tpu.memory_space<hbm>> -> memref<10240x128xf32, #tpu.memory_space<hbm>>
          tpu.enqueue_indirect_dma source(%dma_start3A_315 : memref<10240x128xf32, #tpu.memory_space<hbm>>) target(%dma_start3A_309 : memref<128x128xf32, #tpu.memory_space<vmem>>) offsets(%dma_start3A_312 : memref<128xi32, #tpu.memory_space<vmem>>) semaphore(%arg13 : memref<!tpu.dma_semaphore, #tpu.memory_space<semaphore_mem>>)
          %dma_wait3A_316 = arith.constant 0 : i32
          %dma_wait3A_317 = arith.constant 0 : i32
          "tpu.trace_start"() <{level = 10 : i32, message = "gwait"}> : () -> ()
          %dma_wait3A_318 = arith.constant 0 : i32
          %dma_wait3A_319 = arith.constant 0 : i32
          %dma_wait3A_320 = tpu.memref_slice %arg9[%dma_wait3A_317, %dma_wait3A_318, %dma_wait3A_319] : memref<2x128x128xf32, #tpu.memory_space<vmem>> -> memref<1x128x128xf32, #tpu.memory_space<vmem>>
          %dma_wait3A_321 = tpu.memref_squeeze %dma_wait3A_320 : memref<1x128x128xf32, #tpu.memory_space<vmem>> -> memref<128x128xf32, #tpu.memory_space<vmem>>
          %dma_wait3A_322 = arith.constant 0 : i32
          %dma_wait3A_323 = tpu.memref_slice %arg7[%scan3A_290, %dma_wait3A_316, %dma_wait3A_322] : memref<16x2x128xi32, #tpu.memory_space<vmem>> -> memref<1x1x128xi32, #tpu.memory_space<vmem>>
          %dma_wait3A_324 = tpu.memref_squeeze %dma_wait3A_323 : memref<1x1x128xi32, #tpu.memory_space<vmem>> -> memref<128xi32, #tpu.memory_space<vmem>>
          %dma_wait3A_325 = arith.constant 0 : i32
          %dma_wait3A_326 = arith.constant 0 : i32
          %dma_wait3A_327 = tpu.memref_slice %arg3[%dma_wait3A_325, %dma_wait3A_326] : memref<10240x128xf32, #tpu.memory_space<hbm>> -> memref<10240x128xf32, #tpu.memory_space<hbm>>
          tpu.wait_indirect_dma semaphore(%arg12 : memref<!tpu.dma_semaphore, #tpu.memory_space<semaphore_mem>>) src(%dma_wait3A_327 : memref<10240x128xf32, #tpu.memory_space<hbm>>) dst(%dma_wait3A_321 : memref<128x128xf32, #tpu.memory_space<vmem>>)
          %dma_wait3A_328 = arith.constant 1 : i32
          %dma_wait3A_329 = arith.constant 1 : i32
          %dma_wait3A_330 = arith.constant 0 : i32
          %dma_wait3A_331 = arith.constant 0 : i32
          %dma_wait3A_332 = tpu.memref_slice %arg9[%dma_wait3A_329, %dma_wait3A_330, %dma_wait3A_331] : memref<2x128x128xf32, #tpu.memory_space<vmem>> -> memref<1x128x128xf32, #tpu.memory_space<vmem>>
          %dma_wait3A_333 = tpu.memref_squeeze %dma_wait3A_332 : memref<1x128x128xf32, #tpu.memory_space<vmem>> -> memref<128x128xf32, #tpu.memory_space<vmem>>
          %dma_wait3A_334 = arith.constant 0 : i32
          %dma_wait3A_335 = tpu.memref_slice %arg7[%scan3A_290, %dma_wait3A_328, %dma_wait3A_334] : memref<16x2x128xi32, #tpu.memory_space<vmem>> -> memref<1x1x128xi32, #tpu.memory_space<vmem>>
          %dma_wait3A_336 = tpu.memref_squeeze %dma_wait3A_335 : memref<1x1x128xi32, #tpu.memory_space<vmem>> -> memref<128xi32, #tpu.memory_space<vmem>>
          %dma_wait3A_337 = arith.constant 0 : i32
          %dma_wait3A_338 = arith.constant 0 : i32
          %dma_wait3A_339 = tpu.memref_slice %arg3[%dma_wait3A_337, %dma_wait3A_338] : memref<10240x128xf32, #tpu.memory_space<hbm>> -> memref<10240x128xf32, #tpu.memory_space<hbm>>
          tpu.wait_indirect_dma semaphore(%arg13 : memref<!tpu.dma_semaphore, #tpu.memory_space<semaphore_mem>>) src(%dma_wait3A_339 : memref<10240x128xf32, #tpu.memory_space<hbm>>) dst(%dma_wait3A_333 : memref<128x128xf32, #tpu.memory_space<vmem>>)
          %run_scoped3A = arith.constant 0 : i32
          %run_scoped3A_340 = arith.constant 0 : i32
          "tpu.trace_stop"() : () -> ()
          "tpu.trace_start"() <{level = 10 : i32, message = "scat"}> : () -> ()
          "tpu.region"() ({
            %run_scoped3A_344 = tpu.sem_alloc : memref<!tpu.dma_semaphore, #tpu.memory_space<semaphore_mem>>
            %dma_start3A_345 = arith.constant 0 : i32
            %dma_start3A_346 = arith.constant 0 : i32
            %dma_start3A_347 = tpu.memref_slice %arg9[%run_scoped3A, %dma_start3A_345, %dma_start3A_346] : memref<2x128x128xf32, #tpu.memory_space<vmem>> -> memref<1x128x128xf32, #tpu.memory_space<vmem>>
            %dma_start3A_348 = tpu.memref_squeeze %dma_start3A_347 : memref<1x128x128xf32, #tpu.memory_space<vmem>> -> memref<128x128xf32, #tpu.memory_space<vmem>>
            %dma_start3A_349 = arith.constant 0 : i32
            %dma_start3A_350 = tpu.memref_slice %arg8[%scan3A_290, %run_scoped3A_340, %dma_start3A_349] : memref<16x2x128xi32, #tpu.memory_space<vmem>> -> memref<1x1x128xi32, #tpu.memory_space<vmem>>
            %dma_start3A_351 = tpu.memref_squeeze %dma_start3A_350 : memref<1x1x128xi32, #tpu.memory_space<vmem>> -> memref<128xi32, #tpu.memory_space<vmem>>
            %dma_start3A_352 = arith.constant 0 : i32
            %dma_start3A_353 = arith.constant 0 : i32
            %dma_start3A_354 = tpu.memref_slice %arg11[%dma_start3A_352, %dma_start3A_353] : memref<10240x128xf32, #tpu.memory_space<vmem_shared>> -> memref<10240x128xf32, #tpu.memory_space<vmem_shared>>
            tpu.enqueue_indirect_dma source(%dma_start3A_348 : memref<128x128xf32, #tpu.memory_space<vmem>>) target(%dma_start3A_354 : memref<10240x128xf32, #tpu.memory_space<vmem_shared>>) offsets(%dma_start3A_351 : memref<128xi32, #tpu.memory_space<vmem>>) semaphore(%run_scoped3A_344 : memref<!tpu.dma_semaphore, #tpu.memory_space<semaphore_mem>>) {add = true}
            %dma_wait3A_355 = arith.constant 0 : i32
            %dma_wait3A_356 = arith.constant 0 : i32
            %dma_wait3A_357 = tpu.memref_slice %arg9[%run_scoped3A, %dma_wait3A_355, %dma_wait3A_356] : memref<2x128x128xf32, #tpu.memory_space<vmem>> -> memref<1x128x128xf32, #tpu.memory_space<vmem>>
            %dma_wait3A_358 = tpu.memref_squeeze %dma_wait3A_357 : memref<1x128x128xf32, #tpu.memory_space<vmem>> -> memref<128x128xf32, #tpu.memory_space<vmem>>
            %dma_wait3A_359 = arith.constant 0 : i32
            %dma_wait3A_360 = tpu.memref_slice %arg8[%scan3A_290, %run_scoped3A_340, %dma_wait3A_359] : memref<16x2x128xi32, #tpu.memory_space<vmem>> -> memref<1x1x128xi32, #tpu.memory_space<vmem>>
            %dma_wait3A_361 = tpu.memref_squeeze %dma_wait3A_360 : memref<1x1x128xi32, #tpu.memory_space<vmem>> -> memref<128xi32, #tpu.memory_space<vmem>>
            %dma_wait3A_362 = arith.constant 0 : i32
            %dma_wait3A_363 = arith.constant 0 : i32
            %dma_wait3A_364 = tpu.memref_slice %arg11[%dma_wait3A_362, %dma_wait3A_363] : memref<10240x128xf32, #tpu.memory_space<vmem_shared>> -> memref<10240x128xf32, #tpu.memory_space<vmem_shared>>
            tpu.wait_indirect_dma semaphore(%run_scoped3A_344 : memref<!tpu.dma_semaphore, #tpu.memory_space<semaphore_mem>>) src(%dma_wait3A_358 : memref<128x128xf32, #tpu.memory_space<vmem>>) dst(%dma_wait3A_364 : memref<10240x128xf32, #tpu.memory_space<vmem_shared>>)
            tpu.yield
          }) : () -> ()
          %run_scoped3A_341 = arith.constant 1 : i32
          %run_scoped3A_342 = arith.constant 1 : i32
          "tpu.region"() ({
            %run_scoped3A_344 = tpu.sem_alloc : memref<!tpu.dma_semaphore, #tpu.memory_space<semaphore_mem>>
            %dma_start3A_345 = arith.constant 0 : i32
            %dma_start3A_346 = arith.constant 0 : i32
            %dma_start3A_347 = tpu.memref_slice %arg9[%run_scoped3A_341, %dma_start3A_345, %dma_start3A_346] : memref<2x128x128xf32, #tpu.memory_space<vmem>> -> memref<1x128x128xf32, #tpu.memory_space<vmem>>
            %dma_start3A_348 = tpu.memref_squeeze %dma_start3A_347 : memref<1x128x128xf32, #tpu.memory_space<vmem>> -> memref<128x128xf32, #tpu.memory_space<vmem>>
            %dma_start3A_349 = arith.constant 0 : i32
            %dma_start3A_350 = tpu.memref_slice %arg8[%scan3A_290, %run_scoped3A_342, %dma_start3A_349] : memref<16x2x128xi32, #tpu.memory_space<vmem>> -> memref<1x1x128xi32, #tpu.memory_space<vmem>>
            %dma_start3A_351 = tpu.memref_squeeze %dma_start3A_350 : memref<1x1x128xi32, #tpu.memory_space<vmem>> -> memref<128xi32, #tpu.memory_space<vmem>>
            %dma_start3A_352 = arith.constant 0 : i32
            %dma_start3A_353 = arith.constant 0 : i32
            %dma_start3A_354 = tpu.memref_slice %arg11[%dma_start3A_352, %dma_start3A_353] : memref<10240x128xf32, #tpu.memory_space<vmem_shared>> -> memref<10240x128xf32, #tpu.memory_space<vmem_shared>>
            tpu.enqueue_indirect_dma source(%dma_start3A_348 : memref<128x128xf32, #tpu.memory_space<vmem>>) target(%dma_start3A_354 : memref<10240x128xf32, #tpu.memory_space<vmem_shared>>) offsets(%dma_start3A_351 : memref<128xi32, #tpu.memory_space<vmem>>) semaphore(%run_scoped3A_344 : memref<!tpu.dma_semaphore, #tpu.memory_space<semaphore_mem>>) {add = true}
            %dma_wait3A_355 = arith.constant 0 : i32
            %dma_wait3A_356 = arith.constant 0 : i32
            %dma_wait3A_357 = tpu.memref_slice %arg9[%run_scoped3A_341, %dma_wait3A_355, %dma_wait3A_356] : memref<2x128x128xf32, #tpu.memory_space<vmem>> -> memref<1x128x128xf32, #tpu.memory_space<vmem>>
            %dma_wait3A_358 = tpu.memref_squeeze %dma_wait3A_357 : memref<1x128x128xf32, #tpu.memory_space<vmem>> -> memref<128x128xf32, #tpu.memory_space<vmem>>
            %dma_wait3A_359 = arith.constant 0 : i32
            %dma_wait3A_360 = tpu.memref_slice %arg8[%scan3A_290, %run_scoped3A_342, %dma_wait3A_359] : memref<16x2x128xi32, #tpu.memory_space<vmem>> -> memref<1x1x128xi32, #tpu.memory_space<vmem>>
            %dma_wait3A_361 = tpu.memref_squeeze %dma_wait3A_360 : memref<1x1x128xi32, #tpu.memory_space<vmem>> -> memref<128xi32, #tpu.memory_space<vmem>>
            %dma_wait3A_362 = arith.constant 0 : i32
            %dma_wait3A_363 = arith.constant 0 : i32
            %dma_wait3A_364 = tpu.memref_slice %arg11[%dma_wait3A_362, %dma_wait3A_363] : memref<10240x128xf32, #tpu.memory_space<vmem_shared>> -> memref<10240x128xf32, #tpu.memory_space<vmem_shared>>
            tpu.wait_indirect_dma semaphore(%run_scoped3A_344 : memref<!tpu.dma_semaphore, #tpu.memory_space<semaphore_mem>>) src(%dma_wait3A_358 : memref<128x128xf32, #tpu.memory_space<vmem>>) dst(%dma_wait3A_364 : memref<10240x128xf32, #tpu.memory_space<vmem_shared>>)
            tpu.yield
          }) : () -> ()
          "tpu.trace_stop"() : () -> ()
          %scan3A_343 = arith.constant 0 : i32
          scf.yield %scan3A_343 : i32
        }
        %scan3A_289 = arith.constant 16 : i32
        scf.yield %scan3A_288 : i32
      }
      %scan3A_244 = arith.constant 5 : i32
    } else {
    }
    %barrier3A_233 = arith.constant 0 : index
    tpu.barrier barrier_id(%barrier3A_233)
    %mul3A_234 = arith.constant 640 : i32
    %mul3A_235 = arith.muli %arg1, %mul3A_234 : i32
    %mul3A_236 = arith.constant 640 : i32
    %mul3A_237 = arith.muli %arg1, %mul3A_236 : i32
    "tpu.region"() ({
      %run_scoped3A = tpu.sem_alloc : memref<!tpu.dma_semaphore, #tpu.memory_space<semaphore_mem>>
      %dma_start3A_238 = arith.constant 0 : i32
      %dma_start3A_239 = tpu.memref_slice %arg6[%arg0, %mul3A_237, %dma_start3A_238] : memref<2x10240x128xf32, #tpu.memory_space<hbm>> -> memref<1x640x128xf32, #tpu.memory_space<hbm>>
      %dma_start3A_240 = tpu.memref_squeeze %dma_start3A_239 : memref<1x640x128xf32, #tpu.memory_space<hbm>> -> memref<640x128xf32, #tpu.memory_space<hbm>>
      %dma_start3A_241 = arith.constant 0 : i32
      %dma_start3A_242 = tpu.memref_slice %arg11[%mul3A_235, %dma_start3A_241] : memref<10240x128xf32, #tpu.memory_space<vmem_shared>> -> memref<640x128xf32, #tpu.memory_space<vmem_shared>>
      tpu.enqueue_dma source(%dma_start3A_242 : memref<640x128xf32, #tpu.memory_space<vmem_shared>>) target(%dma_start3A_240 : memref<640x128xf32, #tpu.memory_space<hbm>>) target_semaphore(%run_scoped3A : memref<!tpu.dma_semaphore, #tpu.memory_space<semaphore_mem>>)
      %dma_wait3A_243 = arith.constant 0 : i32
      %dma_wait3A_244 = tpu.memref_slice %arg6[%arg0, %mul3A_237, %dma_wait3A_243] : memref<2x10240x128xf32, #tpu.memory_space<hbm>> -> memref<1x640x128xf32, #tpu.memory_space<hbm>>
      %dma_wait3A_245 = tpu.memref_squeeze %dma_wait3A_244 : memref<1x640x128xf32, #tpu.memory_space<hbm>> -> memref<640x128xf32, #tpu.memory_space<hbm>>
      %dma_wait3A_246 = arith.constant 0 : i32
      %dma_wait3A_247 = tpu.memref_slice %arg11[%mul3A_235, %dma_wait3A_246] : memref<10240x128xf32, #tpu.memory_space<vmem_shared>> -> memref<640x128xf32, #tpu.memory_space<vmem_shared>>
      tpu.wait_dma2 semaphore(%run_scoped3A : memref<!tpu.dma_semaphore, #tpu.memory_space<semaphore_mem>>) src(%dma_wait3A_247 : memref<640x128xf32, #tpu.memory_space<vmem_shared>>) dst(%dma_wait3A_245 : memref<640x128xf32, #tpu.memory_space<hbm>>)
      tpu.yield
    }) : () -> ()
    return
  }
}

module attributes {stable_mosaic.version = 14 : i64} {
  func.func @_a_body(%arg0: i32, %arg1: memref<512x150xf32, #tpu.memory_space<vmem>>, %arg2: memref<150x150xf32, #tpu.memory_space<vmem>>, %arg3: memref<1x150xf32, #tpu.memory_space<vmem>>, %arg4: memref<150x128xf32, #tpu.memory_space<vmem>>, %arg5: memref<1x128xf32, #tpu.memory_space<vmem>>, %arg6: memref<150x128xf32, #tpu.memory_space<vmem>>, %arg7: memref<1x128xf32, #tpu.memory_space<vmem>>, %arg8: memref<512x128xf32, #tpu.memory_space<vmem>>, %arg9: memref<512x128xf32, #tpu.memory_space<vmem>>) attributes {dimension_semantics = [#tpu.dimension_semantics<arbitrary>], iteration_bounds = array<i64: 20>, scalar_prefetch = 0 : i64, scratch_operands = 0 : i64, tpu.core_type = #tpu.core_type<tc>, window_params = [{transform_indices = @transform_0, window_bounds = array<i64: 512, 150>}, {pipeline_mode = #tpu.pipeline_mode<synchronous>, transform_indices = @transform_1, window_bounds = array<i64: 150, 150>}, {pipeline_mode = #tpu.pipeline_mode<synchronous>, transform_indices = @transform_2, window_bounds = array<i64: 1, 150>}, {pipeline_mode = #tpu.pipeline_mode<synchronous>, transform_indices = @transform_3, window_bounds = array<i64: 150, 128>}, {pipeline_mode = #tpu.pipeline_mode<synchronous>, transform_indices = @transform_4, window_bounds = array<i64: 1, 128>}, {pipeline_mode = #tpu.pipeline_mode<synchronous>, transform_indices = @transform_5, window_bounds = array<i64: 150, 128>}, {pipeline_mode = #tpu.pipeline_mode<synchronous>, transform_indices = @transform_6, window_bounds = array<i64: 1, 128>}, {transform_indices = @transform_7, window_bounds = array<i64: 512, 128>}, {transform_indices = @transform_8, window_bounds = array<i64: 512, 128>}]} {
    %get3A = arith.constant 0 : index
    %get3A_0 = arith.constant 0 : index
    %get3A_1 = vector.load %arg1[%get3A, %get3A_0] : memref<512x150xf32, #tpu.memory_space<vmem>>, vector<512x150xf32>
    %get3A_2 = arith.constant 0 : index
    %get3A_3 = arith.constant 0 : index
    %get3A_4 = vector.load %arg2[%get3A_2, %get3A_3] : memref<150x150xf32, #tpu.memory_space<vmem>>, vector<150x150xf32>
    %dot_general3A = arith.constant dense<0.000000e+00> : vector<512x150xf32>
    %dot_general3A_5 = tpu.matmul %get3A_1, %get3A_4, %dot_general3A {dimension_numbers = #tpu.dot_dimension_numbers<[1], [0], [0], [1], [0, 0, 1, 1], [], []>, transpose_lhs_hint = false} : vector<512x150xf32>, vector<150x150xf32>, vector<512x150xf32> -> vector<512x150xf32>
    %get3A_6 = arith.constant 0 : index
    %get3A_7 = arith.constant 0 : index
    %get3A_8 = vector.load %arg3[%get3A_6, %get3A_7] : memref<1x150xf32, #tpu.memory_space<vmem>>, vector<1x150xf32>
    %add3A = vector.broadcast %get3A_8 : vector<1x150xf32> to vector<512x150xf32>
    %add3A_9 = arith.addf %dot_general3A_5, %add3A : vector<512x150xf32>
    %ge3A = arith.constant 0.000000e+00 : f32
    %ge3A_10 = vector.broadcast %ge3A : f32 to vector<512x150xf32>
    %ge3A_11 = arith.cmpf oge, %add3A_9, %ge3A_10 : vector<512x150xf32>
    %mul3A = arith.constant 0.00999999977 : f32
    %mul3A_12 = vector.broadcast %mul3A : f32 to vector<512x150xf32>
    %mul3A_13 = arith.mulf %mul3A_12, %add3A_9 : vector<512x150xf32>
    %select_n3A = arith.select %ge3A_11, %add3A_9, %mul3A_13 : vector<512x150xi1>, vector<512x150xf32>
    %get3A_14 = arith.constant 0 : index
    %get3A_15 = arith.constant 0 : index
    %get3A_16 = vector.load %arg4[%get3A_14, %get3A_15] : memref<150x128xf32, #tpu.memory_space<vmem>>, vector<150x128xf32>
    %dot_general3A_17 = arith.constant dense<0.000000e+00> : vector<512x128xf32>
    %dot_general3A_18 = tpu.matmul %select_n3A, %get3A_16, %dot_general3A_17 {dimension_numbers = #tpu.dot_dimension_numbers<[1], [0], [0], [1], [0, 0, 1, 1], [], []>, transpose_lhs_hint = false} : vector<512x150xf32>, vector<150x128xf32>, vector<512x128xf32> -> vector<512x128xf32>
    %get3A_19 = arith.constant 0 : index
    %get3A_20 = arith.constant 0 : index
    %get3A_21 = vector.load %arg5[%get3A_19, %get3A_20] : memref<1x128xf32, #tpu.memory_space<vmem>>, vector<1x128xf32>
    %add3A_22 = vector.broadcast %get3A_21 : vector<1x128xf32> to vector<512x128xf32>
    %add3A_23 = arith.addf %dot_general3A_18, %add3A_22 : vector<512x128xf32>
    %get3A_24 = arith.constant 0 : index
    %get3A_25 = arith.constant 0 : index
    %get3A_26 = vector.load %arg6[%get3A_24, %get3A_25] : memref<150x128xf32, #tpu.memory_space<vmem>>, vector<150x128xf32>
    %dot_general3A_27 = arith.constant dense<0.000000e+00> : vector<512x128xf32>
    %dot_general3A_28 = tpu.matmul %select_n3A, %get3A_26, %dot_general3A_27 {dimension_numbers = #tpu.dot_dimension_numbers<[1], [0], [0], [1], [0, 0, 1, 1], [], []>, transpose_lhs_hint = false} : vector<512x150xf32>, vector<150x128xf32>, vector<512x128xf32> -> vector<512x128xf32>
    %get3A_29 = arith.constant 0 : index
    %get3A_30 = arith.constant 0 : index
    %get3A_31 = vector.load %arg7[%get3A_29, %get3A_30] : memref<1x128xf32, #tpu.memory_space<vmem>>, vector<1x128xf32>
    %add3A_32 = vector.broadcast %get3A_31 : vector<1x128xf32> to vector<512x128xf32>
    %add3A_33 = arith.addf %dot_general3A_28, %add3A_32 : vector<512x128xf32>
    %iota3A = tpu.iota {dimensions = array<i32: 0>} : vector<512x128xi32>
    %mul3A_34 = arith.constant 512 : i32
    %mul3A_35 = arith.muli %arg0, %mul3A_34 : i32
    %add3A_36 = vector.broadcast %mul3A_35 : i32 to vector<512x128xi32>
    %add3A_37 = arith.addi %iota3A, %add3A_36 : vector<512x128xi32>
    %lt3A = arith.constant 10000 : i32
    %lt3A_38 = vector.broadcast %lt3A : i32 to vector<512x128xi32>
    %lt3A_39 = arith.cmpi slt, %add3A_37, %lt3A_38 : vector<512x128xi32>
    %jit3A = arith.constant 0.000000e+00 : f32
    %broadcast_in_dim3A = vector.broadcast %jit3A : f32 to vector<512x128xf32>
    %select_n3A_40 = arith.select %lt3A_39, %add3A_23, %broadcast_in_dim3A : vector<512x128xi1>, vector<512x128xf32>
    %swap3A = arith.constant 0 : index
    %swap3A_41 = arith.constant 0 : index
    %swap3A_42 = vector.load %arg8[%swap3A, %swap3A_41] : memref<512x128xf32, #tpu.memory_space<vmem>>, vector<512x128xf32>
    tpu.vector_store %arg8[%swap3A, %swap3A_41], %select_n3A_40 {strides = array<i32>} : memref<512x128xf32, #tpu.memory_space<vmem>>, vector<512x128xf32>,
    %lt3A_43 = arith.constant 10000 : i32
    %lt3A_44 = vector.broadcast %lt3A_43 : i32 to vector<512x128xi32>
    %lt3A_45 = arith.cmpi slt, %add3A_37, %lt3A_44 : vector<512x128xi32>
    %jit3A_46 = arith.constant 0.000000e+00 : f32
    %broadcast_in_dim3A_47 = vector.broadcast %jit3A_46 : f32 to vector<512x128xf32>
    %select_n3A_48 = arith.select %lt3A_45, %add3A_33, %broadcast_in_dim3A_47 : vector<512x128xi1>, vector<512x128xf32>
    %swap3A_49 = arith.constant 0 : index
    %swap3A_50 = arith.constant 0 : index
    %swap3A_51 = vector.load %arg9[%swap3A_49, %swap3A_50] : memref<512x128xf32, #tpu.memory_space<vmem>>, vector<512x128xf32>
    tpu.vector_store %arg9[%swap3A_49, %swap3A_50], %select_n3A_48 {strides = array<i32>} : memref<512x128xf32, #tpu.memory_space<vmem>>, vector<512x128xf32>,
    return
  }
  func.func @transform_0(%arg0: i32) -> (i32, i32) {
    %c0_i32 = arith.constant 0 : i32
    %c0_i32_0 = arith.constant 0 : i32
    return %arg0, %c0_i32 : i32, i32
  }
  func.func @transform_1(%arg0: i32) -> (i32, i32) {
    %c0_i32 = arith.constant 0 : i32
    %c0_i32_0 = arith.constant 0 : i32
    %c0_i32_1 = arith.constant 0 : i32
    return %c0_i32, %c0_i32_0 : i32, i32
  }
  func.func @transform_2(%arg0: i32) -> (i32, i32) {
    %c0_i32 = arith.constant 0 : i32
    %c0_i32_0 = arith.constant 0 : i32
    %c0_i32_1 = arith.constant 0 : i32
    return %c0_i32, %c0_i32_0 : i32, i32
  }
  func.func @transform_3(%arg0: i32) -> (i32, i32) {
    %c0_i32 = arith.constant 0 : i32
    %c0_i32_0 = arith.constant 0 : i32
    %c0_i32_1 = arith.constant 0 : i32
    return %c0_i32, %c0_i32_0 : i32, i32
  }
  func.func @transform_4(%arg0: i32) -> (i32, i32) {
    %c0_i32 = arith.constant 0 : i32
    %c0_i32_0 = arith.constant 0 : i32
    %c0_i32_1 = arith.constant 0 : i32
    return %c0_i32, %c0_i32_0 : i32, i32
  }
  func.func @transform_5(%arg0: i32) -> (i32, i32) {
    %c0_i32 = arith.constant 0 : i32
    %c0_i32_0 = arith.constant 0 : i32
    %c0_i32_1 = arith.constant 0 : i32
    return %c0_i32, %c0_i32_0 : i32, i32
  }
  func.func @transform_6(%arg0: i32) -> (i32, i32) {
    %c0_i32 = arith.constant 0 : i32
    %c0_i32_0 = arith.constant 0 : i32
    %c0_i32_1 = arith.constant 0 : i32
    return %c0_i32, %c0_i32_0 : i32, i32
  }
  func.func @transform_7(%arg0: i32) -> (i32, i32) {
    %c0_i32 = arith.constant 0 : i32
    %c0_i32_0 = arith.constant 0 : i32
    return %arg0, %c0_i32 : i32, i32
  }
  func.func @transform_8(%arg0: i32) -> (i32, i32) {
    %c0_i32 = arith.constant 0 : i32
    %c0_i32_0 = arith.constant 0 : i32
    return %arg0, %c0_i32 : i32, i32
  }
}

module attributes {stable_mosaic.version = 14 : i64} {
  func.func @_ba_body(%arg0: i32, %arg1: memref<512x128xf32, #tpu.memory_space<vmem>>, %arg2: memref<512x128xf32, #tpu.memory_space<vmem>>, %arg3: memref<512x150xf32, #tpu.memory_space<vmem>>, %arg4: memref<128x150xf32, #tpu.memory_space<vmem>>, %arg5: memref<128x150xf32, #tpu.memory_space<vmem>>, %arg6: memref<128x150xf32, #tpu.memory_space<vmem>>, %arg7: memref<128x150xf32, #tpu.memory_space<vmem>>, %arg8: memref<128x150xf32, #tpu.memory_space<vmem>>, %arg9: memref<128x150xf32, #tpu.memory_space<vmem>>, %arg10: memref<150x150xf32, #tpu.memory_space<vmem>>, %arg11: memref<150x150xf32, #tpu.memory_space<vmem>>, %arg12: memref<150x150xf32, #tpu.memory_space<vmem>>, %arg13: memref<1x150xf32, #tpu.memory_space<vmem>>, %arg14: memref<1x150xf32, #tpu.memory_space<vmem>>, %arg15: memref<1x150xf32, #tpu.memory_space<vmem>>, %arg16: memref<1x150xf32, #tpu.memory_space<vmem>>, %arg17: memref<150x150xf32, #tpu.memory_space<vmem>>, %arg18: memref<1x150xf32, #tpu.memory_space<vmem>>, %arg19: memref<150x128xf32, #tpu.memory_space<vmem>>, %arg20: memref<1x128xf32, #tpu.memory_space<vmem>>, %arg21: memref<150x128xf32, #tpu.memory_space<vmem>>, %arg22: memref<1x128xf32, #tpu.memory_space<vmem>>, %arg23: memref<512x150xf32, #tpu.memory_space<vmem>>, %arg24: memref<512x128xf32, #tpu.memory_space<vmem>>, %arg25: memref<512x128xf32, #tpu.memory_space<vmem>>) attributes {dimension_semantics = [#tpu.dimension_semantics<arbitrary>], iteration_bounds = array<i64: 20>, scalar_prefetch = 0 : i64, scratch_operands = 0 : i64, tpu.core_type = #tpu.core_type<tc>, window_params = [{transform_indices = @transform_0, window_bounds = array<i64: 512, 128>}, {transform_indices = @transform_1, window_bounds = array<i64: 512, 128>}, {transform_indices = @transform_2, window_bounds = array<i64: 512, 150>}, {pipeline_mode = #tpu.pipeline_mode<synchronous>, transform_indices = @transform_3, window_bounds = array<i64: 128, 150>}, {pipeline_mode = #tpu.pipeline_mode<synchronous>, transform_indices = @transform_4, window_bounds = array<i64: 128, 150>}, {pipeline_mode = #tpu.pipeline_mode<synchronous>, transform_indices = @transform_5, window_bounds = array<i64: 128, 150>}, {pipeline_mode = #tpu.pipeline_mode<synchronous>, transform_indices = @transform_6, window_bounds = array<i64: 128, 150>}, {pipeline_mode = #tpu.pipeline_mode<synchronous>, transform_indices = @transform_7, window_bounds = array<i64: 128, 150>}, {pipeline_mode = #tpu.pipeline_mode<synchronous>, transform_indices = @transform_8, window_bounds = array<i64: 128, 150>}, {pipeline_mode = #tpu.pipeline_mode<synchronous>, transform_indices = @transform_9, window_bounds = array<i64: 150, 150>}, {pipeline_mode = #tpu.pipeline_mode<synchronous>, transform_indices = @transform_10, window_bounds = array<i64: 150, 150>}, {pipeline_mode = #tpu.pipeline_mode<synchronous>, transform_indices = @transform_11, window_bounds = array<i64: 150, 150>}, {pipeline_mode = #tpu.pipeline_mode<synchronous>, transform_indices = @transform_12, window_bounds = array<i64: 1, 150>}, {pipeline_mode = #tpu.pipeline_mode<synchronous>, transform_indices = @transform_13, window_bounds = array<i64: 1, 150>}, {pipeline_mode = #tpu.pipeline_mode<synchronous>, transform_indices = @transform_14, window_bounds = array<i64: 1, 150>}, {pipeline_mode = #tpu.pipeline_mode<synchronous>, transform_indices = @transform_15, window_bounds = array<i64: 1, 150>}, {pipeline_mode = #tpu.pipeline_mode<synchronous>, transform_indices = @transform_16, window_bounds = array<i64: 150, 150>}, {pipeline_mode = #tpu.pipeline_mode<synchronous>, transform_indices = @transform_17, window_bounds = array<i64: 1, 150>}, {pipeline_mode = #tpu.pipeline_mode<synchronous>, transform_indices = @transform_18, window_bounds = array<i64: 150, 128>}, {pipeline_mode = #tpu.pipeline_mode<synchronous>, transform_indices = @transform_19, window_bounds = array<i64: 1, 128>}, {pipeline_mode = #tpu.pipeline_mode<synchronous>, transform_indices = @transform_20, window_bounds = array<i64: 150, 128>}, {pipeline_mode = #tpu.pipeline_mode<synchronous>, transform_indices = @transform_21, window_bounds = array<i64: 1, 128>}, {transform_indices = @transform_22, window_bounds = array<i64: 512, 150>}, {transform_indices = @transform_23, window_bounds = array<i64: 512, 128>}, {transform_indices = @transform_24, window_bounds = array<i64: 512, 128>}]} {
    %get3A = arith.constant 0 : index
    %get3A_0 = arith.constant 0 : index
    %get3A_1 = vector.load %arg1[%get3A, %get3A_0] : memref<512x128xf32, #tpu.memory_space<vmem>>, vector<512x128xf32>
    %get3A_2 = arith.constant 0 : index
    %get3A_3 = arith.constant 0 : index
    %get3A_4 = vector.load %arg2[%get3A_2, %get3A_3] : memref<512x128xf32, #tpu.memory_space<vmem>>, vector<512x128xf32>
    %get3A_5 = arith.constant 0 : index
    %get3A_6 = arith.constant 0 : index
    %get3A_7 = vector.load %arg3[%get3A_5, %get3A_6] : memref<512x150xf32, #tpu.memory_space<vmem>>, vector<512x150xf32>
    %get3A_8 = arith.constant 0 : index
    %get3A_9 = arith.constant 0 : index
    %get3A_10 = vector.load %arg4[%get3A_8, %get3A_9] : memref<128x150xf32, #tpu.memory_space<vmem>>, vector<128x150xf32>
    %dot_general3A = arith.constant dense<0.000000e+00> : vector<512x150xf32>
    %dot_general3A_11 = tpu.matmul %get3A_1, %get3A_10, %dot_general3A {dimension_numbers = #tpu.dot_dimension_numbers<[1], [0], [0], [1], [0, 0, 1, 1], [], []>, transpose_lhs_hint = false} : vector<512x128xf32>, vector<128x150xf32>, vector<512x150xf32> -> vector<512x150xf32>
    %get3A_12 = arith.constant 0 : index
    %get3A_13 = arith.constant 0 : index
    %get3A_14 = vector.load %arg7[%get3A_12, %get3A_13] : memref<128x150xf32, #tpu.memory_space<vmem>>, vector<128x150xf32>
    %dot_general3A_15 = arith.constant dense<0.000000e+00> : vector<512x150xf32>
    %dot_general3A_16 = tpu.matmul %get3A_4, %get3A_14, %dot_general3A_15 {dimension_numbers = #tpu.dot_dimension_numbers<[1], [0], [0], [1], [0, 0, 1, 1], [], []>, transpose_lhs_hint = false} : vector<512x128xf32>, vector<128x150xf32>, vector<512x150xf32> -> vector<512x150xf32>
    %add3A = arith.addf %dot_general3A_11, %dot_general3A_16 : vector<512x150xf32>
    %get3A_17 = arith.constant 0 : index
    %get3A_18 = arith.constant 0 : index
    %get3A_19 = vector.load %arg10[%get3A_17, %get3A_18] : memref<150x150xf32, #tpu.memory_space<vmem>>, vector<150x150xf32>
    %dot_general3A_20 = arith.constant dense<0.000000e+00> : vector<512x150xf32>
    %dot_general3A_21 = tpu.matmul %get3A_7, %get3A_19, %dot_general3A_20 {dimension_numbers = #tpu.dot_dimension_numbers<[1], [0], [0], [1], [0, 0, 1, 1], [], []>, transpose_lhs_hint = false} : vector<512x150xf32>, vector<150x150xf32>, vector<512x150xf32> -> vector<512x150xf32>
    %add3A_22 = arith.addf %add3A, %dot_general3A_21 : vector<512x150xf32>
    %get3A_23 = arith.constant 0 : index
    %get3A_24 = arith.constant 0 : index
    %get3A_25 = vector.load %arg13[%get3A_23, %get3A_24] : memref<1x150xf32, #tpu.memory_space<vmem>>, vector<1x150xf32>
    %add3A_26 = vector.broadcast %get3A_25 : vector<1x150xf32> to vector<512x150xf32>
    %add3A_27 = arith.addf %add3A_22, %add3A_26 : vector<512x150xf32>
    %logistic3A = arith.negf %add3A_27 : vector<512x150xf32>
    %logistic3A_28 = math.exp %logistic3A : vector<512x150xf32>
    %logistic3A_29 = arith.constant 1.000000e+00 : f32
    %logistic3A_30 = vector.broadcast %logistic3A_29 : f32 to vector<512x150xf32>
    %logistic3A_31 = arith.addf %logistic3A_30, %logistic3A_28 : vector<512x150xf32>
    %logistic3A_32 = arith.divf %logistic3A_30, %logistic3A_31 : vector<512x150xf32>
    %get3A_33 = arith.constant 0 : index
    %get3A_34 = arith.constant 0 : index
    %get3A_35 = vector.load %arg5[%get3A_33, %get3A_34] : memref<128x150xf32, #tpu.memory_space<vmem>>, vector<128x150xf32>
    %dot_general3A_36 = arith.constant dense<0.000000e+00> : vector<512x150xf32>
    %dot_general3A_37 = tpu.matmul %get3A_1, %get3A_35, %dot_general3A_36 {dimension_numbers = #tpu.dot_dimension_numbers<[1], [0], [0], [1], [0, 0, 1, 1], [], []>, transpose_lhs_hint = false} : vector<512x128xf32>, vector<128x150xf32>, vector<512x150xf32> -> vector<512x150xf32>
    %get3A_38 = arith.constant 0 : index
    %get3A_39 = arith.constant 0 : index
    %get3A_40 = vector.load %arg8[%get3A_38, %get3A_39] : memref<128x150xf32, #tpu.memory_space<vmem>>, vector<128x150xf32>
    %dot_general3A_41 = arith.constant dense<0.000000e+00> : vector<512x150xf32>
    %dot_general3A_42 = tpu.matmul %get3A_4, %get3A_40, %dot_general3A_41 {dimension_numbers = #tpu.dot_dimension_numbers<[1], [0], [0], [1], [0, 0, 1, 1], [], []>, transpose_lhs_hint = false} : vector<512x128xf32>, vector<128x150xf32>, vector<512x150xf32> -> vector<512x150xf32>
    %add3A_43 = arith.addf %dot_general3A_37, %dot_general3A_42 : vector<512x150xf32>
    %get3A_44 = arith.constant 0 : index
    %get3A_45 = arith.constant 0 : index
    %get3A_46 = vector.load %arg11[%get3A_44, %get3A_45] : memref<150x150xf32, #tpu.memory_space<vmem>>, vector<150x150xf32>
    %dot_general3A_47 = arith.constant dense<0.000000e+00> : vector<512x150xf32>
    %dot_general3A_48 = tpu.matmul %get3A_7, %get3A_46, %dot_general3A_47 {dimension_numbers = #tpu.dot_dimension_numbers<[1], [0], [0], [1], [0, 0, 1, 1], [], []>, transpose_lhs_hint = false} : vector<512x150xf32>, vector<150x150xf32>, vector<512x150xf32> -> vector<512x150xf32>
    %add3A_49 = arith.addf %add3A_43, %dot_general3A_48 : vector<512x150xf32>
    %get3A_50 = arith.constant 0 : index
    %get3A_51 = arith.constant 0 : index
    %get3A_52 = vector.load %arg14[%get3A_50, %get3A_51] : memref<1x150xf32, #tpu.memory_space<vmem>>, vector<1x150xf32>
    %add3A_53 = vector.broadcast %get3A_52 : vector<1x150xf32> to vector<512x150xf32>
    %add3A_54 = arith.addf %add3A_49, %add3A_53 : vector<512x150xf32>
    %logistic3A_55 = arith.negf %add3A_54 : vector<512x150xf32>
    %logistic3A_56 = math.exp %logistic3A_55 : vector<512x150xf32>
    %logistic3A_57 = arith.constant 1.000000e+00 : f32
    %logistic3A_58 = vector.broadcast %logistic3A_57 : f32 to vector<512x150xf32>
    %logistic3A_59 = arith.addf %logistic3A_58, %logistic3A_56 : vector<512x150xf32>
    %logistic3A_60 = arith.divf %logistic3A_58, %logistic3A_59 : vector<512x150xf32>
    %get3A_61 = arith.constant 0 : index
    %get3A_62 = arith.constant 0 : index
    %get3A_63 = vector.load %arg6[%get3A_61, %get3A_62] : memref<128x150xf32, #tpu.memory_space<vmem>>, vector<128x150xf32>
    %dot_general3A_64 = arith.constant dense<0.000000e+00> : vector<512x150xf32>
    %dot_general3A_65 = tpu.matmul %get3A_1, %get3A_63, %dot_general3A_64 {dimension_numbers = #tpu.dot_dimension_numbers<[1], [0], [0], [1], [0, 0, 1, 1], [], []>, transpose_lhs_hint = false} : vector<512x128xf32>, vector<128x150xf32>, vector<512x150xf32> -> vector<512x150xf32>
    %get3A_66 = arith.constant 0 : index
    %get3A_67 = arith.constant 0 : index
    %get3A_68 = vector.load %arg9[%get3A_66, %get3A_67] : memref<128x150xf32, #tpu.memory_space<vmem>>, vector<128x150xf32>
    %dot_general3A_69 = arith.constant dense<0.000000e+00> : vector<512x150xf32>
    %dot_general3A_70 = tpu.matmul %get3A_4, %get3A_68, %dot_general3A_69 {dimension_numbers = #tpu.dot_dimension_numbers<[1], [0], [0], [1], [0, 0, 1, 1], [], []>, transpose_lhs_hint = false} : vector<512x128xf32>, vector<128x150xf32>, vector<512x150xf32> -> vector<512x150xf32>
    %add3A_71 = arith.addf %dot_general3A_65, %dot_general3A_70 : vector<512x150xf32>
    %get3A_72 = arith.constant 0 : index
    %get3A_73 = arith.constant 0 : index
    %get3A_74 = vector.load %arg15[%get3A_72, %get3A_73] : memref<1x150xf32, #tpu.memory_space<vmem>>, vector<1x150xf32>
    %add3A_75 = vector.broadcast %get3A_74 : vector<1x150xf32> to vector<512x150xf32>
    %add3A_76 = arith.addf %add3A_71, %add3A_75 : vector<512x150xf32>
    %get3A_77 = arith.constant 0 : index
    %get3A_78 = arith.constant 0 : index
    %get3A_79 = vector.load %arg12[%get3A_77, %get3A_78] : memref<150x150xf32, #tpu.memory_space<vmem>>, vector<150x150xf32>
    %dot_general3A_80 = arith.constant dense<0.000000e+00> : vector<512x150xf32>
    %dot_general3A_81 = tpu.matmul %get3A_7, %get3A_79, %dot_general3A_80 {dimension_numbers = #tpu.dot_dimension_numbers<[1], [0], [0], [1], [0, 0, 1, 1], [], []>, transpose_lhs_hint = false} : vector<512x150xf32>, vector<150x150xf32>, vector<512x150xf32> -> vector<512x150xf32>
    %get3A_82 = arith.constant 0 : index
    %get3A_83 = arith.constant 0 : index
    %get3A_84 = vector.load %arg16[%get3A_82, %get3A_83] : memref<1x150xf32, #tpu.memory_space<vmem>>, vector<1x150xf32>
    %add3A_85 = vector.broadcast %get3A_84 : vector<1x150xf32> to vector<512x150xf32>
    %add3A_86 = arith.addf %dot_general3A_81, %add3A_85 : vector<512x150xf32>
    %mul3A = arith.mulf %logistic3A_32, %add3A_86 : vector<512x150xf32>
    %add3A_87 = arith.addf %add3A_76, %mul3A : vector<512x150xf32>
    %tanh3A = math.tanh %add3A_87 : vector<512x150xf32>
    %sub3A = arith.constant 1.000000e+00 : f32
    %sub3A_88 = vector.broadcast %sub3A : f32 to vector<512x150xf32>
    %sub3A_89 = arith.subf %sub3A_88, %logistic3A_60 : vector<512x150xf32>
    %mul3A_90 = arith.mulf %sub3A_89, %tanh3A : vector<512x150xf32>
    %mul3A_91 = arith.mulf %logistic3A_60, %get3A_7 : vector<512x150xf32>
    %add3A_92 = arith.addf %mul3A_90, %mul3A_91 : vector<512x150xf32>
    %iota3A = tpu.iota {dimensions = array<i32: 0>} : vector<512x150xi32>
    %mul3A_93 = arith.constant 512 : i32
    %mul3A_94 = arith.muli %arg0, %mul3A_93 : i32
    %add3A_95 = vector.broadcast %mul3A_94 : i32 to vector<512x150xi32>
    %add3A_96 = arith.addi %iota3A, %add3A_95 : vector<512x150xi32>
    %lt3A = arith.constant 10000 : i32
    %lt3A_97 = vector.broadcast %lt3A : i32 to vector<512x150xi32>
    %lt3A_98 = arith.cmpi slt, %add3A_96, %lt3A_97 : vector<512x150xi32>
    %jit3A = arith.constant 0.000000e+00 : f32
    %broadcast_in_dim3A = vector.broadcast %jit3A : f32 to vector<512x150xf32>
    %select_n3A = arith.select %lt3A_98, %add3A_92, %broadcast_in_dim3A : vector<512x150xi1>, vector<512x150xf32>
    %swap3A = arith.constant 0 : index
    %swap3A_99 = arith.constant 0 : index
    %swap3A_100 = vector.load %arg23[%swap3A, %swap3A_99] : memref<512x150xf32, #tpu.memory_space<vmem>>, vector<512x150xf32>
    tpu.vector_store %arg23[%swap3A, %swap3A_99], %select_n3A {strides = array<i32>} : memref<512x150xf32, #tpu.memory_space<vmem>>, vector<512x150xf32>,
    %get3A_101 = arith.constant 0 : index
    %get3A_102 = arith.constant 0 : index
    %get3A_103 = vector.load %arg17[%get3A_101, %get3A_102] : memref<150x150xf32, #tpu.memory_space<vmem>>, vector<150x150xf32>
    %dot_general3A_104 = arith.constant dense<0.000000e+00> : vector<512x150xf32>
    %dot_general3A_105 = tpu.matmul %select_n3A, %get3A_103, %dot_general3A_104 {dimension_numbers = #tpu.dot_dimension_numbers<[1], [0], [0], [1], [0, 0, 1, 1], [], []>, transpose_lhs_hint = false} : vector<512x150xf32>, vector<150x150xf32>, vector<512x150xf32> -> vector<512x150xf32>
    %get3A_106 = arith.constant 0 : index
    %get3A_107 = arith.constant 0 : index
    %get3A_108 = vector.load %arg18[%get3A_106, %get3A_107] : memref<1x150xf32, #tpu.memory_space<vmem>>, vector<1x150xf32>
    %add3A_109 = vector.broadcast %get3A_108 : vector<1x150xf32> to vector<512x150xf32>
    %add3A_110 = arith.addf %dot_general3A_105, %add3A_109 : vector<512x150xf32>
    %ge3A = arith.constant 0.000000e+00 : f32
    %ge3A_111 = vector.broadcast %ge3A : f32 to vector<512x150xf32>
    %ge3A_112 = arith.cmpf oge, %add3A_110, %ge3A_111 : vector<512x150xf32>
    %mul3A_113 = arith.constant 0.00999999977 : f32
    %mul3A_114 = vector.broadcast %mul3A_113 : f32 to vector<512x150xf32>
    %mul3A_115 = arith.mulf %mul3A_114, %add3A_110 : vector<512x150xf32>
    %select_n3A_116 = arith.select %ge3A_112, %add3A_110, %mul3A_115 : vector<512x150xi1>, vector<512x150xf32>
    %get3A_117 = arith.constant 0 : index
    %get3A_118 = arith.constant 0 : index
    %get3A_119 = vector.load %arg19[%get3A_117, %get3A_118] : memref<150x128xf32, #tpu.memory_space<vmem>>, vector<150x128xf32>
    %dot_general3A_120 = arith.constant dense<0.000000e+00> : vector<512x128xf32>
    %dot_general3A_121 = tpu.matmul %select_n3A_116, %get3A_119, %dot_general3A_120 {dimension_numbers = #tpu.dot_dimension_numbers<[1], [0], [0], [1], [0, 0, 1, 1], [], []>, transpose_lhs_hint = false} : vector<512x150xf32>, vector<150x128xf32>, vector<512x128xf32> -> vector<512x128xf32>
    %get3A_122 = arith.constant 0 : index
    %get3A_123 = arith.constant 0 : index
    %get3A_124 = vector.load %arg20[%get3A_122, %get3A_123] : memref<1x128xf32, #tpu.memory_space<vmem>>, vector<1x128xf32>
    %add3A_125 = vector.broadcast %get3A_124 : vector<1x128xf32> to vector<512x128xf32>
    %add3A_126 = arith.addf %dot_general3A_121, %add3A_125 : vector<512x128xf32>
    %get3A_127 = arith.constant 0 : index
    %get3A_128 = arith.constant 0 : index
    %get3A_129 = vector.load %arg21[%get3A_127, %get3A_128] : memref<150x128xf32, #tpu.memory_space<vmem>>, vector<150x128xf32>
    %dot_general3A_130 = arith.constant dense<0.000000e+00> : vector<512x128xf32>
    %dot_general3A_131 = tpu.matmul %select_n3A_116, %get3A_129, %dot_general3A_130 {dimension_numbers = #tpu.dot_dimension_numbers<[1], [0], [0], [1], [0, 0, 1, 1], [], []>, transpose_lhs_hint = false} : vector<512x150xf32>, vector<150x128xf32>, vector<512x128xf32> -> vector<512x128xf32>
    %get3A_132 = arith.constant 0 : index
    %get3A_133 = arith.constant 0 : index
    %get3A_134 = vector.load %arg22[%get3A_132, %get3A_133] : memref<1x128xf32, #tpu.memory_space<vmem>>, vector<1x128xf32>
    %add3A_135 = vector.broadcast %get3A_134 : vector<1x128xf32> to vector<512x128xf32>
    %add3A_136 = arith.addf %dot_general3A_131, %add3A_135 : vector<512x128xf32>
    %iota3A_137 = tpu.iota {dimensions = array<i32: 0>} : vector<512x128xi32>
    %mul3A_138 = arith.constant 512 : i32
    %mul3A_139 = arith.muli %arg0, %mul3A_138 : i32
    %add3A_140 = vector.broadcast %mul3A_139 : i32 to vector<512x128xi32>
    %add3A_141 = arith.addi %iota3A_137, %add3A_140 : vector<512x128xi32>
    %lt3A_142 = arith.constant 10000 : i32
    %lt3A_143 = vector.broadcast %lt3A_142 : i32 to vector<512x128xi32>
    %lt3A_144 = arith.cmpi slt, %add3A_141, %lt3A_143 : vector<512x128xi32>
    %jit3A_145 = arith.constant 0.000000e+00 : f32
    %broadcast_in_dim3A_146 = vector.broadcast %jit3A_145 : f32 to vector<512x128xf32>
    %select_n3A_147 = arith.select %lt3A_144, %add3A_126, %broadcast_in_dim3A_146 : vector<512x128xi1>, vector<512x128xf32>
    %swap3A_148 = arith.constant 0 : index
    %swap3A_149 = arith.constant 0 : index
    %swap3A_150 = vector.load %arg24[%swap3A_148, %swap3A_149] : memref<512x128xf32, #tpu.memory_space<vmem>>, vector<512x128xf32>
    tpu.vector_store %arg24[%swap3A_148, %swap3A_149], %select_n3A_147 {strides = array<i32>} : memref<512x128xf32, #tpu.memory_space<vmem>>, vector<512x128xf32>,
    %lt3A_151 = arith.constant 10000 : i32
    %lt3A_152 = vector.broadcast %lt3A_151 : i32 to vector<512x128xi32>
    %lt3A_153 = arith.cmpi slt, %add3A_141, %lt3A_152 : vector<512x128xi32>
    %jit3A_154 = arith.constant 0.000000e+00 : f32
    %broadcast_in_dim3A_155 = vector.broadcast %jit3A_154 : f32 to vector<512x128xf32>
    %select_n3A_156 = arith.select %lt3A_153, %add3A_136, %broadcast_in_dim3A_155 : vector<512x128xi1>, vector<512x128xf32>
    %swap3A_157 = arith.constant 0 : index
    %swap3A_158 = arith.constant 0 : index
    %swap3A_159 = vector.load %arg25[%swap3A_157, %swap3A_158] : memref<512x128xf32, #tpu.memory_space<vmem>>, vector<512x128xf32>
    tpu.vector_store %arg25[%swap3A_157, %swap3A_158], %select_n3A_156 {strides = array<i32>} : memref<512x128xf32, #tpu.memory_space<vmem>>, vector<512x128xf32>,
    return
  }
  func.func @transform_0(%arg0: i32) -> (i32, i32) {
    %c0_i32 = arith.constant 0 : i32
    %c0_i32_0 = arith.constant 0 : i32
    return %arg0, %c0_i32 : i32, i32
  }
  func.func @transform_1(%arg0: i32) -> (i32, i32) {
    %c0_i32 = arith.constant 0 : i32
    %c0_i32_0 = arith.constant 0 : i32
    return %arg0, %c0_i32 : i32, i32
  }
  func.func @transform_2(%arg0: i32) -> (i32, i32) {
    %c0_i32 = arith.constant 0 : i32
    %c0_i32_0 = arith.constant 0 : i32
    return %arg0, %c0_i32 : i32, i32
  }
  func.func @transform_3(%arg0: i32) -> (i32, i32) {
    %c0_i32 = arith.constant 0 : i32
    %c0_i32_0 = arith.constant 0 : i32
    %c0_i32_1 = arith.constant 0 : i32
    return %c0_i32, %c0_i32_0 : i32, i32
  }
  func.func @transform_4(%arg0: i32) -> (i32, i32) {
    %c0_i32 = arith.constant 0 : i32
    %c0_i32_0 = arith.constant 0 : i32
    %c0_i32_1 = arith.constant 0 : i32
    return %c0_i32, %c0_i32_0 : i32, i32
  }
  func.func @transform_5(%arg0: i32) -> (i32, i32) {
    %c0_i32 = arith.constant 0 : i32
    %c0_i32_0 = arith.constant 0 : i32
    %c0_i32_1 = arith.constant 0 : i32
    return %c0_i32, %c0_i32_0 : i32, i32
  }
  func.func @transform_6(%arg0: i32) -> (i32, i32) {
    %c0_i32 = arith.constant 0 : i32
    %c0_i32_0 = arith.constant 0 : i32
    %c0_i32_1 = arith.constant 0 : i32
    return %c0_i32, %c0_i32_0 : i32, i32
  }
  func.func @transform_7(%arg0: i32) -> (i32, i32) {
    %c0_i32 = arith.constant 0 : i32
    %c0_i32_0 = arith.constant 0 : i32
    %c0_i32_1 = arith.constant 0 : i32
    return %c0_i32, %c0_i32_0 : i32, i32
  }
  func.func @transform_8(%arg0: i32) -> (i32, i32) {
    %c0_i32 = arith.constant 0 : i32
    %c0_i32_0 = arith.constant 0 : i32
    %c0_i32_1 = arith.constant 0 : i32
    return %c0_i32, %c0_i32_0 : i32, i32
  }
  func.func @transform_9(%arg0: i32) -> (i32, i32) {
    %c0_i32 = arith.constant 0 : i32
    %c0_i32_0 = arith.constant 0 : i32
    %c0_i32_1 = arith.constant 0 : i32
    return %c0_i32, %c0_i32_0 : i32, i32
  }
  func.func @transform_10(%arg0: i32) -> (i32, i32) {
    %c0_i32 = arith.constant 0 : i32
    %c0_i32_0 = arith.constant 0 : i32
    %c0_i32_1 = arith.constant 0 : i32
    return %c0_i32, %c0_i32_0 : i32, i32
  }
  func.func @transform_11(%arg0: i32) -> (i32, i32) {
    %c0_i32 = arith.constant 0 : i32
    %c0_i32_0 = arith.constant 0 : i32
    %c0_i32_1 = arith.constant 0 : i32
    return %c0_i32, %c0_i32_0 : i32, i32
  }
  func.func @transform_12(%arg0: i32) -> (i32, i32) {
    %c0_i32 = arith.constant 0 : i32
    %c0_i32_0 = arith.constant 0 : i32
    %c0_i32_1 = arith.constant 0 : i32
    return %c0_i32, %c0_i32_0 : i32, i32
  }
  func.func @transform_13(%arg0: i32) -> (i32, i32) {
    %c0_i32 = arith.constant 0 : i32
    %c0_i32_0 = arith.constant 0 : i32
    %c0_i32_1 = arith.constant 0 : i32
    return %c0_i32, %c0_i32_0 : i32, i32
  }
  func.func @transform_14(%arg0: i32) -> (i32, i32) {
    %c0_i32 = arith.constant 0 : i32
    %c0_i32_0 = arith.constant 0 : i32
    %c0_i32_1 = arith.constant 0 : i32
    return %c0_i32, %c0_i32_0 : i32, i32
  }
  func.func @transform_15(%arg0: i32) -> (i32, i32) {
    %c0_i32 = arith.constant 0 : i32
    %c0_i32_0 = arith.constant 0 : i32
    %c0_i32_1 = arith.constant 0 : i32
    return %c0_i32, %c0_i32_0 : i32, i32
  }
  func.func @transform_16(%arg0: i32) -> (i32, i32) {
    %c0_i32 = arith.constant 0 : i32
    %c0_i32_0 = arith.constant 0 : i32
    %c0_i32_1 = arith.constant 0 : i32
    return %c0_i32, %c0_i32_0 : i32, i32
  }
  func.func @transform_17(%arg0: i32) -> (i32, i32) {
    %c0_i32 = arith.constant 0 : i32
    %c0_i32_0 = arith.constant 0 : i32
    %c0_i32_1 = arith.constant 0 : i32
    return %c0_i32, %c0_i32_0 : i32, i32
  }
  func.func @transform_18(%arg0: i32) -> (i32, i32) {
    %c0_i32 = arith.constant 0 : i32
    %c0_i32_0 = arith.constant 0 : i32
    %c0_i32_1 = arith.constant 0 : i32
    return %c0_i32, %c0_i32_0 : i32, i32
  }
  func.func @transform_19(%arg0: i32) -> (i32, i32) {
    %c0_i32 = arith.constant 0 : i32
    %c0_i32_0 = arith.constant 0 : i32
    %c0_i32_1 = arith.constant 0 : i32
    return %c0_i32, %c0_i32_0 : i32, i32
  }
  func.func @transform_20(%arg0: i32) -> (i32, i32) {
    %c0_i32 = arith.constant 0 : i32
    %c0_i32_0 = arith.constant 0 : i32
    %c0_i32_1 = arith.constant 0 : i32
    return %c0_i32, %c0_i32_0 : i32, i32
  }
  func.func @transform_21(%arg0: i32) -> (i32, i32) {
    %c0_i32 = arith.constant 0 : i32
    %c0_i32_0 = arith.constant 0 : i32
    %c0_i32_1 = arith.constant 0 : i32
    return %c0_i32, %c0_i32_0 : i32, i32
  }
  func.func @transform_22(%arg0: i32) -> (i32, i32) {
    %c0_i32 = arith.constant 0 : i32
    %c0_i32_0 = arith.constant 0 : i32
    return %arg0, %c0_i32 : i32, i32
  }
  func.func @transform_23(%arg0: i32) -> (i32, i32) {
    %c0_i32 = arith.constant 0 : i32
    %c0_i32_0 = arith.constant 0 : i32
    return %arg0, %c0_i32 : i32, i32
  }
  func.func @transform_24(%arg0: i32) -> (i32, i32) {
    %c0_i32 = arith.constant 0 : i32
    %c0_i32_0 = arith.constant 0 : i32
    return %arg0, %c0_i32 : i32, i32
  }
}

module attributes {stable_mosaic.version = 14 : i64} {
  func.func @_bf_body(%arg0: i32, %arg1: memref<512x128xf32, #tpu.memory_space<vmem>>, %arg2: memref<512x128xf32, #tpu.memory_space<vmem>>, %arg3: memref<512x150xf32, #tpu.memory_space<vmem>>, %arg4: memref<128x150xf32, #tpu.memory_space<vmem>>, %arg5: memref<128x150xf32, #tpu.memory_space<vmem>>, %arg6: memref<128x150xf32, #tpu.memory_space<vmem>>, %arg7: memref<128x150xf32, #tpu.memory_space<vmem>>, %arg8: memref<128x150xf32, #tpu.memory_space<vmem>>, %arg9: memref<128x150xf32, #tpu.memory_space<vmem>>, %arg10: memref<150x150xf32, #tpu.memory_space<vmem>>, %arg11: memref<150x150xf32, #tpu.memory_space<vmem>>, %arg12: memref<150x150xf32, #tpu.memory_space<vmem>>, %arg13: memref<1x150xf32, #tpu.memory_space<vmem>>, %arg14: memref<1x150xf32, #tpu.memory_space<vmem>>, %arg15: memref<1x150xf32, #tpu.memory_space<vmem>>, %arg16: memref<1x150xf32, #tpu.memory_space<vmem>>, %arg17: memref<1x1xf32, #tpu.memory_space<vmem>>, %arg18: memref<150x80xf32, #tpu.memory_space<vmem>>, %arg19: memref<1x80xf32, #tpu.memory_space<vmem>>, %arg20: memref<1x80xf32, #tpu.memory_space<vmem>>, %arg21: memref<80x80xf32, #tpu.memory_space<vmem>>, %arg22: memref<1x80xf32, #tpu.memory_space<vmem>>, %arg23: memref<80x10xf32, #tpu.memory_space<vmem>>, %arg24: memref<1x10xf32, #tpu.memory_space<vmem>>, %arg25: memref<1x10xf32, #tpu.memory_space<vmem>>, %arg26: memref<1x150xf32, #tpu.memory_space<vmem>>) attributes {dimension_semantics = [#tpu.dimension_semantics<arbitrary>], iteration_bounds = array<i64: 20>, scalar_prefetch = 0 : i64, scratch_operands = 1 : i64, tpu.core_type = #tpu.core_type<tc>, window_params = [{transform_indices = @transform_0, window_bounds = array<i64: 512, 128>}, {transform_indices = @transform_1, window_bounds = array<i64: 512, 128>}, {transform_indices = @transform_2, window_bounds = array<i64: 512, 150>}, {pipeline_mode = #tpu.pipeline_mode<synchronous>, transform_indices = @transform_3, window_bounds = array<i64: 128, 150>}, {pipeline_mode = #tpu.pipeline_mode<synchronous>, transform_indices = @transform_4, window_bounds = array<i64: 128, 150>}, {pipeline_mode = #tpu.pipeline_mode<synchronous>, transform_indices = @transform_5, window_bounds = array<i64: 128, 150>}, {pipeline_mode = #tpu.pipeline_mode<synchronous>, transform_indices = @transform_6, window_bounds = array<i64: 128, 150>}, {pipeline_mode = #tpu.pipeline_mode<synchronous>, transform_indices = @transform_7, window_bounds = array<i64: 128, 150>}, {pipeline_mode = #tpu.pipeline_mode<synchronous>, transform_indices = @transform_8, window_bounds = array<i64: 128, 150>}, {pipeline_mode = #tpu.pipeline_mode<synchronous>, transform_indices = @transform_9, window_bounds = array<i64: 150, 150>}, {pipeline_mode = #tpu.pipeline_mode<synchronous>, transform_indices = @transform_10, window_bounds = array<i64: 150, 150>}, {pipeline_mode = #tpu.pipeline_mode<synchronous>, transform_indices = @transform_11, window_bounds = array<i64: 150, 150>}, {pipeline_mode = #tpu.pipeline_mode<synchronous>, transform_indices = @transform_12, window_bounds = array<i64: 1, 150>}, {pipeline_mode = #tpu.pipeline_mode<synchronous>, transform_indices = @transform_13, window_bounds = array<i64: 1, 150>}, {pipeline_mode = #tpu.pipeline_mode<synchronous>, transform_indices = @transform_14, window_bounds = array<i64: 1, 150>}, {pipeline_mode = #tpu.pipeline_mode<synchronous>, transform_indices = @transform_15, window_bounds = array<i64: 1, 150>}, {pipeline_mode = #tpu.pipeline_mode<synchronous>, transform_indices = @transform_16, window_bounds = array<i64: 1, 1>}, {pipeline_mode = #tpu.pipeline_mode<synchronous>, transform_indices = @transform_17, window_bounds = array<i64: 150, 80>}, {pipeline_mode = #tpu.pipeline_mode<synchronous>, transform_indices = @transform_18, window_bounds = array<i64: 1, 80>}, {pipeline_mode = #tpu.pipeline_mode<synchronous>, transform_indices = @transform_19, window_bounds = array<i64: 1, 80>}, {pipeline_mode = #tpu.pipeline_mode<synchronous>, transform_indices = @transform_20, window_bounds = array<i64: 80, 80>}, {pipeline_mode = #tpu.pipeline_mode<synchronous>, transform_indices = @transform_21, window_bounds = array<i64: 1, 80>}, {pipeline_mode = #tpu.pipeline_mode<synchronous>, transform_indices = @transform_22, window_bounds = array<i64: 80, 10>}, {pipeline_mode = #tpu.pipeline_mode<synchronous>, transform_indices = @transform_23, window_bounds = array<i64: 1, 10>}, {pipeline_mode = #tpu.pipeline_mode<synchronous>, transform_indices = @transform_24, window_bounds = array<i64: 1, 10>}]} {
    %get3A = arith.constant 0 : index
    %get3A_0 = arith.constant 0 : index
    %get3A_1 = vector.load %arg1[%get3A, %get3A_0] : memref<512x128xf32, #tpu.memory_space<vmem>>, vector<512x128xf32>
    %get3A_2 = arith.constant 0 : index
    %get3A_3 = arith.constant 0 : index
    %get3A_4 = vector.load %arg2[%get3A_2, %get3A_3] : memref<512x128xf32, #tpu.memory_space<vmem>>, vector<512x128xf32>
    %get3A_5 = arith.constant 0 : index
    %get3A_6 = arith.constant 0 : index
    %get3A_7 = vector.load %arg3[%get3A_5, %get3A_6] : memref<512x150xf32, #tpu.memory_space<vmem>>, vector<512x150xf32>
    %get3A_8 = arith.constant 0 : index
    %get3A_9 = arith.constant 0 : index
    %get3A_10 = vector.load %arg4[%get3A_8, %get3A_9] : memref<128x150xf32, #tpu.memory_space<vmem>>, vector<128x150xf32>
    %dot_general3A = arith.constant dense<0.000000e+00> : vector<512x150xf32>
    %dot_general3A_11 = tpu.matmul %get3A_1, %get3A_10, %dot_general3A {dimension_numbers = #tpu.dot_dimension_numbers<[1], [0], [0], [1], [0, 0, 1, 1], [], []>, transpose_lhs_hint = false} : vector<512x128xf32>, vector<128x150xf32>, vector<512x150xf32> -> vector<512x150xf32>
    %get3A_12 = arith.constant 0 : index
    %get3A_13 = arith.constant 0 : index
    %get3A_14 = vector.load %arg7[%get3A_12, %get3A_13] : memref<128x150xf32, #tpu.memory_space<vmem>>, vector<128x150xf32>
    %dot_general3A_15 = arith.constant dense<0.000000e+00> : vector<512x150xf32>
    %dot_general3A_16 = tpu.matmul %get3A_4, %get3A_14, %dot_general3A_15 {dimension_numbers = #tpu.dot_dimension_numbers<[1], [0], [0], [1], [0, 0, 1, 1], [], []>, transpose_lhs_hint = false} : vector<512x128xf32>, vector<128x150xf32>, vector<512x150xf32> -> vector<512x150xf32>
    %add3A = arith.addf %dot_general3A_11, %dot_general3A_16 : vector<512x150xf32>
    %get3A_17 = arith.constant 0 : index
    %get3A_18 = arith.constant 0 : index
    %get3A_19 = vector.load %arg10[%get3A_17, %get3A_18] : memref<150x150xf32, #tpu.memory_space<vmem>>, vector<150x150xf32>
    %dot_general3A_20 = arith.constant dense<0.000000e+00> : vector<512x150xf32>
    %dot_general3A_21 = tpu.matmul %get3A_7, %get3A_19, %dot_general3A_20 {dimension_numbers = #tpu.dot_dimension_numbers<[1], [0], [0], [1], [0, 0, 1, 1], [], []>, transpose_lhs_hint = false} : vector<512x150xf32>, vector<150x150xf32>, vector<512x150xf32> -> vector<512x150xf32>
    %add3A_22 = arith.addf %add3A, %dot_general3A_21 : vector<512x150xf32>
    %get3A_23 = arith.constant 0 : index
    %get3A_24 = arith.constant 0 : index
    %get3A_25 = vector.load %arg13[%get3A_23, %get3A_24] : memref<1x150xf32, #tpu.memory_space<vmem>>, vector<1x150xf32>
    %add3A_26 = vector.broadcast %get3A_25 : vector<1x150xf32> to vector<512x150xf32>
    %add3A_27 = arith.addf %add3A_22, %add3A_26 : vector<512x150xf32>
    %logistic3A = arith.negf %add3A_27 : vector<512x150xf32>
    %logistic3A_28 = math.exp %logistic3A : vector<512x150xf32>
    %logistic3A_29 = arith.constant 1.000000e+00 : f32
    %logistic3A_30 = vector.broadcast %logistic3A_29 : f32 to vector<512x150xf32>
    %logistic3A_31 = arith.addf %logistic3A_30, %logistic3A_28 : vector<512x150xf32>
    %logistic3A_32 = arith.divf %logistic3A_30, %logistic3A_31 : vector<512x150xf32>
    %get3A_33 = arith.constant 0 : index
    %get3A_34 = arith.constant 0 : index
    %get3A_35 = vector.load %arg5[%get3A_33, %get3A_34] : memref<128x150xf32, #tpu.memory_space<vmem>>, vector<128x150xf32>
    %dot_general3A_36 = arith.constant dense<0.000000e+00> : vector<512x150xf32>
    %dot_general3A_37 = tpu.matmul %get3A_1, %get3A_35, %dot_general3A_36 {dimension_numbers = #tpu.dot_dimension_numbers<[1], [0], [0], [1], [0, 0, 1, 1], [], []>, transpose_lhs_hint = false} : vector<512x128xf32>, vector<128x150xf32>, vector<512x150xf32> -> vector<512x150xf32>
    %get3A_38 = arith.constant 0 : index
    %get3A_39 = arith.constant 0 : index
    %get3A_40 = vector.load %arg8[%get3A_38, %get3A_39] : memref<128x150xf32, #tpu.memory_space<vmem>>, vector<128x150xf32>
    %dot_general3A_41 = arith.constant dense<0.000000e+00> : vector<512x150xf32>
    %dot_general3A_42 = tpu.matmul %get3A_4, %get3A_40, %dot_general3A_41 {dimension_numbers = #tpu.dot_dimension_numbers<[1], [0], [0], [1], [0, 0, 1, 1], [], []>, transpose_lhs_hint = false} : vector<512x128xf32>, vector<128x150xf32>, vector<512x150xf32> -> vector<512x150xf32>
    %add3A_43 = arith.addf %dot_general3A_37, %dot_general3A_42 : vector<512x150xf32>
    %get3A_44 = arith.constant 0 : index
    %get3A_45 = arith.constant 0 : index
    %get3A_46 = vector.load %arg11[%get3A_44, %get3A_45] : memref<150x150xf32, #tpu.memory_space<vmem>>, vector<150x150xf32>
    %dot_general3A_47 = arith.constant dense<0.000000e+00> : vector<512x150xf32>
    %dot_general3A_48 = tpu.matmul %get3A_7, %get3A_46, %dot_general3A_47 {dimension_numbers = #tpu.dot_dimension_numbers<[1], [0], [0], [1], [0, 0, 1, 1], [], []>, transpose_lhs_hint = false} : vector<512x150xf32>, vector<150x150xf32>, vector<512x150xf32> -> vector<512x150xf32>
    %add3A_49 = arith.addf %add3A_43, %dot_general3A_48 : vector<512x150xf32>
    %get3A_50 = arith.constant 0 : index
    %get3A_51 = arith.constant 0 : index
    %get3A_52 = vector.load %arg14[%get3A_50, %get3A_51] : memref<1x150xf32, #tpu.memory_space<vmem>>, vector<1x150xf32>
    %add3A_53 = vector.broadcast %get3A_52 : vector<1x150xf32> to vector<512x150xf32>
    %add3A_54 = arith.addf %add3A_49, %add3A_53 : vector<512x150xf32>
    %logistic3A_55 = arith.negf %add3A_54 : vector<512x150xf32>
    %logistic3A_56 = math.exp %logistic3A_55 : vector<512x150xf32>
    %logistic3A_57 = arith.constant 1.000000e+00 : f32
    %logistic3A_58 = vector.broadcast %logistic3A_57 : f32 to vector<512x150xf32>
    %logistic3A_59 = arith.addf %logistic3A_58, %logistic3A_56 : vector<512x150xf32>
    %logistic3A_60 = arith.divf %logistic3A_58, %logistic3A_59 : vector<512x150xf32>
    %get3A_61 = arith.constant 0 : index
    %get3A_62 = arith.constant 0 : index
    %get3A_63 = vector.load %arg6[%get3A_61, %get3A_62] : memref<128x150xf32, #tpu.memory_space<vmem>>, vector<128x150xf32>
    %dot_general3A_64 = arith.constant dense<0.000000e+00> : vector<512x150xf32>
    %dot_general3A_65 = tpu.matmul %get3A_1, %get3A_63, %dot_general3A_64 {dimension_numbers = #tpu.dot_dimension_numbers<[1], [0], [0], [1], [0, 0, 1, 1], [], []>, transpose_lhs_hint = false} : vector<512x128xf32>, vector<128x150xf32>, vector<512x150xf32> -> vector<512x150xf32>
    %get3A_66 = arith.constant 0 : index
    %get3A_67 = arith.constant 0 : index
    %get3A_68 = vector.load %arg9[%get3A_66, %get3A_67] : memref<128x150xf32, #tpu.memory_space<vmem>>, vector<128x150xf32>
    %dot_general3A_69 = arith.constant dense<0.000000e+00> : vector<512x150xf32>
    %dot_general3A_70 = tpu.matmul %get3A_4, %get3A_68, %dot_general3A_69 {dimension_numbers = #tpu.dot_dimension_numbers<[1], [0], [0], [1], [0, 0, 1, 1], [], []>, transpose_lhs_hint = false} : vector<512x128xf32>, vector<128x150xf32>, vector<512x150xf32> -> vector<512x150xf32>
    %add3A_71 = arith.addf %dot_general3A_65, %dot_general3A_70 : vector<512x150xf32>
    %get3A_72 = arith.constant 0 : index
    %get3A_73 = arith.constant 0 : index
    %get3A_74 = vector.load %arg15[%get3A_72, %get3A_73] : memref<1x150xf32, #tpu.memory_space<vmem>>, vector<1x150xf32>
    %add3A_75 = vector.broadcast %get3A_74 : vector<1x150xf32> to vector<512x150xf32>
    %add3A_76 = arith.addf %add3A_71, %add3A_75 : vector<512x150xf32>
    %get3A_77 = arith.constant 0 : index
    %get3A_78 = arith.constant 0 : index
    %get3A_79 = vector.load %arg12[%get3A_77, %get3A_78] : memref<150x150xf32, #tpu.memory_space<vmem>>, vector<150x150xf32>
    %dot_general3A_80 = arith.constant dense<0.000000e+00> : vector<512x150xf32>
    %dot_general3A_81 = tpu.matmul %get3A_7, %get3A_79, %dot_general3A_80 {dimension_numbers = #tpu.dot_dimension_numbers<[1], [0], [0], [1], [0, 0, 1, 1], [], []>, transpose_lhs_hint = false} : vector<512x150xf32>, vector<150x150xf32>, vector<512x150xf32> -> vector<512x150xf32>
    %get3A_82 = arith.constant 0 : index
    %get3A_83 = arith.constant 0 : index
    %get3A_84 = vector.load %arg16[%get3A_82, %get3A_83] : memref<1x150xf32, #tpu.memory_space<vmem>>, vector<1x150xf32>
    %add3A_85 = vector.broadcast %get3A_84 : vector<1x150xf32> to vector<512x150xf32>
    %add3A_86 = arith.addf %dot_general3A_81, %add3A_85 : vector<512x150xf32>
    %mul3A = arith.mulf %logistic3A_32, %add3A_86 : vector<512x150xf32>
    %add3A_87 = arith.addf %add3A_76, %mul3A : vector<512x150xf32>
    %tanh3A = math.tanh %add3A_87 : vector<512x150xf32>
    %sub3A = arith.constant 1.000000e+00 : f32
    %sub3A_88 = vector.broadcast %sub3A : f32 to vector<512x150xf32>
    %sub3A_89 = arith.subf %sub3A_88, %logistic3A_60 : vector<512x150xf32>
    %mul3A_90 = arith.mulf %sub3A_89, %tanh3A : vector<512x150xf32>
    %mul3A_91 = arith.mulf %logistic3A_60, %get3A_7 : vector<512x150xf32>
    %add3A_92 = arith.addf %mul3A_90, %mul3A_91 : vector<512x150xf32>
    %iota3A = tpu.iota {dimensions = array<i32: 0>} : vector<512x150xi32>
    %mul3A_93 = arith.constant 512 : i32
    %mul3A_94 = arith.muli %arg0, %mul3A_93 : i32
    %add3A_95 = vector.broadcast %mul3A_94 : i32 to vector<512x150xi32>
    %add3A_96 = arith.addi %iota3A, %add3A_95 : vector<512x150xi32>
    %lt3A = arith.constant 10000 : i32
    %lt3A_97 = vector.broadcast %lt3A : i32 to vector<512x150xi32>
    %lt3A_98 = arith.cmpi slt, %add3A_96, %lt3A_97 : vector<512x150xi32>
    %jit3A = arith.constant 0.000000e+00 : f32
    %broadcast_in_dim3A = vector.broadcast %jit3A : f32 to vector<512x150xf32>
    %select_n3A = arith.select %lt3A_98, %add3A_92, %broadcast_in_dim3A : vector<512x150xi1>, vector<512x150xf32>
    %eq3A = arith.constant 0 : i32
    %eq3A_99 = arith.cmpi eq, %arg0, %eq3A : i32
    %convert_element_type3A = arith.extui %eq3A_99 : i1 to i32
    %cond3A = arith.constant 0 : i32
    %cond3A_100 = arith.cmpi ne, %convert_element_type3A, %cond3A : i32
    scf.if %cond3A_100 {
      %broadcast_in_dim3A_114 = arith.constant 0.000000e+00 : f32
      %broadcast_in_dim3A_115 = vector.broadcast %broadcast_in_dim3A_114 : f32 to vector<1x150xf32>
      %swap3A_116 = arith.constant 0 : index
      %swap3A_117 = arith.constant 0 : index
      %swap3A_118 = vector.load %arg26[%swap3A_116, %swap3A_117] : memref<1x150xf32, #tpu.memory_space<vmem>>, vector<1x150xf32>
      tpu.vector_store %arg26[%swap3A_116, %swap3A_117], %broadcast_in_dim3A_115 {strides = array<i32>} : memref<1x150xf32, #tpu.memory_space<vmem>>, vector<1x150xf32>,
    } else {
    }
    %get3A_101 = arith.constant 0 : index
    %get3A_102 = arith.constant 0 : index
    %get3A_103 = vector.load %arg26[%get3A_101, %get3A_102] : memref<1x150xf32, #tpu.memory_space<vmem>>, vector<1x150xf32>
    %reduce_sum3A = arith.constant dense<0.000000e+00> : vector<150xf32>
    %reduce_sum3A_104 = vector.multi_reduction <add>, %select_n3A, %reduce_sum3A [0] : vector<512x150xf32> to vector<150xf32>
    %broadcast_in_dim3A_105 = vector.shape_cast %reduce_sum3A_104 : vector<150xf32> to vector<1x150xf32>
    %add3A_106 = arith.addf %get3A_103, %broadcast_in_dim3A_105 : vector<1x150xf32>
    %swap3A = arith.constant 0 : index
    %swap3A_107 = arith.constant 0 : index
    %swap3A_108 = vector.load %arg26[%swap3A, %swap3A_107] : memref<1x150xf32, #tpu.memory_space<vmem>>, vector<1x150xf32>
    tpu.vector_store %arg26[%swap3A, %swap3A_107], %add3A_106 {strides = array<i32>} : memref<1x150xf32, #tpu.memory_space<vmem>>, vector<1x150xf32>,
    %eq3A_109 = arith.constant 19 : i32
    %eq3A_110 = arith.cmpi eq, %arg0, %eq3A_109 : i32
    %convert_element_type3A_111 = arith.extui %eq3A_110 : i1 to i32
    %cond3A_112 = arith.constant 0 : i32
    %cond3A_113 = arith.cmpi ne, %convert_element_type3A_111, %cond3A_112 : i32
    scf.if %cond3A_113 {
      %get3A_114 = arith.constant 0 : index
      %get3A_115 = arith.constant 0 : index
      %get3A_116 = vector.load %arg26[%get3A_114, %get3A_115] : memref<1x150xf32, #tpu.memory_space<vmem>>, vector<1x150xf32>
      %log3A = math.log %get3A_116 : vector<1x150xf32>
      %ne3A = arith.cmpf one, %log3A, %log3A : vector<1x150xf32>
      %jit3A_117 = arith.constant 0.000000e+00 : f32
      %broadcast_in_dim3A_118 = vector.broadcast %jit3A_117 : f32 to vector<1x150xf32>
      %select_n3A_119 = arith.select %ne3A, %broadcast_in_dim3A_118, %log3A : vector<1x150xi1>, vector<1x150xf32>
      %max3A = arith.constant 0.000000e+00 : f32
      %max3A_120 = vector.broadcast %max3A : f32 to vector<1x150xf32>
      %max3A_121 = arith.maximumf %select_n3A_119, %max3A_120 : vector<1x150xf32>
      %get3A_122 = arith.constant 0 : index
      %get3A_123 = arith.constant 0 : index
      %get3A_124 = vector.load %arg18[%get3A_122, %get3A_123] : memref<150x80xf32, #tpu.memory_space<vmem>>, vector<150x80xf32>
      %dot_general3A_125 = arith.constant dense<0.000000e+00> : vector<1x80xf32>
      %dot_general3A_126 = tpu.matmul %max3A_121, %get3A_124, %dot_general3A_125 {dimension_numbers = #tpu.dot_dimension_numbers<[1], [0], [0], [1], [0, 0, 1, 1], [], []>, transpose_lhs_hint = false} : vector<1x150xf32>, vector<150x80xf32>, vector<1x80xf32> -> vector<1x80xf32>
      %get3A_127 = arith.constant 0 : index
      %get3A_128 = arith.constant 0 : index
      %get3A_129 = vector.load %arg17[%get3A_127, %get3A_128] : memref<1x1xf32, #tpu.memory_space<vmem>>, vector<1x1xf32>
      %get3A_130 = arith.constant 0 : index
      %get3A_131 = arith.constant 0 : index
      %get3A_132 = vector.load %arg19[%get3A_130, %get3A_131] : memref<1x80xf32, #tpu.memory_space<vmem>>, vector<1x80xf32>
      %mul3A_133 = vector.broadcast %get3A_129 : vector<1x1xf32> to vector<1x80xf32>
      %mul3A_134 = arith.mulf %mul3A_133, %get3A_132 : vector<1x80xf32>
      %add3A_135 = arith.addf %dot_general3A_126, %mul3A_134 : vector<1x80xf32>
      %get3A_136 = arith.constant 0 : index
      %get3A_137 = arith.constant 0 : index
      %get3A_138 = vector.load %arg20[%get3A_136, %get3A_137] : memref<1x80xf32, #tpu.memory_space<vmem>>, vector<1x80xf32>
      %add3A_139 = arith.addf %add3A_135, %get3A_138 : vector<1x80xf32>
      %ge3A = arith.constant 0.000000e+00 : f32
      %ge3A_140 = vector.broadcast %ge3A : f32 to vector<1x80xf32>
      %ge3A_141 = arith.cmpf oge, %add3A_139, %ge3A_140 : vector<1x80xf32>
      %mul3A_142 = arith.constant 0.00999999977 : f32
      %mul3A_143 = vector.broadcast %mul3A_142 : f32 to vector<1x80xf32>
      %mul3A_144 = arith.mulf %mul3A_143, %add3A_139 : vector<1x80xf32>
      %select_n3A_145 = arith.select %ge3A_141, %add3A_139, %mul3A_144 : vector<1x80xi1>, vector<1x80xf32>
      %get3A_146 = arith.constant 0 : index
      %get3A_147 = arith.constant 0 : index
      %get3A_148 = vector.load %arg21[%get3A_146, %get3A_147] : memref<80x80xf32, #tpu.memory_space<vmem>>, vector<80x80xf32>
      %dot_general3A_149 = arith.constant dense<0.000000e+00> : vector<1x80xf32>
      %dot_general3A_150 = tpu.matmul %select_n3A_145, %get3A_148, %dot_general3A_149 {dimension_numbers = #tpu.dot_dimension_numbers<[1], [0], [0], [1], [0, 0, 1, 1], [], []>, transpose_lhs_hint = false} : vector<1x80xf32>, vector<80x80xf32>, vector<1x80xf32> -> vector<1x80xf32>
      %get3A_151 = arith.constant 0 : index
      %get3A_152 = arith.constant 0 : index
      %get3A_153 = vector.load %arg22[%get3A_151, %get3A_152] : memref<1x80xf32, #tpu.memory_space<vmem>>, vector<1x80xf32>
      %add3A_154 = arith.addf %dot_general3A_150, %get3A_153 : vector<1x80xf32>
      %ge3A_155 = arith.constant 0.000000e+00 : f32
      %ge3A_156 = vector.broadcast %ge3A_155 : f32 to vector<1x80xf32>
      %ge3A_157 = arith.cmpf oge, %add3A_154, %ge3A_156 : vector<1x80xf32>
      %mul3A_158 = arith.constant 0.00999999977 : f32
      %mul3A_159 = vector.broadcast %mul3A_158 : f32 to vector<1x80xf32>
      %mul3A_160 = arith.mulf %mul3A_159, %add3A_154 : vector<1x80xf32>
      %select_n3A_161 = arith.select %ge3A_157, %add3A_154, %mul3A_160 : vector<1x80xi1>, vector<1x80xf32>
      %get3A_162 = arith.constant 0 : index
      %get3A_163 = arith.constant 0 : index
      %get3A_164 = vector.load %arg23[%get3A_162, %get3A_163] : memref<80x10xf32, #tpu.memory_space<vmem>>, vector<80x10xf32>
      %dot_general3A_165 = arith.constant dense<0.000000e+00> : vector<1x10xf32>
      %dot_general3A_166 = tpu.matmul %select_n3A_161, %get3A_164, %dot_general3A_165 {dimension_numbers = #tpu.dot_dimension_numbers<[1], [0], [0], [1], [0, 0, 1, 1], [], []>, transpose_lhs_hint = false} : vector<1x80xf32>, vector<80x10xf32>, vector<1x10xf32> -> vector<1x10xf32>
      %get3A_167 = arith.constant 0 : index
      %get3A_168 = arith.constant 0 : index
      %get3A_169 = vector.load %arg24[%get3A_167, %get3A_168] : memref<1x10xf32, #tpu.memory_space<vmem>>, vector<1x10xf32>
      %add3A_170 = arith.addf %dot_general3A_166, %get3A_169 : vector<1x10xf32>
      %swap3A_171 = arith.constant 0 : index
      %swap3A_172 = arith.constant 0 : index
      %swap3A_173 = vector.load %arg25[%swap3A_171, %swap3A_172] : memref<1x10xf32, #tpu.memory_space<vmem>>, vector<1x10xf32>
      tpu.vector_store %arg25[%swap3A_171, %swap3A_172], %add3A_170 {strides = array<i32>} : memref<1x10xf32, #tpu.memory_space<vmem>>, vector<1x10xf32>,
    } else {
    }
    return
  }
  func.func @transform_0(%arg0: i32) -> (i32, i32) {
    %c0_i32 = arith.constant 0 : i32
    %c0_i32_0 = arith.constant 0 : i32
    return %arg0, %c0_i32 : i32, i32
  }
  func.func @transform_1(%arg0: i32) -> (i32, i32) {
    %c0_i32 = arith.constant 0 : i32
    %c0_i32_0 = arith.constant 0 : i32
    return %arg0, %c0_i32 : i32, i32
  }
  func.func @transform_2(%arg0: i32) -> (i32, i32) {
    %c0_i32 = arith.constant 0 : i32
    %c0_i32_0 = arith.constant 0 : i32
    return %arg0, %c0_i32 : i32, i32
  }
  func.func @transform_3(%arg0: i32) -> (i32, i32) {
    %c0_i32 = arith.constant 0 : i32
    %c0_i32_0 = arith.constant 0 : i32
    %c0_i32_1 = arith.constant 0 : i32
    return %c0_i32, %c0_i32_0 : i32, i32
  }
  func.func @transform_4(%arg0: i32) -> (i32, i32) {
    %c0_i32 = arith.constant 0 : i32
    %c0_i32_0 = arith.constant 0 : i32
    %c0_i32_1 = arith.constant 0 : i32
    return %c0_i32, %c0_i32_0 : i32, i32
  }
  func.func @transform_5(%arg0: i32) -> (i32, i32) {
    %c0_i32 = arith.constant 0 : i32
    %c0_i32_0 = arith.constant 0 : i32
    %c0_i32_1 = arith.constant 0 : i32
    return %c0_i32, %c0_i32_0 : i32, i32
  }
  func.func @transform_6(%arg0: i32) -> (i32, i32) {
    %c0_i32 = arith.constant 0 : i32
    %c0_i32_0 = arith.constant 0 : i32
    %c0_i32_1 = arith.constant 0 : i32
    return %c0_i32, %c0_i32_0 : i32, i32
  }
  func.func @transform_7(%arg0: i32) -> (i32, i32) {
    %c0_i32 = arith.constant 0 : i32
    %c0_i32_0 = arith.constant 0 : i32
    %c0_i32_1 = arith.constant 0 : i32
    return %c0_i32, %c0_i32_0 : i32, i32
  }
  func.func @transform_8(%arg0: i32) -> (i32, i32) {
    %c0_i32 = arith.constant 0 : i32
    %c0_i32_0 = arith.constant 0 : i32
    %c0_i32_1 = arith.constant 0 : i32
    return %c0_i32, %c0_i32_0 : i32, i32
  }
  func.func @transform_9(%arg0: i32) -> (i32, i32) {
    %c0_i32 = arith.constant 0 : i32
    %c0_i32_0 = arith.constant 0 : i32
    %c0_i32_1 = arith.constant 0 : i32
    return %c0_i32, %c0_i32_0 : i32, i32
  }
  func.func @transform_10(%arg0: i32) -> (i32, i32) {
    %c0_i32 = arith.constant 0 : i32
    %c0_i32_0 = arith.constant 0 : i32
    %c0_i32_1 = arith.constant 0 : i32
    return %c0_i32, %c0_i32_0 : i32, i32
  }
  func.func @transform_11(%arg0: i32) -> (i32, i32) {
    %c0_i32 = arith.constant 0 : i32
    %c0_i32_0 = arith.constant 0 : i32
    %c0_i32_1 = arith.constant 0 : i32
    return %c0_i32, %c0_i32_0 : i32, i32
  }
  func.func @transform_12(%arg0: i32) -> (i32, i32) {
    %c0_i32 = arith.constant 0 : i32
    %c0_i32_0 = arith.constant 0 : i32
    %c0_i32_1 = arith.constant 0 : i32
    return %c0_i32, %c0_i32_0 : i32, i32
  }
  func.func @transform_13(%arg0: i32) -> (i32, i32) {
    %c0_i32 = arith.constant 0 : i32
    %c0_i32_0 = arith.constant 0 : i32
    %c0_i32_1 = arith.constant 0 : i32
    return %c0_i32, %c0_i32_0 : i32, i32
  }
  func.func @transform_14(%arg0: i32) -> (i32, i32) {
    %c0_i32 = arith.constant 0 : i32
    %c0_i32_0 = arith.constant 0 : i32
    %c0_i32_1 = arith.constant 0 : i32
    return %c0_i32, %c0_i32_0 : i32, i32
  }
  func.func @transform_15(%arg0: i32) -> (i32, i32) {
    %c0_i32 = arith.constant 0 : i32
    %c0_i32_0 = arith.constant 0 : i32
    %c0_i32_1 = arith.constant 0 : i32
    return %c0_i32, %c0_i32_0 : i32, i32
  }
  func.func @transform_16(%arg0: i32) -> (i32, i32) {
    %c0_i32 = arith.constant 0 : i32
    %c0_i32_0 = arith.constant 0 : i32
    %c0_i32_1 = arith.constant 0 : i32
    return %c0_i32, %c0_i32_0 : i32, i32
  }
  func.func @transform_17(%arg0: i32) -> (i32, i32) {
    %c0_i32 = arith.constant 0 : i32
    %c0_i32_0 = arith.constant 0 : i32
    %c0_i32_1 = arith.constant 0 : i32
    return %c0_i32, %c0_i32_0 : i32, i32
  }
  func.func @transform_18(%arg0: i32) -> (i32, i32) {
    %c0_i32 = arith.constant 0 : i32
    %c0_i32_0 = arith.constant 0 : i32
    %c0_i32_1 = arith.constant 0 : i32
    return %c0_i32, %c0_i32_0 : i32, i32
  }
  func.func @transform_19(%arg0: i32) -> (i32, i32) {
    %c0_i32 = arith.constant 0 : i32
    %c0_i32_0 = arith.constant 0 : i32
    %c0_i32_1 = arith.constant 0 : i32
    return %c0_i32, %c0_i32_0 : i32, i32
  }
  func.func @transform_20(%arg0: i32) -> (i32, i32) {
    %c0_i32 = arith.constant 0 : i32
    %c0_i32_0 = arith.constant 0 : i32
    %c0_i32_1 = arith.constant 0 : i32
    return %c0_i32, %c0_i32_0 : i32, i32
  }
  func.func @transform_21(%arg0: i32) -> (i32, i32) {
    %c0_i32 = arith.constant 0 : i32
    %c0_i32_0 = arith.constant 0 : i32
    %c0_i32_1 = arith.constant 0 : i32
    return %c0_i32, %c0_i32_0 : i32, i32
  }
  func.func @transform_22(%arg0: i32) -> (i32, i32) {
    %c0_i32 = arith.constant 0 : i32
    %c0_i32_0 = arith.constant 0 : i32
    %c0_i32_1 = arith.constant 0 : i32
    return %c0_i32, %c0_i32_0 : i32, i32
  }
  func.func @transform_23(%arg0: i32) -> (i32, i32) {
    %c0_i32 = arith.constant 0 : i32
    %c0_i32_0 = arith.constant 0 : i32
    %c0_i32_1 = arith.constant 0 : i32
    return %c0_i32, %c0_i32_0 : i32, i32
  }
  func.func @transform_24(%arg0: i32) -> (i32, i32) {
    %c0_i32 = arith.constant 0 : i32
    %c0_i32_0 = arith.constant 0 : i32
    %c0_i32_1 = arith.constant 0 : i32
    return %c0_i32, %c0_i32_0 : i32, i32
  }
}

</mosaic_0001>

<sc_bundles>
// kernel: kernel.12.cloned.1.call-start
scs
__scs_entry_jumppad:
0x0: {  	(pc) =	sbr.rel $0x88, $3  }
0x1: {  	(tag) =	ssettag $0x0;
	lr =	simm.s32 $0x1  }
0x2: {  	[smem:$0x3F90] =	sst lr;
	_ =	strace $0xD0000000  }
0x3: {  	_ = 	snop  }
0x4: {  	_ = 	snop  }
0x5: {  	_ = 	snop  }
0x6: {  	_ = 	snop  }
0x7: {  	_ = 	snop  }
__scs_overlays_trampoline_lowered:
0x8: {  	[smem:$0x3F9F] =	sst s0  }
0x9: {  	[smem:$0x3FA0] =	sst s1  }
0xa: {  	[smem:$0x3FA1] =	sst s2  }
0xb: {  	[smem:$0x3FA2] =	sst s3  }
0xc: {  	[smem:$0x3FA3] =	sst s4  }
0xd: {  	[smem:$0x3FA4] =	sst s5  }
0xe: {  	[smem:$0x3FA5] =	sst s6  }
0xf: {  	[smem:$0x3FA6] =	sst s7  }
0x10: {  	[smem:$0x3FA7] =	sst s8  }
0x11: {  	[smem:$0x3FA8] =	sst s9;
	s0 =	simm.s32 @!p0 $0x0  }
0x12: {  	s1 =	sld [smem:$0x3F8E];
	s0 =	simm.s32 @p0 $0x1  }
0x13: {  	[smem:$0x3FA9] =	sst s0;
	s0 =	simm.s32 @!p1 $0x0  }
0x14: {  	s2 =	sld [smem:$0x3F8D];
	s0 =	simm.s32 @p1 $0x1  }
0x15: {  	[smem:$0x3FAA] =	sst s0;
	s0 =	simm.s32 @!p2 $0x0  }
0x16: {  	s3 =	sld [smem:$0x3FDB];
	s0 =	simm.s32 @p2 $0x1  }
0x17: {  	s4 =	simm.s32 $0x1BF5;
	[smem:$0x3FAC] =	sst s0  }
0x18: {  	s0 =	sld [smem:$0x3F8F];
	_ =	swait.ge [sflag:s4], $0x0  }
0x19: {  	s7 =	sld [smem:$0x3F90]  }
0x1a: {  	s8 =	sadd.s32 $0xFFFFE003, lr  }
0x1b: {  	s9 =	sadd.s32 $0xFFFFFEF7, lr;
	s5 =	simm.s32 $0xFFFFFFFF;
	p2 =	slt.u32 s8, $0xFFFFF086  }
0x1c: {  	p1 =	slt.u32 s9, $0xF7A;
	s5 =	simm.s32 @!p2 $0x0  }
0x1d: {  	s5 =	simm.s32 @p1 $0x1;
	p0 =	seq.s32 s7, s2  }
0x1e: {  	s7 =	smul.u32 @!p0 $0xF7A, s2;
	p2 =	seq.s32 @!p0 s5, $0x0  }
0x1f: {  	s9 =	smul.u32 $0xF7A, s1;
	s8 =	simm.s32 @!p0 $0x1BF5;
	p2 =	por !p2, p0  }
0x20: {  	[sflag:s8] =	ssyncset.s32 @!p0 $0xFFFFF086;
	s6 =	sadd.s32 @!p0 s3, s7;
	s7 =	simm.s32 @!p0 $0x108  }
0x21: {  	s3 =	sadd.s32 s3, s9;
	s6 =	sadd.s32 @!p0 $0x88, s6;
	s7 =	simm.s32 @p2 $0x1082  }
0x22: {  	[simem:s7], [sflag:s8] =	dma.local @!p0 [hbm:s6], $0xF7A  }
0x23: {  	s9 =	sor.u32 $0xD0000000, s2;
	s6 =	simm.s32 $0x108;
	_ =	swait.ge @!p0 [sflag:s8], $0x0  }
0x24: {  	s3 =	sadd.s32 $0x88, s3;
	s6 =	simm.s32 @!p1 $0x1082;
	[sflag:s4] =	ssyncset.s32 $0xFFFFF086  }
0x25: {  	[simem:s6], [sflag:s4] =	dma.local [hbm:s3], $0xF7A  }
0x26: {  	[smem:$0x3F90] =	sst s1;
	(tag) =	ssettag s2;
	_ =	strace s9  }
0x27: {  	s1 =	sld [smem:$0x3FA0]  }
0x28: {  	s2 =	sld [smem:$0x3FA1]  }
0x29: {  	s4 =	sld [smem:$0x3FA3]  }
0x2a: {  	p0 =	seq.s32 s5, $0x0;
	s5 =	sld [smem:$0x3FA4]  }
0x2b: {  	s6 =	sld [smem:$0x3FA5]  }
0x2c: {  	s7 =	sld [smem:$0x3FA6]  }
0x2d: {  	s3 =	simm.s32 $0x108;
	s8 =	sld [smem:$0x3FA7]  }
0x2e: {  	s3 =	simm.s32 @!p0 $0x1082;
	s9 =	sld [smem:$0x3FA8]  }
0x2f: {  	lr =	sadd.s32 s0, s3;
	s0 =	sld [smem:$0x3F9F]  }
0x30: {  	s3 =	sld [smem:$0x3FA2]  }
0x31: {  	[smem:$0x3FAB] =	sst s10  }
0x32: {  	s10 =	sld [smem:$0x3FA9];
	_ =	sdelay $0x3  }
0x33: {  	p0 =	seq.s32 s10, $0x1;
	s10 =	sld [smem:$0x3FAB];
	_ =	sdelay $0x3  }
0x34: {  	[smem:$0x3FAB] =	sst s10  }
0x35: {  	s10 =	sld [smem:$0x3FAA];
	_ =	sdelay $0x3  }
0x36: {  	p1 =	seq.s32 s10, $0x1;
	s10 =	sld [smem:$0x3FAB];
	_ =	sdelay $0x3  }
0x37: {  	[smem:$0x3FAB] =	sst s10  }
0x38: {  	s10 =	sld [smem:$0x3FAC]  }
0x39: {  	_ = 	snop;
	(pc) =	sbr.ind lr, $3  }
0x3a: {  	_ = 	snop  }
0x3b: {  	_ = 	snop  }
0x3c: {  	p2 =	seq.s32 s10, $0x1;
	s10 =	sld [smem:$0x3FAB]  }
0x3d: {  	_ =	shalt  }
0x3e: {  	_ =	shalt  }
0x3f: {  	_ =	shalt  }
0x40: {  	_ =	shalt  }
0x41: {  	_ =	shalt  }
0x42: {  	_ =	shalt  }
0x43: {  	_ =	shalt  }
0x44: {  	_ =	shalt  }
0x45: {  	_ =	shalt  }
0x46: {  	_ =	shalt  }
0x47: {  	_ =	shalt  }
0x48: {  	_ =	shalt  }
0x49: {  	_ =	shalt  }
0x4a: {  	_ =	shalt  }
0x4b: {  	_ =	shalt  }
0x4c: {  	_ =	shalt  }
0x4d: {  	_ =	shalt  }
0x4e: {  	_ =	shalt  }
0x4f: {  	_ =	shalt  }
0x50: {  	_ =	shalt  }
0x51: {  	_ =	shalt  }
0x52: {  	_ =	shalt  }
0x53: {  	_ =	shalt  }
0x54: {  	_ =	shalt  }
0x55: {  	_ =	shalt  }
0x56: {  	_ =	shalt  }
0x57: {  	_ =	shalt  }
0x58: {  	_ =	shalt  }
0x59: {  	_ =	shalt  }
0x5a: {  	_ =	shalt  }
0x5b: {  	_ =	shalt  }
0x5c: {  	_ =	shalt  }
0x5d: {  	_ =	shalt  }
0x5e: {  	_ =	shalt  }
0x5f: {  	_ =	shalt  }
0x60: {  	_ =	shalt  }
0x61: {  	_ =	shalt  }
0x62: {  	_ =	shalt  }
0x63: {  	_ =	shalt  }
0x64: {  	_ =	shalt  }
0x65: {  	_ =	shalt  }
0x66: {  	_ =	shalt  }
0x67: {  	_ =	shalt  }
0x68: {  	_ =	shalt  }
0x69: {  	_ =	shalt  }
0x6a: {  	_ =	shalt  }
0x6b: {  	_ =	shalt  }
0x6c: {  	_ =	shalt  }
0x6d: {  	_ =	shalt  }
0x6e: {  	_ =	shalt  }
0x6f: {  	_ =	shalt  }
0x70: {  	_ =	shalt  }
0x71: {  	_ =	shalt  }
0x72: {  	_ =	shalt  }
0x73: {  	_ =	shalt  }
0x74: {  	_ =	shalt  }
0x75: {  	_ =	shalt  }
0x76: {  	_ =	shalt  }
0x77: {  	_ =	shalt  }
0x78: {  	_ =	shalt  }
0x79: {  	_ =	shalt  }
0x7a: {  	_ =	shalt  }
0x7b: {  	_ =	shalt  }
0x7c: {  	_ =	shalt  }
0x7d: {  	_ =	shalt  }
0x7e: {  	_ =	shalt  }
0x7f: {  	_ =	shalt  }
0x80: {  	_ =	shalt  }
0x81: {  	_ =	shalt  }
0x82: {  	_ =	shalt  }
0x83: {  	_ =	shalt  }
0x84: {  	_ =	shalt  }
0x85: {  	_ =	shalt  }
0x86: {  	_ =	shalt  }
0x87: {  	_ =	shalt  }
.Lfunc_end0:
.L_simem_size_0:
called_computation.1_lowered:
.L_overlay_start_0:
0x88: {  	s2 =	sld [smem:$0x3FD9]  }
0x89: {  	s3 =	sld [smem:$0x3FFE];
	_ =	sdelay $0x1  }
0x8a: {  	s1 =	srdreg.scid  }
0x8b: {  	s0 =	sand.u32 $0x1, s1  }
0x8c: {  	s16 =	sshll.u32 s0, $0xA;
	s2 =	sadd.s32 s3, s2  }
0x8d: {  	s2 =	sadd.s32 s2, s16  }
0x8e: {  	[smem:$0x3FB7] =	sst s2  }
0x8f: {  	_ = 	snop  }
0x90: {  	(tm) =	ssettm $0x1  }
0x91: {  	s17 =	sld [smem:$0x3FFB];
	_ =	sdelay $0x3  }
0x92: {  	_ =	strace s17  }
0x93: {  	s2 =	sld [smem:$0x3FFC];
	_ =	sdelay $0x3  }
0x94: {  	_ =	strace s2  }
0x95: {  	s2 =	sld [smem:$0x3FFD];
	_ =	sdelay $0x3  }
0x96: {  	_ =	strace s2  }
0x97: {  	_ =	strace $0x8FFFFFFF  }
0x98: {  	s18 =	sld [smem:$0x3FDB];
	_ =	sdelay $0x1  }
0x99: {  	s19 =	simm.s32 $_scs_section_size  }
0x9a: {  	s4 =	simm.s32 $_size__tile_overlayer_lowered;
	s5 =	simm.s32 $_tile_overlayer_lowered  }
0x9b: {  	s22 =	simm.s32 $0x1BFF;
	s21 =	sshll.u32 s5, $0x1;
	s2 =	sadd.s32 s19, s18  }
0x9c: {  	s6 =	simm.s32 $0x0;
	s20 =	sshll.u32 s4, $0x1;
	s4 =	sadd.s32 s21, s2  }
0x9d: {  	[timem:s6], [sflag:s22] =	dma.local [hbm:s4], s20  }
0x9e: {  	_ =	swait.ge [sflag:s22], s20  }
0x9f: {  	s3 =	ssub.s32 $0x0, s20;
	[sflag:s22] =	ssyncset.done $0x0  }
0xa0: {  	[sflag:s22] =	ssyncadd.s32 s3;
	_ =	sdelay $0x1  }
0xa1: {  	s23 =	simm.s32 $0x1B8B  }
0xa2: {  	_ =	swait.ge [sflag:s23], $0x1  }
0xa3: {  	[sflag:s23] =	ssyncset.done $0x0  }
0xa4: {  	s25 =	simm.s32 $0x1B8E;
	s24 =	sld [smem:$0x3FFE];
	[sflag:s23] =	ssyncadd.s32 $0xFFFFFFFF  }
0xa5: {  	s26 =	simm.s32 $execute0_lowered;
	[smem:$0x3FD2] =	sst s25  }
0xa6: {  	s4 =	sshll.u32 s26, $0x1;
	_ =	strace $0x8000004D;
	[dreg:$0x1] =	wrdreg $0xFFFFFFFF  }
0xa7: {  	s28 =	simm.s32 $_size_execute0_lowered;
	s2 =	sadd.s32 s2, s4;
	[dreg:$0x0] =	wrdreg $0x0  }
0xa8: {  	s4 =	sshll.u32 s28, $0x1;
	[dreg:$0x2] =	wrdreg s2  }
0xa9: {  	[dreg:$0x3] =	wrdreg s4  }
0xaa: {  	[dreg:$0x4] =	wrdreg $0xC0  }
0xab: {  	_ =	task [dreg:s6], $0x5FFFF  }
0xac: {  	[dreg:$0x1] =	wrdreg $0xFFFFFFFF  }
0xad: {  	[dreg:$0x0] =	wrdreg $0x60  }
0xae: {  	[dreg:$0x2] =	wrdreg s24  }
0xaf: {  	[dreg:$0x3] =	wrdreg $0xB4000  }
0xb0: {  	[dreg:$0x4] =	wrdreg $0x9  }
0xb1: {  	_ =	task.clear_ibuf [dreg:s6], $0x5FFFF;
	_ =	strace $0x9000004D  }
0xb2: {  	s29 =	simm.s32 $0x9;
	_ =	strace $0x80000053  }
0xb3: {  	_ =	swait.ge [sflag:s29], $0x1  }
0xb4: {  	[sflag:s29] =	ssyncadd.s32 $0xFFFFFFFF  }
0xb5: {  	_ =	strace $0x90000053  }
0xb6: {  	_ =	sfence  }
0xb7: {  	s30 =	sld [smem:$0x0];
	_ =	sdelay $0x2  }
0xb8: {  	s31 =	sshll.u32 s1, $0xD;
	s1 =	sshrl.u32 s1, $0x2  }
0xb9: {  	s3 =	sand.u32 $0x4000, s31;
	s1 =	sadd.s32 s1, s30  }
0xba: {  	s0 =	sor.u32 s3, s0;
	s1 =	sshll.u32 s1, $0x11  }
0xbb: {  	s0 =	sor.u32 s1, s0  }
0xbc: {  	s0 =	sadd.s32 $0x8F2B, s0  }
0xbd: {  	[sflag:s0] =	ssyncadd.remote.s32 $0x1  }
0xbe: {  	_ =	sfence.sel $0xFFFF  }
0xbf: {  	[dreg:$0x0] =	wrdreg $0xFFFFFFFF;
	(pc) =	sbr.abs _section_cstart, $3  }
0xc0: {  	[dreg:$0x1] =	wrdreg $0xFFFFFFFF  }
0xc1: {  	_ =	task.clear_ibuf [dreg:s6], $0x2FFFF;
	_ =	strace $0x9FFFFFFF  }
0xc2: {  	(tm) =	ssettm $0x7FFFFFFF  }
0xc3: {  	_ =	shalt  }
tec
execute0_lowered:
.L_overlay_start_1:
0x0: {  	(tag) =	ssettag $0x1  }
0x1: {  	s0 =	rddreg [dreg:$0x0]  }
0x2: {  	s1 =	rddreg [dreg:$0x1]  }
0x3: {  	s3 =	simm.s32 $0x0;
	s2 =	srdreg.scid;
	s12 =	stileid.u32  }
0x4: {  	s28 =	simm.s32 $0xA000;
	s2 =	sand.u32 $0x1, s2;
	s9 =	smul.u32 $0x14000, s12  }
0x5: {  	s29 =	simm.s32 $0x1;
	s30 =	simm.s32 $0x1000;
	s8 =	smul.u32 $0x140000, s2  }
0x6: {  	s31 =	simm.s32 $0x2;
	[smem:$0x7FF] =	sst s3;
	s10 =	smul.u32 $0x50000, s12  }
0x7: {  	s4 =	sadd.s32 $0x4400, s0;
	s5 =	sadd.s32 $0x2C400, s0;
	s8 =	sadd.s32 s9, s8  }
0x8: {  	s6 =	sadd.s32 $0x54400, s0;
	s10 =	sshrl.u32 s10, $0x2;
	s8 =	sshrl.u32 s8, $0x3  }
0x9: {  	s7 =	sadd.s32 $0x5E400, s0;
	s0 =	sadd.s32 s8, s0;
	s8 =	sadd.s32 s10, s1  }
0xa: {  	_ =	strace $0x8000004E;
	s19 =	ssub.s32 $0x2, s2;
	s10 =	sadd.s32 $0x1400, s8  }
0xb: {  	p0 =	seq.s32 s2, $0x1;
	s20 =	sadd.s32 $0x2800, s8;
	[dreg:$0x3] =	wrdreg s10  }
0xc: {  	s2 =	simm.s32 $0x2000;
	s21 =	sadd.s32 $0x3C00, s8;
	[dreg:$0x4] =	wrdreg s20  }
0xd: {  	s11 =	sshrl.u32 s19, $0x1;
	s22 =	sadd.s32 $0x5000, s8;
	[dreg:$0x5] =	wrdreg s21  }
0xe: {  	s9 =	ssub.s32 s19, s11;
	s23 =	sadd.s32 $0x6400, s8;
	[dreg:$0x6] =	wrdreg s22  }
0xf: {  	s24 =	sadd.s32 $0x7800, s8;
	s25 =	sadd.s32 $0x8C00, s8;
	[dreg:$0x7] =	wrdreg s23  }
0x10: {  	s26 =	sadd.s32 $0xA000, s8;
	s17 =	sadd.s32 $0xB400, s8;
	[dreg:$0x8] =	wrdreg s24  }
.Ltmp0:
0x11: {  	s18 =	sadd.s32 $0xC800, s8;
	[dreg:$0x9] =	wrdreg s25;
	(pc) =	sbr.rel .LBB2_1-.Ltmp0, $4  }
0x12: {  	s19 =	sadd.s32 $0xDC00, s8;
	[dreg:$0xa] =	wrdreg s26;
	s20 =	sadd.s32 $0xF000, s8  }
0x13: {  	s21 =	sadd.s32 $0x10400, s8;
	s22 =	sadd.s32 $0x11800, s8;
	s23 =	sadd.s32 $0x12C00, s8  }
0x14: {  	s24 =	sadd.s32 $0xB8400, s0;
	s25 =	smax.u32 s9, $0x1;
	s26 =	smul.u32 $0x5000, s12  }
0x15: {  	v0 =	vimm.f32 $0.0e+00;
	s0 =	simm.s32 $0x80;
	s9 =	simm.s32 $0x6000;
	s10 =	simm.s32 $0x3  }
.LBB2_10:
0x16: {  	s11 =	stileid.u32;
	s3 =	sadd.s32 $0x1, s3  }
0x17: {  	[bflag:$0x0] =	sbarrier.arrive $0xFFFF;
	s11 =	sshll.u32 s11, $0x6;
	p1 =	sne.s32 s3, s25  }
.Ltmp1:
0x18: {  	s12 =	sshrl.u32 s8, $0x3;
	s11 =	sor.u32 $0x1C03, s11;
	(pc) =	sbr.rel @!p1 .LBB2_11-.Ltmp1, $4  }
0x19: {  	[hbm:s24], [sflag:s11] =	dma.local [spmem:s12], $0x2800  }
0x1a: {  	_ =	swait.ge [sflag:s10], $0x2800  }
0x1b: {  	[sflag:s10] =	ssyncset.done $0x0  }
0x1c: {  	[sflag:s10] =	ssyncadd.s32 $0xFFFFD800  }
.LBB2_1:
0x1d: {  	s11 =	simm.s32 $0x70;
	s12 =	simm.s32 $0x3C0  }
.LBB2_2:
0x1e: {  	p1 =	sne.s32 s12, $0x4FC0;
	[tilespmem:s11+$0xA000] =	vst v0  }
0x1f: {  	[tilespmem:s11+$0x9F90] =	vst v0  }
0x20: {  	[tilespmem:s11+$0x9FA0] =	vst v0  }
.Ltmp2:
0x21: {  	[tilespmem:s11+$0x9FB0] =	vst v0;
	(pc) =	sbr.rel @p1 .LBB2_2-.Ltmp2, $4  }
0x22: {  	[tilespmem:s11+$0x9FC0] =	vst v0  }
0x23: {  	[tilespmem:s11+$0x9FD0] =	vst v0  }
0x24: {  	[tilespmem:s11+$0x9FE0] =	vst v0  }
0x25: {  	[tilespmem:s11+$0x9FF0] =	vst v0;
	s11 =	sshra.s32 s12, $0x2;
	s12 =	sadd.s32 $0x200, s12  }
0x26: {  	[tilespmem:s11+$0xA000] =	vst v0  }
0x27: {  	[tilespmem:s11+$0x9F90] =	vst v0  }
0x28: {  	[tilespmem:s11+$0x9FA0] =	vst v0  }
0x29: {  	[tilespmem:s11+$0x9FB0] =	vst v0  }
0x2a: {  	[tilespmem:s11+$0x9FC0] =	vst v0  }
0x2b: {  	[tilespmem:s11+$0x9FD0] =	vst v0  }
0x2c: {  	[tilespmem:s11+$0x9FE0] =	vst v0  }
0x2d: {  	[tilespmem:s11+$0x9FF0] =	vst v0  }
0x2e: {  	[spmem:s8] =	stream.linear.scatter [tilespmem:s28], [sflag:$0x1], $0x1400, $0x38;
	[tilespmem:$0x1F400] =	vst v63  }
0x2f: {  	s14 =	rddreg [dreg:$0x3]  }
0x30: {  	[spmem:s14] =	stream.linear.scatter [tilespmem:s28], [sflag:$0x1], $0x1400, $0x38;
	[tilespmem:$0x1F400] =	vst v63  }
0x31: {  	s15 =	rddreg [dreg:$0x4]  }
0x32: {  	[spmem:s15] =	stream.linear.scatter [tilespmem:s28], [sflag:$0x1], $0x1400, $0x38;
	[tilespmem:$0x1F400] =	vst v63  }
0x33: {  	s16 =	rddreg [dreg:$0x5]  }
0x34: {  	[spmem:s16] =	stream.linear.scatter [tilespmem:s28], [sflag:$0x1], $0x1400, $0x38;
	[tilespmem:$0x1F400] =	vst v63  }
0x35: {  	s12 =	rddreg [dreg:$0x6]  }
0x36: {  	[spmem:s12] =	stream.linear.scatter [tilespmem:s28], [sflag:$0x1], $0x1400, $0x38;
	[tilespmem:$0x1F400] =	vst v63  }
0x37: {  	s13 =	rddreg [dreg:$0x7]  }
0x38: {  	[spmem:s13] =	stream.linear.scatter [tilespmem:s28], [sflag:$0x1], $0x1400, $0x38;
	[tilespmem:$0x1F400] =	vst v63  }
0x39: {  	s14 =	rddreg [dreg:$0x8]  }
0x3a: {  	[spmem:s14] =	stream.linear.scatter [tilespmem:s28], [sflag:$0x1], $0x1400, $0x38;
	[tilespmem:$0x1F400] =	vst v63  }
0x3b: {  	s15 =	rddreg [dreg:$0x9]  }
0x3c: {  	[spmem:s15] =	stream.linear.scatter [tilespmem:s28], [sflag:$0x1], $0x1400, $0x38;
	[tilespmem:$0x1F400] =	vst v63  }
0x3d: {  	s16 =	rddreg [dreg:$0xa]  }
0x3e: {  	[spmem:s16] =	stream.linear.scatter [tilespmem:s28], [sflag:$0x1], $0x1400, $0x38;
	[tilespmem:$0x1F400] =	vst v63  }
0x3f: {  	_ = 	snop  }
0x40: {  	[spmem:s17] =	stream.linear.scatter [tilespmem:s28], [sflag:$0x1], $0x1400, $0x38;
	[tilespmem:$0x1F400] =	vst v63  }
0x41: {  	_ = 	snop  }
0x42: {  	[spmem:s18] =	stream.linear.scatter [tilespmem:s28], [sflag:$0x1], $0x1400, $0x38;
	[tilespmem:$0x1F400] =	vst v63  }
0x43: {  	_ = 	snop  }
0x44: {  	[spmem:s19] =	stream.linear.scatter [tilespmem:s28], [sflag:$0x1], $0x1400, $0x38;
	[tilespmem:$0x1F400] =	vst v63  }
0x45: {  	_ = 	snop  }
0x46: {  	[spmem:s20] =	stream.linear.scatter [tilespmem:s28], [sflag:$0x1], $0x1400, $0x38;
	[tilespmem:$0x1F400] =	vst v63  }
0x47: {  	_ = 	snop  }
0x48: {  	[spmem:s21] =	stream.linear.scatter [tilespmem:s28], [sflag:$0x1], $0x1400, $0x38;
	[tilespmem:$0x1F400] =	vst v63  }
0x49: {  	_ = 	snop  }
0x4a: {  	[spmem:s22] =	stream.linear.scatter [tilespmem:s28], [sflag:$0x1], $0x1400, $0x38;
	[tilespmem:$0x1F400] =	vst v63  }
0x4b: {  	_ = 	snop  }
0x4c: {  	[spmem:s23] =	stream.linear.scatter [tilespmem:s28], [sflag:$0x1], $0x1400, $0x38;
	[tilespmem:$0x1F400] =	vst v63  }
0x4d: {  	_ =	swait.ge [sflag:s29], $0x1400  }
0x4e: {  	[sflag:s29] =	ssyncset.done $0x0  }
0x4f: {  	[sflag:s29] =	ssyncadd.s32 $0xFFFFEC00  }
0x50: {  	_ =	swait.ge [sflag:s29], $0x1400  }
0x51: {  	[sflag:s29] =	ssyncset.done $0x0  }
0x52: {  	[sflag:s29] =	ssyncadd.s32 $0xFFFFEC00  }
0x53: {  	_ =	swait.ge [sflag:s29], $0x1400  }
0x54: {  	[sflag:s29] =	ssyncset.done $0x0  }
0x55: {  	[sflag:s29] =	ssyncadd.s32 $0xFFFFEC00  }
0x56: {  	_ =	swait.ge [sflag:s29], $0x1400  }
0x57: {  	[sflag:s29] =	ssyncset.done $0x0  }
0x58: {  	[sflag:s29] =	ssyncadd.s32 $0xFFFFEC00  }
0x59: {  	_ =	swait.ge [sflag:s29], $0x1400  }
0x5a: {  	[sflag:s29] =	ssyncset.done $0x0  }
0x5b: {  	[sflag:s29] =	ssyncadd.s32 $0xFFFFEC00  }
0x5c: {  	_ =	swait.ge [sflag:s29], $0x1400  }
0x5d: {  	[sflag:s29] =	ssyncset.done $0x0  }
0x5e: {  	[sflag:s29] =	ssyncadd.s32 $0xFFFFEC00  }
0x5f: {  	_ =	swait.ge [sflag:s29], $0x1400  }
0x60: {  	[sflag:s29] =	ssyncset.done $0x0  }
0x61: {  	[sflag:s29] =	ssyncadd.s32 $0xFFFFEC00  }
0x62: {  	_ =	swait.ge [sflag:s29], $0x1400  }
0x63: {  	[sflag:s29] =	ssyncset.done $0x0  }
0x64: {  	[sflag:s29] =	ssyncadd.s32 $0xFFFFEC00  }
0x65: {  	_ =	swait.ge [sflag:s29], $0x1400  }
0x66: {  	[sflag:s29] =	ssyncset.done $0x0  }
0x67: {  	[sflag:s29] =	ssyncadd.s32 $0xFFFFEC00  }
0x68: {  	_ =	swait.ge [sflag:s29], $0x1400  }
0x69: {  	[sflag:s29] =	ssyncset.done $0x0  }
0x6a: {  	[sflag:s29] =	ssyncadd.s32 $0xFFFFEC00  }
0x6b: {  	_ =	swait.ge [sflag:s29], $0x1400  }
0x6c: {  	[sflag:s29] =	ssyncset.done $0x0  }
0x6d: {  	[sflag:s29] =	ssyncadd.s32 $0xFFFFEC00  }
0x6e: {  	_ =	swait.ge [sflag:s29], $0x1400  }
0x6f: {  	[sflag:s29] =	ssyncset.done $0x0  }
0x70: {  	[sflag:s29] =	ssyncadd.s32 $0xFFFFEC00  }
0x71: {  	_ =	swait.ge [sflag:s29], $0x1400  }
0x72: {  	[sflag:s29] =	ssyncset.done $0x0  }
0x73: {  	[sflag:s29] =	ssyncadd.s32 $0xFFFFEC00  }
0x74: {  	_ =	swait.ge [sflag:s29], $0x1400  }
0x75: {  	[sflag:s29] =	ssyncset.done $0x0  }
0x76: {  	[sflag:s29] =	ssyncadd.s32 $0xFFFFEC00  }
0x77: {  	_ =	swait.ge [sflag:s29], $0x1400  }
0x78: {  	[sflag:s29] =	ssyncset.done $0x0  }
0x79: {  	[sflag:s29] =	ssyncadd.s32 $0xFFFFEC00  }
.Ltmp3:
0x7a: {  	_ =	swait.ge [sflag:s29], $0x1400;
	(pc) =	sbr.rel @!p0 .LBB2_4-.Ltmp3, $4  }
0x7b: {  	[sflag:s29] =	ssyncset.done $0x0  }
0x7c: {  	[sflag:s29] =	ssyncadd.s32 $0xFFFFEC00  }
0x7d: {  	[bflag:$0x0] =	sbarrier.arrive $0xFFFF  }
0x7e: {  	s11 =	simm.s32 $0x0;
	s12 =	simm.s32 $0x0;
	s13 =	simm.s32 $0x0  }
.LBB2_7:
0x7f: {  	s12 =	sshll.u32 s13, $0xC  }
0x80: {  	s12 =	sadd.s32 s26, s12  }
0x81: {  	s12 =	sshrl.u32 s12, $0x3  }
0x82: {  	s14 =	sadd.s32 s6, s12  }
0x83: {  	[tilespmem:s11], [sflag:$0x1] =	stream.linear.gather [hbm4b:s14+s11], $0x1000, $0x38;
	[tilespmem:$0x1F400] =	vst v63  }
0x84: {  	s12 =	sadd.s32 s7, s12  }
0x85: {  	[tilespmem:s30], [sflag:$0x2] =	stream.linear.gather [hbm4b:s12+s11], $0x1000, $0x38;
	[tilespmem:$0x1F400] =	vst v63  }
0x86: {  	_ =	swait.ge [sflag:s29], $0x1000  }
0x87: {  	[sflag:s29] =	ssyncset.done $0x0  }
0x88: {  	[sflag:s29] =	ssyncadd.s32 $0xFFFFF000  }
0x89: {  	_ =	swait.ge [sflag:s31], $0x1000  }
0x8a: {  	[sflag:s31] =	ssyncset.done $0x0  }
0x8b: {  	s16 =	simm.s32 $0x0;
	[sflag:s31] =	ssyncadd.s32 $0xFFFFF000  }
0x8c: {  	[tilespmem:s2], [sflag:$0x1] =	stream.indirect.gather [hbm4b:s5+s0], $0x80, s16, s0, $0xb8;
	[tilespmem:$0x1F400] =	vst v63  }
0x8d: {  	s14 =	simm.s32 $0x80  }
0x8e: {  	[tilespmem:s9], [sflag:$0x2] =	stream.indirect.gather [hbm4b:s5+s0], $0x80, s14, s0, $0xb8;
	[tilespmem:$0x1F400] =	vst v63  }
0x8f: {  	_ =	strace $0x80000051  }
0x90: {  	_ =	swait.ge [sflag:s29], $0x4000  }
0x91: {  	[sflag:s29] =	ssyncset.done $0x0  }
0x92: {  	[sflag:s29] =	ssyncadd.s32 $0xFFFFC000  }
0x93: {  	_ =	swait.ge [sflag:s31], $0x4000  }
0x94: {  	[sflag:s31] =	ssyncset.done $0x0  }
0x95: {  	[sflag:s31] =	ssyncadd.s32 $0xFFFFC000  }
0x96: {  	_ =	strace $0x90000051  }
0x97: {  	s15 =	simm.s32 $0x1000;
	_ =	strace $0x80000052  }
0x98: {  	[spmem:s1] =	stream.indirect.scatter.add.f32 [tilespmem:s2], [sflag:$0x3], $0x80, s15, s0, $0x2000b8;
	[tilespmem:$0x1F400] =	vst v63  }
0x99: {  	_ =	swait.ge [sflag:s10], $0x4000  }
0x9a: {  	[sflag:s10] =	ssyncset.done $0x0  }
0x9b: {  	s16 =	simm.s32 $0x1080;
	[sflag:s10] =	ssyncadd.s32 $0xFFFFC000  }
0x9c: {  	[spmem:s1] =	stream.indirect.scatter.add.f32 [tilespmem:s9], [sflag:$0x3], $0x80, s16, s0, $0x2000b8;
	[tilespmem:$0x1F400] =	vst v63  }
0x9d: {  	_ =	swait.ge [sflag:s10], $0x4000  }
0x9e: {  	[sflag:s10] =	ssyncset.done $0x0  }
0x9f: {  	s12 =	simm.s32 $0x400;
	s14 =	simm.s32 $0x800;
	[sflag:s10] =	ssyncadd.s32 $0xFFFFC000  }
.LBB2_8:
0xa0: {  	s15 =	sshra.s32 s12, $0x2  }
0xa1: {  	_ =	strace $0x90000052;
	s12 =	smov.u32 s14;
	s16 =	sadd.s32 $0x400, s14  }
0xa2: {  	[tilespmem:s2], [sflag:$0x1] =	stream.indirect.gather [hbm4b:s5+s0], $0x80, s15, s0, $0xb8;
	[tilespmem:$0x1F400] =	vst v63  }
0xa3: {  	p1 =	sne.s32 s14, $0x3C00;
	s14 =	sadd.s32 $0x80, s15  }
0xa4: {  	[tilespmem:s9], [sflag:$0x2] =	stream.indirect.gather [hbm4b:s5+s0], $0x80, s14, s0, $0xb8;
	[tilespmem:$0x1F400] =	vst v63  }
0xa5: {  	_ =	strace $0x80000051  }
0xa6: {  	_ =	swait.ge [sflag:s29], $0x4000  }
0xa7: {  	[sflag:s29] =	ssyncset.done $0x0  }
0xa8: {  	[sflag:s29] =	ssyncadd.s32 $0xFFFFC000  }
0xa9: {  	_ =	swait.ge [sflag:s31], $0x4000  }
0xaa: {  	[sflag:s31] =	ssyncset.done $0x0  }
0xab: {  	[sflag:s31] =	ssyncadd.s32 $0xFFFFC000  }
0xac: {  	_ =	strace $0x90000051  }
0xad: {  	s14 =	sadd.s32 $0x1000, s15;
	_ =	strace $0x80000052  }
0xae: {  	[spmem:s1] =	stream.indirect.scatter.add.f32 [tilespmem:s2], [sflag:$0x3], $0x80, s14, s0, $0x2000b8;
	[tilespmem:$0x1F400] =	vst v63  }
0xaf: {  	_ =	swait.ge [sflag:s10], $0x4000  }
0xb0: {  	[sflag:s10] =	ssyncset.done $0x0  }
.Ltmp4:
0xb1: {  	s14 =	sadd.s32 $0x1080, s15;
	[sflag:s10] =	ssyncadd.s32 $0xFFFFC000;
	(pc) =	sbr.rel @p1 .LBB2_8-.Ltmp4, $4  }
0xb2: {  	[spmem:s1] =	stream.indirect.scatter.add.f32 [tilespmem:s9], [sflag:$0x3], $0x80, s14, s0, $0x2000b8;
	[tilespmem:$0x1F400] =	vst v63  }
0xb3: {  	_ =	swait.ge [sflag:s10], $0x4000  }
0xb4: {  	[sflag:s10] =	ssyncset.done $0x0  }
0xb5: {  	s14 =	smov.u32 s16;
	[sflag:s10] =	ssyncadd.s32 $0xFFFFC000  }
0xb6: {  	s12 =	sshra.s32 s12, $0x2;
	_ =	strace $0x90000052  }
0xb7: {  	[tilespmem:s2], [sflag:$0x1] =	stream.indirect.gather [hbm4b:s5+s0], $0x80, s12, s0, $0xb8;
	[tilespmem:$0x1F400] =	vst v63  }
0xb8: {  	s14 =	sadd.s32 $0x80, s12  }
0xb9: {  	[tilespmem:s9], [sflag:$0x2] =	stream.indirect.gather [hbm4b:s5+s0], $0x80, s14, s0, $0xb8;
	[tilespmem:$0x1F400] =	vst v63  }
0xba: {  	_ =	strace $0x80000051  }
0xbb: {  	_ =	swait.ge [sflag:s29], $0x4000  }
0xbc: {  	[sflag:s29] =	ssyncset.done $0x0  }
0xbd: {  	[sflag:s29] =	ssyncadd.s32 $0xFFFFC000  }
0xbe: {  	_ =	swait.ge [sflag:s31], $0x4000  }
0xbf: {  	[sflag:s31] =	ssyncset.done $0x0  }
0xc0: {  	[sflag:s31] =	ssyncadd.s32 $0xFFFFC000  }
0xc1: {  	_ =	strace $0x90000051  }
0xc2: {  	s16 =	sadd.s32 $0x1000, s12;
	_ =	strace $0x80000052  }
0xc3: {  	[spmem:s1] =	stream.indirect.scatter.add.f32 [tilespmem:s2], [sflag:$0x3], $0x80, s16, s0, $0x2000b8;
	[tilespmem:$0x1F400] =	vst v63  }
0xc4: {  	_ =	swait.ge [sflag:s10], $0x4000  }
0xc5: {  	s13 =	sadd.s32 $0x1, s13;
	[sflag:s10] =	ssyncset.done $0x0  }
0xc6: {  	s12 =	sadd.s32 $0x1080, s12;
	p1 =	sne.s32 s13, $0x5;
	[sflag:s10] =	ssyncadd.s32 $0xFFFFC000  }
0xc7: {  	[spmem:s1] =	stream.indirect.scatter.add.f32 [tilespmem:s9], [sflag:$0x3], $0x80, s12, s0, $0x2000b8;
	[tilespmem:$0x1F400] =	vst v63  }
.Ltmp5:
0xc8: {  	_ = 	snop;
	(pc) =	sbr.rel @p1 .LBB2_7-.Ltmp5, $4  }
.Ltmp6:
0xc9: {  	_ =	swait.ge [sflag:s10], $0x4000;
	(pc) =	sbr.rel @!p1 .LBB2_10-.Ltmp6, $4  }
0xca: {  	[sflag:s10] =	ssyncset.done $0x0  }
0xcb: {  	[sflag:s10] =	ssyncadd.s32 $0xFFFFC000  }
0xcc: {  	_ =	strace $0x90000052  }
0xcd: {  	_ = 	snop  }
.LBB2_4:
0xce: {  	s13 =	sshll.u32 s12, $0xC  }
0xcf: {  	s13 =	sadd.s32 s26, s13  }
0xd0: {  	s13 =	sshrl.u32 s13, $0x3  }
0xd1: {  	s14 =	sadd.s32 s6, s13  }
0xd2: {  	[tilespmem:s11], [sflag:$0x1] =	stream.linear.gather [hbm4b:s14+s11], $0x1000, $0x38;
	[tilespmem:$0x1F400] =	vst v63  }
0xd3: {  	s13 =	sadd.s32 s7, s13  }
0xd4: {  	[tilespmem:s30], [sflag:$0x2] =	stream.linear.gather [hbm4b:s13+s11], $0x1000, $0x38;
	[tilespmem:$0x1F400] =	vst v63  }
0xd5: {  	_ =	swait.ge [sflag:s29], $0x1000  }
0xd6: {  	[sflag:s29] =	ssyncset.done $0x0  }
0xd7: {  	[sflag:s29] =	ssyncadd.s32 $0xFFFFF000  }
0xd8: {  	_ =	swait.ge [sflag:s31], $0x1000  }
0xd9: {  	[sflag:s31] =	ssyncset.done $0x0  }
0xda: {  	s16 =	simm.s32 $0x0;
	[sflag:s31] =	ssyncadd.s32 $0xFFFFF000  }
0xdb: {  	[tilespmem:s2], [sflag:$0x1] =	stream.indirect.gather [hbm4b:s4+s0], $0x80, s16, s0, $0xb8;
	[tilespmem:$0x1F400] =	vst v63  }
0xdc: {  	s14 =	simm.s32 $0x80  }
0xdd: {  	[tilespmem:s9], [sflag:$0x2] =	stream.indirect.gather [hbm4b:s4+s0], $0x80, s14, s0, $0xb8;
	[tilespmem:$0x1F400] =	vst v63  }
0xde: {  	_ =	strace $0x8000004F  }
0xdf: {  	_ =	swait.ge [sflag:s29], $0x4000  }
0xe0: {  	[sflag:s29] =	ssyncset.done $0x0  }
0xe1: {  	[sflag:s29] =	ssyncadd.s32 $0xFFFFC000  }
0xe2: {  	_ =	swait.ge [sflag:s31], $0x4000  }
0xe3: {  	[sflag:s31] =	ssyncset.done $0x0  }
0xe4: {  	[sflag:s31] =	ssyncadd.s32 $0xFFFFC000  }
0xe5: {  	_ =	strace $0x9000004F  }
0xe6: {  	s15 =	simm.s32 $0x1000;
	_ =	strace $0x80000050  }
0xe7: {  	[spmem:s1] =	stream.indirect.scatter.add.f32 [tilespmem:s2], [sflag:$0x3], $0x80, s15, s0, $0x2000b8;
	[tilespmem:$0x1F400] =	vst v63  }
0xe8: {  	_ =	swait.ge [sflag:s10], $0x4000  }
0xe9: {  	[sflag:s10] =	ssyncset.done $0x0  }
0xea: {  	s16 =	simm.s32 $0x1080;
	[sflag:s10] =	ssyncadd.s32 $0xFFFFC000  }
0xeb: {  	[spmem:s1] =	stream.indirect.scatter.add.f32 [tilespmem:s9], [sflag:$0x3], $0x80, s16, s0, $0x2000b8;
	[tilespmem:$0x1F400] =	vst v63  }
0xec: {  	_ =	swait.ge [sflag:s10], $0x4000  }
0xed: {  	[sflag:s10] =	ssyncset.done $0x0  }
0xee: {  	s13 =	simm.s32 $0x400;
	s14 =	simm.s32 $0x800;
	[sflag:s10] =	ssyncadd.s32 $0xFFFFC000  }
.LBB2_5:
0xef: {  	s15 =	sshra.s32 s13, $0x2  }
0xf0: {  	_ =	strace $0x90000050;
	s13 =	smov.u32 s14;
	s16 =	sadd.s32 $0x400, s14  }
0xf1: {  	[tilespmem:s2], [sflag:$0x1] =	stream.indirect.gather [hbm4b:s4+s0], $0x80, s15, s0, $0xb8;
	[tilespmem:$0x1F400] =	vst v63  }
0xf2: {  	p1 =	sne.s32 s14, $0x3C00;
	s14 =	sadd.s32 $0x80, s15  }
0xf3: {  	[tilespmem:s9], [sflag:$0x2] =	stream.indirect.gather [hbm4b:s4+s0], $0x80, s14, s0, $0xb8;
	[tilespmem:$0x1F400] =	vst v63  }
0xf4: {  	_ =	strace $0x8000004F  }
0xf5: {  	_ =	swait.ge [sflag:s29], $0x4000  }
0xf6: {  	[sflag:s29] =	ssyncset.done $0x0  }
0xf7: {  	[sflag:s29] =	ssyncadd.s32 $0xFFFFC000  }
0xf8: {  	_ =	swait.ge [sflag:s31], $0x4000  }
0xf9: {  	[sflag:s31] =	ssyncset.done $0x0  }
0xfa: {  	[sflag:s31] =	ssyncadd.s32 $0xFFFFC000  }
0xfb: {  	_ =	strace $0x9000004F  }
0xfc: {  	s14 =	sadd.s32 $0x1000, s15;
	_ =	strace $0x80000050  }
0xfd: {  	[spmem:s1] =	stream.indirect.scatter.add.f32 [tilespmem:s2], [sflag:$0x3], $0x80, s14, s0, $0x2000b8;
	[tilespmem:$0x1F400] =	vst v63  }
0xfe: {  	_ =	swait.ge [sflag:s10], $0x4000  }
0xff: {  	[sflag:s10] =	ssyncset.done $0x0  }
.Ltmp7:
0x100: {  	s14 =	sadd.s32 $0x1080, s15;
	[sflag:s10] =	ssyncadd.s32 $0xFFFFC000;
	(pc) =	sbr.rel @p1 .LBB2_5-.Ltmp7, $4  }
0x101: {  	[spmem:s1] =	stream.indirect.scatter.add.f32 [tilespmem:s9], [sflag:$0x3], $0x80, s14, s0, $0x2000b8;
	[tilespmem:$0x1F400] =	vst v63  }
0x102: {  	_ =	swait.ge [sflag:s10], $0x4000  }
0x103: {  	[sflag:s10] =	ssyncset.done $0x0  }
0x104: {  	s14 =	smov.u32 s16;
	[sflag:s10] =	ssyncadd.s32 $0xFFFFC000  }
0x105: {  	s13 =	sshra.s32 s13, $0x2;
	_ =	strace $0x90000050  }
0x106: {  	[tilespmem:s2], [sflag:$0x1] =	stream.indirect.gather [hbm4b:s4+s0], $0x80, s13, s0, $0xb8;
	[tilespmem:$0x1F400] =	vst v63  }
0x107: {  	s14 =	sadd.s32 $0x80, s13  }
0x108: {  	[tilespmem:s9], [sflag:$0x2] =	stream.indirect.gather [hbm4b:s4+s0], $0x80, s14, s0, $0xb8;
	[tilespmem:$0x1F400] =	vst v63  }
0x109: {  	_ =	strace $0x8000004F  }
0x10a: {  	_ =	swait.ge [sflag:s29], $0x4000  }
0x10b: {  	[sflag:s29] =	ssyncset.done $0x0  }
0x10c: {  	[sflag:s29] =	ssyncadd.s32 $0xFFFFC000  }
0x10d: {  	_ =	swait.ge [sflag:s31], $0x4000  }
0x10e: {  	[sflag:s31] =	ssyncset.done $0x0  }
0x10f: {  	[sflag:s31] =	ssyncadd.s32 $0xFFFFC000  }
0x110: {  	_ =	strace $0x9000004F  }
0x111: {  	s16 =	sadd.s32 $0x1000, s13;
	_ =	strace $0x80000050  }
0x112: {  	[spmem:s1] =	stream.indirect.scatter.add.f32 [tilespmem:s2], [sflag:$0x3], $0x80, s16, s0, $0x2000b8;
	[tilespmem:$0x1F400] =	vst v63  }
0x113: {  	_ =	swait.ge [sflag:s10], $0x4000  }
0x114: {  	s12 =	sadd.s32 $0x1, s12;
	[sflag:s10] =	ssyncset.done $0x0  }
0x115: {  	s13 =	sadd.s32 $0x1080, s13;
	p1 =	seq.s32 s12, $0x5;
	[sflag:s10] =	ssyncadd.s32 $0xFFFFC000  }
0x116: {  	[spmem:s1] =	stream.indirect.scatter.add.f32 [tilespmem:s9], [sflag:$0x3], $0x80, s13, s0, $0x2000b8;
	[tilespmem:$0x1F400] =	vst v63  }
.Ltmp8:
0x117: {  	_ = 	snop;
	(pc) =	sbr.rel @!p1 .LBB2_4-.Ltmp8, $4  }
.Ltmp9:
0x118: {  	_ =	swait.ge [sflag:s10], $0x4000;
	(pc) =	sbr.rel @p1 .LBB2_10-.Ltmp9, $4  }
0x119: {  	[sflag:s10] =	ssyncset.done $0x0  }
0x11a: {  	[sflag:s10] =	ssyncadd.s32 $0xFFFFC000  }
0x11b: {  	_ =	strace $0x90000050  }
0x11c: {  	_ = 	snop  }
.LBB2_11:
0x11d: {  	_ =	sfence.sel $0x180000  }
0x11e: {  	[bflag:$0x0] =	sbarrier.arrive $0xFFFF  }
0x11f: {  	_ =	strace $0x9000004E  }
0x120: {  	s0 =	stileid.u32;
	[bflag:$0x2] =	sbarrier.arrive $0xFFFF  }
0x121: {  	p0 =	sne.s32 s0, $0x0;
	s0 =	rddreg [dreg:$0x2]  }
0x122: {  	s0 =	sadd.s32 @!p0 $0x100000, s0  }
0x123: {  	[sflag:s0] =	ssyncadd.tile.s32 @!p0 $0x1;
	_ =	shalt  }
.Lfunc_end2:
_tile_overlayer_lowered:
.L_overlay_start_2:
0x124: {  	(tag) =	ssettag $0x2  }
0x125: {  	s0 =	rddreg [dreg:$0x0];
	s2 =	stileid.u32  }
0x126: {  	s1 =	rddreg [dreg:$0x1];
	p0 =	sne.s32 s2, $0x0  }
0x127: {  	s3 =	rddreg [dreg:$0x2];
	[bflag:$0x3] =	sbarrier.arrive $0xFFFF;
	s2 =	simm.s32 @!p0 $0x1C03  }
0x128: {  	[timem:s3], [sflag:s2] =	dma.local @!p0 [hbm:s0], s1  }
0x129: {  	s0 =	simm.s32 @!p0 $0x3  }
0x12a: {  	_ =	swait.ge @!p0 [sflag:s0], s1  }
0x12b: {  	s1 =	ssub.s32 @!p0 $0x0, s1;
	[sflag:s0] =	ssyncset.done @!p0 $0x0  }
0x12c: {  	[sflag:s0] =	ssyncadd.s32 @!p0 s1  }
0x12d: {  	[bflag:$0x3] =	sbarrier.arrive $0xFFFF  }
0x12e: {  	_ =	shalt  }

// kernel: kernel.15.cloned.1.call-start
scs
__scs_entry_jumppad:
0x0: {  	(pc) =	sbr.rel $0x88, $3  }
0x1: {  	(tag) =	ssettag $0x0;
	lr =	simm.s32 $0x1  }
0x2: {  	[smem:$0x3F90] =	sst lr;
	_ =	strace $0xD0000000  }
0x3: {  	_ = 	snop  }
0x4: {  	_ = 	snop  }
0x5: {  	_ = 	snop  }
0x6: {  	_ = 	snop  }
0x7: {  	_ = 	snop  }
__scs_overlays_trampoline_lowered:
0x8: {  	[smem:$0x3F9F] =	sst s0  }
0x9: {  	[smem:$0x3FA0] =	sst s1  }
0xa: {  	[smem:$0x3FA1] =	sst s2  }
0xb: {  	[smem:$0x3FA2] =	sst s3  }
0xc: {  	[smem:$0x3FA3] =	sst s4  }
0xd: {  	[smem:$0x3FA4] =	sst s5  }
0xe: {  	[smem:$0x3FA5] =	sst s6  }
0xf: {  	[smem:$0x3FA6] =	sst s7  }
0x10: {  	[smem:$0x3FA7] =	sst s8  }
0x11: {  	[smem:$0x3FA8] =	sst s9;
	s0 =	simm.s32 @!p0 $0x0  }
0x12: {  	s1 =	sld [smem:$0x3F8E];
	s0 =	simm.s32 @p0 $0x1  }
0x13: {  	[smem:$0x3FA9] =	sst s0;
	s0 =	simm.s32 @!p1 $0x0  }
0x14: {  	s2 =	sld [smem:$0x3F8D];
	s0 =	simm.s32 @p1 $0x1  }
0x15: {  	[smem:$0x3FAA] =	sst s0;
	s0 =	simm.s32 @!p2 $0x0  }
0x16: {  	s3 =	sld [smem:$0x3FDB];
	s0 =	simm.s32 @p2 $0x1  }
0x17: {  	s4 =	simm.s32 $0x1BF5;
	[smem:$0x3FAC] =	sst s0  }
0x18: {  	s0 =	sld [smem:$0x3F8F];
	_ =	swait.ge [sflag:s4], $0x0  }
0x19: {  	s7 =	sld [smem:$0x3F90]  }
0x1a: {  	s8 =	sadd.s32 $0xFFFFE003, lr  }
0x1b: {  	s9 =	sadd.s32 $0xFFFFFEF7, lr;
	s5 =	simm.s32 $0xFFFFFFFF;
	p2 =	slt.u32 s8, $0xFFFFF086  }
0x1c: {  	p1 =	slt.u32 s9, $0xF7A;
	s5 =	simm.s32 @!p2 $0x0  }
0x1d: {  	s5 =	simm.s32 @p1 $0x1;
	p0 =	seq.s32 s7, s2  }
0x1e: {  	s7 =	smul.u32 @!p0 $0xF7A, s2;
	p2 =	seq.s32 @!p0 s5, $0x0  }
0x1f: {  	s9 =	smul.u32 $0xF7A, s1;
	s8 =	simm.s32 @!p0 $0x1BF5;
	p2 =	por !p2, p0  }
0x20: {  	[sflag:s8] =	ssyncset.s32 @!p0 $0xFFFFF086;
	s6 =	sadd.s32 @!p0 s3, s7;
	s7 =	simm.s32 @!p0 $0x108  }
0x21: {  	s3 =	sadd.s32 s3, s9;
	s6 =	sadd.s32 @!p0 $0x88, s6;
	s7 =	simm.s32 @p2 $0x1082  }
0x22: {  	[simem:s7], [sflag:s8] =	dma.local @!p0 [hbm:s6], $0xF7A  }
0x23: {  	s9 =	sor.u32 $0xD0000000, s2;
	s6 =	simm.s32 $0x108;
	_ =	swait.ge @!p0 [sflag:s8], $0x0  }
0x24: {  	s3 =	sadd.s32 $0x88, s3;
	s6 =	simm.s32 @!p1 $0x1082;
	[sflag:s4] =	ssyncset.s32 $0xFFFFF086  }
0x25: {  	[simem:s6], [sflag:s4] =	dma.local [hbm:s3], $0xF7A  }
0x26: {  	[smem:$0x3F90] =	sst s1;
	(tag) =	ssettag s2;
	_ =	strace s9  }
0x27: {  	s1 =	sld [smem:$0x3FA0]  }
0x28: {  	s2 =	sld [smem:$0x3FA1]  }
0x29: {  	s4 =	sld [smem:$0x3FA3]  }
0x2a: {  	p0 =	seq.s32 s5, $0x0;
	s5 =	sld [smem:$0x3FA4]  }
0x2b: {  	s6 =	sld [smem:$0x3FA5]  }
0x2c: {  	s7 =	sld [smem:$0x3FA6]  }
0x2d: {  	s3 =	simm.s32 $0x108;
	s8 =	sld [smem:$0x3FA7]  }
0x2e: {  	s3 =	simm.s32 @!p0 $0x1082;
	s9 =	sld [smem:$0x3FA8]  }
0x2f: {  	lr =	sadd.s32 s0, s3;
	s0 =	sld [smem:$0x3F9F]  }
0x30: {  	s3 =	sld [smem:$0x3FA2]  }
0x31: {  	[smem:$0x3FAB] =	sst s10  }
0x32: {  	s10 =	sld [smem:$0x3FA9];
	_ =	sdelay $0x3  }
0x33: {  	p0 =	seq.s32 s10, $0x1;
	s10 =	sld [smem:$0x3FAB];
	_ =	sdelay $0x3  }
0x34: {  	[smem:$0x3FAB] =	sst s10  }
0x35: {  	s10 =	sld [smem:$0x3FAA];
	_ =	sdelay $0x3  }
0x36: {  	p1 =	seq.s32 s10, $0x1;
	s10 =	sld [smem:$0x3FAB];
	_ =	sdelay $0x3  }
0x37: {  	[smem:$0x3FAB] =	sst s10  }
0x38: {  	s10 =	sld [smem:$0x3FAC]  }
0x39: {  	_ = 	snop;
	(pc) =	sbr.ind lr, $3  }
0x3a: {  	_ = 	snop  }
0x3b: {  	_ = 	snop  }
0x3c: {  	p2 =	seq.s32 s10, $0x1;
	s10 =	sld [smem:$0x3FAB]  }
0x3d: {  	_ =	shalt  }
0x3e: {  	_ =	shalt  }
0x3f: {  	_ =	shalt  }
0x40: {  	_ =	shalt  }
0x41: {  	_ =	shalt  }
0x42: {  	_ =	shalt  }
0x43: {  	_ =	shalt  }
0x44: {  	_ =	shalt  }
0x45: {  	_ =	shalt  }
0x46: {  	_ =	shalt  }
0x47: {  	_ =	shalt  }
0x48: {  	_ =	shalt  }
0x49: {  	_ =	shalt  }
0x4a: {  	_ =	shalt  }
0x4b: {  	_ =	shalt  }
0x4c: {  	_ =	shalt  }
0x4d: {  	_ =	shalt  }
0x4e: {  	_ =	shalt  }
0x4f: {  	_ =	shalt  }
0x50: {  	_ =	shalt  }
0x51: {  	_ =	shalt  }
0x52: {  	_ =	shalt  }
0x53: {  	_ =	shalt  }
0x54: {  	_ =	shalt  }
0x55: {  	_ =	shalt  }
0x56: {  	_ =	shalt  }
0x57: {  	_ =	shalt  }
0x58: {  	_ =	shalt  }
0x59: {  	_ =	shalt  }
0x5a: {  	_ =	shalt  }
0x5b: {  	_ =	shalt  }
0x5c: {  	_ =	shalt  }
0x5d: {  	_ =	shalt  }
0x5e: {  	_ =	shalt  }
0x5f: {  	_ =	shalt  }
0x60: {  	_ =	shalt  }
0x61: {  	_ =	shalt  }
0x62: {  	_ =	shalt  }
0x63: {  	_ =	shalt  }
0x64: {  	_ =	shalt  }
0x65: {  	_ =	shalt  }
0x66: {  	_ =	shalt  }
0x67: {  	_ =	shalt  }
0x68: {  	_ =	shalt  }
0x69: {  	_ =	shalt  }
0x6a: {  	_ =	shalt  }
0x6b: {  	_ =	shalt  }
0x6c: {  	_ =	shalt  }
0x6d: {  	_ =	shalt  }
0x6e: {  	_ =	shalt  }
0x6f: {  	_ =	shalt  }
0x70: {  	_ =	shalt  }
0x71: {  	_ =	shalt  }
0x72: {  	_ =	shalt  }
0x73: {  	_ =	shalt  }
0x74: {  	_ =	shalt  }
0x75: {  	_ =	shalt  }
0x76: {  	_ =	shalt  }
0x77: {  	_ =	shalt  }
0x78: {  	_ =	shalt  }
0x79: {  	_ =	shalt  }
0x7a: {  	_ =	shalt  }
0x7b: {  	_ =	shalt  }
0x7c: {  	_ =	shalt  }
0x7d: {  	_ =	shalt  }
0x7e: {  	_ =	shalt  }
0x7f: {  	_ =	shalt  }
0x80: {  	_ =	shalt  }
0x81: {  	_ =	shalt  }
0x82: {  	_ =	shalt  }
0x83: {  	_ =	shalt  }
0x84: {  	_ =	shalt  }
0x85: {  	_ =	shalt  }
0x86: {  	_ =	shalt  }
0x87: {  	_ =	shalt  }
.Lfunc_end0:
.L_simem_size_0:
called_computation.2_lowered:
.L_overlay_start_0:
0x88: {  	s2 =	sld [smem:$0x3FD9]  }
0x89: {  	s3 =	sld [smem:$0x3FFE];
	_ =	sdelay $0x1  }
0x8a: {  	s1 =	srdreg.scid  }
0x8b: {  	s0 =	sand.u32 $0x1, s1  }
0x8c: {  	s16 =	sshll.u32 s0, $0xA;
	s2 =	sadd.s32 s3, s2  }
0x8d: {  	s2 =	sadd.s32 s2, s16  }
0x8e: {  	[smem:$0x3FB7] =	sst s2  }
0x8f: {  	_ = 	snop  }
0x90: {  	(tm) =	ssettm $0x1  }
0x91: {  	s17 =	sld [smem:$0x3FFB];
	_ =	sdelay $0x3  }
0x92: {  	_ =	strace s17  }
0x93: {  	s2 =	sld [smem:$0x3FFC];
	_ =	sdelay $0x3  }
0x94: {  	_ =	strace s2  }
0x95: {  	s2 =	sld [smem:$0x3FFD];
	_ =	sdelay $0x3  }
0x96: {  	_ =	strace s2  }
0x97: {  	_ =	strace $0x8FFFFFFF  }
0x98: {  	s18 =	sld [smem:$0x3FDB];
	_ =	sdelay $0x1  }
0x99: {  	s19 =	simm.s32 $_scs_section_size  }
0x9a: {  	s4 =	simm.s32 $_size__tile_overlayer_lowered;
	s5 =	simm.s32 $_tile_overlayer_lowered  }
0x9b: {  	s22 =	simm.s32 $0x1BFF;
	s21 =	sshll.u32 s5, $0x1;
	s2 =	sadd.s32 s19, s18  }
0x9c: {  	s6 =	simm.s32 $0x0;
	s20 =	sshll.u32 s4, $0x1;
	s4 =	sadd.s32 s21, s2  }
0x9d: {  	[timem:s6], [sflag:s22] =	dma.local [hbm:s4], s20  }
0x9e: {  	_ =	swait.ge [sflag:s22], s20  }
0x9f: {  	s3 =	ssub.s32 $0x0, s20;
	[sflag:s22] =	ssyncset.done $0x0  }
0xa0: {  	[sflag:s22] =	ssyncadd.s32 s3;
	_ =	sdelay $0x1  }
0xa1: {  	s23 =	simm.s32 $0x1B8B  }
0xa2: {  	_ =	swait.ge [sflag:s23], $0x1  }
0xa3: {  	[sflag:s23] =	ssyncset.done $0x0  }
0xa4: {  	s25 =	simm.s32 $0x1B8E;
	s24 =	sld [smem:$0x3FFE];
	[sflag:s23] =	ssyncadd.s32 $0xFFFFFFFF  }
0xa5: {  	s26 =	simm.s32 $execute0_lowered;
	[smem:$0x3FD2] =	sst s25  }
0xa6: {  	s4 =	sshll.u32 s26, $0x1;
	_ =	strace $0x80000054;
	[dreg:$0x1] =	wrdreg $0xFFFFFFFF  }
0xa7: {  	s28 =	simm.s32 $_size_execute0_lowered;
	s2 =	sadd.s32 s2, s4;
	[dreg:$0x0] =	wrdreg $0x0  }
0xa8: {  	s4 =	sshll.u32 s28, $0x1;
	[dreg:$0x2] =	wrdreg s2  }
0xa9: {  	[dreg:$0x3] =	wrdreg s4  }
0xaa: {  	[dreg:$0x4] =	wrdreg $0xC0  }
0xab: {  	_ =	task [dreg:s6], $0x5FFFF  }
0xac: {  	[dreg:$0x1] =	wrdreg $0xFFFFFFFF  }
0xad: {  	[dreg:$0x0] =	wrdreg $0x60  }
0xae: {  	[dreg:$0x2] =	wrdreg s24  }
0xaf: {  	[dreg:$0x3] =	wrdreg $0xB4000  }
0xb0: {  	[dreg:$0x4] =	wrdreg $0x9  }
0xb1: {  	_ =	task.clear_ibuf [dreg:s6], $0x5FFFF;
	_ =	strace $0x90000054  }
0xb2: {  	s29 =	simm.s32 $0x9;
	_ =	strace $0x8000005A  }
0xb3: {  	_ =	swait.ge [sflag:s29], $0x1  }
0xb4: {  	[sflag:s29] =	ssyncadd.s32 $0xFFFFFFFF  }
0xb5: {  	_ =	strace $0x9000005A  }
0xb6: {  	_ =	sfence  }
0xb7: {  	s30 =	sld [smem:$0x0];
	_ =	sdelay $0x2  }
0xb8: {  	s31 =	sshll.u32 s1, $0xD;
	s1 =	sshrl.u32 s1, $0x2  }
0xb9: {  	s3 =	sand.u32 $0x4000, s31;
	s1 =	sadd.s32 s1, s30  }
0xba: {  	s0 =	sor.u32 s3, s0;
	s1 =	sshll.u32 s1, $0x11  }
0xbb: {  	s0 =	sor.u32 s1, s0  }
0xbc: {  	s0 =	sadd.s32 $0x8F2B, s0  }
0xbd: {  	[sflag:s0] =	ssyncadd.remote.s32 $0x1  }
0xbe: {  	_ =	sfence.sel $0xFFFF  }
0xbf: {  	[dreg:$0x0] =	wrdreg $0xFFFFFFFF;
	(pc) =	sbr.abs _section_cstart, $3  }
0xc0: {  	[dreg:$0x1] =	wrdreg $0xFFFFFFFF  }
0xc1: {  	_ =	task.clear_ibuf [dreg:s6], $0x2FFFF;
	_ =	strace $0x9FFFFFFF  }
0xc2: {  	(tm) =	ssettm $0x7FFFFFFF  }
0xc3: {  	_ =	shalt  }
tec
execute0_lowered:
.L_overlay_start_1:
0x0: {  	(tag) =	ssettag $0x1  }
0x1: {  	s0 =	rddreg [dreg:$0x0]  }
0x2: {  	s1 =	rddreg [dreg:$0x1]  }
0x3: {  	s3 =	simm.s32 $0x0;
	s2 =	srdreg.scid;
	s12 =	stileid.u32  }
0x4: {  	s28 =	simm.s32 $0xA000;
	s2 =	sand.u32 $0x1, s2;
	s9 =	smul.u32 $0x14000, s12  }
0x5: {  	s29 =	simm.s32 $0x1;
	s30 =	simm.s32 $0x1000;
	s8 =	smul.u32 $0x140000, s2  }
0x6: {  	s31 =	simm.s32 $0x2;
	[smem:$0x7FF] =	sst s3;
	s10 =	smul.u32 $0x50000, s12  }
0x7: {  	s4 =	sadd.s32 $0x68400, s0;
	s5 =	sadd.s32 $0x90400, s0;
	s8 =	sadd.s32 s9, s8  }
0x8: {  	s6 =	sadd.s32 $0x54400, s0;
	s10 =	sshrl.u32 s10, $0x2;
	s8 =	sshrl.u32 s8, $0x3  }
0x9: {  	s7 =	sadd.s32 $0x5E400, s0;
	s0 =	sadd.s32 s8, s0;
	s8 =	sadd.s32 s10, s1  }
0xa: {  	_ =	strace $0x80000055;
	s19 =	ssub.s32 $0x2, s2;
	s10 =	sadd.s32 $0x1400, s8  }
0xb: {  	p0 =	seq.s32 s2, $0x1;
	s20 =	sadd.s32 $0x2800, s8;
	[dreg:$0x3] =	wrdreg s10  }
0xc: {  	s2 =	simm.s32 $0x2000;
	s21 =	sadd.s32 $0x3C00, s8;
	[dreg:$0x4] =	wrdreg s20  }
0xd: {  	s11 =	sshrl.u32 s19, $0x1;
	s22 =	sadd.s32 $0x5000, s8;
	[dreg:$0x5] =	wrdreg s21  }
0xe: {  	s9 =	ssub.s32 s19, s11;
	s23 =	sadd.s32 $0x6400, s8;
	[dreg:$0x6] =	wrdreg s22  }
0xf: {  	s24 =	sadd.s32 $0x7800, s8;
	s25 =	sadd.s32 $0x8C00, s8;
	[dreg:$0x7] =	wrdreg s23  }
0x10: {  	s26 =	sadd.s32 $0xA000, s8;
	s17 =	sadd.s32 $0xB400, s8;
	[dreg:$0x8] =	wrdreg s24  }
.Ltmp0:
0x11: {  	s18 =	sadd.s32 $0xC800, s8;
	[dreg:$0x9] =	wrdreg s25;
	(pc) =	sbr.rel .LBB2_1-.Ltmp0, $4  }
0x12: {  	s19 =	sadd.s32 $0xDC00, s8;
	[dreg:$0xa] =	wrdreg s26;
	s20 =	sadd.s32 $0xF000, s8  }
0x13: {  	s21 =	sadd.s32 $0x10400, s8;
	s22 =	sadd.s32 $0x11800, s8;
	s23 =	sadd.s32 $0x12C00, s8  }
0x14: {  	s24 =	sadd.s32 $0xB8400, s0;
	s25 =	smax.u32 s9, $0x1;
	s26 =	smul.u32 $0x5000, s12  }
0x15: {  	v0 =	vimm.f32 $0.0e+00;
	s0 =	simm.s32 $0x80;
	s9 =	simm.s32 $0x6000;
	s10 =	simm.s32 $0x3  }
.LBB2_10:
0x16: {  	s11 =	stileid.u32;
	s3 =	sadd.s32 $0x1, s3  }
0x17: {  	[bflag:$0x0] =	sbarrier.arrive $0xFFFF;
	s11 =	sshll.u32 s11, $0x6;
	p1 =	sne.s32 s3, s25  }
.Ltmp1:
0x18: {  	s12 =	sshrl.u32 s8, $0x3;
	s11 =	sor.u32 $0x1C03, s11;
	(pc) =	sbr.rel @!p1 .LBB2_11-.Ltmp1, $4  }
0x19: {  	[hbm:s24], [sflag:s11] =	dma.local [spmem:s12], $0x2800  }
0x1a: {  	_ =	swait.ge [sflag:s10], $0x2800  }
0x1b: {  	[sflag:s10] =	ssyncset.done $0x0  }
0x1c: {  	[sflag:s10] =	ssyncadd.s32 $0xFFFFD800  }
.LBB2_1:
0x1d: {  	s11 =	simm.s32 $0x70;
	s12 =	simm.s32 $0x3C0  }
.LBB2_2:
0x1e: {  	p1 =	sne.s32 s12, $0x4FC0;
	[tilespmem:s11+$0xA000] =	vst v0  }
0x1f: {  	[tilespmem:s11+$0x9F90] =	vst v0  }
0x20: {  	[tilespmem:s11+$0x9FA0] =	vst v0  }
.Ltmp2:
0x21: {  	[tilespmem:s11+$0x9FB0] =	vst v0;
	(pc) =	sbr.rel @p1 .LBB2_2-.Ltmp2, $4  }
0x22: {  	[tilespmem:s11+$0x9FC0] =	vst v0  }
0x23: {  	[tilespmem:s11+$0x9FD0] =	vst v0  }
0x24: {  	[tilespmem:s11+$0x9FE0] =	vst v0  }
0x25: {  	[tilespmem:s11+$0x9FF0] =	vst v0;
	s11 =	sshra.s32 s12, $0x2;
	s12 =	sadd.s32 $0x200, s12  }
0x26: {  	[tilespmem:s11+$0xA000] =	vst v0  }
0x27: {  	[tilespmem:s11+$0x9F90] =	vst v0  }
0x28: {  	[tilespmem:s11+$0x9FA0] =	vst v0  }
0x29: {  	[tilespmem:s11+$0x9FB0] =	vst v0  }
0x2a: {  	[tilespmem:s11+$0x9FC0] =	vst v0  }
0x2b: {  	[tilespmem:s11+$0x9FD0] =	vst v0  }
0x2c: {  	[tilespmem:s11+$0x9FE0] =	vst v0  }
0x2d: {  	[tilespmem:s11+$0x9FF0] =	vst v0  }
0x2e: {  	[spmem:s8] =	stream.linear.scatter [tilespmem:s28], [sflag:$0x1], $0x1400, $0x38;
	[tilespmem:$0x1F400] =	vst v63  }
0x2f: {  	s14 =	rddreg [dreg:$0x3]  }
0x30: {  	[spmem:s14] =	stream.linear.scatter [tilespmem:s28], [sflag:$0x1], $0x1400, $0x38;
	[tilespmem:$0x1F400] =	vst v63  }
0x31: {  	s15 =	rddreg [dreg:$0x4]  }
0x32: {  	[spmem:s15] =	stream.linear.scatter [tilespmem:s28], [sflag:$0x1], $0x1400, $0x38;
	[tilespmem:$0x1F400] =	vst v63  }
0x33: {  	s16 =	rddreg [dreg:$0x5]  }
0x34: {  	[spmem:s16] =	stream.linear.scatter [tilespmem:s28], [sflag:$0x1], $0x1400, $0x38;
	[tilespmem:$0x1F400] =	vst v63  }
0x35: {  	s12 =	rddreg [dreg:$0x6]  }
0x36: {  	[spmem:s12] =	stream.linear.scatter [tilespmem:s28], [sflag:$0x1], $0x1400, $0x38;
	[tilespmem:$0x1F400] =	vst v63  }
0x37: {  	s13 =	rddreg [dreg:$0x7]  }
0x38: {  	[spmem:s13] =	stream.linear.scatter [tilespmem:s28], [sflag:$0x1], $0x1400, $0x38;
	[tilespmem:$0x1F400] =	vst v63  }
0x39: {  	s14 =	rddreg [dreg:$0x8]  }
0x3a: {  	[spmem:s14] =	stream.linear.scatter [tilespmem:s28], [sflag:$0x1], $0x1400, $0x38;
	[tilespmem:$0x1F400] =	vst v63  }
0x3b: {  	s15 =	rddreg [dreg:$0x9]  }
0x3c: {  	[spmem:s15] =	stream.linear.scatter [tilespmem:s28], [sflag:$0x1], $0x1400, $0x38;
	[tilespmem:$0x1F400] =	vst v63  }
0x3d: {  	s16 =	rddreg [dreg:$0xa]  }
0x3e: {  	[spmem:s16] =	stream.linear.scatter [tilespmem:s28], [sflag:$0x1], $0x1400, $0x38;
	[tilespmem:$0x1F400] =	vst v63  }
0x3f: {  	_ = 	snop  }
0x40: {  	[spmem:s17] =	stream.linear.scatter [tilespmem:s28], [sflag:$0x1], $0x1400, $0x38;
	[tilespmem:$0x1F400] =	vst v63  }
0x41: {  	_ = 	snop  }
0x42: {  	[spmem:s18] =	stream.linear.scatter [tilespmem:s28], [sflag:$0x1], $0x1400, $0x38;
	[tilespmem:$0x1F400] =	vst v63  }
0x43: {  	_ = 	snop  }
0x44: {  	[spmem:s19] =	stream.linear.scatter [tilespmem:s28], [sflag:$0x1], $0x1400, $0x38;
	[tilespmem:$0x1F400] =	vst v63  }
0x45: {  	_ = 	snop  }
0x46: {  	[spmem:s20] =	stream.linear.scatter [tilespmem:s28], [sflag:$0x1], $0x1400, $0x38;
	[tilespmem:$0x1F400] =	vst v63  }
0x47: {  	_ = 	snop  }
0x48: {  	[spmem:s21] =	stream.linear.scatter [tilespmem:s28], [sflag:$0x1], $0x1400, $0x38;
	[tilespmem:$0x1F400] =	vst v63  }
0x49: {  	_ = 	snop  }
0x4a: {  	[spmem:s22] =	stream.linear.scatter [tilespmem:s28], [sflag:$0x1], $0x1400, $0x38;
	[tilespmem:$0x1F400] =	vst v63  }
0x4b: {  	_ = 	snop  }
0x4c: {  	[spmem:s23] =	stream.linear.scatter [tilespmem:s28], [sflag:$0x1], $0x1400, $0x38;
	[tilespmem:$0x1F400] =	vst v63  }
0x4d: {  	_ =	swait.ge [sflag:s29], $0x1400  }
0x4e: {  	[sflag:s29] =	ssyncset.done $0x0  }
0x4f: {  	[sflag:s29] =	ssyncadd.s32 $0xFFFFEC00  }
0x50: {  	_ =	swait.ge [sflag:s29], $0x1400  }
0x51: {  	[sflag:s29] =	ssyncset.done $0x0  }
0x52: {  	[sflag:s29] =	ssyncadd.s32 $0xFFFFEC00  }
0x53: {  	_ =	swait.ge [sflag:s29], $0x1400  }
0x54: {  	[sflag:s29] =	ssyncset.done $0x0  }
0x55: {  	[sflag:s29] =	ssyncadd.s32 $0xFFFFEC00  }
0x56: {  	_ =	swait.ge [sflag:s29], $0x1400  }
0x57: {  	[sflag:s29] =	ssyncset.done $0x0  }
0x58: {  	[sflag:s29] =	ssyncadd.s32 $0xFFFFEC00  }
0x59: {  	_ =	swait.ge [sflag:s29], $0x1400  }
0x5a: {  	[sflag:s29] =	ssyncset.done $0x0  }
0x5b: {  	[sflag:s29] =	ssyncadd.s32 $0xFFFFEC00  }
0x5c: {  	_ =	swait.ge [sflag:s29], $0x1400  }
0x5d: {  	[sflag:s29] =	ssyncset.done $0x0  }
0x5e: {  	[sflag:s29] =	ssyncadd.s32 $0xFFFFEC00  }
0x5f: {  	_ =	swait.ge [sflag:s29], $0x1400  }
0x60: {  	[sflag:s29] =	ssyncset.done $0x0  }
0x61: {  	[sflag:s29] =	ssyncadd.s32 $0xFFFFEC00  }
0x62: {  	_ =	swait.ge [sflag:s29], $0x1400  }
0x63: {  	[sflag:s29] =	ssyncset.done $0x0  }
0x64: {  	[sflag:s29] =	ssyncadd.s32 $0xFFFFEC00  }
0x65: {  	_ =	swait.ge [sflag:s29], $0x1400  }
0x66: {  	[sflag:s29] =	ssyncset.done $0x0  }
0x67: {  	[sflag:s29] =	ssyncadd.s32 $0xFFFFEC00  }
0x68: {  	_ =	swait.ge [sflag:s29], $0x1400  }
0x69: {  	[sflag:s29] =	ssyncset.done $0x0  }
0x6a: {  	[sflag:s29] =	ssyncadd.s32 $0xFFFFEC00  }
0x6b: {  	_ =	swait.ge [sflag:s29], $0x1400  }
0x6c: {  	[sflag:s29] =	ssyncset.done $0x0  }
0x6d: {  	[sflag:s29] =	ssyncadd.s32 $0xFFFFEC00  }
0x6e: {  	_ =	swait.ge [sflag:s29], $0x1400  }
0x6f: {  	[sflag:s29] =	ssyncset.done $0x0  }
0x70: {  	[sflag:s29] =	ssyncadd.s32 $0xFFFFEC00  }
0x71: {  	_ =	swait.ge [sflag:s29], $0x1400  }
0x72: {  	[sflag:s29] =	ssyncset.done $0x0  }
0x73: {  	[sflag:s29] =	ssyncadd.s32 $0xFFFFEC00  }
0x74: {  	_ =	swait.ge [sflag:s29], $0x1400  }
0x75: {  	[sflag:s29] =	ssyncset.done $0x0  }
0x76: {  	[sflag:s29] =	ssyncadd.s32 $0xFFFFEC00  }
0x77: {  	_ =	swait.ge [sflag:s29], $0x1400  }
0x78: {  	[sflag:s29] =	ssyncset.done $0x0  }
0x79: {  	[sflag:s29] =	ssyncadd.s32 $0xFFFFEC00  }
.Ltmp3:
0x7a: {  	_ =	swait.ge [sflag:s29], $0x1400;
	(pc) =	sbr.rel @!p0 .LBB2_4-.Ltmp3, $4  }
0x7b: {  	[sflag:s29] =	ssyncset.done $0x0  }
0x7c: {  	[sflag:s29] =	ssyncadd.s32 $0xFFFFEC00  }
0x7d: {  	[bflag:$0x0] =	sbarrier.arrive $0xFFFF  }
0x7e: {  	s11 =	simm.s32 $0x0;
	s12 =	simm.s32 $0x0;
	s13 =	simm.s32 $0x0  }
.LBB2_7:
0x7f: {  	s12 =	sshll.u32 s13, $0xC  }
0x80: {  	s12 =	sadd.s32 s26, s12  }
0x81: {  	s12 =	sshrl.u32 s12, $0x3  }
0x82: {  	s14 =	sadd.s32 s6, s12  }
0x83: {  	[tilespmem:s11], [sflag:$0x1] =	stream.linear.gather [hbm4b:s14+s11], $0x1000, $0x38;
	[tilespmem:$0x1F400] =	vst v63  }
0x84: {  	s12 =	sadd.s32 s7, s12  }
0x85: {  	[tilespmem:s30], [sflag:$0x2] =	stream.linear.gather [hbm4b:s12+s11], $0x1000, $0x38;
	[tilespmem:$0x1F400] =	vst v63  }
0x86: {  	_ =	swait.ge [sflag:s29], $0x1000  }
0x87: {  	[sflag:s29] =	ssyncset.done $0x0  }
0x88: {  	[sflag:s29] =	ssyncadd.s32 $0xFFFFF000  }
0x89: {  	_ =	swait.ge [sflag:s31], $0x1000  }
0x8a: {  	[sflag:s31] =	ssyncset.done $0x0  }
0x8b: {  	s16 =	simm.s32 $0x0;
	[sflag:s31] =	ssyncadd.s32 $0xFFFFF000  }
0x8c: {  	[tilespmem:s2], [sflag:$0x1] =	stream.indirect.gather [hbm4b:s5+s0], $0x80, s16, s0, $0xb8;
	[tilespmem:$0x1F400] =	vst v63  }
0x8d: {  	s14 =	simm.s32 $0x80  }
0x8e: {  	[tilespmem:s9], [sflag:$0x2] =	stream.indirect.gather [hbm4b:s5+s0], $0x80, s14, s0, $0xb8;
	[tilespmem:$0x1F400] =	vst v63  }
0x8f: {  	_ =	strace $0x80000058  }
0x90: {  	_ =	swait.ge [sflag:s29], $0x4000  }
0x91: {  	[sflag:s29] =	ssyncset.done $0x0  }
0x92: {  	[sflag:s29] =	ssyncadd.s32 $0xFFFFC000  }
0x93: {  	_ =	swait.ge [sflag:s31], $0x4000  }
0x94: {  	[sflag:s31] =	ssyncset.done $0x0  }
0x95: {  	[sflag:s31] =	ssyncadd.s32 $0xFFFFC000  }
0x96: {  	_ =	strace $0x90000058  }
0x97: {  	s15 =	simm.s32 $0x1000;
	_ =	strace $0x80000059  }
0x98: {  	[spmem:s1] =	stream.indirect.scatter.add.f32 [tilespmem:s2], [sflag:$0x3], $0x80, s15, s0, $0x2000b8;
	[tilespmem:$0x1F400] =	vst v63  }
0x99: {  	_ =	swait.ge [sflag:s10], $0x4000  }
0x9a: {  	[sflag:s10] =	ssyncset.done $0x0  }
0x9b: {  	s16 =	simm.s32 $0x1080;
	[sflag:s10] =	ssyncadd.s32 $0xFFFFC000  }
0x9c: {  	[spmem:s1] =	stream.indirect.scatter.add.f32 [tilespmem:s9], [sflag:$0x3], $0x80, s16, s0, $0x2000b8;
	[tilespmem:$0x1F400] =	vst v63  }
0x9d: {  	_ =	swait.ge [sflag:s10], $0x4000  }
0x9e: {  	[sflag:s10] =	ssyncset.done $0x0  }
0x9f: {  	s12 =	simm.s32 $0x400;
	s14 =	simm.s32 $0x800;
	[sflag:s10] =	ssyncadd.s32 $0xFFFFC000  }
.LBB2_8:
0xa0: {  	s15 =	sshra.s32 s12, $0x2  }
0xa1: {  	_ =	strace $0x90000059;
	s12 =	smov.u32 s14;
	s16 =	sadd.s32 $0x400, s14  }
0xa2: {  	[tilespmem:s2], [sflag:$0x1] =	stream.indirect.gather [hbm4b:s5+s0], $0x80, s15, s0, $0xb8;
	[tilespmem:$0x1F400] =	vst v63  }
0xa3: {  	p1 =	sne.s32 s14, $0x3C00;
	s14 =	sadd.s32 $0x80, s15  }
0xa4: {  	[tilespmem:s9], [sflag:$0x2] =	stream.indirect.gather [hbm4b:s5+s0], $0x80, s14, s0, $0xb8;
	[tilespmem:$0x1F400] =	vst v63  }
0xa5: {  	_ =	strace $0x80000058  }
0xa6: {  	_ =	swait.ge [sflag:s29], $0x4000  }
0xa7: {  	[sflag:s29] =	ssyncset.done $0x0  }
0xa8: {  	[sflag:s29] =	ssyncadd.s32 $0xFFFFC000  }
0xa9: {  	_ =	swait.ge [sflag:s31], $0x4000  }
0xaa: {  	[sflag:s31] =	ssyncset.done $0x0  }
0xab: {  	[sflag:s31] =	ssyncadd.s32 $0xFFFFC000  }
0xac: {  	_ =	strace $0x90000058  }
0xad: {  	s14 =	sadd.s32 $0x1000, s15;
	_ =	strace $0x80000059  }
0xae: {  	[spmem:s1] =	stream.indirect.scatter.add.f32 [tilespmem:s2], [sflag:$0x3], $0x80, s14, s0, $0x2000b8;
	[tilespmem:$0x1F400] =	vst v63  }
0xaf: {  	_ =	swait.ge [sflag:s10], $0x4000  }
0xb0: {  	[sflag:s10] =	ssyncset.done $0x0  }
.Ltmp4:
0xb1: {  	s14 =	sadd.s32 $0x1080, s15;
	[sflag:s10] =	ssyncadd.s32 $0xFFFFC000;
	(pc) =	sbr.rel @p1 .LBB2_8-.Ltmp4, $4  }
0xb2: {  	[spmem:s1] =	stream.indirect.scatter.add.f32 [tilespmem:s9], [sflag:$0x3], $0x80, s14, s0, $0x2000b8;
	[tilespmem:$0x1F400] =	vst v63  }
0xb3: {  	_ =	swait.ge [sflag:s10], $0x4000  }
0xb4: {  	[sflag:s10] =	ssyncset.done $0x0  }
0xb5: {  	s14 =	smov.u32 s16;
	[sflag:s10] =	ssyncadd.s32 $0xFFFFC000  }
0xb6: {  	s12 =	sshra.s32 s12, $0x2;
	_ =	strace $0x90000059  }
0xb7: {  	[tilespmem:s2], [sflag:$0x1] =	stream.indirect.gather [hbm4b:s5+s0], $0x80, s12, s0, $0xb8;
	[tilespmem:$0x1F400] =	vst v63  }
0xb8: {  	s14 =	sadd.s32 $0x80, s12  }
0xb9: {  	[tilespmem:s9], [sflag:$0x2] =	stream.indirect.gather [hbm4b:s5+s0], $0x80, s14, s0, $0xb8;
	[tilespmem:$0x1F400] =	vst v63  }
0xba: {  	_ =	strace $0x80000058  }
0xbb: {  	_ =	swait.ge [sflag:s29], $0x4000  }
0xbc: {  	[sflag:s29] =	ssyncset.done $0x0  }
0xbd: {  	[sflag:s29] =	ssyncadd.s32 $0xFFFFC000  }
0xbe: {  	_ =	swait.ge [sflag:s31], $0x4000  }
0xbf: {  	[sflag:s31] =	ssyncset.done $0x0  }
0xc0: {  	[sflag:s31] =	ssyncadd.s32 $0xFFFFC000  }
0xc1: {  	_ =	strace $0x90000058  }
0xc2: {  	s16 =	sadd.s32 $0x1000, s12;
	_ =	strace $0x80000059  }
0xc3: {  	[spmem:s1] =	stream.indirect.scatter.add.f32 [tilespmem:s2], [sflag:$0x3], $0x80, s16, s0, $0x2000b8;
	[tilespmem:$0x1F400] =	vst v63  }
0xc4: {  	_ =	swait.ge [sflag:s10], $0x4000  }
0xc5: {  	s13 =	sadd.s32 $0x1, s13;
	[sflag:s10] =	ssyncset.done $0x0  }
0xc6: {  	s12 =	sadd.s32 $0x1080, s12;
	p1 =	sne.s32 s13, $0x5;
	[sflag:s10] =	ssyncadd.s32 $0xFFFFC000  }
0xc7: {  	[spmem:s1] =	stream.indirect.scatter.add.f32 [tilespmem:s9], [sflag:$0x3], $0x80, s12, s0, $0x2000b8;
	[tilespmem:$0x1F400] =	vst v63  }
.Ltmp5:
0xc8: {  	_ = 	snop;
	(pc) =	sbr.rel @p1 .LBB2_7-.Ltmp5, $4  }
.Ltmp6:
0xc9: {  	_ =	swait.ge [sflag:s10], $0x4000;
	(pc) =	sbr.rel @!p1 .LBB2_10-.Ltmp6, $4  }
0xca: {  	[sflag:s10] =	ssyncset.done $0x0  }
0xcb: {  	[sflag:s10] =	ssyncadd.s32 $0xFFFFC000  }
0xcc: {  	_ =	strace $0x90000059  }
0xcd: {  	_ = 	snop  }
.LBB2_4:
0xce: {  	s13 =	sshll.u32 s12, $0xC  }
0xcf: {  	s13 =	sadd.s32 s26, s13  }
0xd0: {  	s13 =	sshrl.u32 s13, $0x3  }
0xd1: {  	s14 =	sadd.s32 s6, s13  }
0xd2: {  	[tilespmem:s11], [sflag:$0x1] =	stream.linear.gather [hbm4b:s14+s11], $0x1000, $0x38;
	[tilespmem:$0x1F400] =	vst v63  }
0xd3: {  	s13 =	sadd.s32 s7, s13  }
0xd4: {  	[tilespmem:s30], [sflag:$0x2] =	stream.linear.gather [hbm4b:s13+s11], $0x1000, $0x38;
	[tilespmem:$0x1F400] =	vst v63  }
0xd5: {  	_ =	swait.ge [sflag:s29], $0x1000  }
0xd6: {  	[sflag:s29] =	ssyncset.done $0x0  }
0xd7: {  	[sflag:s29] =	ssyncadd.s32 $0xFFFFF000  }
0xd8: {  	_ =	swait.ge [sflag:s31], $0x1000  }
0xd9: {  	[sflag:s31] =	ssyncset.done $0x0  }
0xda: {  	s16 =	simm.s32 $0x0;
	[sflag:s31] =	ssyncadd.s32 $0xFFFFF000  }
0xdb: {  	[tilespmem:s2], [sflag:$0x1] =	stream.indirect.gather [hbm4b:s4+s0], $0x80, s16, s0, $0xb8;
	[tilespmem:$0x1F400] =	vst v63  }
0xdc: {  	s14 =	simm.s32 $0x80  }
0xdd: {  	[tilespmem:s9], [sflag:$0x2] =	stream.indirect.gather [hbm4b:s4+s0], $0x80, s14, s0, $0xb8;
	[tilespmem:$0x1F400] =	vst v63  }
0xde: {  	_ =	strace $0x80000056  }
0xdf: {  	_ =	swait.ge [sflag:s29], $0x4000  }
0xe0: {  	[sflag:s29] =	ssyncset.done $0x0  }
0xe1: {  	[sflag:s29] =	ssyncadd.s32 $0xFFFFC000  }
0xe2: {  	_ =	swait.ge [sflag:s31], $0x4000  }
0xe3: {  	[sflag:s31] =	ssyncset.done $0x0  }
0xe4: {  	[sflag:s31] =	ssyncadd.s32 $0xFFFFC000  }
0xe5: {  	_ =	strace $0x90000056  }
0xe6: {  	s15 =	simm.s32 $0x1000;
	_ =	strace $0x80000057  }
0xe7: {  	[spmem:s1] =	stream.indirect.scatter.add.f32 [tilespmem:s2], [sflag:$0x3], $0x80, s15, s0, $0x2000b8;
	[tilespmem:$0x1F400] =	vst v63  }
0xe8: {  	_ =	swait.ge [sflag:s10], $0x4000  }
0xe9: {  	[sflag:s10] =	ssyncset.done $0x0  }
0xea: {  	s16 =	simm.s32 $0x1080;
	[sflag:s10] =	ssyncadd.s32 $0xFFFFC000  }
0xeb: {  	[spmem:s1] =	stream.indirect.scatter.add.f32 [tilespmem:s9], [sflag:$0x3], $0x80, s16, s0, $0x2000b8;
	[tilespmem:$0x1F400] =	vst v63  }
0xec: {  	_ =	swait.ge [sflag:s10], $0x4000  }
0xed: {  	[sflag:s10] =	ssyncset.done $0x0  }
0xee: {  	s13 =	simm.s32 $0x400;
	s14 =	simm.s32 $0x800;
	[sflag:s10] =	ssyncadd.s32 $0xFFFFC000  }
.LBB2_5:
0xef: {  	s15 =	sshra.s32 s13, $0x2  }
0xf0: {  	_ =	strace $0x90000057;
	s13 =	smov.u32 s14;
	s16 =	sadd.s32 $0x400, s14  }
0xf1: {  	[tilespmem:s2], [sflag:$0x1] =	stream.indirect.gather [hbm4b:s4+s0], $0x80, s15, s0, $0xb8;
	[tilespmem:$0x1F400] =	vst v63  }
0xf2: {  	p1 =	sne.s32 s14, $0x3C00;
	s14 =	sadd.s32 $0x80, s15  }
0xf3: {  	[tilespmem:s9], [sflag:$0x2] =	stream.indirect.gather [hbm4b:s4+s0], $0x80, s14, s0, $0xb8;
	[tilespmem:$0x1F400] =	vst v63  }
0xf4: {  	_ =	strace $0x80000056  }
0xf5: {  	_ =	swait.ge [sflag:s29], $0x4000  }
0xf6: {  	[sflag:s29] =	ssyncset.done $0x0  }
0xf7: {  	[sflag:s29] =	ssyncadd.s32 $0xFFFFC000  }
0xf8: {  	_ =	swait.ge [sflag:s31], $0x4000  }
0xf9: {  	[sflag:s31] =	ssyncset.done $0x0  }
0xfa: {  	[sflag:s31] =	ssyncadd.s32 $0xFFFFC000  }
0xfb: {  	_ =	strace $0x90000056  }
0xfc: {  	s14 =	sadd.s32 $0x1000, s15;
	_ =	strace $0x80000057  }
0xfd: {  	[spmem:s1] =	stream.indirect.scatter.add.f32 [tilespmem:s2], [sflag:$0x3], $0x80, s14, s0, $0x2000b8;
	[tilespmem:$0x1F400] =	vst v63  }
0xfe: {  	_ =	swait.ge [sflag:s10], $0x4000  }
0xff: {  	[sflag:s10] =	ssyncset.done $0x0  }
.Ltmp7:
0x100: {  	s14 =	sadd.s32 $0x1080, s15;
	[sflag:s10] =	ssyncadd.s32 $0xFFFFC000;
	(pc) =	sbr.rel @p1 .LBB2_5-.Ltmp7, $4  }
0x101: {  	[spmem:s1] =	stream.indirect.scatter.add.f32 [tilespmem:s9], [sflag:$0x3], $0x80, s14, s0, $0x2000b8;
	[tilespmem:$0x1F400] =	vst v63  }
0x102: {  	_ =	swait.ge [sflag:s10], $0x4000  }
0x103: {  	[sflag:s10] =	ssyncset.done $0x0  }
0x104: {  	s14 =	smov.u32 s16;
	[sflag:s10] =	ssyncadd.s32 $0xFFFFC000  }
0x105: {  	s13 =	sshra.s32 s13, $0x2;
	_ =	strace $0x90000057  }
0x106: {  	[tilespmem:s2], [sflag:$0x1] =	stream.indirect.gather [hbm4b:s4+s0], $0x80, s13, s0, $0xb8;
	[tilespmem:$0x1F400] =	vst v63  }
0x107: {  	s14 =	sadd.s32 $0x80, s13  }
0x108: {  	[tilespmem:s9], [sflag:$0x2] =	stream.indirect.gather [hbm4b:s4+s0], $0x80, s14, s0, $0xb8;
	[tilespmem:$0x1F400] =	vst v63  }
0x109: {  	_ =	strace $0x80000056  }
0x10a: {  	_ =	swait.ge [sflag:s29], $0x4000  }
0x10b: {  	[sflag:s29] =	ssyncset.done $0x0  }
0x10c: {  	[sflag:s29] =	ssyncadd.s32 $0xFFFFC000  }
0x10d: {  	_ =	swait.ge [sflag:s31], $0x4000  }
0x10e: {  	[sflag:s31] =	ssyncset.done $0x0  }
0x10f: {  	[sflag:s31] =	ssyncadd.s32 $0xFFFFC000  }
0x110: {  	_ =	strace $0x90000056  }
0x111: {  	s16 =	sadd.s32 $0x1000, s13;
	_ =	strace $0x80000057  }
0x112: {  	[spmem:s1] =	stream.indirect.scatter.add.f32 [tilespmem:s2], [sflag:$0x3], $0x80, s16, s0, $0x2000b8;
	[tilespmem:$0x1F400] =	vst v63  }
0x113: {  	_ =	swait.ge [sflag:s10], $0x4000  }
0x114: {  	s12 =	sadd.s32 $0x1, s12;
	[sflag:s10] =	ssyncset.done $0x0  }
0x115: {  	s13 =	sadd.s32 $0x1080, s13;
	p1 =	seq.s32 s12, $0x5;
	[sflag:s10] =	ssyncadd.s32 $0xFFFFC000  }
0x116: {  	[spmem:s1] =	stream.indirect.scatter.add.f32 [tilespmem:s9], [sflag:$0x3], $0x80, s13, s0, $0x2000b8;
	[tilespmem:$0x1F400] =	vst v63  }
.Ltmp8:
0x117: {  	_ = 	snop;
	(pc) =	sbr.rel @!p1 .LBB2_4-.Ltmp8, $4  }
.Ltmp9:
0x118: {  	_ =	swait.ge [sflag:s10], $0x4000;
	(pc) =	sbr.rel @p1 .LBB2_10-.Ltmp9, $4  }
0x119: {  	[sflag:s10] =	ssyncset.done $0x0  }
0x11a: {  	[sflag:s10] =	ssyncadd.s32 $0xFFFFC000  }
0x11b: {  	_ =	strace $0x90000057  }
0x11c: {  	_ = 	snop  }
.LBB2_11:
0x11d: {  	_ =	sfence.sel $0x180000  }
0x11e: {  	[bflag:$0x0] =	sbarrier.arrive $0xFFFF  }
0x11f: {  	_ =	strace $0x90000055  }
0x120: {  	s0 =	stileid.u32;
	[bflag:$0x2] =	sbarrier.arrive $0xFFFF  }
0x121: {  	p0 =	sne.s32 s0, $0x0;
	s0 =	rddreg [dreg:$0x2]  }
0x122: {  	s0 =	sadd.s32 @!p0 $0x100000, s0  }
0x123: {  	[sflag:s0] =	ssyncadd.tile.s32 @!p0 $0x1;
	_ =	shalt  }
.Lfunc_end2:
_tile_overlayer_lowered:
.L_overlay_start_2:
0x124: {  	(tag) =	ssettag $0x2  }
0x125: {  	s0 =	rddreg [dreg:$0x0];
	s2 =	stileid.u32  }
0x126: {  	s1 =	rddreg [dreg:$0x1];
	p0 =	sne.s32 s2, $0x0  }
0x127: {  	s3 =	rddreg [dreg:$0x2];
	[bflag:$0x3] =	sbarrier.arrive $0xFFFF;
	s2 =	simm.s32 @!p0 $0x1C03  }
0x128: {  	[timem:s3], [sflag:s2] =	dma.local @!p0 [hbm:s0], s1  }
0x129: {  	s0 =	simm.s32 @!p0 $0x3  }
0x12a: {  	_ =	swait.ge @!p0 [sflag:s0], s1  }
0x12b: {  	s1 =	ssub.s32 @!p0 $0x0, s1;
	[sflag:s0] =	ssyncset.done @!p0 $0x0  }
0x12c: {  	[sflag:s0] =	ssyncadd.s32 @!p0 s1  }
0x12d: {  	[bflag:$0x3] =	sbarrier.arrive $0xFFFF  }
0x12e: {  	_ =	shalt  }

// kernel: kernel.9.cloned.1.call-start
scs
__scs_entry_jumppad:
0x0: {  	(pc) =	sbr.rel $0x88, $3  }
0x1: {  	(tag) =	ssettag $0x0;
	lr =	simm.s32 $0x1  }
0x2: {  	[smem:$0x3F90] =	sst lr;
	_ =	strace $0xD0000000  }
0x3: {  	_ = 	snop  }
0x4: {  	_ = 	snop  }
0x5: {  	_ = 	snop  }
0x6: {  	_ = 	snop  }
0x7: {  	_ = 	snop  }
__scs_overlays_trampoline_lowered:
0x8: {  	[smem:$0x3F9F] =	sst s0  }
0x9: {  	[smem:$0x3FA0] =	sst s1  }
0xa: {  	[smem:$0x3FA1] =	sst s2  }
0xb: {  	[smem:$0x3FA2] =	sst s3  }
0xc: {  	[smem:$0x3FA3] =	sst s4  }
0xd: {  	[smem:$0x3FA4] =	sst s5  }
0xe: {  	[smem:$0x3FA5] =	sst s6  }
0xf: {  	[smem:$0x3FA6] =	sst s7  }
0x10: {  	[smem:$0x3FA7] =	sst s8  }
0x11: {  	[smem:$0x3FA8] =	sst s9;
	s0 =	simm.s32 @!p0 $0x0  }
0x12: {  	s1 =	sld [smem:$0x3F8E];
	s0 =	simm.s32 @p0 $0x1  }
0x13: {  	[smem:$0x3FA9] =	sst s0;
	s0 =	simm.s32 @!p1 $0x0  }
0x14: {  	s2 =	sld [smem:$0x3F8D];
	s0 =	simm.s32 @p1 $0x1  }
0x15: {  	[smem:$0x3FAA] =	sst s0;
	s0 =	simm.s32 @!p2 $0x0  }
0x16: {  	s3 =	sld [smem:$0x3FDB];
	s0 =	simm.s32 @p2 $0x1  }
0x17: {  	s4 =	simm.s32 $0x1BF5;
	[smem:$0x3FAC] =	sst s0  }
0x18: {  	s0 =	sld [smem:$0x3F8F];
	_ =	swait.ge [sflag:s4], $0x0  }
0x19: {  	s7 =	sld [smem:$0x3F90]  }
0x1a: {  	s8 =	sadd.s32 $0xFFFFE003, lr  }
0x1b: {  	s9 =	sadd.s32 $0xFFFFFEF7, lr;
	s5 =	simm.s32 $0xFFFFFFFF;
	p2 =	slt.u32 s8, $0xFFFFF086  }
0x1c: {  	p1 =	slt.u32 s9, $0xF7A;
	s5 =	simm.s32 @!p2 $0x0  }
0x1d: {  	s5 =	simm.s32 @p1 $0x1;
	p0 =	seq.s32 s7, s2  }
0x1e: {  	s7 =	smul.u32 @!p0 $0xF7A, s2;
	p2 =	seq.s32 @!p0 s5, $0x0  }
0x1f: {  	s9 =	smul.u32 $0xF7A, s1;
	s8 =	simm.s32 @!p0 $0x1BF5;
	p2 =	por !p2, p0  }
0x20: {  	[sflag:s8] =	ssyncset.s32 @!p0 $0xFFFFF086;
	s6 =	sadd.s32 @!p0 s3, s7;
	s7 =	simm.s32 @!p0 $0x108  }
0x21: {  	s3 =	sadd.s32 s3, s9;
	s6 =	sadd.s32 @!p0 $0x88, s6;
	s7 =	simm.s32 @p2 $0x1082  }
0x22: {  	[simem:s7], [sflag:s8] =	dma.local @!p0 [hbm:s6], $0xF7A  }
0x23: {  	s9 =	sor.u32 $0xD0000000, s2;
	s6 =	simm.s32 $0x108;
	_ =	swait.ge @!p0 [sflag:s8], $0x0  }
0x24: {  	s3 =	sadd.s32 $0x88, s3;
	s6 =	simm.s32 @!p1 $0x1082;
	[sflag:s4] =	ssyncset.s32 $0xFFFFF086  }
0x25: {  	[simem:s6], [sflag:s4] =	dma.local [hbm:s3], $0xF7A  }
0x26: {  	[smem:$0x3F90] =	sst s1;
	(tag) =	ssettag s2;
	_ =	strace s9  }
0x27: {  	s1 =	sld [smem:$0x3FA0]  }
0x28: {  	s2 =	sld [smem:$0x3FA1]  }
0x29: {  	s4 =	sld [smem:$0x3FA3]  }
0x2a: {  	p0 =	seq.s32 s5, $0x0;
	s5 =	sld [smem:$0x3FA4]  }
0x2b: {  	s6 =	sld [smem:$0x3FA5]  }
0x2c: {  	s7 =	sld [smem:$0x3FA6]  }
0x2d: {  	s3 =	simm.s32 $0x108;
	s8 =	sld [smem:$0x3FA7]  }
0x2e: {  	s3 =	simm.s32 @!p0 $0x1082;
	s9 =	sld [smem:$0x3FA8]  }
0x2f: {  	lr =	sadd.s32 s0, s3;
	s0 =	sld [smem:$0x3F9F]  }
0x30: {  	s3 =	sld [smem:$0x3FA2]  }
0x31: {  	[smem:$0x3FAB] =	sst s10  }
0x32: {  	s10 =	sld [smem:$0x3FA9];
	_ =	sdelay $0x3  }
0x33: {  	p0 =	seq.s32 s10, $0x1;
	s10 =	sld [smem:$0x3FAB];
	_ =	sdelay $0x3  }
0x34: {  	[smem:$0x3FAB] =	sst s10  }
0x35: {  	s10 =	sld [smem:$0x3FAA];
	_ =	sdelay $0x3  }
0x36: {  	p1 =	seq.s32 s10, $0x1;
	s10 =	sld [smem:$0x3FAB];
	_ =	sdelay $0x3  }
0x37: {  	[smem:$0x3FAB] =	sst s10  }
0x38: {  	s10 =	sld [smem:$0x3FAC]  }
0x39: {  	_ = 	snop;
	(pc) =	sbr.ind lr, $3  }
0x3a: {  	_ = 	snop  }
0x3b: {  	_ = 	snop  }
0x3c: {  	p2 =	seq.s32 s10, $0x1;
	s10 =	sld [smem:$0x3FAB]  }
0x3d: {  	_ =	shalt  }
0x3e: {  	_ =	shalt  }
0x3f: {  	_ =	shalt  }
0x40: {  	_ =	shalt  }
0x41: {  	_ =	shalt  }
0x42: {  	_ =	shalt  }
0x43: {  	_ =	shalt  }
0x44: {  	_ =	shalt  }
0x45: {  	_ =	shalt  }
0x46: {  	_ =	shalt  }
0x47: {  	_ =	shalt  }
0x48: {  	_ =	shalt  }
0x49: {  	_ =	shalt  }
0x4a: {  	_ =	shalt  }
0x4b: {  	_ =	shalt  }
0x4c: {  	_ =	shalt  }
0x4d: {  	_ =	shalt  }
0x4e: {  	_ =	shalt  }
0x4f: {  	_ =	shalt  }
0x50: {  	_ =	shalt  }
0x51: {  	_ =	shalt  }
0x52: {  	_ =	shalt  }
0x53: {  	_ =	shalt  }
0x54: {  	_ =	shalt  }
0x55: {  	_ =	shalt  }
0x56: {  	_ =	shalt  }
0x57: {  	_ =	shalt  }
0x58: {  	_ =	shalt  }
0x59: {  	_ =	shalt  }
0x5a: {  	_ =	shalt  }
0x5b: {  	_ =	shalt  }
0x5c: {  	_ =	shalt  }
0x5d: {  	_ =	shalt  }
0x5e: {  	_ =	shalt  }
0x5f: {  	_ =	shalt  }
0x60: {  	_ =	shalt  }
0x61: {  	_ =	shalt  }
0x62: {  	_ =	shalt  }
0x63: {  	_ =	shalt  }
0x64: {  	_ =	shalt  }
0x65: {  	_ =	shalt  }
0x66: {  	_ =	shalt  }
0x67: {  	_ =	shalt  }
0x68: {  	_ =	shalt  }
0x69: {  	_ =	shalt  }
0x6a: {  	_ =	shalt  }
0x6b: {  	_ =	shalt  }
0x6c: {  	_ =	shalt  }
0x6d: {  	_ =	shalt  }
0x6e: {  	_ =	shalt  }
0x6f: {  	_ =	shalt  }
0x70: {  	_ =	shalt  }
0x71: {  	_ =	shalt  }
0x72: {  	_ =	shalt  }
0x73: {  	_ =	shalt  }
0x74: {  	_ =	shalt  }
0x75: {  	_ =	shalt  }
0x76: {  	_ =	shalt  }
0x77: {  	_ =	shalt  }
0x78: {  	_ =	shalt  }
0x79: {  	_ =	shalt  }
0x7a: {  	_ =	shalt  }
0x7b: {  	_ =	shalt  }
0x7c: {  	_ =	shalt  }
0x7d: {  	_ =	shalt  }
0x7e: {  	_ =	shalt  }
0x7f: {  	_ =	shalt  }
0x80: {  	_ =	shalt  }
0x81: {  	_ =	shalt  }
0x82: {  	_ =	shalt  }
0x83: {  	_ =	shalt  }
0x84: {  	_ =	shalt  }
0x85: {  	_ =	shalt  }
0x86: {  	_ =	shalt  }
0x87: {  	_ =	shalt  }
.Lfunc_end0:
.L_simem_size_0:
called_computation_lowered:
.L_overlay_start_0:
0x88: {  	s2 =	sld [smem:$0x3FD9]  }
0x89: {  	s3 =	sld [smem:$0x3FFE];
	_ =	sdelay $0x1  }
0x8a: {  	s1 =	srdreg.scid  }
0x8b: {  	s0 =	sand.u32 $0x1, s1  }
0x8c: {  	s16 =	sshll.u32 s0, $0xA;
	s2 =	sadd.s32 s3, s2  }
0x8d: {  	s2 =	sadd.s32 s2, s16  }
0x8e: {  	[smem:$0x3FB7] =	sst s2  }
0x8f: {  	_ = 	snop  }
0x90: {  	(tm) =	ssettm $0x1  }
0x91: {  	s17 =	sld [smem:$0x3FFB];
	_ =	sdelay $0x3  }
0x92: {  	_ =	strace s17  }
0x93: {  	s2 =	sld [smem:$0x3FFC];
	_ =	sdelay $0x3  }
0x94: {  	_ =	strace s2  }
0x95: {  	s2 =	sld [smem:$0x3FFD];
	_ =	sdelay $0x3  }
0x96: {  	_ =	strace s2  }
0x97: {  	_ =	strace $0x8FFFFFFF  }
0x98: {  	s18 =	sld [smem:$0x3FDB];
	_ =	sdelay $0x1  }
0x99: {  	s19 =	simm.s32 $_scs_section_size  }
0x9a: {  	s4 =	simm.s32 $_size__tile_overlayer_lowered;
	s5 =	simm.s32 $_tile_overlayer_lowered  }
0x9b: {  	s22 =	simm.s32 $0x1BFF;
	s21 =	sshll.u32 s5, $0x1;
	s2 =	sadd.s32 s19, s18  }
0x9c: {  	s6 =	simm.s32 $0x0;
	s20 =	sshll.u32 s4, $0x1;
	s4 =	sadd.s32 s21, s2  }
0x9d: {  	[timem:s6], [sflag:s22] =	dma.local [hbm:s4], s20  }
0x9e: {  	_ =	swait.ge [sflag:s22], s20  }
0x9f: {  	s3 =	ssub.s32 $0x0, s20;
	[sflag:s22] =	ssyncset.done $0x0  }
0xa0: {  	[sflag:s22] =	ssyncadd.s32 s3;
	_ =	sdelay $0x1  }
0xa1: {  	s23 =	simm.s32 $0x1B8B  }
0xa2: {  	_ =	swait.ge [sflag:s23], $0x1  }
0xa3: {  	[sflag:s23] =	ssyncset.done $0x0  }
0xa4: {  	s25 =	simm.s32 $0x1B8E;
	s24 =	sld [smem:$0x3FFE];
	[sflag:s23] =	ssyncadd.s32 $0xFFFFFFFF  }
0xa5: {  	s26 =	simm.s32 $execute0_lowered;
	[smem:$0x3FD2] =	sst s25  }
0xa6: {  	s4 =	sshll.u32 s26, $0x1;
	_ =	strace $0x80000046;
	[dreg:$0x1] =	wrdreg $0xFFFFFFFF  }
0xa7: {  	s28 =	simm.s32 $_size_execute0_lowered;
	s2 =	sadd.s32 s2, s4;
	[dreg:$0x0] =	wrdreg $0x0  }
0xa8: {  	s4 =	sshll.u32 s28, $0x1;
	[dreg:$0x2] =	wrdreg s2  }
0xa9: {  	[dreg:$0x3] =	wrdreg s4  }
0xaa: {  	[dreg:$0x4] =	wrdreg $0xC0  }
0xab: {  	_ =	task [dreg:s6], $0x5FFFF  }
0xac: {  	[dreg:$0x1] =	wrdreg $0xFFFFFFFF  }
0xad: {  	[dreg:$0x0] =	wrdreg $0x60  }
0xae: {  	[dreg:$0x2] =	wrdreg s24  }
0xaf: {  	[dreg:$0x3] =	wrdreg $0xB4000  }
0xb0: {  	[dreg:$0x4] =	wrdreg $0x9  }
0xb1: {  	_ =	task.clear_ibuf [dreg:s6], $0x5FFFF;
	_ =	strace $0x90000046  }
0xb2: {  	s29 =	simm.s32 $0x9;
	_ =	strace $0x8000004C  }
0xb3: {  	_ =	swait.ge [sflag:s29], $0x1  }
0xb4: {  	[sflag:s29] =	ssyncadd.s32 $0xFFFFFFFF  }
0xb5: {  	_ =	strace $0x9000004C  }
0xb6: {  	_ =	sfence  }
0xb7: {  	s30 =	sld [smem:$0x0];
	_ =	sdelay $0x2  }
0xb8: {  	s31 =	sshll.u32 s1, $0xD;
	s1 =	sshrl.u32 s1, $0x2  }
0xb9: {  	s3 =	sand.u32 $0x4000, s31;
	s1 =	sadd.s32 s1, s30  }
0xba: {  	s0 =	sor.u32 s3, s0;
	s1 =	sshll.u32 s1, $0x11  }
0xbb: {  	s0 =	sor.u32 s1, s0  }
0xbc: {  	s0 =	sadd.s32 $0x8F2B, s0  }
0xbd: {  	[sflag:s0] =	ssyncadd.remote.s32 $0x1  }
0xbe: {  	_ =	sfence.sel $0xFFFF  }
0xbf: {  	[dreg:$0x0] =	wrdreg $0xFFFFFFFF;
	(pc) =	sbr.abs _section_cstart, $3  }
0xc0: {  	[dreg:$0x1] =	wrdreg $0xFFFFFFFF  }
0xc1: {  	_ =	task.clear_ibuf [dreg:s6], $0x2FFFF;
	_ =	strace $0x9FFFFFFF  }
0xc2: {  	(tm) =	ssettm $0x7FFFFFFF  }
0xc3: {  	_ =	shalt  }
tec
execute0_lowered:
.L_overlay_start_1:
0x0: {  	(tag) =	ssettag $0x1  }
0x1: {  	s0 =	rddreg [dreg:$0x0]  }
0x2: {  	s1 =	rddreg [dreg:$0x1]  }
0x3: {  	s3 =	simm.s32 $0x0;
	s2 =	srdreg.scid;
	s12 =	stileid.u32  }
0x4: {  	s28 =	simm.s32 $0xA000;
	s2 =	sand.u32 $0x1, s2;
	s9 =	smul.u32 $0x14000, s12  }
0x5: {  	s29 =	simm.s32 $0x1;
	s30 =	simm.s32 $0x1000;
	s8 =	smul.u32 $0x140000, s2  }
0x6: {  	s31 =	simm.s32 $0x2;
	[smem:$0x7FF] =	sst s3;
	s10 =	smul.u32 $0x50000, s12  }
0x7: {  	s4 =	sadd.s32 $0x68400, s0;
	s5 =	sadd.s32 $0x90400, s0;
	s8 =	sadd.s32 s9, s8  }
0x8: {  	s6 =	sadd.s32 $0x54400, s0;
	s10 =	sshrl.u32 s10, $0x2;
	s8 =	sshrl.u32 s8, $0x3  }
0x9: {  	s7 =	sadd.s32 $0x5E400, s0;
	s0 =	sadd.s32 s8, s0;
	s8 =	sadd.s32 s10, s1  }
0xa: {  	_ =	strace $0x80000047;
	s19 =	ssub.s32 $0x2, s2;
	s10 =	sadd.s32 $0x1400, s8  }
0xb: {  	p0 =	seq.s32 s2, $0x1;
	s20 =	sadd.s32 $0x2800, s8;
	[dreg:$0x3] =	wrdreg s10  }
0xc: {  	s2 =	simm.s32 $0x2000;
	s21 =	sadd.s32 $0x3C00, s8;
	[dreg:$0x4] =	wrdreg s20  }
0xd: {  	s11 =	sshrl.u32 s19, $0x1;
	s22 =	sadd.s32 $0x5000, s8;
	[dreg:$0x5] =	wrdreg s21  }
0xe: {  	s9 =	ssub.s32 s19, s11;
	s23 =	sadd.s32 $0x6400, s8;
	[dreg:$0x6] =	wrdreg s22  }
0xf: {  	s24 =	sadd.s32 $0x7800, s8;
	s25 =	sadd.s32 $0x8C00, s8;
	[dreg:$0x7] =	wrdreg s23  }
0x10: {  	s26 =	sadd.s32 $0xA000, s8;
	s17 =	sadd.s32 $0xB400, s8;
	[dreg:$0x8] =	wrdreg s24  }
.Ltmp0:
0x11: {  	s18 =	sadd.s32 $0xC800, s8;
	[dreg:$0x9] =	wrdreg s25;
	(pc) =	sbr.rel .LBB2_1-.Ltmp0, $4  }
0x12: {  	s19 =	sadd.s32 $0xDC00, s8;
	[dreg:$0xa] =	wrdreg s26;
	s20 =	sadd.s32 $0xF000, s8  }
0x13: {  	s21 =	sadd.s32 $0x10400, s8;
	s22 =	sadd.s32 $0x11800, s8;
	s23 =	sadd.s32 $0x12C00, s8  }
0x14: {  	s24 =	sadd.s32 $0xB8400, s0;
	s25 =	smax.u32 s9, $0x1;
	s26 =	smul.u32 $0x5000, s12  }
0x15: {  	v0 =	vimm.f32 $0.0e+00;
	s0 =	simm.s32 $0x80;
	s9 =	simm.s32 $0x6000;
	s10 =	simm.s32 $0x3  }
.LBB2_10:
0x16: {  	s11 =	stileid.u32;
	s3 =	sadd.s32 $0x1, s3  }
0x17: {  	[bflag:$0x0] =	sbarrier.arrive $0xFFFF;
	s11 =	sshll.u32 s11, $0x6;
	p1 =	sne.s32 s3, s25  }
.Ltmp1:
0x18: {  	s12 =	sshrl.u32 s8, $0x3;
	s11 =	sor.u32 $0x1C03, s11;
	(pc) =	sbr.rel @!p1 .LBB2_11-.Ltmp1, $4  }
0x19: {  	[hbm:s24], [sflag:s11] =	dma.local [spmem:s12], $0x2800  }
0x1a: {  	_ =	swait.ge [sflag:s10], $0x2800  }
0x1b: {  	[sflag:s10] =	ssyncset.done $0x0  }
0x1c: {  	[sflag:s10] =	ssyncadd.s32 $0xFFFFD800  }
.LBB2_1:
0x1d: {  	s11 =	simm.s32 $0x70;
	s12 =	simm.s32 $0x3C0  }
.LBB2_2:
0x1e: {  	p1 =	sne.s32 s12, $0x4FC0;
	[tilespmem:s11+$0xA000] =	vst v0  }
0x1f: {  	[tilespmem:s11+$0x9F90] =	vst v0  }
0x20: {  	[tilespmem:s11+$0x9FA0] =	vst v0  }
.Ltmp2:
0x21: {  	[tilespmem:s11+$0x9FB0] =	vst v0;
	(pc) =	sbr.rel @p1 .LBB2_2-.Ltmp2, $4  }
0x22: {  	[tilespmem:s11+$0x9FC0] =	vst v0  }
0x23: {  	[tilespmem:s11+$0x9FD0] =	vst v0  }
0x24: {  	[tilespmem:s11+$0x9FE0] =	vst v0  }
0x25: {  	[tilespmem:s11+$0x9FF0] =	vst v0;
	s11 =	sshra.s32 s12, $0x2;
	s12 =	sadd.s32 $0x200, s12  }
0x26: {  	[tilespmem:s11+$0xA000] =	vst v0  }
0x27: {  	[tilespmem:s11+$0x9F90] =	vst v0  }
0x28: {  	[tilespmem:s11+$0x9FA0] =	vst v0  }
0x29: {  	[tilespmem:s11+$0x9FB0] =	vst v0  }
0x2a: {  	[tilespmem:s11+$0x9FC0] =	vst v0  }
0x2b: {  	[tilespmem:s11+$0x9FD0] =	vst v0  }
0x2c: {  	[tilespmem:s11+$0x9FE0] =	vst v0  }
0x2d: {  	[tilespmem:s11+$0x9FF0] =	vst v0  }
0x2e: {  	[spmem:s8] =	stream.linear.scatter [tilespmem:s28], [sflag:$0x1], $0x1400, $0x38;
	[tilespmem:$0x1F400] =	vst v63  }
0x2f: {  	s14 =	rddreg [dreg:$0x3]  }
0x30: {  	[spmem:s14] =	stream.linear.scatter [tilespmem:s28], [sflag:$0x1], $0x1400, $0x38;
	[tilespmem:$0x1F400] =	vst v63  }
0x31: {  	s15 =	rddreg [dreg:$0x4]  }
0x32: {  	[spmem:s15] =	stream.linear.scatter [tilespmem:s28], [sflag:$0x1], $0x1400, $0x38;
	[tilespmem:$0x1F400] =	vst v63  }
0x33: {  	s16 =	rddreg [dreg:$0x5]  }
0x34: {  	[spmem:s16] =	stream.linear.scatter [tilespmem:s28], [sflag:$0x1], $0x1400, $0x38;
	[tilespmem:$0x1F400] =	vst v63  }
0x35: {  	s12 =	rddreg [dreg:$0x6]  }
0x36: {  	[spmem:s12] =	stream.linear.scatter [tilespmem:s28], [sflag:$0x1], $0x1400, $0x38;
	[tilespmem:$0x1F400] =	vst v63  }
0x37: {  	s13 =	rddreg [dreg:$0x7]  }
0x38: {  	[spmem:s13] =	stream.linear.scatter [tilespmem:s28], [sflag:$0x1], $0x1400, $0x38;
	[tilespmem:$0x1F400] =	vst v63  }
0x39: {  	s14 =	rddreg [dreg:$0x8]  }
0x3a: {  	[spmem:s14] =	stream.linear.scatter [tilespmem:s28], [sflag:$0x1], $0x1400, $0x38;
	[tilespmem:$0x1F400] =	vst v63  }
0x3b: {  	s15 =	rddreg [dreg:$0x9]  }
0x3c: {  	[spmem:s15] =	stream.linear.scatter [tilespmem:s28], [sflag:$0x1], $0x1400, $0x38;
	[tilespmem:$0x1F400] =	vst v63  }
0x3d: {  	s16 =	rddreg [dreg:$0xa]  }
0x3e: {  	[spmem:s16] =	stream.linear.scatter [tilespmem:s28], [sflag:$0x1], $0x1400, $0x38;
	[tilespmem:$0x1F400] =	vst v63  }
0x3f: {  	_ = 	snop  }
0x40: {  	[spmem:s17] =	stream.linear.scatter [tilespmem:s28], [sflag:$0x1], $0x1400, $0x38;
	[tilespmem:$0x1F400] =	vst v63  }
0x41: {  	_ = 	snop  }
0x42: {  	[spmem:s18] =	stream.linear.scatter [tilespmem:s28], [sflag:$0x1], $0x1400, $0x38;
	[tilespmem:$0x1F400] =	vst v63  }
0x43: {  	_ = 	snop  }
0x44: {  	[spmem:s19] =	stream.linear.scatter [tilespmem:s28], [sflag:$0x1], $0x1400, $0x38;
	[tilespmem:$0x1F400] =	vst v63  }
0x45: {  	_ = 	snop  }
0x46: {  	[spmem:s20] =	stream.linear.scatter [tilespmem:s28], [sflag:$0x1], $0x1400, $0x38;
	[tilespmem:$0x1F400] =	vst v63  }
0x47: {  	_ = 	snop  }
0x48: {  	[spmem:s21] =	stream.linear.scatter [tilespmem:s28], [sflag:$0x1], $0x1400, $0x38;
	[tilespmem:$0x1F400] =	vst v63  }
0x49: {  	_ = 	snop  }
0x4a: {  	[spmem:s22] =	stream.linear.scatter [tilespmem:s28], [sflag:$0x1], $0x1400, $0x38;
	[tilespmem:$0x1F400] =	vst v63  }
0x4b: {  	_ = 	snop  }
0x4c: {  	[spmem:s23] =	stream.linear.scatter [tilespmem:s28], [sflag:$0x1], $0x1400, $0x38;
	[tilespmem:$0x1F400] =	vst v63  }
0x4d: {  	_ =	swait.ge [sflag:s29], $0x1400  }
0x4e: {  	[sflag:s29] =	ssyncset.done $0x0  }
0x4f: {  	[sflag:s29] =	ssyncadd.s32 $0xFFFFEC00  }
0x50: {  	_ =	swait.ge [sflag:s29], $0x1400  }
0x51: {  	[sflag:s29] =	ssyncset.done $0x0  }
0x52: {  	[sflag:s29] =	ssyncadd.s32 $0xFFFFEC00  }
0x53: {  	_ =	swait.ge [sflag:s29], $0x1400  }
0x54: {  	[sflag:s29] =	ssyncset.done $0x0  }
0x55: {  	[sflag:s29] =	ssyncadd.s32 $0xFFFFEC00  }
0x56: {  	_ =	swait.ge [sflag:s29], $0x1400  }
0x57: {  	[sflag:s29] =	ssyncset.done $0x0  }
0x58: {  	[sflag:s29] =	ssyncadd.s32 $0xFFFFEC00  }
0x59: {  	_ =	swait.ge [sflag:s29], $0x1400  }
0x5a: {  	[sflag:s29] =	ssyncset.done $0x0  }
0x5b: {  	[sflag:s29] =	ssyncadd.s32 $0xFFFFEC00  }
0x5c: {  	_ =	swait.ge [sflag:s29], $0x1400  }
0x5d: {  	[sflag:s29] =	ssyncset.done $0x0  }
0x5e: {  	[sflag:s29] =	ssyncadd.s32 $0xFFFFEC00  }
0x5f: {  	_ =	swait.ge [sflag:s29], $0x1400  }
0x60: {  	[sflag:s29] =	ssyncset.done $0x0  }
0x61: {  	[sflag:s29] =	ssyncadd.s32 $0xFFFFEC00  }
0x62: {  	_ =	swait.ge [sflag:s29], $0x1400  }
0x63: {  	[sflag:s29] =	ssyncset.done $0x0  }
0x64: {  	[sflag:s29] =	ssyncadd.s32 $0xFFFFEC00  }
0x65: {  	_ =	swait.ge [sflag:s29], $0x1400  }
0x66: {  	[sflag:s29] =	ssyncset.done $0x0  }
0x67: {  	[sflag:s29] =	ssyncadd.s32 $0xFFFFEC00  }
0x68: {  	_ =	swait.ge [sflag:s29], $0x1400  }
0x69: {  	[sflag:s29] =	ssyncset.done $0x0  }
0x6a: {  	[sflag:s29] =	ssyncadd.s32 $0xFFFFEC00  }
0x6b: {  	_ =	swait.ge [sflag:s29], $0x1400  }
0x6c: {  	[sflag:s29] =	ssyncset.done $0x0  }
0x6d: {  	[sflag:s29] =	ssyncadd.s32 $0xFFFFEC00  }
0x6e: {  	_ =	swait.ge [sflag:s29], $0x1400  }
0x6f: {  	[sflag:s29] =	ssyncset.done $0x0  }
0x70: {  	[sflag:s29] =	ssyncadd.s32 $0xFFFFEC00  }
0x71: {  	_ =	swait.ge [sflag:s29], $0x1400  }
0x72: {  	[sflag:s29] =	ssyncset.done $0x0  }
0x73: {  	[sflag:s29] =	ssyncadd.s32 $0xFFFFEC00  }
0x74: {  	_ =	swait.ge [sflag:s29], $0x1400  }
0x75: {  	[sflag:s29] =	ssyncset.done $0x0  }
0x76: {  	[sflag:s29] =	ssyncadd.s32 $0xFFFFEC00  }
0x77: {  	_ =	swait.ge [sflag:s29], $0x1400  }
0x78: {  	[sflag:s29] =	ssyncset.done $0x0  }
0x79: {  	[sflag:s29] =	ssyncadd.s32 $0xFFFFEC00  }
.Ltmp3:
0x7a: {  	_ =	swait.ge [sflag:s29], $0x1400;
	(pc) =	sbr.rel @!p0 .LBB2_4-.Ltmp3, $4  }
0x7b: {  	[sflag:s29] =	ssyncset.done $0x0  }
0x7c: {  	[sflag:s29] =	ssyncadd.s32 $0xFFFFEC00  }
0x7d: {  	[bflag:$0x0] =	sbarrier.arrive $0xFFFF  }
0x7e: {  	s11 =	simm.s32 $0x0;
	s12 =	simm.s32 $0x0;
	s13 =	simm.s32 $0x0  }
.LBB2_7:
0x7f: {  	s12 =	sshll.u32 s13, $0xC  }
0x80: {  	s12 =	sadd.s32 s26, s12  }
0x81: {  	s12 =	sshrl.u32 s12, $0x3  }
0x82: {  	s14 =	sadd.s32 s6, s12  }
0x83: {  	[tilespmem:s11], [sflag:$0x1] =	stream.linear.gather [hbm4b:s14+s11], $0x1000, $0x38;
	[tilespmem:$0x1F400] =	vst v63  }
0x84: {  	s12 =	sadd.s32 s7, s12  }
0x85: {  	[tilespmem:s30], [sflag:$0x2] =	stream.linear.gather [hbm4b:s12+s11], $0x1000, $0x38;
	[tilespmem:$0x1F400] =	vst v63  }
0x86: {  	_ =	swait.ge [sflag:s29], $0x1000  }
0x87: {  	[sflag:s29] =	ssyncset.done $0x0  }
0x88: {  	[sflag:s29] =	ssyncadd.s32 $0xFFFFF000  }
0x89: {  	_ =	swait.ge [sflag:s31], $0x1000  }
0x8a: {  	[sflag:s31] =	ssyncset.done $0x0  }
0x8b: {  	s16 =	simm.s32 $0x0;
	[sflag:s31] =	ssyncadd.s32 $0xFFFFF000  }
0x8c: {  	[tilespmem:s2], [sflag:$0x1] =	stream.indirect.gather [hbm4b:s5+s0], $0x80, s16, s0, $0xb8;
	[tilespmem:$0x1F400] =	vst v63  }
0x8d: {  	s14 =	simm.s32 $0x80  }
0x8e: {  	[tilespmem:s9], [sflag:$0x2] =	stream.indirect.gather [hbm4b:s5+s0], $0x80, s14, s0, $0xb8;
	[tilespmem:$0x1F400] =	vst v63  }
0x8f: {  	_ =	strace $0x8000004A  }
0x90: {  	_ =	swait.ge [sflag:s29], $0x4000  }
0x91: {  	[sflag:s29] =	ssyncset.done $0x0  }
0x92: {  	[sflag:s29] =	ssyncadd.s32 $0xFFFFC000  }
0x93: {  	_ =	swait.ge [sflag:s31], $0x4000  }
0x94: {  	[sflag:s31] =	ssyncset.done $0x0  }
0x95: {  	[sflag:s31] =	ssyncadd.s32 $0xFFFFC000  }
0x96: {  	_ =	strace $0x9000004A  }
0x97: {  	s15 =	simm.s32 $0x1000;
	_ =	strace $0x8000004B  }
0x98: {  	[spmem:s1] =	stream.indirect.scatter.add.f32 [tilespmem:s2], [sflag:$0x3], $0x80, s15, s0, $0x2000b8;
	[tilespmem:$0x1F400] =	vst v63  }
0x99: {  	_ =	swait.ge [sflag:s10], $0x4000  }
0x9a: {  	[sflag:s10] =	ssyncset.done $0x0  }
0x9b: {  	s16 =	simm.s32 $0x1080;
	[sflag:s10] =	ssyncadd.s32 $0xFFFFC000  }
0x9c: {  	[spmem:s1] =	stream.indirect.scatter.add.f32 [tilespmem:s9], [sflag:$0x3], $0x80, s16, s0, $0x2000b8;
	[tilespmem:$0x1F400] =	vst v63  }
0x9d: {  	_ =	swait.ge [sflag:s10], $0x4000  }
0x9e: {  	[sflag:s10] =	ssyncset.done $0x0  }
0x9f: {  	s12 =	simm.s32 $0x400;
	s14 =	simm.s32 $0x800;
	[sflag:s10] =	ssyncadd.s32 $0xFFFFC000  }
.LBB2_8:
0xa0: {  	s15 =	sshra.s32 s12, $0x2  }
0xa1: {  	_ =	strace $0x9000004B;
	s12 =	smov.u32 s14;
	s16 =	sadd.s32 $0x400, s14  }
0xa2: {  	[tilespmem:s2], [sflag:$0x1] =	stream.indirect.gather [hbm4b:s5+s0], $0x80, s15, s0, $0xb8;
	[tilespmem:$0x1F400] =	vst v63  }
0xa3: {  	p1 =	sne.s32 s14, $0x3C00;
	s14 =	sadd.s32 $0x80, s15  }
0xa4: {  	[tilespmem:s9], [sflag:$0x2] =	stream.indirect.gather [hbm4b:s5+s0], $0x80, s14, s0, $0xb8;
	[tilespmem:$0x1F400] =	vst v63  }
0xa5: {  	_ =	strace $0x8000004A  }
0xa6: {  	_ =	swait.ge [sflag:s29], $0x4000  }
0xa7: {  	[sflag:s29] =	ssyncset.done $0x0  }
0xa8: {  	[sflag:s29] =	ssyncadd.s32 $0xFFFFC000  }
0xa9: {  	_ =	swait.ge [sflag:s31], $0x4000  }
0xaa: {  	[sflag:s31] =	ssyncset.done $0x0  }
0xab: {  	[sflag:s31] =	ssyncadd.s32 $0xFFFFC000  }
0xac: {  	_ =	strace $0x9000004A  }
0xad: {  	s14 =	sadd.s32 $0x1000, s15;
	_ =	strace $0x8000004B  }
0xae: {  	[spmem:s1] =	stream.indirect.scatter.add.f32 [tilespmem:s2], [sflag:$0x3], $0x80, s14, s0, $0x2000b8;
	[tilespmem:$0x1F400] =	vst v63  }
0xaf: {  	_ =	swait.ge [sflag:s10], $0x4000  }
0xb0: {  	[sflag:s10] =	ssyncset.done $0x0  }
.Ltmp4:
0xb1: {  	s14 =	sadd.s32 $0x1080, s15;
	[sflag:s10] =	ssyncadd.s32 $0xFFFFC000;
	(pc) =	sbr.rel @p1 .LBB2_8-.Ltmp4, $4  }
0xb2: {  	[spmem:s1] =	stream.indirect.scatter.add.f32 [tilespmem:s9], [sflag:$0x3], $0x80, s14, s0, $0x2000b8;
	[tilespmem:$0x1F400] =	vst v63  }
0xb3: {  	_ =	swait.ge [sflag:s10], $0x4000  }
0xb4: {  	[sflag:s10] =	ssyncset.done $0x0  }
0xb5: {  	s14 =	smov.u32 s16;
	[sflag:s10] =	ssyncadd.s32 $0xFFFFC000  }
0xb6: {  	s12 =	sshra.s32 s12, $0x2;
	_ =	strace $0x9000004B  }
0xb7: {  	[tilespmem:s2], [sflag:$0x1] =	stream.indirect.gather [hbm4b:s5+s0], $0x80, s12, s0, $0xb8;
	[tilespmem:$0x1F400] =	vst v63  }
0xb8: {  	s14 =	sadd.s32 $0x80, s12  }
0xb9: {  	[tilespmem:s9], [sflag:$0x2] =	stream.indirect.gather [hbm4b:s5+s0], $0x80, s14, s0, $0xb8;
	[tilespmem:$0x1F400] =	vst v63  }
0xba: {  	_ =	strace $0x8000004A  }
0xbb: {  	_ =	swait.ge [sflag:s29], $0x4000  }
0xbc: {  	[sflag:s29] =	ssyncset.done $0x0  }
0xbd: {  	[sflag:s29] =	ssyncadd.s32 $0xFFFFC000  }
0xbe: {  	_ =	swait.ge [sflag:s31], $0x4000  }
0xbf: {  	[sflag:s31] =	ssyncset.done $0x0  }
0xc0: {  	[sflag:s31] =	ssyncadd.s32 $0xFFFFC000  }
0xc1: {  	_ =	strace $0x9000004A  }
0xc2: {  	s16 =	sadd.s32 $0x1000, s12;
	_ =	strace $0x8000004B  }
0xc3: {  	[spmem:s1] =	stream.indirect.scatter.add.f32 [tilespmem:s2], [sflag:$0x3], $0x80, s16, s0, $0x2000b8;
	[tilespmem:$0x1F400] =	vst v63  }
0xc4: {  	_ =	swait.ge [sflag:s10], $0x4000  }
0xc5: {  	s13 =	sadd.s32 $0x1, s13;
	[sflag:s10] =	ssyncset.done $0x0  }
0xc6: {  	s12 =	sadd.s32 $0x1080, s12;
	p1 =	sne.s32 s13, $0x5;
	[sflag:s10] =	ssyncadd.s32 $0xFFFFC000  }
0xc7: {  	[spmem:s1] =	stream.indirect.scatter.add.f32 [tilespmem:s9], [sflag:$0x3], $0x80, s12, s0, $0x2000b8;
	[tilespmem:$0x1F400] =	vst v63  }
.Ltmp5:
0xc8: {  	_ = 	snop;
	(pc) =	sbr.rel @p1 .LBB2_7-.Ltmp5, $4  }
.Ltmp6:
0xc9: {  	_ =	swait.ge [sflag:s10], $0x4000;
	(pc) =	sbr.rel @!p1 .LBB2_10-.Ltmp6, $4  }
0xca: {  	[sflag:s10] =	ssyncset.done $0x0  }
0xcb: {  	[sflag:s10] =	ssyncadd.s32 $0xFFFFC000  }
0xcc: {  	_ =	strace $0x9000004B  }
0xcd: {  	_ = 	snop  }
.LBB2_4:
0xce: {  	s13 =	sshll.u32 s12, $0xC  }
0xcf: {  	s13 =	sadd.s32 s26, s13  }
0xd0: {  	s13 =	sshrl.u32 s13, $0x3  }
0xd1: {  	s14 =	sadd.s32 s6, s13  }
0xd2: {  	[tilespmem:s11], [sflag:$0x1] =	stream.linear.gather [hbm4b:s14+s11], $0x1000, $0x38;
	[tilespmem:$0x1F400] =	vst v63  }
0xd3: {  	s13 =	sadd.s32 s7, s13  }
0xd4: {  	[tilespmem:s30], [sflag:$0x2] =	stream.linear.gather [hbm4b:s13+s11], $0x1000, $0x38;
	[tilespmem:$0x1F400] =	vst v63  }
0xd5: {  	_ =	swait.ge [sflag:s29], $0x1000  }
0xd6: {  	[sflag:s29] =	ssyncset.done $0x0  }
0xd7: {  	[sflag:s29] =	ssyncadd.s32 $0xFFFFF000  }
0xd8: {  	_ =	swait.ge [sflag:s31], $0x1000  }
0xd9: {  	[sflag:s31] =	ssyncset.done $0x0  }
0xda: {  	s16 =	simm.s32 $0x0;
	[sflag:s31] =	ssyncadd.s32 $0xFFFFF000  }
0xdb: {  	[tilespmem:s2], [sflag:$0x1] =	stream.indirect.gather [hbm4b:s4+s0], $0x80, s16, s0, $0xb8;
	[tilespmem:$0x1F400] =	vst v63  }
0xdc: {  	s14 =	simm.s32 $0x80  }
0xdd: {  	[tilespmem:s9], [sflag:$0x2] =	stream.indirect.gather [hbm4b:s4+s0], $0x80, s14, s0, $0xb8;
	[tilespmem:$0x1F400] =	vst v63  }
0xde: {  	_ =	strace $0x80000048  }
0xdf: {  	_ =	swait.ge [sflag:s29], $0x4000  }
0xe0: {  	[sflag:s29] =	ssyncset.done $0x0  }
0xe1: {  	[sflag:s29] =	ssyncadd.s32 $0xFFFFC000  }
0xe2: {  	_ =	swait.ge [sflag:s31], $0x4000  }
0xe3: {  	[sflag:s31] =	ssyncset.done $0x0  }
0xe4: {  	[sflag:s31] =	ssyncadd.s32 $0xFFFFC000  }
0xe5: {  	_ =	strace $0x90000048  }
0xe6: {  	s15 =	simm.s32 $0x1000;
	_ =	strace $0x80000049  }
0xe7: {  	[spmem:s1] =	stream.indirect.scatter.add.f32 [tilespmem:s2], [sflag:$0x3], $0x80, s15, s0, $0x2000b8;
	[tilespmem:$0x1F400] =	vst v63  }
0xe8: {  	_ =	swait.ge [sflag:s10], $0x4000  }
0xe9: {  	[sflag:s10] =	ssyncset.done $0x0  }
0xea: {  	s16 =	simm.s32 $0x1080;
	[sflag:s10] =	ssyncadd.s32 $0xFFFFC000  }
0xeb: {  	[spmem:s1] =	stream.indirect.scatter.add.f32 [tilespmem:s9], [sflag:$0x3], $0x80, s16, s0, $0x2000b8;
	[tilespmem:$0x1F400] =	vst v63  }
0xec: {  	_ =	swait.ge [sflag:s10], $0x4000  }
0xed: {  	[sflag:s10] =	ssyncset.done $0x0  }
0xee: {  	s13 =	simm.s32 $0x400;
	s14 =	simm.s32 $0x800;
	[sflag:s10] =	ssyncadd.s32 $0xFFFFC000  }
.LBB2_5:
0xef: {  	s15 =	sshra.s32 s13, $0x2  }
0xf0: {  	_ =	strace $0x90000049;
	s13 =	smov.u32 s14;
	s16 =	sadd.s32 $0x400, s14  }
0xf1: {  	[tilespmem:s2], [sflag:$0x1] =	stream.indirect.gather [hbm4b:s4+s0], $0x80, s15, s0, $0xb8;
	[tilespmem:$0x1F400] =	vst v63  }
0xf2: {  	p1 =	sne.s32 s14, $0x3C00;
	s14 =	sadd.s32 $0x80, s15  }
0xf3: {  	[tilespmem:s9], [sflag:$0x2] =	stream.indirect.gather [hbm4b:s4+s0], $0x80, s14, s0, $0xb8;
	[tilespmem:$0x1F400] =	vst v63  }
0xf4: {  	_ =	strace $0x80000048  }
0xf5: {  	_ =	swait.ge [sflag:s29], $0x4000  }
0xf6: {  	[sflag:s29] =	ssyncset.done $0x0  }
0xf7: {  	[sflag:s29] =	ssyncadd.s32 $0xFFFFC000  }
0xf8: {  	_ =	swait.ge [sflag:s31], $0x4000  }
0xf9: {  	[sflag:s31] =	ssyncset.done $0x0  }
0xfa: {  	[sflag:s31] =	ssyncadd.s32 $0xFFFFC000  }
0xfb: {  	_ =	strace $0x90000048  }
0xfc: {  	s14 =	sadd.s32 $0x1000, s15;
	_ =	strace $0x80000049  }
0xfd: {  	[spmem:s1] =	stream.indirect.scatter.add.f32 [tilespmem:s2], [sflag:$0x3], $0x80, s14, s0, $0x2000b8;
	[tilespmem:$0x1F400] =	vst v63  }
0xfe: {  	_ =	swait.ge [sflag:s10], $0x4000  }
0xff: {  	[sflag:s10] =	ssyncset.done $0x0  }
.Ltmp7:
0x100: {  	s14 =	sadd.s32 $0x1080, s15;
	[sflag:s10] =	ssyncadd.s32 $0xFFFFC000;
	(pc) =	sbr.rel @p1 .LBB2_5-.Ltmp7, $4  }
0x101: {  	[spmem:s1] =	stream.indirect.scatter.add.f32 [tilespmem:s9], [sflag:$0x3], $0x80, s14, s0, $0x2000b8;
	[tilespmem:$0x1F400] =	vst v63  }
0x102: {  	_ =	swait.ge [sflag:s10], $0x4000  }
0x103: {  	[sflag:s10] =	ssyncset.done $0x0  }
0x104: {  	s14 =	smov.u32 s16;
	[sflag:s10] =	ssyncadd.s32 $0xFFFFC000  }
0x105: {  	s13 =	sshra.s32 s13, $0x2;
	_ =	strace $0x90000049  }
0x106: {  	[tilespmem:s2], [sflag:$0x1] =	stream.indirect.gather [hbm4b:s4+s0], $0x80, s13, s0, $0xb8;
	[tilespmem:$0x1F400] =	vst v63  }
0x107: {  	s14 =	sadd.s32 $0x80, s13  }
0x108: {  	[tilespmem:s9], [sflag:$0x2] =	stream.indirect.gather [hbm4b:s4+s0], $0x80, s14, s0, $0xb8;
	[tilespmem:$0x1F400] =	vst v63  }
0x109: {  	_ =	strace $0x80000048  }
0x10a: {  	_ =	swait.ge [sflag:s29], $0x4000  }
0x10b: {  	[sflag:s29] =	ssyncset.done $0x0  }
0x10c: {  	[sflag:s29] =	ssyncadd.s32 $0xFFFFC000  }
0x10d: {  	_ =	swait.ge [sflag:s31], $0x4000  }
0x10e: {  	[sflag:s31] =	ssyncset.done $0x0  }
0x10f: {  	[sflag:s31] =	ssyncadd.s32 $0xFFFFC000  }
0x110: {  	_ =	strace $0x90000048  }
0x111: {  	s16 =	sadd.s32 $0x1000, s13;
	_ =	strace $0x80000049  }
0x112: {  	[spmem:s1] =	stream.indirect.scatter.add.f32 [tilespmem:s2], [sflag:$0x3], $0x80, s16, s0, $0x2000b8;
	[tilespmem:$0x1F400] =	vst v63  }
0x113: {  	_ =	swait.ge [sflag:s10], $0x4000  }
0x114: {  	s12 =	sadd.s32 $0x1, s12;
	[sflag:s10] =	ssyncset.done $0x0  }
0x115: {  	s13 =	sadd.s32 $0x1080, s13;
	p1 =	seq.s32 s12, $0x5;
	[sflag:s10] =	ssyncadd.s32 $0xFFFFC000  }
0x116: {  	[spmem:s1] =	stream.indirect.scatter.add.f32 [tilespmem:s9], [sflag:$0x3], $0x80, s13, s0, $0x2000b8;
	[tilespmem:$0x1F400] =	vst v63  }
.Ltmp8:
0x117: {  	_ = 	snop;
	(pc) =	sbr.rel @!p1 .LBB2_4-.Ltmp8, $4  }
.Ltmp9:
0x118: {  	_ =	swait.ge [sflag:s10], $0x4000;
	(pc) =	sbr.rel @p1 .LBB2_10-.Ltmp9, $4  }
0x119: {  	[sflag:s10] =	ssyncset.done $0x0  }
0x11a: {  	[sflag:s10] =	ssyncadd.s32 $0xFFFFC000  }
0x11b: {  	_ =	strace $0x90000049  }
0x11c: {  	_ = 	snop  }
.LBB2_11:
0x11d: {  	_ =	sfence.sel $0x180000  }
0x11e: {  	[bflag:$0x0] =	sbarrier.arrive $0xFFFF  }
0x11f: {  	_ =	strace $0x90000047  }
0x120: {  	s0 =	stileid.u32;
	[bflag:$0x2] =	sbarrier.arrive $0xFFFF  }
0x121: {  	p0 =	sne.s32 s0, $0x0;
	s0 =	rddreg [dreg:$0x2]  }
0x122: {  	s0 =	sadd.s32 @!p0 $0x100000, s0  }
0x123: {  	[sflag:s0] =	ssyncadd.tile.s32 @!p0 $0x1;
	_ =	shalt  }
.Lfunc_end2:
_tile_overlayer_lowered:
.L_overlay_start_2:
0x124: {  	(tag) =	ssettag $0x2  }
0x125: {  	s0 =	rddreg [dreg:$0x0];
	s2 =	stileid.u32  }
0x126: {  	s1 =	rddreg [dreg:$0x1];
	p0 =	sne.s32 s2, $0x0  }
0x127: {  	s3 =	rddreg [dreg:$0x2];
	[bflag:$0x3] =	sbarrier.arrive $0xFFFF;
	s2 =	simm.s32 @!p0 $0x1C03  }
0x128: {  	[timem:s3], [sflag:s2] =	dma.local @!p0 [hbm:s0], s1  }
0x129: {  	s0 =	simm.s32 @!p0 $0x3  }
0x12a: {  	_ =	swait.ge @!p0 [sflag:s0], s1  }
0x12b: {  	s1 =	ssub.s32 @!p0 $0x0, s1;
	[sflag:s0] =	ssyncset.done @!p0 $0x0  }
0x12c: {  	[sflag:s0] =	ssyncadd.s32 @!p0 s1  }
0x12d: {  	[bflag:$0x3] =	sbarrier.arrive $0xFFFF  }
0x12e: {  	_ =	shalt  }

</sc_bundles>
